<compile_context>
chip_gen: v7x
topology: tpu7x:2x2x1
jax: 0.10.2.dev20260603
libtpu: 0.0.44.dev20260713+nightly
codegen_flags: <defaults>
</compile_context>

<pallas_src>
import functools

import jax
import jax.numpy as jnp
from jax import lax
from jax.experimental import pallas as pl
from jax.experimental.pallas import tpu as pltpu
from jax.experimental.pallas import tpu_sc as plsc

N = 10000
E = 160000
D_IN = 256
D_H = 64
NC = 2
NS = 16
NW = NC * NS
EPW = E // NW
CHUNK = 125
NCHUNK = EPW // CHUNK
ROWS_PS = N // NS
BLK = 2000
GRID = N // BLK
NBUF = 10

_SC_MESH = plsc.VectorSubcoreMesh(core_axis_name="c", subcore_axis_name="s")
_SC_PARAMS = pltpu.CompilerParams(
    needs_layout_passes=False, use_tc_tiling_on_sc=False)


@functools.partial(
    pl.kernel,
    out_type=jax.ShapeDtypeStruct((GRID, NW, BLK), jnp.float32),
    mesh=_SC_MESH,
    compiler_params=_SC_PARAMS,
    scratch_types=[
        pltpu.VMEM((EPW + 16,), jnp.int32),
        pltpu.VMEM((N,), jnp.float32),
        pltpu.SemaphoreType.DMA,
        [pltpu.SemaphoreType.DMA for _ in range(GRID)],
    ],
)
def _deg_kernel(ei_hbm, out_hbm, idx_v, hist_v, isem, osem):
    c = lax.axis_index("c")
    s = lax.axis_index("s")
    w = c * NS + s
    idx_v[pl.ds(EPW, 16)] = jnp.zeros((16,), jnp.int32)
    pltpu.async_copy(ei_hbm.at[1, pl.ds(w * EPW, EPW)], idx_v.at[pl.ds(0, EPW)],
                     isem)
    zeros16 = jnp.zeros((16,), jnp.float32)

    def zero_body(i, carry):
        hist_v[pl.ds(i * 16, 16)] = zeros16
        return carry

    lax.fori_loop(0, N // 16, zero_body, 0)
    pltpu.make_async_copy(ei_hbm.at[1, pl.ds(w * EPW, EPW)],
                          idx_v.at[pl.ds(0, EPW)], isem).wait()
    ones16 = jnp.ones((16,), jnp.float32)

    def scat_body(k, carry):
        idx16 = idx_v[pl.ds(k * 16, 16)]
        plsc.addupdate_scatter(hist_v, [idx16], ones16)
        return carry

    lax.fori_loop(0, EPW // 16, scat_body, 0)
    rem = EPW - (EPW // 16) * 16
    if rem:
        lane = lax.iota(jnp.int32, 16)
        idx16 = idx_v[pl.ds((EPW // 16) * 16, 16)]
        plsc.addupdate_scatter(hist_v, [idx16], ones16, mask=lane < rem)
    for t in range(GRID):
        pltpu.async_copy(hist_v.at[pl.ds(t * BLK, BLK)], out_hbm.at[t, w],
                         osem[t])
    for t in range(GRID):
        pltpu.make_async_copy(hist_v.at[pl.ds(t * BLK, BLK)], out_hbm.at[t, w],
                              osem[t]).wait()


@functools.partial(
    pl.kernel,
    out_type=jax.ShapeDtypeStruct((NC, NS, ROWS_PS, D_H), jnp.float32),
    mesh=_SC_MESH,
    compiler_params=_SC_PARAMS,
    scratch_types=[
        pltpu.VMEM((NCHUNK, CHUNK), jnp.int32),
        pltpu.VMEM((NCHUNK, CHUNK), jnp.int32),
        [pltpu.VMEM((CHUNK, D_H), jnp.float32) for _ in range(NBUF)],
        pltpu.VMEM_SHARED((N, D_H), jnp.float32),
        [pltpu.SemaphoreType.DMA for _ in range(NBUF)],
        [pltpu.SemaphoreType.DMA for _ in range(NBUF)],
    ],
)
def _agg_kernel(g_hbm, er_hbm, out_hbm, src_v, dst_v, rows, acc_sh, gsem,
                ssem):
    c = lax.axis_index("c")
    s = lax.axis_index("s")
    w = c * NS + s
    pltpu.async_copy(er_hbm.at[0, w], src_v, gsem[0])
    pltpu.async_copy(er_hbm.at[1, w], dst_v, gsem[1])
    zeros16 = jnp.zeros((16,), jnp.float32)

    def zb(i, carry):
        r = i // (D_H // 16)
        k = i % (D_H // 16)
        rows[0][r, pl.ds(k * 16, 16)] = zeros16
        return carry

    lax.fori_loop(0, CHUNK * (D_H // 16), zb, 0)
    nz = ROWS_PS // CHUNK
    for t in range(nz):
        pltpu.async_copy(rows[0],
                         acc_sh.at[pl.ds(s * ROWS_PS + t * CHUNK, CHUNK)],
                         ssem[t])
    for t in range(nz):
        pltpu.make_async_copy(rows[0],
                              acc_sh.at[pl.ds(s * ROWS_PS + t * CHUNK, CHUNK)],
                              ssem[t]).wait()
    pltpu.make_async_copy(er_hbm.at[0, w], src_v, gsem[0]).wait()
    pltpu.make_async_copy(er_hbm.at[1, w], dst_v, gsem[1]).wait()
    plsc.subcore_barrier()

    for b in range(NBUF):
        pltpu.async_copy(g_hbm.at[src_v.at[b]], rows[b], gsem[b])

    def group_body(p, carry):
        j0 = NBUF * p
        for b in range(NBUF):
            pltpu.make_async_copy(g_hbm.at[src_v.at[j0 + b]], rows[b],
                                  gsem[b]).wait()
            pltpu.async_copy(rows[b], acc_sh.at[dst_v.at[j0 + b]], ssem[b],
                             add=True)
        for b in range(NBUF):
            pltpu.make_async_copy(rows[b], acc_sh.at[dst_v.at[j0 + b]],
                                  ssem[b]).wait()
            pltpu.async_copy(g_hbm.at[src_v.at[j0 + NBUF + b]], rows[b],
                             gsem[b])
        return carry

    lax.fori_loop(0, NCHUNK // NBUF - 1, group_body, 0)
    j0 = NCHUNK - NBUF
    for b in range(NBUF):
        pltpu.make_async_copy(g_hbm.at[src_v.at[j0 + b]], rows[b],
                              gsem[b]).wait()
        pltpu.async_copy(rows[b], acc_sh.at[dst_v.at[j0 + b]], ssem[b],
                         add=True)
    for b in range(NBUF):
        pltpu.make_async_copy(rows[b], acc_sh.at[dst_v.at[j0 + b]],
                              ssem[b]).wait()
    plsc.subcore_barrier()
    pltpu.sync_copy(acc_sh.at[pl.ds(s * ROWS_PS, ROWS_PS)], out_hbm.at[c, s])


def _k1_body(x_ref, w_ref, degp_ref, o_ref, d_ref):
    deg = jnp.sum(degp_ref[0], axis=0) + 1.0
    dinv = lax.rsqrt(deg)
    h = jnp.dot(x_ref[...], w_ref[...], preferred_element_type=jnp.float32)
    o_ref[...] = h * dinv[:, None]
    d_ref[0, 0] = dinv


def _k3_body(acc_ref, g_ref, d_ref, w_ref, b_ref, o_ref):
    dinv = d_ref[0, 0]
    tot = (acc_ref[0] + acc_ref[1] + g_ref[...]) * dinv[:, None] + b_ref[...]
    z = jnp.maximum(tot, 0.0)
    h = jnp.dot(z, w_ref[...], preferred_element_type=jnp.float32)
    o_ref[...] = h * dinv[:, None]


def _k5_body(acc_ref, g_ref, d_ref, b_ref, o_ref):
    i = pl.program_id(0)
    dinv = d_ref[0, 0]
    tot = (acc_ref[0] + acc_ref[1] + g_ref[...]) * dinv[:, None] + b_ref[...]
    z = jnp.maximum(tot, 0.0)
    p = jnp.sum(z, axis=0, keepdims=True)
    prev = jnp.where(i == 0, jnp.zeros_like(p), o_ref[...])
    accum = prev + p
    o_ref[...] = jnp.where(i == GRID - 1, accum * (1.0 / N), accum)


def _scale_matmul(x, W1, degp):
    return pl.pallas_call(
        _k1_body,
        grid=(GRID,),
        in_specs=[
            pl.BlockSpec((BLK, D_IN), lambda i: (i, 0)),
            pl.BlockSpec((D_IN, D_H), lambda i: (0, 0)),
            pl.BlockSpec((1, NW, BLK), lambda i: (i, 0, 0)),
        ],
        out_specs=[
            pl.BlockSpec((BLK, D_H), lambda i: (i, 0)),
            pl.BlockSpec((1, 1, BLK), lambda i: (i, 0, 0)),
        ],
        out_shape=[
            jax.ShapeDtypeStruct((N, D_H), jnp.float32),
            jax.ShapeDtypeStruct((GRID, 1, BLK), jnp.float32),
        ],
    )(x, W1, degp)


def _layer2(acc, g1, dinv3, W2, b1):
    return pl.pallas_call(
        _k3_body,
        grid=(GRID,),
        in_specs=[
            pl.BlockSpec((2, BLK, D_H), lambda i: (0, i, 0)),
            pl.BlockSpec((BLK, D_H), lambda i: (i, 0)),
            pl.BlockSpec((1, 1, BLK), lambda i: (i, 0, 0)),
            pl.BlockSpec((D_H, D_H), lambda i: (0, 0)),
            pl.BlockSpec((1, D_H), lambda i: (0, 0)),
        ],
        out_specs=pl.BlockSpec((BLK, D_H), lambda i: (i, 0)),
        out_shape=jax.ShapeDtypeStruct((N, D_H), jnp.float32),
    )(acc, g1, dinv3, W2, b1)


def _finalize(acc, g2, dinv3, b2):
    return pl.pallas_call(
        _k5_body,
        grid=(GRID,),
        in_specs=[
            pl.BlockSpec((2, BLK, D_H), lambda i: (0, i, 0)),
            pl.BlockSpec((BLK, D_H), lambda i: (i, 0)),
            pl.BlockSpec((1, 1, BLK), lambda i: (i, 0, 0)),
            pl.BlockSpec((1, D_H), lambda i: (0, 0)),
        ],
        out_specs=pl.BlockSpec((1, D_H), lambda i: (0, 0)),
        out_shape=jax.ShapeDtypeStruct((1, D_H), jnp.float32),
    )(acc, g2, dinv3, b2)


def kernel(x, edge_index, W1, b1, W2, b2):
    ei = edge_index.astype(jnp.int32)
    er = ei.reshape(2, NW, NCHUNK, CHUNK)
    b1r = b1.reshape(1, D_H).astype(jnp.float32)
    b2r = b2.reshape(1, D_H).astype(jnp.float32)

    degp = _deg_kernel(ei)
    g1, dinv3 = _scale_matmul(x, W1, degp)
    acc1 = _agg_kernel(g1, er).reshape(NC, N, D_H)
    g2 = _layer2(acc1, g1, dinv3, W2, b1r)
    acc2 = _agg_kernel(g2, er).reshape(NC, N, D_H)
    return _finalize(acc2, g2, dinv3, b2r)

# --- scband reference (transcript-rebuilt; emitter-appended) ---
"""Pipeline reference for scband-gcnextractor-68650757259502 (READ-ONLY COPY).

The authoritative reference and input builder live on the scoring server;
editing this copy changes nothing except your own understanding.
"""

import jax, jax.numpy as jnp
import numpy as np

HIDDEN = 64

def gcn_conv(x, edge_index, W, b):
    num_nodes = x.shape[0]
    src = edge_index[0]
    dst = edge_index[1]
    # add self loops (PyG GCNConv default)
    loop = jnp.arange(num_nodes, dtype=src.dtype)
    src = jnp.concatenate([src, loop])
    dst = jnp.concatenate([dst, loop])
    # linear transform
    h = x @ W
    # symmetric normalization deg^{-1/2}[src] * deg^{-1/2}[dst]
    deg = jnp.zeros((num_nodes,), dtype=h.dtype).at[dst].add(1.0)
    dinv = jnp.where(deg > 0, 1.0 / jnp.sqrt(deg), 0.0)
    norm = dinv[src] * dinv[dst]
    msg = h[src] * norm[:, None]
    out = jnp.zeros((num_nodes, h.shape[1]), dtype=h.dtype).at[dst].add(msg)
    return out + b


def setup_inputs(seed: int = 0) -> dict:
    key = jax.random.key(seed)
    k1, k2, k3, k4, k5, k6 = jax.random.split(key, 6)
    N, D = 10000, 256
    E = 160000
    x = jax.random.normal(k1, (N, D), dtype=jnp.float32)
    edge_index = jax.random.randint(k2, (2, E), 0, N, dtype=jnp.int64)
    # glorot-ish init for weights, zero bias (PyG GCNConv default)
    W1 = jax.random.normal(k3, (D, HIDDEN), dtype=jnp.float32) * (1.0 / np.sqrt(D))
    b1 = jnp.zeros((HIDDEN,), dtype=jnp.float32)
    W2 = jax.random.normal(k4, (HIDDEN, HIDDEN), dtype=jnp.float32) * (1.0 / np.sqrt(HIDDEN))
    b2 = jnp.zeros((HIDDEN,), dtype=jnp.float32)
    return {"x": x, "edge_index": edge_index, "W1": W1, "b1": b1, "W2": W2, "b2": b2}


def reference(x, edge_index, W1, b1, W2, b2):
    h = jax.nn.relu(gcn_conv(x, edge_index, W1, b1))
    h = jax.nn.relu(gcn_conv(h, edge_index, W2, b2))
    # global_mean_pool with batch = all zeros -> mean over all nodes, shape [1, HIDDEN]
    out = jnp.mean(h, axis=0, keepdims=True)
    return out

if __name__ == "__main__":
    import jax
    _d = setup_inputs()
    print(jax.jit(kernel)(*tuple(_d.values())))

</pallas_src>

<mosaic_0001>
#map = affine_map<(d0, d1) -> (0, 0)>
#map1 = affine_map<(d0, d1) -> (0, 0, 0)>
module attributes {stable_mosaic.version = 14 : i64} {
  func.func @_deg_kernel(%arg0: i32, %arg1: i32, %arg2: memref<2x160000xi32, #tpu.memory_space<hbm>>, %arg3: memref<5x32x2000xf32, #tpu.memory_space<hbm>>, %arg4: memref<5016xi32, #tpu.memory_space<vmem>>, %arg5: memref<10000xf32, #tpu.memory_space<vmem>>, %arg6: memref<!tpu.dma_semaphore, #tpu.memory_space<semaphore_mem>>, %arg7: memref<!tpu.dma_semaphore, #tpu.memory_space<semaphore_mem>>, %arg8: memref<!tpu.dma_semaphore, #tpu.memory_space<semaphore_mem>>, %arg9: memref<!tpu.dma_semaphore, #tpu.memory_space<semaphore_mem>>, %arg10: memref<!tpu.dma_semaphore, #tpu.memory_space<semaphore_mem>>, %arg11: memref<!tpu.dma_semaphore, #tpu.memory_space<semaphore_mem>>) attributes {dimension_semantics = [#tpu.dimension_semantics<core_parallel>, #tpu.dimension_semantics<subcore_parallel>], iteration_bounds = array<i64: 2, 16>, scalar_prefetch = 0 : i64, scratch_operands = 8 : i64, tpu.core_type = #tpu.core_type<sc_vector_subcore>, window_params = [{transform_indices = #map}, {transform_indices = #map1}]} {
    %mul3A = arith.constant 16 : i32
    %mul3A_0 = arith.muli %arg0, %mul3A : i32
    %add3A = arith.addi %mul3A_0, %arg1 : i32
    %broadcast_in_dim3A = arith.constant 0 : i32
    %broadcast_in_dim3A_1 = vector.broadcast %broadcast_in_dim3A : i32 to vector<16xi32>
    %swap3A = arith.constant 5000 : index
    %swap3A_2 = tpu.vector_load %arg4[%swap3A] {strides = array<i32>} : memref<5016xi32, #tpu.memory_space<vmem>>, vector<16xi32>,
    tpu.vector_store %arg4[%swap3A], %broadcast_in_dim3A_1 {strides = array<i32>} : memref<5016xi32, #tpu.memory_space<vmem>>, vector<16xi32>,
    %mul3A_3 = arith.constant 5000 : i32
    %mul3A_4 = arith.muli %add3A, %mul3A_3 : i32
    %dma_start3A = arith.constant 1 : i32
    %dma_start3A_5 = arith.constant 0 : i32
    %dma_start3A_6 = tpu.memref_slice %arg4[%dma_start3A_5] : memref<5016xi32, #tpu.memory_space<vmem>> -> memref<5000xi32, #tpu.memory_space<vmem>>
    %dma_start3A_7 = tpu.memref_slice %arg2[%dma_start3A, %mul3A_4] : memref<2x160000xi32, #tpu.memory_space<hbm>> -> memref<1x5000xi32, #tpu.memory_space<hbm>>
    %dma_start3A_8 = tpu.memref_squeeze %dma_start3A_7 : memref<1x5000xi32, #tpu.memory_space<hbm>> -> memref<5000xi32, #tpu.memory_space<hbm>>
    %dma_start3A_9 = arith.constant 0 : i32
    %dma_start3A_10 = tpu.memref_slice %arg4[%dma_start3A_9] : memref<5016xi32, #tpu.memory_space<vmem>> -> memref<5000xi32, #tpu.memory_space<vmem>>
    %dma_start3A_11 = tpu.memref_slice %arg2[%dma_start3A, %mul3A_4] : memref<2x160000xi32, #tpu.memory_space<hbm>> -> memref<1x5000xi32, #tpu.memory_space<hbm>>
    %dma_start3A_12 = tpu.memref_squeeze %dma_start3A_11 : memref<1x5000xi32, #tpu.memory_space<hbm>> -> memref<5000xi32, #tpu.memory_space<hbm>>
    tpu.enqueue_dma source(%dma_start3A_12 : memref<5000xi32, #tpu.memory_space<hbm>>) target(%dma_start3A_10 : memref<5000xi32, #tpu.memory_space<vmem>>) target_semaphore(%arg6 : memref<!tpu.dma_semaphore, #tpu.memory_space<semaphore_mem>>)
    %broadcast_in_dim3A_13 = arith.constant 0.000000e+00 : f32
    %broadcast_in_dim3A_14 = vector.broadcast %broadcast_in_dim3A_13 : f32 to vector<16xf32>
    %scan3A = arith.constant 0 : i32
    %scan3A_15 = arith.constant 0 : i32
    %scan3A_16 = arith.constant 625 : i32
    %scan3A_17 = arith.addi %scan3A_15, %scan3A_16 : i32
    %scan3A_18 = arith.constant 1 : i32
    scf.for %scan3A_151 = %scan3A_15 to %scan3A_17 step %scan3A_18  : i32 {
      %mul3A_152 = arith.constant 16 : i32
      %mul3A_153 = arith.muli %scan3A_151, %mul3A_152 : i32
      %swap3A_154 = arith.index_cast %mul3A_153 : i32 to index
      %swap3A_155 = tpu.vector_load %arg5[%swap3A_154] {strides = array<i32>} : memref<10000xf32, #tpu.memory_space<vmem>>, vector<16xf32>,
      tpu.vector_store %arg5[%swap3A_154], %broadcast_in_dim3A_14 {strides = array<i32>} : memref<10000xf32, #tpu.memory_space<vmem>>, vector<16xf32>,
    }
    %scan3A_19 = arith.constant 625 : i32
    %mul3A_20 = arith.constant 5000 : i32
    %mul3A_21 = arith.muli %add3A, %mul3A_20 : i32
    %dma_wait3A = arith.constant 1 : i32
    %dma_wait3A_22 = arith.constant 0 : i32
    %dma_wait3A_23 = tpu.memref_slice %arg4[%dma_wait3A_22] : memref<5016xi32, #tpu.memory_space<vmem>> -> memref<5000xi32, #tpu.memory_space<vmem>>
    %dma_wait3A_24 = tpu.memref_slice %arg2[%dma_wait3A, %mul3A_21] : memref<2x160000xi32, #tpu.memory_space<hbm>> -> memref<1x5000xi32, #tpu.memory_space<hbm>>
    %dma_wait3A_25 = tpu.memref_squeeze %dma_wait3A_24 : memref<1x5000xi32, #tpu.memory_space<hbm>> -> memref<5000xi32, #tpu.memory_space<hbm>>
    %dma_wait3A_26 = arith.constant 0 : i32
    %dma_wait3A_27 = tpu.memref_slice %arg4[%dma_wait3A_26] : memref<5016xi32, #tpu.memory_space<vmem>> -> memref<5000xi32, #tpu.memory_space<vmem>>
    %dma_wait3A_28 = tpu.memref_slice %arg2[%dma_wait3A, %mul3A_21] : memref<2x160000xi32, #tpu.memory_space<hbm>> -> memref<1x5000xi32, #tpu.memory_space<hbm>>
    %dma_wait3A_29 = tpu.memref_squeeze %dma_wait3A_28 : memref<1x5000xi32, #tpu.memory_space<hbm>> -> memref<5000xi32, #tpu.memory_space<hbm>>
    tpu.wait_dma2 semaphore(%arg6 : memref<!tpu.dma_semaphore, #tpu.memory_space<semaphore_mem>>) src(%dma_wait3A_29 : memref<5000xi32, #tpu.memory_space<hbm>>) dst(%dma_wait3A_27 : memref<5000xi32, #tpu.memory_space<vmem>>)
    %broadcast_in_dim3A_30 = arith.constant 1.000000e+00 : f32
    %broadcast_in_dim3A_31 = vector.broadcast %broadcast_in_dim3A_30 : f32 to vector<16xf32>
    %scan3A_32 = arith.constant 0 : i32
    %scan3A_33 = arith.constant 0 : i32
    %scan3A_34 = arith.constant 312 : i32
    %scan3A_35 = arith.addi %scan3A_33, %scan3A_34 : i32
    %scan3A_36 = arith.constant 1 : i32
    scf.for %scan3A_151 = %scan3A_33 to %scan3A_35 step %scan3A_36  : i32 {
      %mul3A_152 = arith.constant 16 : i32
      %mul3A_153 = arith.muli %scan3A_151, %mul3A_152 : i32
      %get3A_154 = arith.index_cast %mul3A_153 : i32 to index
      %get3A_155 = tpu.vector_load %arg4[%get3A_154] {strides = array<i32>} : memref<5016xi32, #tpu.memory_space<vmem>>, vector<16xi32>,
      tpu.vector_store_idx %arg5[%get3A_155], %broadcast_in_dim3A_31 {add = true} : memref<10000xf32, #tpu.memory_space<vmem>>[vector<16xi32>], vector<16xf32>,
    }
    %scan3A_37 = arith.constant 312 : i32
    %iota3A = tpu.iota {dimensions = array<i32: 0>} : vector<16xi32>
    %get3A = arith.constant 4992 : index
    %get3A_38 = tpu.vector_load %arg4[%get3A] {strides = array<i32>} : memref<5016xi32, #tpu.memory_space<vmem>>, vector<16xi32>,
    %lt3A = arith.constant 8 : i32
    %lt3A_39 = vector.broadcast %lt3A : i32 to vector<16xi32>
    %lt3A_40 = arith.cmpi slt, %iota3A, %lt3A_39 : vector<16xi32>
    tpu.vector_store_idx %arg5[%get3A_38], %broadcast_in_dim3A_31 masked %lt3A_40 {add = true} : memref<10000xf32, #tpu.memory_space<vmem>>[vector<16xi32>], vector<16xf32>, vector<16xi1>
    %dma_start3A_41 = arith.constant 0 : i32
    %dma_start3A_42 = arith.constant 0 : i32
    %dma_start3A_43 = tpu.memref_slice %arg5[%dma_start3A_42] : memref<10000xf32, #tpu.memory_space<vmem>> -> memref<2000xf32, #tpu.memory_space<vmem>>
    %dma_start3A_44 = arith.constant 0 : i32
    %dma_start3A_45 = tpu.memref_slice %arg3[%dma_start3A_41, %add3A, %dma_start3A_44] : memref<5x32x2000xf32, #tpu.memory_space<hbm>> -> memref<1x1x2000xf32, #tpu.memory_space<hbm>>
    %dma_start3A_46 = tpu.memref_squeeze %dma_start3A_45 : memref<1x1x2000xf32, #tpu.memory_space<hbm>> -> memref<2000xf32, #tpu.memory_space<hbm>>
    %dma_start3A_47 = arith.constant 0 : i32
    %dma_start3A_48 = tpu.memref_slice %arg3[%dma_start3A_41, %add3A, %dma_start3A_47] : memref<5x32x2000xf32, #tpu.memory_space<hbm>> -> memref<1x1x2000xf32, #tpu.memory_space<hbm>>
    %dma_start3A_49 = tpu.memref_squeeze %dma_start3A_48 : memref<1x1x2000xf32, #tpu.memory_space<hbm>> -> memref<2000xf32, #tpu.memory_space<hbm>>
    %dma_start3A_50 = arith.constant 0 : i32
    %dma_start3A_51 = tpu.memref_slice %arg5[%dma_start3A_50] : memref<10000xf32, #tpu.memory_space<vmem>> -> memref<2000xf32, #tpu.memory_space<vmem>>
    tpu.enqueue_dma source(%dma_start3A_51 : memref<2000xf32, #tpu.memory_space<vmem>>) target(%dma_start3A_49 : memref<2000xf32, #tpu.memory_space<hbm>>) target_semaphore(%arg7 : memref<!tpu.dma_semaphore, #tpu.memory_space<semaphore_mem>>)
    %dma_start3A_52 = arith.constant 1 : i32
    %dma_start3A_53 = arith.constant 2000 : i32
    %dma_start3A_54 = tpu.memref_slice %arg5[%dma_start3A_53] : memref<10000xf32, #tpu.memory_space<vmem>> -> memref<2000xf32, #tpu.memory_space<vmem>>
    %dma_start3A_55 = arith.constant 0 : i32
    %dma_start3A_56 = tpu.memref_slice %arg3[%dma_start3A_52, %add3A, %dma_start3A_55] : memref<5x32x2000xf32, #tpu.memory_space<hbm>> -> memref<1x1x2000xf32, #tpu.memory_space<hbm>>
    %dma_start3A_57 = tpu.memref_squeeze %dma_start3A_56 : memref<1x1x2000xf32, #tpu.memory_space<hbm>> -> memref<2000xf32, #tpu.memory_space<hbm>>
    %dma_start3A_58 = arith.constant 0 : i32
    %dma_start3A_59 = tpu.memref_slice %arg3[%dma_start3A_52, %add3A, %dma_start3A_58] : memref<5x32x2000xf32, #tpu.memory_space<hbm>> -> memref<1x1x2000xf32, #tpu.memory_space<hbm>>
    %dma_start3A_60 = tpu.memref_squeeze %dma_start3A_59 : memref<1x1x2000xf32, #tpu.memory_space<hbm>> -> memref<2000xf32, #tpu.memory_space<hbm>>
    %dma_start3A_61 = arith.constant 2000 : i32
    %dma_start3A_62 = tpu.memref_slice %arg5[%dma_start3A_61] : memref<10000xf32, #tpu.memory_space<vmem>> -> memref<2000xf32, #tpu.memory_space<vmem>>
    tpu.enqueue_dma source(%dma_start3A_62 : memref<2000xf32, #tpu.memory_space<vmem>>) target(%dma_start3A_60 : memref<2000xf32, #tpu.memory_space<hbm>>) target_semaphore(%arg8 : memref<!tpu.dma_semaphore, #tpu.memory_space<semaphore_mem>>)
    %dma_start3A_63 = arith.constant 2 : i32
    %dma_start3A_64 = arith.constant 4000 : i32
    %dma_start3A_65 = tpu.memref_slice %arg5[%dma_start3A_64] : memref<10000xf32, #tpu.memory_space<vmem>> -> memref<2000xf32, #tpu.memory_space<vmem>>
    %dma_start3A_66 = arith.constant 0 : i32
    %dma_start3A_67 = tpu.memref_slice %arg3[%dma_start3A_63, %add3A, %dma_start3A_66] : memref<5x32x2000xf32, #tpu.memory_space<hbm>> -> memref<1x1x2000xf32, #tpu.memory_space<hbm>>
    %dma_start3A_68 = tpu.memref_squeeze %dma_start3A_67 : memref<1x1x2000xf32, #tpu.memory_space<hbm>> -> memref<2000xf32, #tpu.memory_space<hbm>>
    %dma_start3A_69 = arith.constant 0 : i32
    %dma_start3A_70 = tpu.memref_slice %arg3[%dma_start3A_63, %add3A, %dma_start3A_69] : memref<5x32x2000xf32, #tpu.memory_space<hbm>> -> memref<1x1x2000xf32, #tpu.memory_space<hbm>>
    %dma_start3A_71 = tpu.memref_squeeze %dma_start3A_70 : memref<1x1x2000xf32, #tpu.memory_space<hbm>> -> memref<2000xf32, #tpu.memory_space<hbm>>
    %dma_start3A_72 = arith.constant 4000 : i32
    %dma_start3A_73 = tpu.memref_slice %arg5[%dma_start3A_72] : memref<10000xf32, #tpu.memory_space<vmem>> -> memref<2000xf32, #tpu.memory_space<vmem>>
    tpu.enqueue_dma source(%dma_start3A_73 : memref<2000xf32, #tpu.memory_space<vmem>>) target(%dma_start3A_71 : memref<2000xf32, #tpu.memory_space<hbm>>) target_semaphore(%arg9 : memref<!tpu.dma_semaphore, #tpu.memory_space<semaphore_mem>>)
    %dma_start3A_74 = arith.constant 3 : i32
    %dma_start3A_75 = arith.constant 6000 : i32
    %dma_start3A_76 = tpu.memref_slice %arg5[%dma_start3A_75] : memref<10000xf32, #tpu.memory_space<vmem>> -> memref<2000xf32, #tpu.memory_space<vmem>>
    %dma_start3A_77 = arith.constant 0 : i32
    %dma_start3A_78 = tpu.memref_slice %arg3[%dma_start3A_74, %add3A, %dma_start3A_77] : memref<5x32x2000xf32, #tpu.memory_space<hbm>> -> memref<1x1x2000xf32, #tpu.memory_space<hbm>>
    %dma_start3A_79 = tpu.memref_squeeze %dma_start3A_78 : memref<1x1x2000xf32, #tpu.memory_space<hbm>> -> memref<2000xf32, #tpu.memory_space<hbm>>
    %dma_start3A_80 = arith.constant 0 : i32
    %dma_start3A_81 = tpu.memref_slice %arg3[%dma_start3A_74, %add3A, %dma_start3A_80] : memref<5x32x2000xf32, #tpu.memory_space<hbm>> -> memref<1x1x2000xf32, #tpu.memory_space<hbm>>
    %dma_start3A_82 = tpu.memref_squeeze %dma_start3A_81 : memref<1x1x2000xf32, #tpu.memory_space<hbm>> -> memref<2000xf32, #tpu.memory_space<hbm>>
    %dma_start3A_83 = arith.constant 6000 : i32
    %dma_start3A_84 = tpu.memref_slice %arg5[%dma_start3A_83] : memref<10000xf32, #tpu.memory_space<vmem>> -> memref<2000xf32, #tpu.memory_space<vmem>>
    tpu.enqueue_dma source(%dma_start3A_84 : memref<2000xf32, #tpu.memory_space<vmem>>) target(%dma_start3A_82 : memref<2000xf32, #tpu.memory_space<hbm>>) target_semaphore(%arg10 : memref<!tpu.dma_semaphore, #tpu.memory_space<semaphore_mem>>)
    %dma_start3A_85 = arith.constant 4 : i32
    %dma_start3A_86 = arith.constant 8000 : i32
    %dma_start3A_87 = tpu.memref_slice %arg5[%dma_start3A_86] : memref<10000xf32, #tpu.memory_space<vmem>> -> memref<2000xf32, #tpu.memory_space<vmem>>
    %dma_start3A_88 = arith.constant 0 : i32
    %dma_start3A_89 = tpu.memref_slice %arg3[%dma_start3A_85, %add3A, %dma_start3A_88] : memref<5x32x2000xf32, #tpu.memory_space<hbm>> -> memref<1x1x2000xf32, #tpu.memory_space<hbm>>
    %dma_start3A_90 = tpu.memref_squeeze %dma_start3A_89 : memref<1x1x2000xf32, #tpu.memory_space<hbm>> -> memref<2000xf32, #tpu.memory_space<hbm>>
    %dma_start3A_91 = arith.constant 0 : i32
    %dma_start3A_92 = tpu.memref_slice %arg3[%dma_start3A_85, %add3A, %dma_start3A_91] : memref<5x32x2000xf32, #tpu.memory_space<hbm>> -> memref<1x1x2000xf32, #tpu.memory_space<hbm>>
    %dma_start3A_93 = tpu.memref_squeeze %dma_start3A_92 : memref<1x1x2000xf32, #tpu.memory_space<hbm>> -> memref<2000xf32, #tpu.memory_space<hbm>>
    %dma_start3A_94 = arith.constant 8000 : i32
    %dma_start3A_95 = tpu.memref_slice %arg5[%dma_start3A_94] : memref<10000xf32, #tpu.memory_space<vmem>> -> memref<2000xf32, #tpu.memory_space<vmem>>
    tpu.enqueue_dma source(%dma_start3A_95 : memref<2000xf32, #tpu.memory_space<vmem>>) target(%dma_start3A_93 : memref<2000xf32, #tpu.memory_space<hbm>>) target_semaphore(%arg11 : memref<!tpu.dma_semaphore, #tpu.memory_space<semaphore_mem>>)
    %dma_wait3A_96 = arith.constant 0 : i32
    %dma_wait3A_97 = arith.constant 0 : i32
    %dma_wait3A_98 = tpu.memref_slice %arg5[%dma_wait3A_97] : memref<10000xf32, #tpu.memory_space<vmem>> -> memref<2000xf32, #tpu.memory_space<vmem>>
    %dma_wait3A_99 = arith.constant 0 : i32
    %dma_wait3A_100 = tpu.memref_slice %arg3[%dma_wait3A_96, %add3A, %dma_wait3A_99] : memref<5x32x2000xf32, #tpu.memory_space<hbm>> -> memref<1x1x2000xf32, #tpu.memory_space<hbm>>
    %dma_wait3A_101 = tpu.memref_squeeze %dma_wait3A_100 : memref<1x1x2000xf32, #tpu.memory_space<hbm>> -> memref<2000xf32, #tpu.memory_space<hbm>>
    %dma_wait3A_102 = arith.constant 0 : i32
    %dma_wait3A_103 = tpu.memref_slice %arg3[%dma_wait3A_96, %add3A, %dma_wait3A_102] : memref<5x32x2000xf32, #tpu.memory_space<hbm>> -> memref<1x1x2000xf32, #tpu.memory_space<hbm>>
    %dma_wait3A_104 = tpu.memref_squeeze %dma_wait3A_103 : memref<1x1x2000xf32, #tpu.memory_space<hbm>> -> memref<2000xf32, #tpu.memory_space<hbm>>
    %dma_wait3A_105 = arith.constant 0 : i32
    %dma_wait3A_106 = tpu.memref_slice %arg5[%dma_wait3A_105] : memref<10000xf32, #tpu.memory_space<vmem>> -> memref<2000xf32, #tpu.memory_space<vmem>>
    tpu.wait_dma2 semaphore(%arg7 : memref<!tpu.dma_semaphore, #tpu.memory_space<semaphore_mem>>) src(%dma_wait3A_106 : memref<2000xf32, #tpu.memory_space<vmem>>) dst(%dma_wait3A_104 : memref<2000xf32, #tpu.memory_space<hbm>>)
    %dma_wait3A_107 = arith.constant 1 : i32
    %dma_wait3A_108 = arith.constant 2000 : i32
    %dma_wait3A_109 = tpu.memref_slice %arg5[%dma_wait3A_108] : memref<10000xf32, #tpu.memory_space<vmem>> -> memref<2000xf32, #tpu.memory_space<vmem>>
    %dma_wait3A_110 = arith.constant 0 : i32
    %dma_wait3A_111 = tpu.memref_slice %arg3[%dma_wait3A_107, %add3A, %dma_wait3A_110] : memref<5x32x2000xf32, #tpu.memory_space<hbm>> -> memref<1x1x2000xf32, #tpu.memory_space<hbm>>
    %dma_wait3A_112 = tpu.memref_squeeze %dma_wait3A_111 : memref<1x1x2000xf32, #tpu.memory_space<hbm>> -> memref<2000xf32, #tpu.memory_space<hbm>>
    %dma_wait3A_113 = arith.constant 0 : i32
    %dma_wait3A_114 = tpu.memref_slice %arg3[%dma_wait3A_107, %add3A, %dma_wait3A_113] : memref<5x32x2000xf32, #tpu.memory_space<hbm>> -> memref<1x1x2000xf32, #tpu.memory_space<hbm>>
    %dma_wait3A_115 = tpu.memref_squeeze %dma_wait3A_114 : memref<1x1x2000xf32, #tpu.memory_space<hbm>> -> memref<2000xf32, #tpu.memory_space<hbm>>
    %dma_wait3A_116 = arith.constant 2000 : i32
    %dma_wait3A_117 = tpu.memref_slice %arg5[%dma_wait3A_116] : memref<10000xf32, #tpu.memory_space<vmem>> -> memref<2000xf32, #tpu.memory_space<vmem>>
    tpu.wait_dma2 semaphore(%arg8 : memref<!tpu.dma_semaphore, #tpu.memory_space<semaphore_mem>>) src(%dma_wait3A_117 : memref<2000xf32, #tpu.memory_space<vmem>>) dst(%dma_wait3A_115 : memref<2000xf32, #tpu.memory_space<hbm>>)
    %dma_wait3A_118 = arith.constant 2 : i32
    %dma_wait3A_119 = arith.constant 4000 : i32
    %dma_wait3A_120 = tpu.memref_slice %arg5[%dma_wait3A_119] : memref<10000xf32, #tpu.memory_space<vmem>> -> memref<2000xf32, #tpu.memory_space<vmem>>
    %dma_wait3A_121 = arith.constant 0 : i32
    %dma_wait3A_122 = tpu.memref_slice %arg3[%dma_wait3A_118, %add3A, %dma_wait3A_121] : memref<5x32x2000xf32, #tpu.memory_space<hbm>> -> memref<1x1x2000xf32, #tpu.memory_space<hbm>>
    %dma_wait3A_123 = tpu.memref_squeeze %dma_wait3A_122 : memref<1x1x2000xf32, #tpu.memory_space<hbm>> -> memref<2000xf32, #tpu.memory_space<hbm>>
    %dma_wait3A_124 = arith.constant 0 : i32
    %dma_wait3A_125 = tpu.memref_slice %arg3[%dma_wait3A_118, %add3A, %dma_wait3A_124] : memref<5x32x2000xf32, #tpu.memory_space<hbm>> -> memref<1x1x2000xf32, #tpu.memory_space<hbm>>
    %dma_wait3A_126 = tpu.memref_squeeze %dma_wait3A_125 : memref<1x1x2000xf32, #tpu.memory_space<hbm>> -> memref<2000xf32, #tpu.memory_space<hbm>>
    %dma_wait3A_127 = arith.constant 4000 : i32
    %dma_wait3A_128 = tpu.memref_slice %arg5[%dma_wait3A_127] : memref<10000xf32, #tpu.memory_space<vmem>> -> memref<2000xf32, #tpu.memory_space<vmem>>
    tpu.wait_dma2 semaphore(%arg9 : memref<!tpu.dma_semaphore, #tpu.memory_space<semaphore_mem>>) src(%dma_wait3A_128 : memref<2000xf32, #tpu.memory_space<vmem>>) dst(%dma_wait3A_126 : memref<2000xf32, #tpu.memory_space<hbm>>)
    %dma_wait3A_129 = arith.constant 3 : i32
    %dma_wait3A_130 = arith.constant 6000 : i32
    %dma_wait3A_131 = tpu.memref_slice %arg5[%dma_wait3A_130] : memref<10000xf32, #tpu.memory_space<vmem>> -> memref<2000xf32, #tpu.memory_space<vmem>>
    %dma_wait3A_132 = arith.constant 0 : i32
    %dma_wait3A_133 = tpu.memref_slice %arg3[%dma_wait3A_129, %add3A, %dma_wait3A_132] : memref<5x32x2000xf32, #tpu.memory_space<hbm>> -> memref<1x1x2000xf32, #tpu.memory_space<hbm>>
    %dma_wait3A_134 = tpu.memref_squeeze %dma_wait3A_133 : memref<1x1x2000xf32, #tpu.memory_space<hbm>> -> memref<2000xf32, #tpu.memory_space<hbm>>
    %dma_wait3A_135 = arith.constant 0 : i32
    %dma_wait3A_136 = tpu.memref_slice %arg3[%dma_wait3A_129, %add3A, %dma_wait3A_135] : memref<5x32x2000xf32, #tpu.memory_space<hbm>> -> memref<1x1x2000xf32, #tpu.memory_space<hbm>>
    %dma_wait3A_137 = tpu.memref_squeeze %dma_wait3A_136 : memref<1x1x2000xf32, #tpu.memory_space<hbm>> -> memref<2000xf32, #tpu.memory_space<hbm>>
    %dma_wait3A_138 = arith.constant 6000 : i32
    %dma_wait3A_139 = tpu.memref_slice %arg5[%dma_wait3A_138] : memref<10000xf32, #tpu.memory_space<vmem>> -> memref<2000xf32, #tpu.memory_space<vmem>>
    tpu.wait_dma2 semaphore(%arg10 : memref<!tpu.dma_semaphore, #tpu.memory_space<semaphore_mem>>) src(%dma_wait3A_139 : memref<2000xf32, #tpu.memory_space<vmem>>) dst(%dma_wait3A_137 : memref<2000xf32, #tpu.memory_space<hbm>>)
    %dma_wait3A_140 = arith.constant 4 : i32
    %dma_wait3A_141 = arith.constant 8000 : i32
    %dma_wait3A_142 = tpu.memref_slice %arg5[%dma_wait3A_141] : memref<10000xf32, #tpu.memory_space<vmem>> -> memref<2000xf32, #tpu.memory_space<vmem>>
    %dma_wait3A_143 = arith.constant 0 : i32
    %dma_wait3A_144 = tpu.memref_slice %arg3[%dma_wait3A_140, %add3A, %dma_wait3A_143] : memref<5x32x2000xf32, #tpu.memory_space<hbm>> -> memref<1x1x2000xf32, #tpu.memory_space<hbm>>
    %dma_wait3A_145 = tpu.memref_squeeze %dma_wait3A_144 : memref<1x1x2000xf32, #tpu.memory_space<hbm>> -> memref<2000xf32, #tpu.memory_space<hbm>>
    %dma_wait3A_146 = arith.constant 0 : i32
    %dma_wait3A_147 = tpu.memref_slice %arg3[%dma_wait3A_140, %add3A, %dma_wait3A_146] : memref<5x32x2000xf32, #tpu.memory_space<hbm>> -> memref<1x1x2000xf32, #tpu.memory_space<hbm>>
    %dma_wait3A_148 = tpu.memref_squeeze %dma_wait3A_147 : memref<1x1x2000xf32, #tpu.memory_space<hbm>> -> memref<2000xf32, #tpu.memory_space<hbm>>
    %dma_wait3A_149 = arith.constant 8000 : i32
    %dma_wait3A_150 = tpu.memref_slice %arg5[%dma_wait3A_149] : memref<10000xf32, #tpu.memory_space<vmem>> -> memref<2000xf32, #tpu.memory_space<vmem>>
    tpu.wait_dma2 semaphore(%arg11 : memref<!tpu.dma_semaphore, #tpu.memory_space<semaphore_mem>>) src(%dma_wait3A_150 : memref<2000xf32, #tpu.memory_space<vmem>>) dst(%dma_wait3A_148 : memref<2000xf32, #tpu.memory_space<hbm>>)
    return
  }
}

#map = affine_map<(d0, d1) -> (0, 0)>
#map1 = affine_map<(d0, d1) -> (0, 0, 0, 0)>
module attributes {stable_mosaic.version = 14 : i64} {
  func.func @_agg_kernel(%arg0: i32, %arg1: i32, %arg2: memref<10000x64xf32, #tpu.memory_space<hbm>>, %arg3: memref<2x32x40x125xi32, #tpu.memory_space<hbm>>, %arg4: memref<2x16x625x64xf32, #tpu.memory_space<hbm>>, %arg5: memref<40x125xi32, #tpu.memory_space<vmem>>, %arg6: memref<40x125xi32, #tpu.memory_space<vmem>>, %arg7: memref<125x64xf32, #tpu.memory_space<vmem>>, %arg8: memref<125x64xf32, #tpu.memory_space<vmem>>, %arg9: memref<125x64xf32, #tpu.memory_space<vmem>>, %arg10: memref<125x64xf32, #tpu.memory_space<vmem>>, %arg11: memref<125x64xf32, #tpu.memory_space<vmem>>, %arg12: memref<125x64xf32, #tpu.memory_space<vmem>>, %arg13: memref<125x64xf32, #tpu.memory_space<vmem>>, %arg14: memref<125x64xf32, #tpu.memory_space<vmem>>, %arg15: memref<125x64xf32, #tpu.memory_space<vmem>>, %arg16: memref<125x64xf32, #tpu.memory_space<vmem>>, %arg17: memref<10000x64xf32, #tpu.memory_space<vmem_shared>>, %arg18: memref<!tpu.dma_semaphore, #tpu.memory_space<semaphore_mem>>, %arg19: memref<!tpu.dma_semaphore, #tpu.memory_space<semaphore_mem>>, %arg20: memref<!tpu.dma_semaphore, #tpu.memory_space<semaphore_mem>>, %arg21: memref<!tpu.dma_semaphore, #tpu.memory_space<semaphore_mem>>, %arg22: memref<!tpu.dma_semaphore, #tpu.memory_space<semaphore_mem>>, %arg23: memref<!tpu.dma_semaphore, #tpu.memory_space<semaphore_mem>>, %arg24: memref<!tpu.dma_semaphore, #tpu.memory_space<semaphore_mem>>, %arg25: memref<!tpu.dma_semaphore, #tpu.memory_space<semaphore_mem>>, %arg26: memref<!tpu.dma_semaphore, #tpu.memory_space<semaphore_mem>>, %arg27: memref<!tpu.dma_semaphore, #tpu.memory_space<semaphore_mem>>, %arg28: memref<!tpu.dma_semaphore, #tpu.memory_space<semaphore_mem>>, %arg29: memref<!tpu.dma_semaphore, #tpu.memory_space<semaphore_mem>>, %arg30: memref<!tpu.dma_semaphore, #tpu.memory_space<semaphore_mem>>, %arg31: memref<!tpu.dma_semaphore, #tpu.memory_space<semaphore_mem>>, %arg32: memref<!tpu.dma_semaphore, #tpu.memory_space<semaphore_mem>>, %arg33: memref<!tpu.dma_semaphore, #tpu.memory_space<semaphore_mem>>, %arg34: memref<!tpu.dma_semaphore, #tpu.memory_space<semaphore_mem>>, %arg35: memref<!tpu.dma_semaphore, #tpu.memory_space<semaphore_mem>>, %arg36: memref<!tpu.dma_semaphore, #tpu.memory_space<semaphore_mem>>, %arg37: memref<!tpu.dma_semaphore, #tpu.memory_space<semaphore_mem>>) attributes {dimension_semantics = [#tpu.dimension_semantics<core_parallel>, #tpu.dimension_semantics<subcore_parallel>], iteration_bounds = array<i64: 2, 16>, scalar_prefetch = 0 : i64, scratch_operands = 33 : i64, tpu.core_type = #tpu.core_type<sc_vector_subcore>, window_params = [{transform_indices = #map}, {transform_indices = #map1}, {transform_indices = #map1}]} {
    %mul3A = arith.constant 16 : i32
    %mul3A_0 = arith.muli %arg0, %mul3A : i32
    %add3A = arith.addi %mul3A_0, %arg1 : i32
    %dma_start3A = arith.constant 0 : i32
    %dma_start3A_1 = arith.constant 0 : i32
    %dma_start3A_2 = arith.constant 0 : i32
    %dma_start3A_3 = tpu.memref_slice %arg3[%dma_start3A, %add3A, %dma_start3A_1, %dma_start3A_2] : memref<2x32x40x125xi32, #tpu.memory_space<hbm>> -> memref<1x1x40x125xi32, #tpu.memory_space<hbm>>
    %dma_start3A_4 = tpu.memref_squeeze %dma_start3A_3 : memref<1x1x40x125xi32, #tpu.memory_space<hbm>> -> memref<40x125xi32, #tpu.memory_space<hbm>>
    %dma_start3A_5 = arith.constant 0 : i32
    %dma_start3A_6 = arith.constant 0 : i32
    %dma_start3A_7 = tpu.memref_slice %arg3[%dma_start3A, %add3A, %dma_start3A_5, %dma_start3A_6] : memref<2x32x40x125xi32, #tpu.memory_space<hbm>> -> memref<1x1x40x125xi32, #tpu.memory_space<hbm>>
    %dma_start3A_8 = tpu.memref_squeeze %dma_start3A_7 : memref<1x1x40x125xi32, #tpu.memory_space<hbm>> -> memref<40x125xi32, #tpu.memory_space<hbm>>
    tpu.enqueue_dma source(%dma_start3A_8 : memref<40x125xi32, #tpu.memory_space<hbm>>) target(%arg5 : memref<40x125xi32, #tpu.memory_space<vmem>>) target_semaphore(%arg18 : memref<!tpu.dma_semaphore, #tpu.memory_space<semaphore_mem>>)
    %dma_start3A_9 = arith.constant 1 : i32
    %dma_start3A_10 = arith.constant 0 : i32
    %dma_start3A_11 = arith.constant 0 : i32
    %dma_start3A_12 = tpu.memref_slice %arg3[%dma_start3A_9, %add3A, %dma_start3A_10, %dma_start3A_11] : memref<2x32x40x125xi32, #tpu.memory_space<hbm>> -> memref<1x1x40x125xi32, #tpu.memory_space<hbm>>
    %dma_start3A_13 = tpu.memref_squeeze %dma_start3A_12 : memref<1x1x40x125xi32, #tpu.memory_space<hbm>> -> memref<40x125xi32, #tpu.memory_space<hbm>>
    %dma_start3A_14 = arith.constant 0 : i32
    %dma_start3A_15 = arith.constant 0 : i32
    %dma_start3A_16 = tpu.memref_slice %arg3[%dma_start3A_9, %add3A, %dma_start3A_14, %dma_start3A_15] : memref<2x32x40x125xi32, #tpu.memory_space<hbm>> -> memref<1x1x40x125xi32, #tpu.memory_space<hbm>>
    %dma_start3A_17 = tpu.memref_squeeze %dma_start3A_16 : memref<1x1x40x125xi32, #tpu.memory_space<hbm>> -> memref<40x125xi32, #tpu.memory_space<hbm>>
    tpu.enqueue_dma source(%dma_start3A_17 : memref<40x125xi32, #tpu.memory_space<hbm>>) target(%arg6 : memref<40x125xi32, #tpu.memory_space<vmem>>) target_semaphore(%arg19 : memref<!tpu.dma_semaphore, #tpu.memory_space<semaphore_mem>>)
    %broadcast_in_dim3A = arith.constant 0.000000e+00 : f32
    %broadcast_in_dim3A_18 = vector.broadcast %broadcast_in_dim3A : f32 to vector<16xf32>
    %scan3A = arith.constant 0 : i32
    %scan3A_19 = arith.constant 0 : i32
    %scan3A_20 = arith.constant 500 : i32
    %scan3A_21 = arith.addi %scan3A_19, %scan3A_20 : i32
    %scan3A_22 = arith.constant 1 : i32
    scf.for %scan3A_410 = %scan3A_19 to %scan3A_21 step %scan3A_22  : i32 {
      %jit3A = arith.constant 4 : i32
      %div3A = arith.divsi %scan3A_410, %jit3A : i32
      %sign3A = arith.constant 0 : i32
      %sign3A_411 = arith.cmpi sgt, %scan3A_410, %sign3A : i32
      %sign3A_412 = arith.extui %sign3A_411 : i1 to i32
      %sign3A_413 = arith.constant 0 : i32
      %sign3A_414 = arith.cmpi slt, %scan3A_410, %sign3A_413 : i32
      %sign3A_415 = arith.extui %sign3A_414 : i1 to i32
      %sign3A_416 = arith.subi %sign3A_412, %sign3A_415 : i32
      %sign3A_417 = arith.constant 0 : i32
      %sign3A_418 = arith.cmpi sgt, %jit3A, %sign3A_417 : i32
      %sign3A_419 = arith.extui %sign3A_418 : i1 to i32
      %sign3A_420 = arith.constant 0 : i32
      %sign3A_421 = arith.cmpi slt, %jit3A, %sign3A_420 : i32
      %sign3A_422 = arith.extui %sign3A_421 : i1 to i32
      %sign3A_423 = arith.subi %sign3A_419, %sign3A_422 : i32
      %ne3A = arith.cmpi ne, %sign3A_416, %sign3A_423 : i32
      %rem3A = arith.remsi %scan3A_410, %jit3A : i32
      %ne3A_424 = arith.constant 0 : i32
      %ne3A_425 = arith.cmpi ne, %rem3A, %ne3A_424 : i32
      %and3A = arith.andi %ne3A, %ne3A_425 : i1
      %sub3A = arith.constant 1 : i32
      %sub3A_426 = arith.subi %div3A, %sub3A : i32
      %select_n3A = arith.select %and3A, %sub3A_426, %div3A : i32
      %jit3A_427 = arith.constant 4 : i32
      %eq3A = arith.constant 0 : i32
      %eq3A_428 = arith.cmpi eq, %jit3A_427, %eq3A : i32
      %jit3A_429 = arith.constant 1 : i32
      %select_n3A_430 = arith.select %eq3A_428, %jit3A_429, %jit3A_427 : i32
      %rem3A_431 = arith.remsi %scan3A_410, %select_n3A_430 : i32
      %ne3A_432 = arith.constant 0 : i32
      %ne3A_433 = arith.cmpi ne, %rem3A_431, %ne3A_432 : i32
      %lt3A = arith.constant 0 : i32
      %lt3A_434 = arith.cmpi slt, %rem3A_431, %lt3A : i32
      %lt3A_435 = arith.constant 0 : i32
      %lt3A_436 = arith.cmpi slt, %select_n3A_430, %lt3A_435 : i32
      %ne3A_437 = arith.xori %lt3A_434, %lt3A_436 : i1
      %and3A_438 = arith.andi %ne3A_437, %ne3A_433 : i1
      %add3A_439 = arith.addi %rem3A_431, %select_n3A_430 : i32
      %select_n3A_440 = arith.select %and3A_438, %add3A_439, %rem3A_431 : i32
      %mul3A_441 = arith.constant 16 : i32
      %mul3A_442 = arith.muli %select_n3A_440, %mul3A_441 : i32
      %swap3A = arith.index_cast %select_n3A : i32 to index
      %swap3A_443 = arith.index_cast %mul3A_442 : i32 to index
      %swap3A_444 = tpu.vector_load %arg7[%swap3A, %swap3A_443] {strides = array<i32>} : memref<125x64xf32, #tpu.memory_space<vmem>>, vector<16xf32>,
      tpu.vector_store %arg7[%swap3A, %swap3A_443], %broadcast_in_dim3A_18 {strides = array<i32>} : memref<125x64xf32, #tpu.memory_space<vmem>>, vector<16xf32>,
    }
    %scan3A_23 = arith.constant 500 : i32
    %mul3A_24 = arith.constant 625 : i32
    %mul3A_25 = arith.muli %arg1, %mul3A_24 : i32
    %add3A_26 = arith.constant 0 : i32
    %add3A_27 = arith.addi %mul3A_25, %add3A_26 : i32
    %dma_start3A_28 = arith.constant 0 : i32
    %dma_start3A_29 = tpu.memref_slice %arg17[%add3A_27, %dma_start3A_28] : memref<10000x64xf32, #tpu.memory_space<vmem_shared>> -> memref<125x64xf32, #tpu.memory_space<vmem_shared>>
    %dma_start3A_30 = arith.constant 0 : i32
    %dma_start3A_31 = tpu.memref_slice %arg17[%add3A_27, %dma_start3A_30] : memref<10000x64xf32, #tpu.memory_space<vmem_shared>> -> memref<125x64xf32, #tpu.memory_space<vmem_shared>>
    tpu.enqueue_dma source(%arg7 : memref<125x64xf32, #tpu.memory_space<vmem>>) target(%dma_start3A_31 : memref<125x64xf32, #tpu.memory_space<vmem_shared>>) target_semaphore(%arg28 : memref<!tpu.dma_semaphore, #tpu.memory_space<semaphore_mem>>)
    %mul3A_32 = arith.constant 625 : i32
    %mul3A_33 = arith.muli %arg1, %mul3A_32 : i32
    %add3A_34 = arith.constant 125 : i32
    %add3A_35 = arith.addi %mul3A_33, %add3A_34 : i32
    %dma_start3A_36 = arith.constant 0 : i32
    %dma_start3A_37 = tpu.memref_slice %arg17[%add3A_35, %dma_start3A_36] : memref<10000x64xf32, #tpu.memory_space<vmem_shared>> -> memref<125x64xf32, #tpu.memory_space<vmem_shared>>
    %dma_start3A_38 = arith.constant 0 : i32
    %dma_start3A_39 = tpu.memref_slice %arg17[%add3A_35, %dma_start3A_38] : memref<10000x64xf32, #tpu.memory_space<vmem_shared>> -> memref<125x64xf32, #tpu.memory_space<vmem_shared>>
    tpu.enqueue_dma source(%arg7 : memref<125x64xf32, #tpu.memory_space<vmem>>) target(%dma_start3A_39 : memref<125x64xf32, #tpu.memory_space<vmem_shared>>) target_semaphore(%arg29 : memref<!tpu.dma_semaphore, #tpu.memory_space<semaphore_mem>>)
    %mul3A_40 = arith.constant 625 : i32
    %mul3A_41 = arith.muli %arg1, %mul3A_40 : i32
    %add3A_42 = arith.constant 250 : i32
    %add3A_43 = arith.addi %mul3A_41, %add3A_42 : i32
    %dma_start3A_44 = arith.constant 0 : i32
    %dma_start3A_45 = tpu.memref_slice %arg17[%add3A_43, %dma_start3A_44] : memref<10000x64xf32, #tpu.memory_space<vmem_shared>> -> memref<125x64xf32, #tpu.memory_space<vmem_shared>>
    %dma_start3A_46 = arith.constant 0 : i32
    %dma_start3A_47 = tpu.memref_slice %arg17[%add3A_43, %dma_start3A_46] : memref<10000x64xf32, #tpu.memory_space<vmem_shared>> -> memref<125x64xf32, #tpu.memory_space<vmem_shared>>
    tpu.enqueue_dma source(%arg7 : memref<125x64xf32, #tpu.memory_space<vmem>>) target(%dma_start3A_47 : memref<125x64xf32, #tpu.memory_space<vmem_shared>>) target_semaphore(%arg30 : memref<!tpu.dma_semaphore, #tpu.memory_space<semaphore_mem>>)
    %mul3A_48 = arith.constant 625 : i32
    %mul3A_49 = arith.muli %arg1, %mul3A_48 : i32
    %add3A_50 = arith.constant 375 : i32
    %add3A_51 = arith.addi %mul3A_49, %add3A_50 : i32
    %dma_start3A_52 = arith.constant 0 : i32
    %dma_start3A_53 = tpu.memref_slice %arg17[%add3A_51, %dma_start3A_52] : memref<10000x64xf32, #tpu.memory_space<vmem_shared>> -> memref<125x64xf32, #tpu.memory_space<vmem_shared>>
    %dma_start3A_54 = arith.constant 0 : i32
    %dma_start3A_55 = tpu.memref_slice %arg17[%add3A_51, %dma_start3A_54] : memref<10000x64xf32, #tpu.memory_space<vmem_shared>> -> memref<125x64xf32, #tpu.memory_space<vmem_shared>>
    tpu.enqueue_dma source(%arg7 : memref<125x64xf32, #tpu.memory_space<vmem>>) target(%dma_start3A_55 : memref<125x64xf32, #tpu.memory_space<vmem_shared>>) target_semaphore(%arg31 : memref<!tpu.dma_semaphore, #tpu.memory_space<semaphore_mem>>)
    %mul3A_56 = arith.constant 625 : i32
    %mul3A_57 = arith.muli %arg1, %mul3A_56 : i32
    %add3A_58 = arith.constant 500 : i32
    %add3A_59 = arith.addi %mul3A_57, %add3A_58 : i32
    %dma_start3A_60 = arith.constant 0 : i32
    %dma_start3A_61 = tpu.memref_slice %arg17[%add3A_59, %dma_start3A_60] : memref<10000x64xf32, #tpu.memory_space<vmem_shared>> -> memref<125x64xf32, #tpu.memory_space<vmem_shared>>
    %dma_start3A_62 = arith.constant 0 : i32
    %dma_start3A_63 = tpu.memref_slice %arg17[%add3A_59, %dma_start3A_62] : memref<10000x64xf32, #tpu.memory_space<vmem_shared>> -> memref<125x64xf32, #tpu.memory_space<vmem_shared>>
    tpu.enqueue_dma source(%arg7 : memref<125x64xf32, #tpu.memory_space<vmem>>) target(%dma_start3A_63 : memref<125x64xf32, #tpu.memory_space<vmem_shared>>) target_semaphore(%arg32 : memref<!tpu.dma_semaphore, #tpu.memory_space<semaphore_mem>>)
    %mul3A_64 = arith.constant 625 : i32
    %mul3A_65 = arith.muli %arg1, %mul3A_64 : i32
    %add3A_66 = arith.constant 0 : i32
    %add3A_67 = arith.addi %mul3A_65, %add3A_66 : i32
    %dma_wait3A = arith.constant 0 : i32
    %dma_wait3A_68 = tpu.memref_slice %arg17[%add3A_67, %dma_wait3A] : memref<10000x64xf32, #tpu.memory_space<vmem_shared>> -> memref<125x64xf32, #tpu.memory_space<vmem_shared>>
    %dma_wait3A_69 = arith.constant 0 : i32
    %dma_wait3A_70 = tpu.memref_slice %arg17[%add3A_67, %dma_wait3A_69] : memref<10000x64xf32, #tpu.memory_space<vmem_shared>> -> memref<125x64xf32, #tpu.memory_space<vmem_shared>>
    tpu.wait_dma2 semaphore(%arg28 : memref<!tpu.dma_semaphore, #tpu.memory_space<semaphore_mem>>) src(%arg7 : memref<125x64xf32, #tpu.memory_space<vmem>>) dst(%dma_wait3A_70 : memref<125x64xf32, #tpu.memory_space<vmem_shared>>)
    %mul3A_71 = arith.constant 625 : i32
    %mul3A_72 = arith.muli %arg1, %mul3A_71 : i32
    %add3A_73 = arith.constant 125 : i32
    %add3A_74 = arith.addi %mul3A_72, %add3A_73 : i32
    %dma_wait3A_75 = arith.constant 0 : i32
    %dma_wait3A_76 = tpu.memref_slice %arg17[%add3A_74, %dma_wait3A_75] : memref<10000x64xf32, #tpu.memory_space<vmem_shared>> -> memref<125x64xf32, #tpu.memory_space<vmem_shared>>
    %dma_wait3A_77 = arith.constant 0 : i32
    %dma_wait3A_78 = tpu.memref_slice %arg17[%add3A_74, %dma_wait3A_77] : memref<10000x64xf32, #tpu.memory_space<vmem_shared>> -> memref<125x64xf32, #tpu.memory_space<vmem_shared>>
    tpu.wait_dma2 semaphore(%arg29 : memref<!tpu.dma_semaphore, #tpu.memory_space<semaphore_mem>>) src(%arg7 : memref<125x64xf32, #tpu.memory_space<vmem>>) dst(%dma_wait3A_78 : memref<125x64xf32, #tpu.memory_space<vmem_shared>>)
    %mul3A_79 = arith.constant 625 : i32
    %mul3A_80 = arith.muli %arg1, %mul3A_79 : i32
    %add3A_81 = arith.constant 250 : i32
    %add3A_82 = arith.addi %mul3A_80, %add3A_81 : i32
    %dma_wait3A_83 = arith.constant 0 : i32
    %dma_wait3A_84 = tpu.memref_slice %arg17[%add3A_82, %dma_wait3A_83] : memref<10000x64xf32, #tpu.memory_space<vmem_shared>> -> memref<125x64xf32, #tpu.memory_space<vmem_shared>>
    %dma_wait3A_85 = arith.constant 0 : i32
    %dma_wait3A_86 = tpu.memref_slice %arg17[%add3A_82, %dma_wait3A_85] : memref<10000x64xf32, #tpu.memory_space<vmem_shared>> -> memref<125x64xf32, #tpu.memory_space<vmem_shared>>
    tpu.wait_dma2 semaphore(%arg30 : memref<!tpu.dma_semaphore, #tpu.memory_space<semaphore_mem>>) src(%arg7 : memref<125x64xf32, #tpu.memory_space<vmem>>) dst(%dma_wait3A_86 : memref<125x64xf32, #tpu.memory_space<vmem_shared>>)
    %mul3A_87 = arith.constant 625 : i32
    %mul3A_88 = arith.muli %arg1, %mul3A_87 : i32
    %add3A_89 = arith.constant 375 : i32
    %add3A_90 = arith.addi %mul3A_88, %add3A_89 : i32
    %dma_wait3A_91 = arith.constant 0 : i32
    %dma_wait3A_92 = tpu.memref_slice %arg17[%add3A_90, %dma_wait3A_91] : memref<10000x64xf32, #tpu.memory_space<vmem_shared>> -> memref<125x64xf32, #tpu.memory_space<vmem_shared>>
    %dma_wait3A_93 = arith.constant 0 : i32
    %dma_wait3A_94 = tpu.memref_slice %arg17[%add3A_90, %dma_wait3A_93] : memref<10000x64xf32, #tpu.memory_space<vmem_shared>> -> memref<125x64xf32, #tpu.memory_space<vmem_shared>>
    tpu.wait_dma2 semaphore(%arg31 : memref<!tpu.dma_semaphore, #tpu.memory_space<semaphore_mem>>) src(%arg7 : memref<125x64xf32, #tpu.memory_space<vmem>>) dst(%dma_wait3A_94 : memref<125x64xf32, #tpu.memory_space<vmem_shared>>)
    %mul3A_95 = arith.constant 625 : i32
    %mul3A_96 = arith.muli %arg1, %mul3A_95 : i32
    %add3A_97 = arith.constant 500 : i32
    %add3A_98 = arith.addi %mul3A_96, %add3A_97 : i32
    %dma_wait3A_99 = arith.constant 0 : i32
    %dma_wait3A_100 = tpu.memref_slice %arg17[%add3A_98, %dma_wait3A_99] : memref<10000x64xf32, #tpu.memory_space<vmem_shared>> -> memref<125x64xf32, #tpu.memory_space<vmem_shared>>
    %dma_wait3A_101 = arith.constant 0 : i32
    %dma_wait3A_102 = tpu.memref_slice %arg17[%add3A_98, %dma_wait3A_101] : memref<10000x64xf32, #tpu.memory_space<vmem_shared>> -> memref<125x64xf32, #tpu.memory_space<vmem_shared>>
    tpu.wait_dma2 semaphore(%arg32 : memref<!tpu.dma_semaphore, #tpu.memory_space<semaphore_mem>>) src(%arg7 : memref<125x64xf32, #tpu.memory_space<vmem>>) dst(%dma_wait3A_102 : memref<125x64xf32, #tpu.memory_space<vmem_shared>>)
    %dma_wait3A_103 = arith.constant 0 : i32
    %dma_wait3A_104 = arith.constant 0 : i32
    %dma_wait3A_105 = arith.constant 0 : i32
    %dma_wait3A_106 = tpu.memref_slice %arg3[%dma_wait3A_103, %add3A, %dma_wait3A_104, %dma_wait3A_105] : memref<2x32x40x125xi32, #tpu.memory_space<hbm>> -> memref<1x1x40x125xi32, #tpu.memory_space<hbm>>
    %dma_wait3A_107 = tpu.memref_squeeze %dma_wait3A_106 : memref<1x1x40x125xi32, #tpu.memory_space<hbm>> -> memref<40x125xi32, #tpu.memory_space<hbm>>
    %dma_wait3A_108 = arith.constant 0 : i32
    %dma_wait3A_109 = arith.constant 0 : i32
    %dma_wait3A_110 = tpu.memref_slice %arg3[%dma_wait3A_103, %add3A, %dma_wait3A_108, %dma_wait3A_109] : memref<2x32x40x125xi32, #tpu.memory_space<hbm>> -> memref<1x1x40x125xi32, #tpu.memory_space<hbm>>
    %dma_wait3A_111 = tpu.memref_squeeze %dma_wait3A_110 : memref<1x1x40x125xi32, #tpu.memory_space<hbm>> -> memref<40x125xi32, #tpu.memory_space<hbm>>
    tpu.wait_dma2 semaphore(%arg18 : memref<!tpu.dma_semaphore, #tpu.memory_space<semaphore_mem>>) src(%dma_wait3A_111 : memref<40x125xi32, #tpu.memory_space<hbm>>) dst(%arg5 : memref<40x125xi32, #tpu.memory_space<vmem>>)
    %dma_wait3A_112 = arith.constant 1 : i32
    %dma_wait3A_113 = arith.constant 0 : i32
    %dma_wait3A_114 = arith.constant 0 : i32
    %dma_wait3A_115 = tpu.memref_slice %arg3[%dma_wait3A_112, %add3A, %dma_wait3A_113, %dma_wait3A_114] : memref<2x32x40x125xi32, #tpu.memory_space<hbm>> -> memref<1x1x40x125xi32, #tpu.memory_space<hbm>>
    %dma_wait3A_116 = tpu.memref_squeeze %dma_wait3A_115 : memref<1x1x40x125xi32, #tpu.memory_space<hbm>> -> memref<40x125xi32, #tpu.memory_space<hbm>>
    %dma_wait3A_117 = arith.constant 0 : i32
    %dma_wait3A_118 = arith.constant 0 : i32
    %dma_wait3A_119 = tpu.memref_slice %arg3[%dma_wait3A_112, %add3A, %dma_wait3A_117, %dma_wait3A_118] : memref<2x32x40x125xi32, #tpu.memory_space<hbm>> -> memref<1x1x40x125xi32, #tpu.memory_space<hbm>>
    %dma_wait3A_120 = tpu.memref_squeeze %dma_wait3A_119 : memref<1x1x40x125xi32, #tpu.memory_space<hbm>> -> memref<40x125xi32, #tpu.memory_space<hbm>>
    tpu.wait_dma2 semaphore(%arg19 : memref<!tpu.dma_semaphore, #tpu.memory_space<semaphore_mem>>) src(%dma_wait3A_120 : memref<40x125xi32, #tpu.memory_space<hbm>>) dst(%arg6 : memref<40x125xi32, #tpu.memory_space<vmem>>)
    %barrier3A = arith.constant 0 : index
    tpu.barrier barrier_id(%barrier3A)
    %dma_start3A_121 = arith.constant 0 : i32
    %dma_start3A_122 = arith.constant 0 : i32
    %dma_start3A_123 = tpu.memref_slice %arg5[%dma_start3A_121, %dma_start3A_122] : memref<40x125xi32, #tpu.memory_space<vmem>> -> memref<1x125xi32, #tpu.memory_space<vmem>>
    %dma_start3A_124 = tpu.memref_squeeze %dma_start3A_123 : memref<1x125xi32, #tpu.memory_space<vmem>> -> memref<125xi32, #tpu.memory_space<vmem>>
    %dma_start3A_125 = arith.constant 0 : i32
    %dma_start3A_126 = arith.constant 0 : i32
    %dma_start3A_127 = tpu.memref_slice %arg2[%dma_start3A_125, %dma_start3A_126] : memref<10000x64xf32, #tpu.memory_space<hbm>> -> memref<10000x64xf32, #tpu.memory_space<hbm>>
    tpu.enqueue_indirect_dma source(%dma_start3A_127 : memref<10000x64xf32, #tpu.memory_space<hbm>>) target(%arg7 : memref<125x64xf32, #tpu.memory_space<vmem>>) offsets(%dma_start3A_124 : memref<125xi32, #tpu.memory_space<vmem>>) semaphore(%arg18 : memref<!tpu.dma_semaphore, #tpu.memory_space<semaphore_mem>>)
    %dma_start3A_128 = arith.constant 1 : i32
    %dma_start3A_129 = arith.constant 0 : i32
    %dma_start3A_130 = tpu.memref_slice %arg5[%dma_start3A_128, %dma_start3A_129] : memref<40x125xi32, #tpu.memory_space<vmem>> -> memref<1x125xi32, #tpu.memory_space<vmem>>
    %dma_start3A_131 = tpu.memref_squeeze %dma_start3A_130 : memref<1x125xi32, #tpu.memory_space<vmem>> -> memref<125xi32, #tpu.memory_space<vmem>>
    %dma_start3A_132 = arith.constant 0 : i32
    %dma_start3A_133 = arith.constant 0 : i32
    %dma_start3A_134 = tpu.memref_slice %arg2[%dma_start3A_132, %dma_start3A_133] : memref<10000x64xf32, #tpu.memory_space<hbm>> -> memref<10000x64xf32, #tpu.memory_space<hbm>>
    tpu.enqueue_indirect_dma source(%dma_start3A_134 : memref<10000x64xf32, #tpu.memory_space<hbm>>) target(%arg8 : memref<125x64xf32, #tpu.memory_space<vmem>>) offsets(%dma_start3A_131 : memref<125xi32, #tpu.memory_space<vmem>>) semaphore(%arg19 : memref<!tpu.dma_semaphore, #tpu.memory_space<semaphore_mem>>)
    %dma_start3A_135 = arith.constant 2 : i32
    %dma_start3A_136 = arith.constant 0 : i32
    %dma_start3A_137 = tpu.memref_slice %arg5[%dma_start3A_135, %dma_start3A_136] : memref<40x125xi32, #tpu.memory_space<vmem>> -> memref<1x125xi32, #tpu.memory_space<vmem>>
    %dma_start3A_138 = tpu.memref_squeeze %dma_start3A_137 : memref<1x125xi32, #tpu.memory_space<vmem>> -> memref<125xi32, #tpu.memory_space<vmem>>
    %dma_start3A_139 = arith.constant 0 : i32
    %dma_start3A_140 = arith.constant 0 : i32
    %dma_start3A_141 = tpu.memref_slice %arg2[%dma_start3A_139, %dma_start3A_140] : memref<10000x64xf32, #tpu.memory_space<hbm>> -> memref<10000x64xf32, #tpu.memory_space<hbm>>
    tpu.enqueue_indirect_dma source(%dma_start3A_141 : memref<10000x64xf32, #tpu.memory_space<hbm>>) target(%arg9 : memref<125x64xf32, #tpu.memory_space<vmem>>) offsets(%dma_start3A_138 : memref<125xi32, #tpu.memory_space<vmem>>) semaphore(%arg20 : memref<!tpu.dma_semaphore, #tpu.memory_space<semaphore_mem>>)
    %dma_start3A_142 = arith.constant 3 : i32
    %dma_start3A_143 = arith.constant 0 : i32
    %dma_start3A_144 = tpu.memref_slice %arg5[%dma_start3A_142, %dma_start3A_143] : memref<40x125xi32, #tpu.memory_space<vmem>> -> memref<1x125xi32, #tpu.memory_space<vmem>>
    %dma_start3A_145 = tpu.memref_squeeze %dma_start3A_144 : memref<1x125xi32, #tpu.memory_space<vmem>> -> memref<125xi32, #tpu.memory_space<vmem>>
    %dma_start3A_146 = arith.constant 0 : i32
    %dma_start3A_147 = arith.constant 0 : i32
    %dma_start3A_148 = tpu.memref_slice %arg2[%dma_start3A_146, %dma_start3A_147] : memref<10000x64xf32, #tpu.memory_space<hbm>> -> memref<10000x64xf32, #tpu.memory_space<hbm>>
    tpu.enqueue_indirect_dma source(%dma_start3A_148 : memref<10000x64xf32, #tpu.memory_space<hbm>>) target(%arg10 : memref<125x64xf32, #tpu.memory_space<vmem>>) offsets(%dma_start3A_145 : memref<125xi32, #tpu.memory_space<vmem>>) semaphore(%arg21 : memref<!tpu.dma_semaphore, #tpu.memory_space<semaphore_mem>>)
    %dma_start3A_149 = arith.constant 4 : i32
    %dma_start3A_150 = arith.constant 0 : i32
    %dma_start3A_151 = tpu.memref_slice %arg5[%dma_start3A_149, %dma_start3A_150] : memref<40x125xi32, #tpu.memory_space<vmem>> -> memref<1x125xi32, #tpu.memory_space<vmem>>
    %dma_start3A_152 = tpu.memref_squeeze %dma_start3A_151 : memref<1x125xi32, #tpu.memory_space<vmem>> -> memref<125xi32, #tpu.memory_space<vmem>>
    %dma_start3A_153 = arith.constant 0 : i32
    %dma_start3A_154 = arith.constant 0 : i32
    %dma_start3A_155 = tpu.memref_slice %arg2[%dma_start3A_153, %dma_start3A_154] : memref<10000x64xf32, #tpu.memory_space<hbm>> -> memref<10000x64xf32, #tpu.memory_space<hbm>>
    tpu.enqueue_indirect_dma source(%dma_start3A_155 : memref<10000x64xf32, #tpu.memory_space<hbm>>) target(%arg11 : memref<125x64xf32, #tpu.memory_space<vmem>>) offsets(%dma_start3A_152 : memref<125xi32, #tpu.memory_space<vmem>>) semaphore(%arg22 : memref<!tpu.dma_semaphore, #tpu.memory_space<semaphore_mem>>)
    %dma_start3A_156 = arith.constant 5 : i32
    %dma_start3A_157 = arith.constant 0 : i32
    %dma_start3A_158 = tpu.memref_slice %arg5[%dma_start3A_156, %dma_start3A_157] : memref<40x125xi32, #tpu.memory_space<vmem>> -> memref<1x125xi32, #tpu.memory_space<vmem>>
    %dma_start3A_159 = tpu.memref_squeeze %dma_start3A_158 : memref<1x125xi32, #tpu.memory_space<vmem>> -> memref<125xi32, #tpu.memory_space<vmem>>
    %dma_start3A_160 = arith.constant 0 : i32
    %dma_start3A_161 = arith.constant 0 : i32
    %dma_start3A_162 = tpu.memref_slice %arg2[%dma_start3A_160, %dma_start3A_161] : memref<10000x64xf32, #tpu.memory_space<hbm>> -> memref<10000x64xf32, #tpu.memory_space<hbm>>
    tpu.enqueue_indirect_dma source(%dma_start3A_162 : memref<10000x64xf32, #tpu.memory_space<hbm>>) target(%arg12 : memref<125x64xf32, #tpu.memory_space<vmem>>) offsets(%dma_start3A_159 : memref<125xi32, #tpu.memory_space<vmem>>) semaphore(%arg23 : memref<!tpu.dma_semaphore, #tpu.memory_space<semaphore_mem>>)
    %dma_start3A_163 = arith.constant 6 : i32
    %dma_start3A_164 = arith.constant 0 : i32
    %dma_start3A_165 = tpu.memref_slice %arg5[%dma_start3A_163, %dma_start3A_164] : memref<40x125xi32, #tpu.memory_space<vmem>> -> memref<1x125xi32, #tpu.memory_space<vmem>>
    %dma_start3A_166 = tpu.memref_squeeze %dma_start3A_165 : memref<1x125xi32, #tpu.memory_space<vmem>> -> memref<125xi32, #tpu.memory_space<vmem>>
    %dma_start3A_167 = arith.constant 0 : i32
    %dma_start3A_168 = arith.constant 0 : i32
    %dma_start3A_169 = tpu.memref_slice %arg2[%dma_start3A_167, %dma_start3A_168] : memref<10000x64xf32, #tpu.memory_space<hbm>> -> memref<10000x64xf32, #tpu.memory_space<hbm>>
    tpu.enqueue_indirect_dma source(%dma_start3A_169 : memref<10000x64xf32, #tpu.memory_space<hbm>>) target(%arg13 : memref<125x64xf32, #tpu.memory_space<vmem>>) offsets(%dma_start3A_166 : memref<125xi32, #tpu.memory_space<vmem>>) semaphore(%arg24 : memref<!tpu.dma_semaphore, #tpu.memory_space<semaphore_mem>>)
    %dma_start3A_170 = arith.constant 7 : i32
    %dma_start3A_171 = arith.constant 0 : i32
    %dma_start3A_172 = tpu.memref_slice %arg5[%dma_start3A_170, %dma_start3A_171] : memref<40x125xi32, #tpu.memory_space<vmem>> -> memref<1x125xi32, #tpu.memory_space<vmem>>
    %dma_start3A_173 = tpu.memref_squeeze %dma_start3A_172 : memref<1x125xi32, #tpu.memory_space<vmem>> -> memref<125xi32, #tpu.memory_space<vmem>>
    %dma_start3A_174 = arith.constant 0 : i32
    %dma_start3A_175 = arith.constant 0 : i32
    %dma_start3A_176 = tpu.memref_slice %arg2[%dma_start3A_174, %dma_start3A_175] : memref<10000x64xf32, #tpu.memory_space<hbm>> -> memref<10000x64xf32, #tpu.memory_space<hbm>>
    tpu.enqueue_indirect_dma source(%dma_start3A_176 : memref<10000x64xf32, #tpu.memory_space<hbm>>) target(%arg14 : memref<125x64xf32, #tpu.memory_space<vmem>>) offsets(%dma_start3A_173 : memref<125xi32, #tpu.memory_space<vmem>>) semaphore(%arg25 : memref<!tpu.dma_semaphore, #tpu.memory_space<semaphore_mem>>)
    %dma_start3A_177 = arith.constant 8 : i32
    %dma_start3A_178 = arith.constant 0 : i32
    %dma_start3A_179 = tpu.memref_slice %arg5[%dma_start3A_177, %dma_start3A_178] : memref<40x125xi32, #tpu.memory_space<vmem>> -> memref<1x125xi32, #tpu.memory_space<vmem>>
    %dma_start3A_180 = tpu.memref_squeeze %dma_start3A_179 : memref<1x125xi32, #tpu.memory_space<vmem>> -> memref<125xi32, #tpu.memory_space<vmem>>
    %dma_start3A_181 = arith.constant 0 : i32
    %dma_start3A_182 = arith.constant 0 : i32
    %dma_start3A_183 = tpu.memref_slice %arg2[%dma_start3A_181, %dma_start3A_182] : memref<10000x64xf32, #tpu.memory_space<hbm>> -> memref<10000x64xf32, #tpu.memory_space<hbm>>
    tpu.enqueue_indirect_dma source(%dma_start3A_183 : memref<10000x64xf32, #tpu.memory_space<hbm>>) target(%arg15 : memref<125x64xf32, #tpu.memory_space<vmem>>) offsets(%dma_start3A_180 : memref<125xi32, #tpu.memory_space<vmem>>) semaphore(%arg26 : memref<!tpu.dma_semaphore, #tpu.memory_space<semaphore_mem>>)
    %dma_start3A_184 = arith.constant 9 : i32
    %dma_start3A_185 = arith.constant 0 : i32
    %dma_start3A_186 = tpu.memref_slice %arg5[%dma_start3A_184, %dma_start3A_185] : memref<40x125xi32, #tpu.memory_space<vmem>> -> memref<1x125xi32, #tpu.memory_space<vmem>>
    %dma_start3A_187 = tpu.memref_squeeze %dma_start3A_186 : memref<1x125xi32, #tpu.memory_space<vmem>> -> memref<125xi32, #tpu.memory_space<vmem>>
    %dma_start3A_188 = arith.constant 0 : i32
    %dma_start3A_189 = arith.constant 0 : i32
    %dma_start3A_190 = tpu.memref_slice %arg2[%dma_start3A_188, %dma_start3A_189] : memref<10000x64xf32, #tpu.memory_space<hbm>> -> memref<10000x64xf32, #tpu.memory_space<hbm>>
    tpu.enqueue_indirect_dma source(%dma_start3A_190 : memref<10000x64xf32, #tpu.memory_space<hbm>>) target(%arg16 : memref<125x64xf32, #tpu.memory_space<vmem>>) offsets(%dma_start3A_187 : memref<125xi32, #tpu.memory_space<vmem>>) semaphore(%arg27 : memref<!tpu.dma_semaphore, #tpu.memory_space<semaphore_mem>>)
    %scan3A_191 = arith.constant 0 : i32
    %scan3A_192 = arith.constant 0 : i32
    %scan3A_193 = arith.constant 3 : i32
    %scan3A_194 = arith.addi %scan3A_192, %scan3A_193 : i32
    %scan3A_195 = arith.constant 1 : i32
    scf.for %scan3A_410 = %scan3A_192 to %scan3A_194 step %scan3A_195  : i32 {
      %mul3A_411 = arith.constant 10 : i32
      %mul3A_412 = arith.muli %mul3A_411, %scan3A_410 : i32
      %add3A_413 = arith.constant 0 : i32
      %add3A_414 = arith.addi %mul3A_412, %add3A_413 : i32
      %dma_wait3A_415 = arith.constant 0 : i32
      %dma_wait3A_416 = tpu.memref_slice %arg5[%add3A_414, %dma_wait3A_415] : memref<40x125xi32, #tpu.memory_space<vmem>> -> memref<1x125xi32, #tpu.memory_space<vmem>>
      %dma_wait3A_417 = tpu.memref_squeeze %dma_wait3A_416 : memref<1x125xi32, #tpu.memory_space<vmem>> -> memref<125xi32, #tpu.memory_space<vmem>>
      %dma_wait3A_418 = arith.constant 0 : i32
      %dma_wait3A_419 = arith.constant 0 : i32
      %dma_wait3A_420 = tpu.memref_slice %arg2[%dma_wait3A_418, %dma_wait3A_419] : memref<10000x64xf32, #tpu.memory_space<hbm>> -> memref<10000x64xf32, #tpu.memory_space<hbm>>
      tpu.wait_indirect_dma semaphore(%arg18 : memref<!tpu.dma_semaphore, #tpu.memory_space<semaphore_mem>>) src(%dma_wait3A_420 : memref<10000x64xf32, #tpu.memory_space<hbm>>) dst(%arg7 : memref<125x64xf32, #tpu.memory_space<vmem>>)
      %add3A_421 = arith.constant 0 : i32
      %add3A_422 = arith.addi %mul3A_412, %add3A_421 : i32
      %dma_start3A_423 = arith.constant 0 : i32
      %dma_start3A_424 = tpu.memref_slice %arg6[%add3A_422, %dma_start3A_423] : memref<40x125xi32, #tpu.memory_space<vmem>> -> memref<1x125xi32, #tpu.memory_space<vmem>>
      %dma_start3A_425 = tpu.memref_squeeze %dma_start3A_424 : memref<1x125xi32, #tpu.memory_space<vmem>> -> memref<125xi32, #tpu.memory_space<vmem>>
      %dma_start3A_426 = arith.constant 0 : i32
      %dma_start3A_427 = arith.constant 0 : i32
      %dma_start3A_428 = tpu.memref_slice %arg17[%dma_start3A_426, %dma_start3A_427] : memref<10000x64xf32, #tpu.memory_space<vmem_shared>> -> memref<10000x64xf32, #tpu.memory_space<vmem_shared>>
      tpu.enqueue_indirect_dma source(%arg7 : memref<125x64xf32, #tpu.memory_space<vmem>>) target(%dma_start3A_428 : memref<10000x64xf32, #tpu.memory_space<vmem_shared>>) offsets(%dma_start3A_425 : memref<125xi32, #tpu.memory_space<vmem>>) semaphore(%arg28 : memref<!tpu.dma_semaphore, #tpu.memory_space<semaphore_mem>>) {add = true}
      %add3A_429 = arith.constant 1 : i32
      %add3A_430 = arith.addi %mul3A_412, %add3A_429 : i32
      %dma_wait3A_431 = arith.constant 0 : i32
      %dma_wait3A_432 = tpu.memref_slice %arg5[%add3A_430, %dma_wait3A_431] : memref<40x125xi32, #tpu.memory_space<vmem>> -> memref<1x125xi32, #tpu.memory_space<vmem>>
      %dma_wait3A_433 = tpu.memref_squeeze %dma_wait3A_432 : memref<1x125xi32, #tpu.memory_space<vmem>> -> memref<125xi32, #tpu.memory_space<vmem>>
      %dma_wait3A_434 = arith.constant 0 : i32
      %dma_wait3A_435 = arith.constant 0 : i32
      %dma_wait3A_436 = tpu.memref_slice %arg2[%dma_wait3A_434, %dma_wait3A_435] : memref<10000x64xf32, #tpu.memory_space<hbm>> -> memref<10000x64xf32, #tpu.memory_space<hbm>>
      tpu.wait_indirect_dma semaphore(%arg19 : memref<!tpu.dma_semaphore, #tpu.memory_space<semaphore_mem>>) src(%dma_wait3A_436 : memref<10000x64xf32, #tpu.memory_space<hbm>>) dst(%arg8 : memref<125x64xf32, #tpu.memory_space<vmem>>)
      %add3A_437 = arith.constant 1 : i32
      %add3A_438 = arith.addi %mul3A_412, %add3A_437 : i32
      %dma_start3A_439 = arith.constant 0 : i32
      %dma_start3A_440 = tpu.memref_slice %arg6[%add3A_438, %dma_start3A_439] : memref<40x125xi32, #tpu.memory_space<vmem>> -> memref<1x125xi32, #tpu.memory_space<vmem>>
      %dma_start3A_441 = tpu.memref_squeeze %dma_start3A_440 : memref<1x125xi32, #tpu.memory_space<vmem>> -> memref<125xi32, #tpu.memory_space<vmem>>
      %dma_start3A_442 = arith.constant 0 : i32
      %dma_start3A_443 = arith.constant 0 : i32
      %dma_start3A_444 = tpu.memref_slice %arg17[%dma_start3A_442, %dma_start3A_443] : memref<10000x64xf32, #tpu.memory_space<vmem_shared>> -> memref<10000x64xf32, #tpu.memory_space<vmem_shared>>
      tpu.enqueue_indirect_dma source(%arg8 : memref<125x64xf32, #tpu.memory_space<vmem>>) target(%dma_start3A_444 : memref<10000x64xf32, #tpu.memory_space<vmem_shared>>) offsets(%dma_start3A_441 : memref<125xi32, #tpu.memory_space<vmem>>) semaphore(%arg29 : memref<!tpu.dma_semaphore, #tpu.memory_space<semaphore_mem>>) {add = true}
      %add3A_445 = arith.constant 2 : i32
      %add3A_446 = arith.addi %mul3A_412, %add3A_445 : i32
      %dma_wait3A_447 = arith.constant 0 : i32
      %dma_wait3A_448 = tpu.memref_slice %arg5[%add3A_446, %dma_wait3A_447] : memref<40x125xi32, #tpu.memory_space<vmem>> -> memref<1x125xi32, #tpu.memory_space<vmem>>
      %dma_wait3A_449 = tpu.memref_squeeze %dma_wait3A_448 : memref<1x125xi32, #tpu.memory_space<vmem>> -> memref<125xi32, #tpu.memory_space<vmem>>
      %dma_wait3A_450 = arith.constant 0 : i32
      %dma_wait3A_451 = arith.constant 0 : i32
      %dma_wait3A_452 = tpu.memref_slice %arg2[%dma_wait3A_450, %dma_wait3A_451] : memref<10000x64xf32, #tpu.memory_space<hbm>> -> memref<10000x64xf32, #tpu.memory_space<hbm>>
      tpu.wait_indirect_dma semaphore(%arg20 : memref<!tpu.dma_semaphore, #tpu.memory_space<semaphore_mem>>) src(%dma_wait3A_452 : memref<10000x64xf32, #tpu.memory_space<hbm>>) dst(%arg9 : memref<125x64xf32, #tpu.memory_space<vmem>>)
      %add3A_453 = arith.constant 2 : i32
      %add3A_454 = arith.addi %mul3A_412, %add3A_453 : i32
      %dma_start3A_455 = arith.constant 0 : i32
      %dma_start3A_456 = tpu.memref_slice %arg6[%add3A_454, %dma_start3A_455] : memref<40x125xi32, #tpu.memory_space<vmem>> -> memref<1x125xi32, #tpu.memory_space<vmem>>
      %dma_start3A_457 = tpu.memref_squeeze %dma_start3A_456 : memref<1x125xi32, #tpu.memory_space<vmem>> -> memref<125xi32, #tpu.memory_space<vmem>>
      %dma_start3A_458 = arith.constant 0 : i32
      %dma_start3A_459 = arith.constant 0 : i32
      %dma_start3A_460 = tpu.memref_slice %arg17[%dma_start3A_458, %dma_start3A_459] : memref<10000x64xf32, #tpu.memory_space<vmem_shared>> -> memref<10000x64xf32, #tpu.memory_space<vmem_shared>>
      tpu.enqueue_indirect_dma source(%arg9 : memref<125x64xf32, #tpu.memory_space<vmem>>) target(%dma_start3A_460 : memref<10000x64xf32, #tpu.memory_space<vmem_shared>>) offsets(%dma_start3A_457 : memref<125xi32, #tpu.memory_space<vmem>>) semaphore(%arg30 : memref<!tpu.dma_semaphore, #tpu.memory_space<semaphore_mem>>) {add = true}
      %add3A_461 = arith.constant 3 : i32
      %add3A_462 = arith.addi %mul3A_412, %add3A_461 : i32
      %dma_wait3A_463 = arith.constant 0 : i32
      %dma_wait3A_464 = tpu.memref_slice %arg5[%add3A_462, %dma_wait3A_463] : memref<40x125xi32, #tpu.memory_space<vmem>> -> memref<1x125xi32, #tpu.memory_space<vmem>>
      %dma_wait3A_465 = tpu.memref_squeeze %dma_wait3A_464 : memref<1x125xi32, #tpu.memory_space<vmem>> -> memref<125xi32, #tpu.memory_space<vmem>>
      %dma_wait3A_466 = arith.constant 0 : i32
      %dma_wait3A_467 = arith.constant 0 : i32
      %dma_wait3A_468 = tpu.memref_slice %arg2[%dma_wait3A_466, %dma_wait3A_467] : memref<10000x64xf32, #tpu.memory_space<hbm>> -> memref<10000x64xf32, #tpu.memory_space<hbm>>
      tpu.wait_indirect_dma semaphore(%arg21 : memref<!tpu.dma_semaphore, #tpu.memory_space<semaphore_mem>>) src(%dma_wait3A_468 : memref<10000x64xf32, #tpu.memory_space<hbm>>) dst(%arg10 : memref<125x64xf32, #tpu.memory_space<vmem>>)
      %add3A_469 = arith.constant 3 : i32
      %add3A_470 = arith.addi %mul3A_412, %add3A_469 : i32
      %dma_start3A_471 = arith.constant 0 : i32
      %dma_start3A_472 = tpu.memref_slice %arg6[%add3A_470, %dma_start3A_471] : memref<40x125xi32, #tpu.memory_space<vmem>> -> memref<1x125xi32, #tpu.memory_space<vmem>>
      %dma_start3A_473 = tpu.memref_squeeze %dma_start3A_472 : memref<1x125xi32, #tpu.memory_space<vmem>> -> memref<125xi32, #tpu.memory_space<vmem>>
      %dma_start3A_474 = arith.constant 0 : i32
      %dma_start3A_475 = arith.constant 0 : i32
      %dma_start3A_476 = tpu.memref_slice %arg17[%dma_start3A_474, %dma_start3A_475] : memref<10000x64xf32, #tpu.memory_space<vmem_shared>> -> memref<10000x64xf32, #tpu.memory_space<vmem_shared>>
      tpu.enqueue_indirect_dma source(%arg10 : memref<125x64xf32, #tpu.memory_space<vmem>>) target(%dma_start3A_476 : memref<10000x64xf32, #tpu.memory_space<vmem_shared>>) offsets(%dma_start3A_473 : memref<125xi32, #tpu.memory_space<vmem>>) semaphore(%arg31 : memref<!tpu.dma_semaphore, #tpu.memory_space<semaphore_mem>>) {add = true}
      %add3A_477 = arith.constant 4 : i32
      %add3A_478 = arith.addi %mul3A_412, %add3A_477 : i32
      %dma_wait3A_479 = arith.constant 0 : i32
      %dma_wait3A_480 = tpu.memref_slice %arg5[%add3A_478, %dma_wait3A_479] : memref<40x125xi32, #tpu.memory_space<vmem>> -> memref<1x125xi32, #tpu.memory_space<vmem>>
      %dma_wait3A_481 = tpu.memref_squeeze %dma_wait3A_480 : memref<1x125xi32, #tpu.memory_space<vmem>> -> memref<125xi32, #tpu.memory_space<vmem>>
      %dma_wait3A_482 = arith.constant 0 : i32
      %dma_wait3A_483 = arith.constant 0 : i32
      %dma_wait3A_484 = tpu.memref_slice %arg2[%dma_wait3A_482, %dma_wait3A_483] : memref<10000x64xf32, #tpu.memory_space<hbm>> -> memref<10000x64xf32, #tpu.memory_space<hbm>>
      tpu.wait_indirect_dma semaphore(%arg22 : memref<!tpu.dma_semaphore, #tpu.memory_space<semaphore_mem>>) src(%dma_wait3A_484 : memref<10000x64xf32, #tpu.memory_space<hbm>>) dst(%arg11 : memref<125x64xf32, #tpu.memory_space<vmem>>)
      %add3A_485 = arith.constant 4 : i32
      %add3A_486 = arith.addi %mul3A_412, %add3A_485 : i32
      %dma_start3A_487 = arith.constant 0 : i32
      %dma_start3A_488 = tpu.memref_slice %arg6[%add3A_486, %dma_start3A_487] : memref<40x125xi32, #tpu.memory_space<vmem>> -> memref<1x125xi32, #tpu.memory_space<vmem>>
      %dma_start3A_489 = tpu.memref_squeeze %dma_start3A_488 : memref<1x125xi32, #tpu.memory_space<vmem>> -> memref<125xi32, #tpu.memory_space<vmem>>
      %dma_start3A_490 = arith.constant 0 : i32
      %dma_start3A_491 = arith.constant 0 : i32
      %dma_start3A_492 = tpu.memref_slice %arg17[%dma_start3A_490, %dma_start3A_491] : memref<10000x64xf32, #tpu.memory_space<vmem_shared>> -> memref<10000x64xf32, #tpu.memory_space<vmem_shared>>
      tpu.enqueue_indirect_dma source(%arg11 : memref<125x64xf32, #tpu.memory_space<vmem>>) target(%dma_start3A_492 : memref<10000x64xf32, #tpu.memory_space<vmem_shared>>) offsets(%dma_start3A_489 : memref<125xi32, #tpu.memory_space<vmem>>) semaphore(%arg32 : memref<!tpu.dma_semaphore, #tpu.memory_space<semaphore_mem>>) {add = true}
      %add3A_493 = arith.constant 5 : i32
      %add3A_494 = arith.addi %mul3A_412, %add3A_493 : i32
      %dma_wait3A_495 = arith.constant 0 : i32
      %dma_wait3A_496 = tpu.memref_slice %arg5[%add3A_494, %dma_wait3A_495] : memref<40x125xi32, #tpu.memory_space<vmem>> -> memref<1x125xi32, #tpu.memory_space<vmem>>
      %dma_wait3A_497 = tpu.memref_squeeze %dma_wait3A_496 : memref<1x125xi32, #tpu.memory_space<vmem>> -> memref<125xi32, #tpu.memory_space<vmem>>
      %dma_wait3A_498 = arith.constant 0 : i32
      %dma_wait3A_499 = arith.constant 0 : i32
      %dma_wait3A_500 = tpu.memref_slice %arg2[%dma_wait3A_498, %dma_wait3A_499] : memref<10000x64xf32, #tpu.memory_space<hbm>> -> memref<10000x64xf32, #tpu.memory_space<hbm>>
      tpu.wait_indirect_dma semaphore(%arg23 : memref<!tpu.dma_semaphore, #tpu.memory_space<semaphore_mem>>) src(%dma_wait3A_500 : memref<10000x64xf32, #tpu.memory_space<hbm>>) dst(%arg12 : memref<125x64xf32, #tpu.memory_space<vmem>>)
      %add3A_501 = arith.constant 5 : i32
      %add3A_502 = arith.addi %mul3A_412, %add3A_501 : i32
      %dma_start3A_503 = arith.constant 0 : i32
      %dma_start3A_504 = tpu.memref_slice %arg6[%add3A_502, %dma_start3A_503] : memref<40x125xi32, #tpu.memory_space<vmem>> -> memref<1x125xi32, #tpu.memory_space<vmem>>
      %dma_start3A_505 = tpu.memref_squeeze %dma_start3A_504 : memref<1x125xi32, #tpu.memory_space<vmem>> -> memref<125xi32, #tpu.memory_space<vmem>>
      %dma_start3A_506 = arith.constant 0 : i32
      %dma_start3A_507 = arith.constant 0 : i32
      %dma_start3A_508 = tpu.memref_slice %arg17[%dma_start3A_506, %dma_start3A_507] : memref<10000x64xf32, #tpu.memory_space<vmem_shared>> -> memref<10000x64xf32, #tpu.memory_space<vmem_shared>>
      tpu.enqueue_indirect_dma source(%arg12 : memref<125x64xf32, #tpu.memory_space<vmem>>) target(%dma_start3A_508 : memref<10000x64xf32, #tpu.memory_space<vmem_shared>>) offsets(%dma_start3A_505 : memref<125xi32, #tpu.memory_space<vmem>>) semaphore(%arg33 : memref<!tpu.dma_semaphore, #tpu.memory_space<semaphore_mem>>) {add = true}
      %add3A_509 = arith.constant 6 : i32
      %add3A_510 = arith.addi %mul3A_412, %add3A_509 : i32
      %dma_wait3A_511 = arith.constant 0 : i32
      %dma_wait3A_512 = tpu.memref_slice %arg5[%add3A_510, %dma_wait3A_511] : memref<40x125xi32, #tpu.memory_space<vmem>> -> memref<1x125xi32, #tpu.memory_space<vmem>>
      %dma_wait3A_513 = tpu.memref_squeeze %dma_wait3A_512 : memref<1x125xi32, #tpu.memory_space<vmem>> -> memref<125xi32, #tpu.memory_space<vmem>>
      %dma_wait3A_514 = arith.constant 0 : i32
      %dma_wait3A_515 = arith.constant 0 : i32
      %dma_wait3A_516 = tpu.memref_slice %arg2[%dma_wait3A_514, %dma_wait3A_515] : memref<10000x64xf32, #tpu.memory_space<hbm>> -> memref<10000x64xf32, #tpu.memory_space<hbm>>
      tpu.wait_indirect_dma semaphore(%arg24 : memref<!tpu.dma_semaphore, #tpu.memory_space<semaphore_mem>>) src(%dma_wait3A_516 : memref<10000x64xf32, #tpu.memory_space<hbm>>) dst(%arg13 : memref<125x64xf32, #tpu.memory_space<vmem>>)
      %add3A_517 = arith.constant 6 : i32
      %add3A_518 = arith.addi %mul3A_412, %add3A_517 : i32
      %dma_start3A_519 = arith.constant 0 : i32
      %dma_start3A_520 = tpu.memref_slice %arg6[%add3A_518, %dma_start3A_519] : memref<40x125xi32, #tpu.memory_space<vmem>> -> memref<1x125xi32, #tpu.memory_space<vmem>>
      %dma_start3A_521 = tpu.memref_squeeze %dma_start3A_520 : memref<1x125xi32, #tpu.memory_space<vmem>> -> memref<125xi32, #tpu.memory_space<vmem>>
      %dma_start3A_522 = arith.constant 0 : i32
      %dma_start3A_523 = arith.constant 0 : i32
      %dma_start3A_524 = tpu.memref_slice %arg17[%dma_start3A_522, %dma_start3A_523] : memref<10000x64xf32, #tpu.memory_space<vmem_shared>> -> memref<10000x64xf32, #tpu.memory_space<vmem_shared>>
      tpu.enqueue_indirect_dma source(%arg13 : memref<125x64xf32, #tpu.memory_space<vmem>>) target(%dma_start3A_524 : memref<10000x64xf32, #tpu.memory_space<vmem_shared>>) offsets(%dma_start3A_521 : memref<125xi32, #tpu.memory_space<vmem>>) semaphore(%arg34 : memref<!tpu.dma_semaphore, #tpu.memory_space<semaphore_mem>>) {add = true}
      %add3A_525 = arith.constant 7 : i32
      %add3A_526 = arith.addi %mul3A_412, %add3A_525 : i32
      %dma_wait3A_527 = arith.constant 0 : i32
      %dma_wait3A_528 = tpu.memref_slice %arg5[%add3A_526, %dma_wait3A_527] : memref<40x125xi32, #tpu.memory_space<vmem>> -> memref<1x125xi32, #tpu.memory_space<vmem>>
      %dma_wait3A_529 = tpu.memref_squeeze %dma_wait3A_528 : memref<1x125xi32, #tpu.memory_space<vmem>> -> memref<125xi32, #tpu.memory_space<vmem>>
      %dma_wait3A_530 = arith.constant 0 : i32
      %dma_wait3A_531 = arith.constant 0 : i32
      %dma_wait3A_532 = tpu.memref_slice %arg2[%dma_wait3A_530, %dma_wait3A_531] : memref<10000x64xf32, #tpu.memory_space<hbm>> -> memref<10000x64xf32, #tpu.memory_space<hbm>>
      tpu.wait_indirect_dma semaphore(%arg25 : memref<!tpu.dma_semaphore, #tpu.memory_space<semaphore_mem>>) src(%dma_wait3A_532 : memref<10000x64xf32, #tpu.memory_space<hbm>>) dst(%arg14 : memref<125x64xf32, #tpu.memory_space<vmem>>)
      %add3A_533 = arith.constant 7 : i32
      %add3A_534 = arith.addi %mul3A_412, %add3A_533 : i32
      %dma_start3A_535 = arith.constant 0 : i32
      %dma_start3A_536 = tpu.memref_slice %arg6[%add3A_534, %dma_start3A_535] : memref<40x125xi32, #tpu.memory_space<vmem>> -> memref<1x125xi32, #tpu.memory_space<vmem>>
      %dma_start3A_537 = tpu.memref_squeeze %dma_start3A_536 : memref<1x125xi32, #tpu.memory_space<vmem>> -> memref<125xi32, #tpu.memory_space<vmem>>
      %dma_start3A_538 = arith.constant 0 : i32
      %dma_start3A_539 = arith.constant 0 : i32
      %dma_start3A_540 = tpu.memref_slice %arg17[%dma_start3A_538, %dma_start3A_539] : memref<10000x64xf32, #tpu.memory_space<vmem_shared>> -> memref<10000x64xf32, #tpu.memory_space<vmem_shared>>
      tpu.enqueue_indirect_dma source(%arg14 : memref<125x64xf32, #tpu.memory_space<vmem>>) target(%dma_start3A_540 : memref<10000x64xf32, #tpu.memory_space<vmem_shared>>) offsets(%dma_start3A_537 : memref<125xi32, #tpu.memory_space<vmem>>) semaphore(%arg35 : memref<!tpu.dma_semaphore, #tpu.memory_space<semaphore_mem>>) {add = true}
      %add3A_541 = arith.constant 8 : i32
      %add3A_542 = arith.addi %mul3A_412, %add3A_541 : i32
      %dma_wait3A_543 = arith.constant 0 : i32
      %dma_wait3A_544 = tpu.memref_slice %arg5[%add3A_542, %dma_wait3A_543] : memref<40x125xi32, #tpu.memory_space<vmem>> -> memref<1x125xi32, #tpu.memory_space<vmem>>
      %dma_wait3A_545 = tpu.memref_squeeze %dma_wait3A_544 : memref<1x125xi32, #tpu.memory_space<vmem>> -> memref<125xi32, #tpu.memory_space<vmem>>
      %dma_wait3A_546 = arith.constant 0 : i32
      %dma_wait3A_547 = arith.constant 0 : i32
      %dma_wait3A_548 = tpu.memref_slice %arg2[%dma_wait3A_546, %dma_wait3A_547] : memref<10000x64xf32, #tpu.memory_space<hbm>> -> memref<10000x64xf32, #tpu.memory_space<hbm>>
      tpu.wait_indirect_dma semaphore(%arg26 : memref<!tpu.dma_semaphore, #tpu.memory_space<semaphore_mem>>) src(%dma_wait3A_548 : memref<10000x64xf32, #tpu.memory_space<hbm>>) dst(%arg15 : memref<125x64xf32, #tpu.memory_space<vmem>>)
      %add3A_549 = arith.constant 8 : i32
      %add3A_550 = arith.addi %mul3A_412, %add3A_549 : i32
      %dma_start3A_551 = arith.constant 0 : i32
      %dma_start3A_552 = tpu.memref_slice %arg6[%add3A_550, %dma_start3A_551] : memref<40x125xi32, #tpu.memory_space<vmem>> -> memref<1x125xi32, #tpu.memory_space<vmem>>
      %dma_start3A_553 = tpu.memref_squeeze %dma_start3A_552 : memref<1x125xi32, #tpu.memory_space<vmem>> -> memref<125xi32, #tpu.memory_space<vmem>>
      %dma_start3A_554 = arith.constant 0 : i32
      %dma_start3A_555 = arith.constant 0 : i32
      %dma_start3A_556 = tpu.memref_slice %arg17[%dma_start3A_554, %dma_start3A_555] : memref<10000x64xf32, #tpu.memory_space<vmem_shared>> -> memref<10000x64xf32, #tpu.memory_space<vmem_shared>>
      tpu.enqueue_indirect_dma source(%arg15 : memref<125x64xf32, #tpu.memory_space<vmem>>) target(%dma_start3A_556 : memref<10000x64xf32, #tpu.memory_space<vmem_shared>>) offsets(%dma_start3A_553 : memref<125xi32, #tpu.memory_space<vmem>>) semaphore(%arg36 : memref<!tpu.dma_semaphore, #tpu.memory_space<semaphore_mem>>) {add = true}
      %add3A_557 = arith.constant 9 : i32
      %add3A_558 = arith.addi %mul3A_412, %add3A_557 : i32
      %dma_wait3A_559 = arith.constant 0 : i32
      %dma_wait3A_560 = tpu.memref_slice %arg5[%add3A_558, %dma_wait3A_559] : memref<40x125xi32, #tpu.memory_space<vmem>> -> memref<1x125xi32, #tpu.memory_space<vmem>>
      %dma_wait3A_561 = tpu.memref_squeeze %dma_wait3A_560 : memref<1x125xi32, #tpu.memory_space<vmem>> -> memref<125xi32, #tpu.memory_space<vmem>>
      %dma_wait3A_562 = arith.constant 0 : i32
      %dma_wait3A_563 = arith.constant 0 : i32
      %dma_wait3A_564 = tpu.memref_slice %arg2[%dma_wait3A_562, %dma_wait3A_563] : memref<10000x64xf32, #tpu.memory_space<hbm>> -> memref<10000x64xf32, #tpu.memory_space<hbm>>
      tpu.wait_indirect_dma semaphore(%arg27 : memref<!tpu.dma_semaphore, #tpu.memory_space<semaphore_mem>>) src(%dma_wait3A_564 : memref<10000x64xf32, #tpu.memory_space<hbm>>) dst(%arg16 : memref<125x64xf32, #tpu.memory_space<vmem>>)
      %add3A_565 = arith.constant 9 : i32
      %add3A_566 = arith.addi %mul3A_412, %add3A_565 : i32
      %dma_start3A_567 = arith.constant 0 : i32
      %dma_start3A_568 = tpu.memref_slice %arg6[%add3A_566, %dma_start3A_567] : memref<40x125xi32, #tpu.memory_space<vmem>> -> memref<1x125xi32, #tpu.memory_space<vmem>>
      %dma_start3A_569 = tpu.memref_squeeze %dma_start3A_568 : memref<1x125xi32, #tpu.memory_space<vmem>> -> memref<125xi32, #tpu.memory_space<vmem>>
      %dma_start3A_570 = arith.constant 0 : i32
      %dma_start3A_571 = arith.constant 0 : i32
      %dma_start3A_572 = tpu.memref_slice %arg17[%dma_start3A_570, %dma_start3A_571] : memref<10000x64xf32, #tpu.memory_space<vmem_shared>> -> memref<10000x64xf32, #tpu.memory_space<vmem_shared>>
      tpu.enqueue_indirect_dma source(%arg16 : memref<125x64xf32, #tpu.memory_space<vmem>>) target(%dma_start3A_572 : memref<10000x64xf32, #tpu.memory_space<vmem_shared>>) offsets(%dma_start3A_569 : memref<125xi32, #tpu.memory_space<vmem>>) semaphore(%arg37 : memref<!tpu.dma_semaphore, #tpu.memory_space<semaphore_mem>>) {add = true}
      %add3A_573 = arith.constant 0 : i32
      %add3A_574 = arith.addi %mul3A_412, %add3A_573 : i32
      %dma_wait3A_575 = arith.constant 0 : i32
      %dma_wait3A_576 = tpu.memref_slice %arg6[%add3A_574, %dma_wait3A_575] : memref<40x125xi32, #tpu.memory_space<vmem>> -> memref<1x125xi32, #tpu.memory_space<vmem>>
      %dma_wait3A_577 = tpu.memref_squeeze %dma_wait3A_576 : memref<1x125xi32, #tpu.memory_space<vmem>> -> memref<125xi32, #tpu.memory_space<vmem>>
      %dma_wait3A_578 = arith.constant 0 : i32
      %dma_wait3A_579 = arith.constant 0 : i32
      %dma_wait3A_580 = tpu.memref_slice %arg17[%dma_wait3A_578, %dma_wait3A_579] : memref<10000x64xf32, #tpu.memory_space<vmem_shared>> -> memref<10000x64xf32, #tpu.memory_space<vmem_shared>>
      tpu.wait_indirect_dma semaphore(%arg28 : memref<!tpu.dma_semaphore, #tpu.memory_space<semaphore_mem>>) src(%arg7 : memref<125x64xf32, #tpu.memory_space<vmem>>) dst(%dma_wait3A_580 : memref<10000x64xf32, #tpu.memory_space<vmem_shared>>)
      %add3A_581 = arith.constant 10 : i32
      %add3A_582 = arith.addi %mul3A_412, %add3A_581 : i32
      %add3A_583 = arith.constant 0 : i32
      %add3A_584 = arith.addi %add3A_582, %add3A_583 : i32
      %dma_start3A_585 = arith.constant 0 : i32
      %dma_start3A_586 = tpu.memref_slice %arg5[%add3A_584, %dma_start3A_585] : memref<40x125xi32, #tpu.memory_space<vmem>> -> memref<1x125xi32, #tpu.memory_space<vmem>>
      %dma_start3A_587 = tpu.memref_squeeze %dma_start3A_586 : memref<1x125xi32, #tpu.memory_space<vmem>> -> memref<125xi32, #tpu.memory_space<vmem>>
      %dma_start3A_588 = arith.constant 0 : i32
      %dma_start3A_589 = arith.constant 0 : i32
      %dma_start3A_590 = tpu.memref_slice %arg2[%dma_start3A_588, %dma_start3A_589] : memref<10000x64xf32, #tpu.memory_space<hbm>> -> memref<10000x64xf32, #tpu.memory_space<hbm>>
      tpu.enqueue_indirect_dma source(%dma_start3A_590 : memref<10000x64xf32, #tpu.memory_space<hbm>>) target(%arg7 : memref<125x64xf32, #tpu.memory_space<vmem>>) offsets(%dma_start3A_587 : memref<125xi32, #tpu.memory_space<vmem>>) semaphore(%arg18 : memref<!tpu.dma_semaphore, #tpu.memory_space<semaphore_mem>>)
      %add3A_591 = arith.constant 1 : i32
      %add3A_592 = arith.addi %mul3A_412, %add3A_591 : i32
      %dma_wait3A_593 = arith.constant 0 : i32
      %dma_wait3A_594 = tpu.memref_slice %arg6[%add3A_592, %dma_wait3A_593] : memref<40x125xi32, #tpu.memory_space<vmem>> -> memref<1x125xi32, #tpu.memory_space<vmem>>
      %dma_wait3A_595 = tpu.memref_squeeze %dma_wait3A_594 : memref<1x125xi32, #tpu.memory_space<vmem>> -> memref<125xi32, #tpu.memory_space<vmem>>
      %dma_wait3A_596 = arith.constant 0 : i32
      %dma_wait3A_597 = arith.constant 0 : i32
      %dma_wait3A_598 = tpu.memref_slice %arg17[%dma_wait3A_596, %dma_wait3A_597] : memref<10000x64xf32, #tpu.memory_space<vmem_shared>> -> memref<10000x64xf32, #tpu.memory_space<vmem_shared>>
      tpu.wait_indirect_dma semaphore(%arg29 : memref<!tpu.dma_semaphore, #tpu.memory_space<semaphore_mem>>) src(%arg8 : memref<125x64xf32, #tpu.memory_space<vmem>>) dst(%dma_wait3A_598 : memref<10000x64xf32, #tpu.memory_space<vmem_shared>>)
      %add3A_599 = arith.constant 10 : i32
      %add3A_600 = arith.addi %mul3A_412, %add3A_599 : i32
      %add3A_601 = arith.constant 1 : i32
      %add3A_602 = arith.addi %add3A_600, %add3A_601 : i32
      %dma_start3A_603 = arith.constant 0 : i32
      %dma_start3A_604 = tpu.memref_slice %arg5[%add3A_602, %dma_start3A_603] : memref<40x125xi32, #tpu.memory_space<vmem>> -> memref<1x125xi32, #tpu.memory_space<vmem>>
      %dma_start3A_605 = tpu.memref_squeeze %dma_start3A_604 : memref<1x125xi32, #tpu.memory_space<vmem>> -> memref<125xi32, #tpu.memory_space<vmem>>
      %dma_start3A_606 = arith.constant 0 : i32
      %dma_start3A_607 = arith.constant 0 : i32
      %dma_start3A_608 = tpu.memref_slice %arg2[%dma_start3A_606, %dma_start3A_607] : memref<10000x64xf32, #tpu.memory_space<hbm>> -> memref<10000x64xf32, #tpu.memory_space<hbm>>
      tpu.enqueue_indirect_dma source(%dma_start3A_608 : memref<10000x64xf32, #tpu.memory_space<hbm>>) target(%arg8 : memref<125x64xf32, #tpu.memory_space<vmem>>) offsets(%dma_start3A_605 : memref<125xi32, #tpu.memory_space<vmem>>) semaphore(%arg19 : memref<!tpu.dma_semaphore, #tpu.memory_space<semaphore_mem>>)
      %add3A_609 = arith.constant 2 : i32
      %add3A_610 = arith.addi %mul3A_412, %add3A_609 : i32
      %dma_wait3A_611 = arith.constant 0 : i32
      %dma_wait3A_612 = tpu.memref_slice %arg6[%add3A_610, %dma_wait3A_611] : memref<40x125xi32, #tpu.memory_space<vmem>> -> memref<1x125xi32, #tpu.memory_space<vmem>>
      %dma_wait3A_613 = tpu.memref_squeeze %dma_wait3A_612 : memref<1x125xi32, #tpu.memory_space<vmem>> -> memref<125xi32, #tpu.memory_space<vmem>>
      %dma_wait3A_614 = arith.constant 0 : i32
      %dma_wait3A_615 = arith.constant 0 : i32
      %dma_wait3A_616 = tpu.memref_slice %arg17[%dma_wait3A_614, %dma_wait3A_615] : memref<10000x64xf32, #tpu.memory_space<vmem_shared>> -> memref<10000x64xf32, #tpu.memory_space<vmem_shared>>
      tpu.wait_indirect_dma semaphore(%arg30 : memref<!tpu.dma_semaphore, #tpu.memory_space<semaphore_mem>>) src(%arg9 : memref<125x64xf32, #tpu.memory_space<vmem>>) dst(%dma_wait3A_616 : memref<10000x64xf32, #tpu.memory_space<vmem_shared>>)
      %add3A_617 = arith.constant 10 : i32
      %add3A_618 = arith.addi %mul3A_412, %add3A_617 : i32
      %add3A_619 = arith.constant 2 : i32
      %add3A_620 = arith.addi %add3A_618, %add3A_619 : i32
      %dma_start3A_621 = arith.constant 0 : i32
      %dma_start3A_622 = tpu.memref_slice %arg5[%add3A_620, %dma_start3A_621] : memref<40x125xi32, #tpu.memory_space<vmem>> -> memref<1x125xi32, #tpu.memory_space<vmem>>
      %dma_start3A_623 = tpu.memref_squeeze %dma_start3A_622 : memref<1x125xi32, #tpu.memory_space<vmem>> -> memref<125xi32, #tpu.memory_space<vmem>>
      %dma_start3A_624 = arith.constant 0 : i32
      %dma_start3A_625 = arith.constant 0 : i32
      %dma_start3A_626 = tpu.memref_slice %arg2[%dma_start3A_624, %dma_start3A_625] : memref<10000x64xf32, #tpu.memory_space<hbm>> -> memref<10000x64xf32, #tpu.memory_space<hbm>>
      tpu.enqueue_indirect_dma source(%dma_start3A_626 : memref<10000x64xf32, #tpu.memory_space<hbm>>) target(%arg9 : memref<125x64xf32, #tpu.memory_space<vmem>>) offsets(%dma_start3A_623 : memref<125xi32, #tpu.memory_space<vmem>>) semaphore(%arg20 : memref<!tpu.dma_semaphore, #tpu.memory_space<semaphore_mem>>)
      %add3A_627 = arith.constant 3 : i32
      %add3A_628 = arith.addi %mul3A_412, %add3A_627 : i32
      %dma_wait3A_629 = arith.constant 0 : i32
      %dma_wait3A_630 = tpu.memref_slice %arg6[%add3A_628, %dma_wait3A_629] : memref<40x125xi32, #tpu.memory_space<vmem>> -> memref<1x125xi32, #tpu.memory_space<vmem>>
      %dma_wait3A_631 = tpu.memref_squeeze %dma_wait3A_630 : memref<1x125xi32, #tpu.memory_space<vmem>> -> memref<125xi32, #tpu.memory_space<vmem>>
      %dma_wait3A_632 = arith.constant 0 : i32
      %dma_wait3A_633 = arith.constant 0 : i32
      %dma_wait3A_634 = tpu.memref_slice %arg17[%dma_wait3A_632, %dma_wait3A_633] : memref<10000x64xf32, #tpu.memory_space<vmem_shared>> -> memref<10000x64xf32, #tpu.memory_space<vmem_shared>>
      tpu.wait_indirect_dma semaphore(%arg31 : memref<!tpu.dma_semaphore, #tpu.memory_space<semaphore_mem>>) src(%arg10 : memref<125x64xf32, #tpu.memory_space<vmem>>) dst(%dma_wait3A_634 : memref<10000x64xf32, #tpu.memory_space<vmem_shared>>)
      %add3A_635 = arith.constant 10 : i32
      %add3A_636 = arith.addi %mul3A_412, %add3A_635 : i32
      %add3A_637 = arith.constant 3 : i32
      %add3A_638 = arith.addi %add3A_636, %add3A_637 : i32
      %dma_start3A_639 = arith.constant 0 : i32
      %dma_start3A_640 = tpu.memref_slice %arg5[%add3A_638, %dma_start3A_639] : memref<40x125xi32, #tpu.memory_space<vmem>> -> memref<1x125xi32, #tpu.memory_space<vmem>>
      %dma_start3A_641 = tpu.memref_squeeze %dma_start3A_640 : memref<1x125xi32, #tpu.memory_space<vmem>> -> memref<125xi32, #tpu.memory_space<vmem>>
      %dma_start3A_642 = arith.constant 0 : i32
      %dma_start3A_643 = arith.constant 0 : i32
      %dma_start3A_644 = tpu.memref_slice %arg2[%dma_start3A_642, %dma_start3A_643] : memref<10000x64xf32, #tpu.memory_space<hbm>> -> memref<10000x64xf32, #tpu.memory_space<hbm>>
      tpu.enqueue_indirect_dma source(%dma_start3A_644 : memref<10000x64xf32, #tpu.memory_space<hbm>>) target(%arg10 : memref<125x64xf32, #tpu.memory_space<vmem>>) offsets(%dma_start3A_641 : memref<125xi32, #tpu.memory_space<vmem>>) semaphore(%arg21 : memref<!tpu.dma_semaphore, #tpu.memory_space<semaphore_mem>>)
      %add3A_645 = arith.constant 4 : i32
      %add3A_646 = arith.addi %mul3A_412, %add3A_645 : i32
      %dma_wait3A_647 = arith.constant 0 : i32
      %dma_wait3A_648 = tpu.memref_slice %arg6[%add3A_646, %dma_wait3A_647] : memref<40x125xi32, #tpu.memory_space<vmem>> -> memref<1x125xi32, #tpu.memory_space<vmem>>
      %dma_wait3A_649 = tpu.memref_squeeze %dma_wait3A_648 : memref<1x125xi32, #tpu.memory_space<vmem>> -> memref<125xi32, #tpu.memory_space<vmem>>
      %dma_wait3A_650 = arith.constant 0 : i32
      %dma_wait3A_651 = arith.constant 0 : i32
      %dma_wait3A_652 = tpu.memref_slice %arg17[%dma_wait3A_650, %dma_wait3A_651] : memref<10000x64xf32, #tpu.memory_space<vmem_shared>> -> memref<10000x64xf32, #tpu.memory_space<vmem_shared>>
      tpu.wait_indirect_dma semaphore(%arg32 : memref<!tpu.dma_semaphore, #tpu.memory_space<semaphore_mem>>) src(%arg11 : memref<125x64xf32, #tpu.memory_space<vmem>>) dst(%dma_wait3A_652 : memref<10000x64xf32, #tpu.memory_space<vmem_shared>>)
      %add3A_653 = arith.constant 10 : i32
      %add3A_654 = arith.addi %mul3A_412, %add3A_653 : i32
      %add3A_655 = arith.constant 4 : i32
      %add3A_656 = arith.addi %add3A_654, %add3A_655 : i32
      %dma_start3A_657 = arith.constant 0 : i32
      %dma_start3A_658 = tpu.memref_slice %arg5[%add3A_656, %dma_start3A_657] : memref<40x125xi32, #tpu.memory_space<vmem>> -> memref<1x125xi32, #tpu.memory_space<vmem>>
      %dma_start3A_659 = tpu.memref_squeeze %dma_start3A_658 : memref<1x125xi32, #tpu.memory_space<vmem>> -> memref<125xi32, #tpu.memory_space<vmem>>
      %dma_start3A_660 = arith.constant 0 : i32
      %dma_start3A_661 = arith.constant 0 : i32
      %dma_start3A_662 = tpu.memref_slice %arg2[%dma_start3A_660, %dma_start3A_661] : memref<10000x64xf32, #tpu.memory_space<hbm>> -> memref<10000x64xf32, #tpu.memory_space<hbm>>
      tpu.enqueue_indirect_dma source(%dma_start3A_662 : memref<10000x64xf32, #tpu.memory_space<hbm>>) target(%arg11 : memref<125x64xf32, #tpu.memory_space<vmem>>) offsets(%dma_start3A_659 : memref<125xi32, #tpu.memory_space<vmem>>) semaphore(%arg22 : memref<!tpu.dma_semaphore, #tpu.memory_space<semaphore_mem>>)
      %add3A_663 = arith.constant 5 : i32
      %add3A_664 = arith.addi %mul3A_412, %add3A_663 : i32
      %dma_wait3A_665 = arith.constant 0 : i32
      %dma_wait3A_666 = tpu.memref_slice %arg6[%add3A_664, %dma_wait3A_665] : memref<40x125xi32, #tpu.memory_space<vmem>> -> memref<1x125xi32, #tpu.memory_space<vmem>>
      %dma_wait3A_667 = tpu.memref_squeeze %dma_wait3A_666 : memref<1x125xi32, #tpu.memory_space<vmem>> -> memref<125xi32, #tpu.memory_space<vmem>>
      %dma_wait3A_668 = arith.constant 0 : i32
      %dma_wait3A_669 = arith.constant 0 : i32
      %dma_wait3A_670 = tpu.memref_slice %arg17[%dma_wait3A_668, %dma_wait3A_669] : memref<10000x64xf32, #tpu.memory_space<vmem_shared>> -> memref<10000x64xf32, #tpu.memory_space<vmem_shared>>
      tpu.wait_indirect_dma semaphore(%arg33 : memref<!tpu.dma_semaphore, #tpu.memory_space<semaphore_mem>>) src(%arg12 : memref<125x64xf32, #tpu.memory_space<vmem>>) dst(%dma_wait3A_670 : memref<10000x64xf32, #tpu.memory_space<vmem_shared>>)
      %add3A_671 = arith.constant 10 : i32
      %add3A_672 = arith.addi %mul3A_412, %add3A_671 : i32
      %add3A_673 = arith.constant 5 : i32
      %add3A_674 = arith.addi %add3A_672, %add3A_673 : i32
      %dma_start3A_675 = arith.constant 0 : i32
      %dma_start3A_676 = tpu.memref_slice %arg5[%add3A_674, %dma_start3A_675] : memref<40x125xi32, #tpu.memory_space<vmem>> -> memref<1x125xi32, #tpu.memory_space<vmem>>
      %dma_start3A_677 = tpu.memref_squeeze %dma_start3A_676 : memref<1x125xi32, #tpu.memory_space<vmem>> -> memref<125xi32, #tpu.memory_space<vmem>>
      %dma_start3A_678 = arith.constant 0 : i32
      %dma_start3A_679 = arith.constant 0 : i32
      %dma_start3A_680 = tpu.memref_slice %arg2[%dma_start3A_678, %dma_start3A_679] : memref<10000x64xf32, #tpu.memory_space<hbm>> -> memref<10000x64xf32, #tpu.memory_space<hbm>>
      tpu.enqueue_indirect_dma source(%dma_start3A_680 : memref<10000x64xf32, #tpu.memory_space<hbm>>) target(%arg12 : memref<125x64xf32, #tpu.memory_space<vmem>>) offsets(%dma_start3A_677 : memref<125xi32, #tpu.memory_space<vmem>>) semaphore(%arg23 : memref<!tpu.dma_semaphore, #tpu.memory_space<semaphore_mem>>)
      %add3A_681 = arith.constant 6 : i32
      %add3A_682 = arith.addi %mul3A_412, %add3A_681 : i32
      %dma_wait3A_683 = arith.constant 0 : i32
      %dma_wait3A_684 = tpu.memref_slice %arg6[%add3A_682, %dma_wait3A_683] : memref<40x125xi32, #tpu.memory_space<vmem>> -> memref<1x125xi32, #tpu.memory_space<vmem>>
      %dma_wait3A_685 = tpu.memref_squeeze %dma_wait3A_684 : memref<1x125xi32, #tpu.memory_space<vmem>> -> memref<125xi32, #tpu.memory_space<vmem>>
      %dma_wait3A_686 = arith.constant 0 : i32
      %dma_wait3A_687 = arith.constant 0 : i32
      %dma_wait3A_688 = tpu.memref_slice %arg17[%dma_wait3A_686, %dma_wait3A_687] : memref<10000x64xf32, #tpu.memory_space<vmem_shared>> -> memref<10000x64xf32, #tpu.memory_space<vmem_shared>>
      tpu.wait_indirect_dma semaphore(%arg34 : memref<!tpu.dma_semaphore, #tpu.memory_space<semaphore_mem>>) src(%arg13 : memref<125x64xf32, #tpu.memory_space<vmem>>) dst(%dma_wait3A_688 : memref<10000x64xf32, #tpu.memory_space<vmem_shared>>)
      %add3A_689 = arith.constant 10 : i32
      %add3A_690 = arith.addi %mul3A_412, %add3A_689 : i32
      %add3A_691 = arith.constant 6 : i32
      %add3A_692 = arith.addi %add3A_690, %add3A_691 : i32
      %dma_start3A_693 = arith.constant 0 : i32
      %dma_start3A_694 = tpu.memref_slice %arg5[%add3A_692, %dma_start3A_693] : memref<40x125xi32, #tpu.memory_space<vmem>> -> memref<1x125xi32, #tpu.memory_space<vmem>>
      %dma_start3A_695 = tpu.memref_squeeze %dma_start3A_694 : memref<1x125xi32, #tpu.memory_space<vmem>> -> memref<125xi32, #tpu.memory_space<vmem>>
      %dma_start3A_696 = arith.constant 0 : i32
      %dma_start3A_697 = arith.constant 0 : i32
      %dma_start3A_698 = tpu.memref_slice %arg2[%dma_start3A_696, %dma_start3A_697] : memref<10000x64xf32, #tpu.memory_space<hbm>> -> memref<10000x64xf32, #tpu.memory_space<hbm>>
      tpu.enqueue_indirect_dma source(%dma_start3A_698 : memref<10000x64xf32, #tpu.memory_space<hbm>>) target(%arg13 : memref<125x64xf32, #tpu.memory_space<vmem>>) offsets(%dma_start3A_695 : memref<125xi32, #tpu.memory_space<vmem>>) semaphore(%arg24 : memref<!tpu.dma_semaphore, #tpu.memory_space<semaphore_mem>>)
      %add3A_699 = arith.constant 7 : i32
      %add3A_700 = arith.addi %mul3A_412, %add3A_699 : i32
      %dma_wait3A_701 = arith.constant 0 : i32
      %dma_wait3A_702 = tpu.memref_slice %arg6[%add3A_700, %dma_wait3A_701] : memref<40x125xi32, #tpu.memory_space<vmem>> -> memref<1x125xi32, #tpu.memory_space<vmem>>
      %dma_wait3A_703 = tpu.memref_squeeze %dma_wait3A_702 : memref<1x125xi32, #tpu.memory_space<vmem>> -> memref<125xi32, #tpu.memory_space<vmem>>
      %dma_wait3A_704 = arith.constant 0 : i32
      %dma_wait3A_705 = arith.constant 0 : i32
      %dma_wait3A_706 = tpu.memref_slice %arg17[%dma_wait3A_704, %dma_wait3A_705] : memref<10000x64xf32, #tpu.memory_space<vmem_shared>> -> memref<10000x64xf32, #tpu.memory_space<vmem_shared>>
      tpu.wait_indirect_dma semaphore(%arg35 : memref<!tpu.dma_semaphore, #tpu.memory_space<semaphore_mem>>) src(%arg14 : memref<125x64xf32, #tpu.memory_space<vmem>>) dst(%dma_wait3A_706 : memref<10000x64xf32, #tpu.memory_space<vmem_shared>>)
      %add3A_707 = arith.constant 10 : i32
      %add3A_708 = arith.addi %mul3A_412, %add3A_707 : i32
      %add3A_709 = arith.constant 7 : i32
      %add3A_710 = arith.addi %add3A_708, %add3A_709 : i32
      %dma_start3A_711 = arith.constant 0 : i32
      %dma_start3A_712 = tpu.memref_slice %arg5[%add3A_710, %dma_start3A_711] : memref<40x125xi32, #tpu.memory_space<vmem>> -> memref<1x125xi32, #tpu.memory_space<vmem>>
      %dma_start3A_713 = tpu.memref_squeeze %dma_start3A_712 : memref<1x125xi32, #tpu.memory_space<vmem>> -> memref<125xi32, #tpu.memory_space<vmem>>
      %dma_start3A_714 = arith.constant 0 : i32
      %dma_start3A_715 = arith.constant 0 : i32
      %dma_start3A_716 = tpu.memref_slice %arg2[%dma_start3A_714, %dma_start3A_715] : memref<10000x64xf32, #tpu.memory_space<hbm>> -> memref<10000x64xf32, #tpu.memory_space<hbm>>
      tpu.enqueue_indirect_dma source(%dma_start3A_716 : memref<10000x64xf32, #tpu.memory_space<hbm>>) target(%arg14 : memref<125x64xf32, #tpu.memory_space<vmem>>) offsets(%dma_start3A_713 : memref<125xi32, #tpu.memory_space<vmem>>) semaphore(%arg25 : memref<!tpu.dma_semaphore, #tpu.memory_space<semaphore_mem>>)
      %add3A_717 = arith.constant 8 : i32
      %add3A_718 = arith.addi %mul3A_412, %add3A_717 : i32
      %dma_wait3A_719 = arith.constant 0 : i32
      %dma_wait3A_720 = tpu.memref_slice %arg6[%add3A_718, %dma_wait3A_719] : memref<40x125xi32, #tpu.memory_space<vmem>> -> memref<1x125xi32, #tpu.memory_space<vmem>>
      %dma_wait3A_721 = tpu.memref_squeeze %dma_wait3A_720 : memref<1x125xi32, #tpu.memory_space<vmem>> -> memref<125xi32, #tpu.memory_space<vmem>>
      %dma_wait3A_722 = arith.constant 0 : i32
      %dma_wait3A_723 = arith.constant 0 : i32
      %dma_wait3A_724 = tpu.memref_slice %arg17[%dma_wait3A_722, %dma_wait3A_723] : memref<10000x64xf32, #tpu.memory_space<vmem_shared>> -> memref<10000x64xf32, #tpu.memory_space<vmem_shared>>
      tpu.wait_indirect_dma semaphore(%arg36 : memref<!tpu.dma_semaphore, #tpu.memory_space<semaphore_mem>>) src(%arg15 : memref<125x64xf32, #tpu.memory_space<vmem>>) dst(%dma_wait3A_724 : memref<10000x64xf32, #tpu.memory_space<vmem_shared>>)
      %add3A_725 = arith.constant 10 : i32
      %add3A_726 = arith.addi %mul3A_412, %add3A_725 : i32
      %add3A_727 = arith.constant 8 : i32
      %add3A_728 = arith.addi %add3A_726, %add3A_727 : i32
      %dma_start3A_729 = arith.constant 0 : i32
      %dma_start3A_730 = tpu.memref_slice %arg5[%add3A_728, %dma_start3A_729] : memref<40x125xi32, #tpu.memory_space<vmem>> -> memref<1x125xi32, #tpu.memory_space<vmem>>
      %dma_start3A_731 = tpu.memref_squeeze %dma_start3A_730 : memref<1x125xi32, #tpu.memory_space<vmem>> -> memref<125xi32, #tpu.memory_space<vmem>>
      %dma_start3A_732 = arith.constant 0 : i32
      %dma_start3A_733 = arith.constant 0 : i32
      %dma_start3A_734 = tpu.memref_slice %arg2[%dma_start3A_732, %dma_start3A_733] : memref<10000x64xf32, #tpu.memory_space<hbm>> -> memref<10000x64xf32, #tpu.memory_space<hbm>>
      tpu.enqueue_indirect_dma source(%dma_start3A_734 : memref<10000x64xf32, #tpu.memory_space<hbm>>) target(%arg15 : memref<125x64xf32, #tpu.memory_space<vmem>>) offsets(%dma_start3A_731 : memref<125xi32, #tpu.memory_space<vmem>>) semaphore(%arg26 : memref<!tpu.dma_semaphore, #tpu.memory_space<semaphore_mem>>)
      %add3A_735 = arith.constant 9 : i32
      %add3A_736 = arith.addi %mul3A_412, %add3A_735 : i32
      %dma_wait3A_737 = arith.constant 0 : i32
      %dma_wait3A_738 = tpu.memref_slice %arg6[%add3A_736, %dma_wait3A_737] : memref<40x125xi32, #tpu.memory_space<vmem>> -> memref<1x125xi32, #tpu.memory_space<vmem>>
      %dma_wait3A_739 = tpu.memref_squeeze %dma_wait3A_738 : memref<1x125xi32, #tpu.memory_space<vmem>> -> memref<125xi32, #tpu.memory_space<vmem>>
      %dma_wait3A_740 = arith.constant 0 : i32
      %dma_wait3A_741 = arith.constant 0 : i32
      %dma_wait3A_742 = tpu.memref_slice %arg17[%dma_wait3A_740, %dma_wait3A_741] : memref<10000x64xf32, #tpu.memory_space<vmem_shared>> -> memref<10000x64xf32, #tpu.memory_space<vmem_shared>>
      tpu.wait_indirect_dma semaphore(%arg37 : memref<!tpu.dma_semaphore, #tpu.memory_space<semaphore_mem>>) src(%arg16 : memref<125x64xf32, #tpu.memory_space<vmem>>) dst(%dma_wait3A_742 : memref<10000x64xf32, #tpu.memory_space<vmem_shared>>)
      %add3A_743 = arith.constant 10 : i32
      %add3A_744 = arith.addi %mul3A_412, %add3A_743 : i32
      %add3A_745 = arith.constant 9 : i32
      %add3A_746 = arith.addi %add3A_744, %add3A_745 : i32
      %dma_start3A_747 = arith.constant 0 : i32
      %dma_start3A_748 = tpu.memref_slice %arg5[%add3A_746, %dma_start3A_747] : memref<40x125xi32, #tpu.memory_space<vmem>> -> memref<1x125xi32, #tpu.memory_space<vmem>>
      %dma_start3A_749 = tpu.memref_squeeze %dma_start3A_748 : memref<1x125xi32, #tpu.memory_space<vmem>> -> memref<125xi32, #tpu.memory_space<vmem>>
      %dma_start3A_750 = arith.constant 0 : i32
      %dma_start3A_751 = arith.constant 0 : i32
      %dma_start3A_752 = tpu.memref_slice %arg2[%dma_start3A_750, %dma_start3A_751] : memref<10000x64xf32, #tpu.memory_space<hbm>> -> memref<10000x64xf32, #tpu.memory_space<hbm>>
      tpu.enqueue_indirect_dma source(%dma_start3A_752 : memref<10000x64xf32, #tpu.memory_space<hbm>>) target(%arg16 : memref<125x64xf32, #tpu.memory_space<vmem>>) offsets(%dma_start3A_749 : memref<125xi32, #tpu.memory_space<vmem>>) semaphore(%arg27 : memref<!tpu.dma_semaphore, #tpu.memory_space<semaphore_mem>>)
    }
    %scan3A_196 = arith.constant 3 : i32
    %dma_wait3A_197 = arith.constant 30 : i32
    %dma_wait3A_198 = arith.constant 0 : i32
    %dma_wait3A_199 = tpu.memref_slice %arg5[%dma_wait3A_197, %dma_wait3A_198] : memref<40x125xi32, #tpu.memory_space<vmem>> -> memref<1x125xi32, #tpu.memory_space<vmem>>
    %dma_wait3A_200 = tpu.memref_squeeze %dma_wait3A_199 : memref<1x125xi32, #tpu.memory_space<vmem>> -> memref<125xi32, #tpu.memory_space<vmem>>
    %dma_wait3A_201 = arith.constant 0 : i32
    %dma_wait3A_202 = arith.constant 0 : i32
    %dma_wait3A_203 = tpu.memref_slice %arg2[%dma_wait3A_201, %dma_wait3A_202] : memref<10000x64xf32, #tpu.memory_space<hbm>> -> memref<10000x64xf32, #tpu.memory_space<hbm>>
    tpu.wait_indirect_dma semaphore(%arg18 : memref<!tpu.dma_semaphore, #tpu.memory_space<semaphore_mem>>) src(%dma_wait3A_203 : memref<10000x64xf32, #tpu.memory_space<hbm>>) dst(%arg7 : memref<125x64xf32, #tpu.memory_space<vmem>>)
    %dma_start3A_204 = arith.constant 30 : i32
    %dma_start3A_205 = arith.constant 0 : i32
    %dma_start3A_206 = tpu.memref_slice %arg6[%dma_start3A_204, %dma_start3A_205] : memref<40x125xi32, #tpu.memory_space<vmem>> -> memref<1x125xi32, #tpu.memory_space<vmem>>
    %dma_start3A_207 = tpu.memref_squeeze %dma_start3A_206 : memref<1x125xi32, #tpu.memory_space<vmem>> -> memref<125xi32, #tpu.memory_space<vmem>>
    %dma_start3A_208 = arith.constant 0 : i32
    %dma_start3A_209 = arith.constant 0 : i32
    %dma_start3A_210 = tpu.memref_slice %arg17[%dma_start3A_208, %dma_start3A_209] : memref<10000x64xf32, #tpu.memory_space<vmem_shared>> -> memref<10000x64xf32, #tpu.memory_space<vmem_shared>>
    tpu.enqueue_indirect_dma source(%arg7 : memref<125x64xf32, #tpu.memory_space<vmem>>) target(%dma_start3A_210 : memref<10000x64xf32, #tpu.memory_space<vmem_shared>>) offsets(%dma_start3A_207 : memref<125xi32, #tpu.memory_space<vmem>>) semaphore(%arg28 : memref<!tpu.dma_semaphore, #tpu.memory_space<semaphore_mem>>) {add = true}
    %dma_wait3A_211 = arith.constant 31 : i32
    %dma_wait3A_212 = arith.constant 0 : i32
    %dma_wait3A_213 = tpu.memref_slice %arg5[%dma_wait3A_211, %dma_wait3A_212] : memref<40x125xi32, #tpu.memory_space<vmem>> -> memref<1x125xi32, #tpu.memory_space<vmem>>
    %dma_wait3A_214 = tpu.memref_squeeze %dma_wait3A_213 : memref<1x125xi32, #tpu.memory_space<vmem>> -> memref<125xi32, #tpu.memory_space<vmem>>
    %dma_wait3A_215 = arith.constant 0 : i32
    %dma_wait3A_216 = arith.constant 0 : i32
    %dma_wait3A_217 = tpu.memref_slice %arg2[%dma_wait3A_215, %dma_wait3A_216] : memref<10000x64xf32, #tpu.memory_space<hbm>> -> memref<10000x64xf32, #tpu.memory_space<hbm>>
    tpu.wait_indirect_dma semaphore(%arg19 : memref<!tpu.dma_semaphore, #tpu.memory_space<semaphore_mem>>) src(%dma_wait3A_217 : memref<10000x64xf32, #tpu.memory_space<hbm>>) dst(%arg8 : memref<125x64xf32, #tpu.memory_space<vmem>>)
    %dma_start3A_218 = arith.constant 31 : i32
    %dma_start3A_219 = arith.constant 0 : i32
    %dma_start3A_220 = tpu.memref_slice %arg6[%dma_start3A_218, %dma_start3A_219] : memref<40x125xi32, #tpu.memory_space<vmem>> -> memref<1x125xi32, #tpu.memory_space<vmem>>
    %dma_start3A_221 = tpu.memref_squeeze %dma_start3A_220 : memref<1x125xi32, #tpu.memory_space<vmem>> -> memref<125xi32, #tpu.memory_space<vmem>>
    %dma_start3A_222 = arith.constant 0 : i32
    %dma_start3A_223 = arith.constant 0 : i32
    %dma_start3A_224 = tpu.memref_slice %arg17[%dma_start3A_222, %dma_start3A_223] : memref<10000x64xf32, #tpu.memory_space<vmem_shared>> -> memref<10000x64xf32, #tpu.memory_space<vmem_shared>>
    tpu.enqueue_indirect_dma source(%arg8 : memref<125x64xf32, #tpu.memory_space<vmem>>) target(%dma_start3A_224 : memref<10000x64xf32, #tpu.memory_space<vmem_shared>>) offsets(%dma_start3A_221 : memref<125xi32, #tpu.memory_space<vmem>>) semaphore(%arg29 : memref<!tpu.dma_semaphore, #tpu.memory_space<semaphore_mem>>) {add = true}
    %dma_wait3A_225 = arith.constant 32 : i32
    %dma_wait3A_226 = arith.constant 0 : i32
    %dma_wait3A_227 = tpu.memref_slice %arg5[%dma_wait3A_225, %dma_wait3A_226] : memref<40x125xi32, #tpu.memory_space<vmem>> -> memref<1x125xi32, #tpu.memory_space<vmem>>
    %dma_wait3A_228 = tpu.memref_squeeze %dma_wait3A_227 : memref<1x125xi32, #tpu.memory_space<vmem>> -> memref<125xi32, #tpu.memory_space<vmem>>
    %dma_wait3A_229 = arith.constant 0 : i32
    %dma_wait3A_230 = arith.constant 0 : i32
    %dma_wait3A_231 = tpu.memref_slice %arg2[%dma_wait3A_229, %dma_wait3A_230] : memref<10000x64xf32, #tpu.memory_space<hbm>> -> memref<10000x64xf32, #tpu.memory_space<hbm>>
    tpu.wait_indirect_dma semaphore(%arg20 : memref<!tpu.dma_semaphore, #tpu.memory_space<semaphore_mem>>) src(%dma_wait3A_231 : memref<10000x64xf32, #tpu.memory_space<hbm>>) dst(%arg9 : memref<125x64xf32, #tpu.memory_space<vmem>>)
    %dma_start3A_232 = arith.constant 32 : i32
    %dma_start3A_233 = arith.constant 0 : i32
    %dma_start3A_234 = tpu.memref_slice %arg6[%dma_start3A_232, %dma_start3A_233] : memref<40x125xi32, #tpu.memory_space<vmem>> -> memref<1x125xi32, #tpu.memory_space<vmem>>
    %dma_start3A_235 = tpu.memref_squeeze %dma_start3A_234 : memref<1x125xi32, #tpu.memory_space<vmem>> -> memref<125xi32, #tpu.memory_space<vmem>>
    %dma_start3A_236 = arith.constant 0 : i32
    %dma_start3A_237 = arith.constant 0 : i32
    %dma_start3A_238 = tpu.memref_slice %arg17[%dma_start3A_236, %dma_start3A_237] : memref<10000x64xf32, #tpu.memory_space<vmem_shared>> -> memref<10000x64xf32, #tpu.memory_space<vmem_shared>>
    tpu.enqueue_indirect_dma source(%arg9 : memref<125x64xf32, #tpu.memory_space<vmem>>) target(%dma_start3A_238 : memref<10000x64xf32, #tpu.memory_space<vmem_shared>>) offsets(%dma_start3A_235 : memref<125xi32, #tpu.memory_space<vmem>>) semaphore(%arg30 : memref<!tpu.dma_semaphore, #tpu.memory_space<semaphore_mem>>) {add = true}
    %dma_wait3A_239 = arith.constant 33 : i32
    %dma_wait3A_240 = arith.constant 0 : i32
    %dma_wait3A_241 = tpu.memref_slice %arg5[%dma_wait3A_239, %dma_wait3A_240] : memref<40x125xi32, #tpu.memory_space<vmem>> -> memref<1x125xi32, #tpu.memory_space<vmem>>
    %dma_wait3A_242 = tpu.memref_squeeze %dma_wait3A_241 : memref<1x125xi32, #tpu.memory_space<vmem>> -> memref<125xi32, #tpu.memory_space<vmem>>
    %dma_wait3A_243 = arith.constant 0 : i32
    %dma_wait3A_244 = arith.constant 0 : i32
    %dma_wait3A_245 = tpu.memref_slice %arg2[%dma_wait3A_243, %dma_wait3A_244] : memref<10000x64xf32, #tpu.memory_space<hbm>> -> memref<10000x64xf32, #tpu.memory_space<hbm>>
    tpu.wait_indirect_dma semaphore(%arg21 : memref<!tpu.dma_semaphore, #tpu.memory_space<semaphore_mem>>) src(%dma_wait3A_245 : memref<10000x64xf32, #tpu.memory_space<hbm>>) dst(%arg10 : memref<125x64xf32, #tpu.memory_space<vmem>>)
    %dma_start3A_246 = arith.constant 33 : i32
    %dma_start3A_247 = arith.constant 0 : i32
    %dma_start3A_248 = tpu.memref_slice %arg6[%dma_start3A_246, %dma_start3A_247] : memref<40x125xi32, #tpu.memory_space<vmem>> -> memref<1x125xi32, #tpu.memory_space<vmem>>
    %dma_start3A_249 = tpu.memref_squeeze %dma_start3A_248 : memref<1x125xi32, #tpu.memory_space<vmem>> -> memref<125xi32, #tpu.memory_space<vmem>>
    %dma_start3A_250 = arith.constant 0 : i32
    %dma_start3A_251 = arith.constant 0 : i32
    %dma_start3A_252 = tpu.memref_slice %arg17[%dma_start3A_250, %dma_start3A_251] : memref<10000x64xf32, #tpu.memory_space<vmem_shared>> -> memref<10000x64xf32, #tpu.memory_space<vmem_shared>>
    tpu.enqueue_indirect_dma source(%arg10 : memref<125x64xf32, #tpu.memory_space<vmem>>) target(%dma_start3A_252 : memref<10000x64xf32, #tpu.memory_space<vmem_shared>>) offsets(%dma_start3A_249 : memref<125xi32, #tpu.memory_space<vmem>>) semaphore(%arg31 : memref<!tpu.dma_semaphore, #tpu.memory_space<semaphore_mem>>) {add = true}
    %dma_wait3A_253 = arith.constant 34 : i32
    %dma_wait3A_254 = arith.constant 0 : i32
    %dma_wait3A_255 = tpu.memref_slice %arg5[%dma_wait3A_253, %dma_wait3A_254] : memref<40x125xi32, #tpu.memory_space<vmem>> -> memref<1x125xi32, #tpu.memory_space<vmem>>
    %dma_wait3A_256 = tpu.memref_squeeze %dma_wait3A_255 : memref<1x125xi32, #tpu.memory_space<vmem>> -> memref<125xi32, #tpu.memory_space<vmem>>
    %dma_wait3A_257 = arith.constant 0 : i32
    %dma_wait3A_258 = arith.constant 0 : i32
    %dma_wait3A_259 = tpu.memref_slice %arg2[%dma_wait3A_257, %dma_wait3A_258] : memref<10000x64xf32, #tpu.memory_space<hbm>> -> memref<10000x64xf32, #tpu.memory_space<hbm>>
    tpu.wait_indirect_dma semaphore(%arg22 : memref<!tpu.dma_semaphore, #tpu.memory_space<semaphore_mem>>) src(%dma_wait3A_259 : memref<10000x64xf32, #tpu.memory_space<hbm>>) dst(%arg11 : memref<125x64xf32, #tpu.memory_space<vmem>>)
    %dma_start3A_260 = arith.constant 34 : i32
    %dma_start3A_261 = arith.constant 0 : i32
    %dma_start3A_262 = tpu.memref_slice %arg6[%dma_start3A_260, %dma_start3A_261] : memref<40x125xi32, #tpu.memory_space<vmem>> -> memref<1x125xi32, #tpu.memory_space<vmem>>
    %dma_start3A_263 = tpu.memref_squeeze %dma_start3A_262 : memref<1x125xi32, #tpu.memory_space<vmem>> -> memref<125xi32, #tpu.memory_space<vmem>>
    %dma_start3A_264 = arith.constant 0 : i32
    %dma_start3A_265 = arith.constant 0 : i32
    %dma_start3A_266 = tpu.memref_slice %arg17[%dma_start3A_264, %dma_start3A_265] : memref<10000x64xf32, #tpu.memory_space<vmem_shared>> -> memref<10000x64xf32, #tpu.memory_space<vmem_shared>>
    tpu.enqueue_indirect_dma source(%arg11 : memref<125x64xf32, #tpu.memory_space<vmem>>) target(%dma_start3A_266 : memref<10000x64xf32, #tpu.memory_space<vmem_shared>>) offsets(%dma_start3A_263 : memref<125xi32, #tpu.memory_space<vmem>>) semaphore(%arg32 : memref<!tpu.dma_semaphore, #tpu.memory_space<semaphore_mem>>) {add = true}
    %dma_wait3A_267 = arith.constant 35 : i32
    %dma_wait3A_268 = arith.constant 0 : i32
    %dma_wait3A_269 = tpu.memref_slice %arg5[%dma_wait3A_267, %dma_wait3A_268] : memref<40x125xi32, #tpu.memory_space<vmem>> -> memref<1x125xi32, #tpu.memory_space<vmem>>
    %dma_wait3A_270 = tpu.memref_squeeze %dma_wait3A_269 : memref<1x125xi32, #tpu.memory_space<vmem>> -> memref<125xi32, #tpu.memory_space<vmem>>
    %dma_wait3A_271 = arith.constant 0 : i32
    %dma_wait3A_272 = arith.constant 0 : i32
    %dma_wait3A_273 = tpu.memref_slice %arg2[%dma_wait3A_271, %dma_wait3A_272] : memref<10000x64xf32, #tpu.memory_space<hbm>> -> memref<10000x64xf32, #tpu.memory_space<hbm>>
    tpu.wait_indirect_dma semaphore(%arg23 : memref<!tpu.dma_semaphore, #tpu.memory_space<semaphore_mem>>) src(%dma_wait3A_273 : memref<10000x64xf32, #tpu.memory_space<hbm>>) dst(%arg12 : memref<125x64xf32, #tpu.memory_space<vmem>>)
    %dma_start3A_274 = arith.constant 35 : i32
    %dma_start3A_275 = arith.constant 0 : i32
    %dma_start3A_276 = tpu.memref_slice %arg6[%dma_start3A_274, %dma_start3A_275] : memref<40x125xi32, #tpu.memory_space<vmem>> -> memref<1x125xi32, #tpu.memory_space<vmem>>
    %dma_start3A_277 = tpu.memref_squeeze %dma_start3A_276 : memref<1x125xi32, #tpu.memory_space<vmem>> -> memref<125xi32, #tpu.memory_space<vmem>>
    %dma_start3A_278 = arith.constant 0 : i32
    %dma_start3A_279 = arith.constant 0 : i32
    %dma_start3A_280 = tpu.memref_slice %arg17[%dma_start3A_278, %dma_start3A_279] : memref<10000x64xf32, #tpu.memory_space<vmem_shared>> -> memref<10000x64xf32, #tpu.memory_space<vmem_shared>>
    tpu.enqueue_indirect_dma source(%arg12 : memref<125x64xf32, #tpu.memory_space<vmem>>) target(%dma_start3A_280 : memref<10000x64xf32, #tpu.memory_space<vmem_shared>>) offsets(%dma_start3A_277 : memref<125xi32, #tpu.memory_space<vmem>>) semaphore(%arg33 : memref<!tpu.dma_semaphore, #tpu.memory_space<semaphore_mem>>) {add = true}
    %dma_wait3A_281 = arith.constant 36 : i32
    %dma_wait3A_282 = arith.constant 0 : i32
    %dma_wait3A_283 = tpu.memref_slice %arg5[%dma_wait3A_281, %dma_wait3A_282] : memref<40x125xi32, #tpu.memory_space<vmem>> -> memref<1x125xi32, #tpu.memory_space<vmem>>
    %dma_wait3A_284 = tpu.memref_squeeze %dma_wait3A_283 : memref<1x125xi32, #tpu.memory_space<vmem>> -> memref<125xi32, #tpu.memory_space<vmem>>
    %dma_wait3A_285 = arith.constant 0 : i32
    %dma_wait3A_286 = arith.constant 0 : i32
    %dma_wait3A_287 = tpu.memref_slice %arg2[%dma_wait3A_285, %dma_wait3A_286] : memref<10000x64xf32, #tpu.memory_space<hbm>> -> memref<10000x64xf32, #tpu.memory_space<hbm>>
    tpu.wait_indirect_dma semaphore(%arg24 : memref<!tpu.dma_semaphore, #tpu.memory_space<semaphore_mem>>) src(%dma_wait3A_287 : memref<10000x64xf32, #tpu.memory_space<hbm>>) dst(%arg13 : memref<125x64xf32, #tpu.memory_space<vmem>>)
    %dma_start3A_288 = arith.constant 36 : i32
    %dma_start3A_289 = arith.constant 0 : i32
    %dma_start3A_290 = tpu.memref_slice %arg6[%dma_start3A_288, %dma_start3A_289] : memref<40x125xi32, #tpu.memory_space<vmem>> -> memref<1x125xi32, #tpu.memory_space<vmem>>
    %dma_start3A_291 = tpu.memref_squeeze %dma_start3A_290 : memref<1x125xi32, #tpu.memory_space<vmem>> -> memref<125xi32, #tpu.memory_space<vmem>>
    %dma_start3A_292 = arith.constant 0 : i32
    %dma_start3A_293 = arith.constant 0 : i32
    %dma_start3A_294 = tpu.memref_slice %arg17[%dma_start3A_292, %dma_start3A_293] : memref<10000x64xf32, #tpu.memory_space<vmem_shared>> -> memref<10000x64xf32, #tpu.memory_space<vmem_shared>>
    tpu.enqueue_indirect_dma source(%arg13 : memref<125x64xf32, #tpu.memory_space<vmem>>) target(%dma_start3A_294 : memref<10000x64xf32, #tpu.memory_space<vmem_shared>>) offsets(%dma_start3A_291 : memref<125xi32, #tpu.memory_space<vmem>>) semaphore(%arg34 : memref<!tpu.dma_semaphore, #tpu.memory_space<semaphore_mem>>) {add = true}
    %dma_wait3A_295 = arith.constant 37 : i32
    %dma_wait3A_296 = arith.constant 0 : i32
    %dma_wait3A_297 = tpu.memref_slice %arg5[%dma_wait3A_295, %dma_wait3A_296] : memref<40x125xi32, #tpu.memory_space<vmem>> -> memref<1x125xi32, #tpu.memory_space<vmem>>
    %dma_wait3A_298 = tpu.memref_squeeze %dma_wait3A_297 : memref<1x125xi32, #tpu.memory_space<vmem>> -> memref<125xi32, #tpu.memory_space<vmem>>
    %dma_wait3A_299 = arith.constant 0 : i32
    %dma_wait3A_300 = arith.constant 0 : i32
    %dma_wait3A_301 = tpu.memref_slice %arg2[%dma_wait3A_299, %dma_wait3A_300] : memref<10000x64xf32, #tpu.memory_space<hbm>> -> memref<10000x64xf32, #tpu.memory_space<hbm>>
    tpu.wait_indirect_dma semaphore(%arg25 : memref<!tpu.dma_semaphore, #tpu.memory_space<semaphore_mem>>) src(%dma_wait3A_301 : memref<10000x64xf32, #tpu.memory_space<hbm>>) dst(%arg14 : memref<125x64xf32, #tpu.memory_space<vmem>>)
    %dma_start3A_302 = arith.constant 37 : i32
    %dma_start3A_303 = arith.constant 0 : i32
    %dma_start3A_304 = tpu.memref_slice %arg6[%dma_start3A_302, %dma_start3A_303] : memref<40x125xi32, #tpu.memory_space<vmem>> -> memref<1x125xi32, #tpu.memory_space<vmem>>
    %dma_start3A_305 = tpu.memref_squeeze %dma_start3A_304 : memref<1x125xi32, #tpu.memory_space<vmem>> -> memref<125xi32, #tpu.memory_space<vmem>>
    %dma_start3A_306 = arith.constant 0 : i32
    %dma_start3A_307 = arith.constant 0 : i32
    %dma_start3A_308 = tpu.memref_slice %arg17[%dma_start3A_306, %dma_start3A_307] : memref<10000x64xf32, #tpu.memory_space<vmem_shared>> -> memref<10000x64xf32, #tpu.memory_space<vmem_shared>>
    tpu.enqueue_indirect_dma source(%arg14 : memref<125x64xf32, #tpu.memory_space<vmem>>) target(%dma_start3A_308 : memref<10000x64xf32, #tpu.memory_space<vmem_shared>>) offsets(%dma_start3A_305 : memref<125xi32, #tpu.memory_space<vmem>>) semaphore(%arg35 : memref<!tpu.dma_semaphore, #tpu.memory_space<semaphore_mem>>) {add = true}
    %dma_wait3A_309 = arith.constant 38 : i32
    %dma_wait3A_310 = arith.constant 0 : i32
    %dma_wait3A_311 = tpu.memref_slice %arg5[%dma_wait3A_309, %dma_wait3A_310] : memref<40x125xi32, #tpu.memory_space<vmem>> -> memref<1x125xi32, #tpu.memory_space<vmem>>
    %dma_wait3A_312 = tpu.memref_squeeze %dma_wait3A_311 : memref<1x125xi32, #tpu.memory_space<vmem>> -> memref<125xi32, #tpu.memory_space<vmem>>
    %dma_wait3A_313 = arith.constant 0 : i32
    %dma_wait3A_314 = arith.constant 0 : i32
    %dma_wait3A_315 = tpu.memref_slice %arg2[%dma_wait3A_313, %dma_wait3A_314] : memref<10000x64xf32, #tpu.memory_space<hbm>> -> memref<10000x64xf32, #tpu.memory_space<hbm>>
    tpu.wait_indirect_dma semaphore(%arg26 : memref<!tpu.dma_semaphore, #tpu.memory_space<semaphore_mem>>) src(%dma_wait3A_315 : memref<10000x64xf32, #tpu.memory_space<hbm>>) dst(%arg15 : memref<125x64xf32, #tpu.memory_space<vmem>>)
    %dma_start3A_316 = arith.constant 38 : i32
    %dma_start3A_317 = arith.constant 0 : i32
    %dma_start3A_318 = tpu.memref_slice %arg6[%dma_start3A_316, %dma_start3A_317] : memref<40x125xi32, #tpu.memory_space<vmem>> -> memref<1x125xi32, #tpu.memory_space<vmem>>
    %dma_start3A_319 = tpu.memref_squeeze %dma_start3A_318 : memref<1x125xi32, #tpu.memory_space<vmem>> -> memref<125xi32, #tpu.memory_space<vmem>>
    %dma_start3A_320 = arith.constant 0 : i32
    %dma_start3A_321 = arith.constant 0 : i32
    %dma_start3A_322 = tpu.memref_slice %arg17[%dma_start3A_320, %dma_start3A_321] : memref<10000x64xf32, #tpu.memory_space<vmem_shared>> -> memref<10000x64xf32, #tpu.memory_space<vmem_shared>>
    tpu.enqueue_indirect_dma source(%arg15 : memref<125x64xf32, #tpu.memory_space<vmem>>) target(%dma_start3A_322 : memref<10000x64xf32, #tpu.memory_space<vmem_shared>>) offsets(%dma_start3A_319 : memref<125xi32, #tpu.memory_space<vmem>>) semaphore(%arg36 : memref<!tpu.dma_semaphore, #tpu.memory_space<semaphore_mem>>) {add = true}
    %dma_wait3A_323 = arith.constant 39 : i32
    %dma_wait3A_324 = arith.constant 0 : i32
    %dma_wait3A_325 = tpu.memref_slice %arg5[%dma_wait3A_323, %dma_wait3A_324] : memref<40x125xi32, #tpu.memory_space<vmem>> -> memref<1x125xi32, #tpu.memory_space<vmem>>
    %dma_wait3A_326 = tpu.memref_squeeze %dma_wait3A_325 : memref<1x125xi32, #tpu.memory_space<vmem>> -> memref<125xi32, #tpu.memory_space<vmem>>
    %dma_wait3A_327 = arith.constant 0 : i32
    %dma_wait3A_328 = arith.constant 0 : i32
    %dma_wait3A_329 = tpu.memref_slice %arg2[%dma_wait3A_327, %dma_wait3A_328] : memref<10000x64xf32, #tpu.memory_space<hbm>> -> memref<10000x64xf32, #tpu.memory_space<hbm>>
    tpu.wait_indirect_dma semaphore(%arg27 : memref<!tpu.dma_semaphore, #tpu.memory_space<semaphore_mem>>) src(%dma_wait3A_329 : memref<10000x64xf32, #tpu.memory_space<hbm>>) dst(%arg16 : memref<125x64xf32, #tpu.memory_space<vmem>>)
    %dma_start3A_330 = arith.constant 39 : i32
    %dma_start3A_331 = arith.constant 0 : i32
    %dma_start3A_332 = tpu.memref_slice %arg6[%dma_start3A_330, %dma_start3A_331] : memref<40x125xi32, #tpu.memory_space<vmem>> -> memref<1x125xi32, #tpu.memory_space<vmem>>
    %dma_start3A_333 = tpu.memref_squeeze %dma_start3A_332 : memref<1x125xi32, #tpu.memory_space<vmem>> -> memref<125xi32, #tpu.memory_space<vmem>>
    %dma_start3A_334 = arith.constant 0 : i32
    %dma_start3A_335 = arith.constant 0 : i32
    %dma_start3A_336 = tpu.memref_slice %arg17[%dma_start3A_334, %dma_start3A_335] : memref<10000x64xf32, #tpu.memory_space<vmem_shared>> -> memref<10000x64xf32, #tpu.memory_space<vmem_shared>>
    tpu.enqueue_indirect_dma source(%arg16 : memref<125x64xf32, #tpu.memory_space<vmem>>) target(%dma_start3A_336 : memref<10000x64xf32, #tpu.memory_space<vmem_shared>>) offsets(%dma_start3A_333 : memref<125xi32, #tpu.memory_space<vmem>>) semaphore(%arg37 : memref<!tpu.dma_semaphore, #tpu.memory_space<semaphore_mem>>) {add = true}
    %dma_wait3A_337 = arith.constant 30 : i32
    %dma_wait3A_338 = arith.constant 0 : i32
    %dma_wait3A_339 = tpu.memref_slice %arg6[%dma_wait3A_337, %dma_wait3A_338] : memref<40x125xi32, #tpu.memory_space<vmem>> -> memref<1x125xi32, #tpu.memory_space<vmem>>
    %dma_wait3A_340 = tpu.memref_squeeze %dma_wait3A_339 : memref<1x125xi32, #tpu.memory_space<vmem>> -> memref<125xi32, #tpu.memory_space<vmem>>
    %dma_wait3A_341 = arith.constant 0 : i32
    %dma_wait3A_342 = arith.constant 0 : i32
    %dma_wait3A_343 = tpu.memref_slice %arg17[%dma_wait3A_341, %dma_wait3A_342] : memref<10000x64xf32, #tpu.memory_space<vmem_shared>> -> memref<10000x64xf32, #tpu.memory_space<vmem_shared>>
    tpu.wait_indirect_dma semaphore(%arg28 : memref<!tpu.dma_semaphore, #tpu.memory_space<semaphore_mem>>) src(%arg7 : memref<125x64xf32, #tpu.memory_space<vmem>>) dst(%dma_wait3A_343 : memref<10000x64xf32, #tpu.memory_space<vmem_shared>>)
    %dma_wait3A_344 = arith.constant 31 : i32
    %dma_wait3A_345 = arith.constant 0 : i32
    %dma_wait3A_346 = tpu.memref_slice %arg6[%dma_wait3A_344, %dma_wait3A_345] : memref<40x125xi32, #tpu.memory_space<vmem>> -> memref<1x125xi32, #tpu.memory_space<vmem>>
    %dma_wait3A_347 = tpu.memref_squeeze %dma_wait3A_346 : memref<1x125xi32, #tpu.memory_space<vmem>> -> memref<125xi32, #tpu.memory_space<vmem>>
    %dma_wait3A_348 = arith.constant 0 : i32
    %dma_wait3A_349 = arith.constant 0 : i32
    %dma_wait3A_350 = tpu.memref_slice %arg17[%dma_wait3A_348, %dma_wait3A_349] : memref<10000x64xf32, #tpu.memory_space<vmem_shared>> -> memref<10000x64xf32, #tpu.memory_space<vmem_shared>>
    tpu.wait_indirect_dma semaphore(%arg29 : memref<!tpu.dma_semaphore, #tpu.memory_space<semaphore_mem>>) src(%arg8 : memref<125x64xf32, #tpu.memory_space<vmem>>) dst(%dma_wait3A_350 : memref<10000x64xf32, #tpu.memory_space<vmem_shared>>)
    %dma_wait3A_351 = arith.constant 32 : i32
    %dma_wait3A_352 = arith.constant 0 : i32
    %dma_wait3A_353 = tpu.memref_slice %arg6[%dma_wait3A_351, %dma_wait3A_352] : memref<40x125xi32, #tpu.memory_space<vmem>> -> memref<1x125xi32, #tpu.memory_space<vmem>>
    %dma_wait3A_354 = tpu.memref_squeeze %dma_wait3A_353 : memref<1x125xi32, #tpu.memory_space<vmem>> -> memref<125xi32, #tpu.memory_space<vmem>>
    %dma_wait3A_355 = arith.constant 0 : i32
    %dma_wait3A_356 = arith.constant 0 : i32
    %dma_wait3A_357 = tpu.memref_slice %arg17[%dma_wait3A_355, %dma_wait3A_356] : memref<10000x64xf32, #tpu.memory_space<vmem_shared>> -> memref<10000x64xf32, #tpu.memory_space<vmem_shared>>
    tpu.wait_indirect_dma semaphore(%arg30 : memref<!tpu.dma_semaphore, #tpu.memory_space<semaphore_mem>>) src(%arg9 : memref<125x64xf32, #tpu.memory_space<vmem>>) dst(%dma_wait3A_357 : memref<10000x64xf32, #tpu.memory_space<vmem_shared>>)
    %dma_wait3A_358 = arith.constant 33 : i32
    %dma_wait3A_359 = arith.constant 0 : i32
    %dma_wait3A_360 = tpu.memref_slice %arg6[%dma_wait3A_358, %dma_wait3A_359] : memref<40x125xi32, #tpu.memory_space<vmem>> -> memref<1x125xi32, #tpu.memory_space<vmem>>
    %dma_wait3A_361 = tpu.memref_squeeze %dma_wait3A_360 : memref<1x125xi32, #tpu.memory_space<vmem>> -> memref<125xi32, #tpu.memory_space<vmem>>
    %dma_wait3A_362 = arith.constant 0 : i32
    %dma_wait3A_363 = arith.constant 0 : i32
    %dma_wait3A_364 = tpu.memref_slice %arg17[%dma_wait3A_362, %dma_wait3A_363] : memref<10000x64xf32, #tpu.memory_space<vmem_shared>> -> memref<10000x64xf32, #tpu.memory_space<vmem_shared>>
    tpu.wait_indirect_dma semaphore(%arg31 : memref<!tpu.dma_semaphore, #tpu.memory_space<semaphore_mem>>) src(%arg10 : memref<125x64xf32, #tpu.memory_space<vmem>>) dst(%dma_wait3A_364 : memref<10000x64xf32, #tpu.memory_space<vmem_shared>>)
    %dma_wait3A_365 = arith.constant 34 : i32
    %dma_wait3A_366 = arith.constant 0 : i32
    %dma_wait3A_367 = tpu.memref_slice %arg6[%dma_wait3A_365, %dma_wait3A_366] : memref<40x125xi32, #tpu.memory_space<vmem>> -> memref<1x125xi32, #tpu.memory_space<vmem>>
    %dma_wait3A_368 = tpu.memref_squeeze %dma_wait3A_367 : memref<1x125xi32, #tpu.memory_space<vmem>> -> memref<125xi32, #tpu.memory_space<vmem>>
    %dma_wait3A_369 = arith.constant 0 : i32
    %dma_wait3A_370 = arith.constant 0 : i32
    %dma_wait3A_371 = tpu.memref_slice %arg17[%dma_wait3A_369, %dma_wait3A_370] : memref<10000x64xf32, #tpu.memory_space<vmem_shared>> -> memref<10000x64xf32, #tpu.memory_space<vmem_shared>>
    tpu.wait_indirect_dma semaphore(%arg32 : memref<!tpu.dma_semaphore, #tpu.memory_space<semaphore_mem>>) src(%arg11 : memref<125x64xf32, #tpu.memory_space<vmem>>) dst(%dma_wait3A_371 : memref<10000x64xf32, #tpu.memory_space<vmem_shared>>)
    %dma_wait3A_372 = arith.constant 35 : i32
    %dma_wait3A_373 = arith.constant 0 : i32
    %dma_wait3A_374 = tpu.memref_slice %arg6[%dma_wait3A_372, %dma_wait3A_373] : memref<40x125xi32, #tpu.memory_space<vmem>> -> memref<1x125xi32, #tpu.memory_space<vmem>>
    %dma_wait3A_375 = tpu.memref_squeeze %dma_wait3A_374 : memref<1x125xi32, #tpu.memory_space<vmem>> -> memref<125xi32, #tpu.memory_space<vmem>>
    %dma_wait3A_376 = arith.constant 0 : i32
    %dma_wait3A_377 = arith.constant 0 : i32
    %dma_wait3A_378 = tpu.memref_slice %arg17[%dma_wait3A_376, %dma_wait3A_377] : memref<10000x64xf32, #tpu.memory_space<vmem_shared>> -> memref<10000x64xf32, #tpu.memory_space<vmem_shared>>
    tpu.wait_indirect_dma semaphore(%arg33 : memref<!tpu.dma_semaphore, #tpu.memory_space<semaphore_mem>>) src(%arg12 : memref<125x64xf32, #tpu.memory_space<vmem>>) dst(%dma_wait3A_378 : memref<10000x64xf32, #tpu.memory_space<vmem_shared>>)
    %dma_wait3A_379 = arith.constant 36 : i32
    %dma_wait3A_380 = arith.constant 0 : i32
    %dma_wait3A_381 = tpu.memref_slice %arg6[%dma_wait3A_379, %dma_wait3A_380] : memref<40x125xi32, #tpu.memory_space<vmem>> -> memref<1x125xi32, #tpu.memory_space<vmem>>
    %dma_wait3A_382 = tpu.memref_squeeze %dma_wait3A_381 : memref<1x125xi32, #tpu.memory_space<vmem>> -> memref<125xi32, #tpu.memory_space<vmem>>
    %dma_wait3A_383 = arith.constant 0 : i32
    %dma_wait3A_384 = arith.constant 0 : i32
    %dma_wait3A_385 = tpu.memref_slice %arg17[%dma_wait3A_383, %dma_wait3A_384] : memref<10000x64xf32, #tpu.memory_space<vmem_shared>> -> memref<10000x64xf32, #tpu.memory_space<vmem_shared>>
    tpu.wait_indirect_dma semaphore(%arg34 : memref<!tpu.dma_semaphore, #tpu.memory_space<semaphore_mem>>) src(%arg13 : memref<125x64xf32, #tpu.memory_space<vmem>>) dst(%dma_wait3A_385 : memref<10000x64xf32, #tpu.memory_space<vmem_shared>>)
    %dma_wait3A_386 = arith.constant 37 : i32
    %dma_wait3A_387 = arith.constant 0 : i32
    %dma_wait3A_388 = tpu.memref_slice %arg6[%dma_wait3A_386, %dma_wait3A_387] : memref<40x125xi32, #tpu.memory_space<vmem>> -> memref<1x125xi32, #tpu.memory_space<vmem>>
    %dma_wait3A_389 = tpu.memref_squeeze %dma_wait3A_388 : memref<1x125xi32, #tpu.memory_space<vmem>> -> memref<125xi32, #tpu.memory_space<vmem>>
    %dma_wait3A_390 = arith.constant 0 : i32
    %dma_wait3A_391 = arith.constant 0 : i32
    %dma_wait3A_392 = tpu.memref_slice %arg17[%dma_wait3A_390, %dma_wait3A_391] : memref<10000x64xf32, #tpu.memory_space<vmem_shared>> -> memref<10000x64xf32, #tpu.memory_space<vmem_shared>>
    tpu.wait_indirect_dma semaphore(%arg35 : memref<!tpu.dma_semaphore, #tpu.memory_space<semaphore_mem>>) src(%arg14 : memref<125x64xf32, #tpu.memory_space<vmem>>) dst(%dma_wait3A_392 : memref<10000x64xf32, #tpu.memory_space<vmem_shared>>)
    %dma_wait3A_393 = arith.constant 38 : i32
    %dma_wait3A_394 = arith.constant 0 : i32
    %dma_wait3A_395 = tpu.memref_slice %arg6[%dma_wait3A_393, %dma_wait3A_394] : memref<40x125xi32, #tpu.memory_space<vmem>> -> memref<1x125xi32, #tpu.memory_space<vmem>>
    %dma_wait3A_396 = tpu.memref_squeeze %dma_wait3A_395 : memref<1x125xi32, #tpu.memory_space<vmem>> -> memref<125xi32, #tpu.memory_space<vmem>>
    %dma_wait3A_397 = arith.constant 0 : i32
    %dma_wait3A_398 = arith.constant 0 : i32
    %dma_wait3A_399 = tpu.memref_slice %arg17[%dma_wait3A_397, %dma_wait3A_398] : memref<10000x64xf32, #tpu.memory_space<vmem_shared>> -> memref<10000x64xf32, #tpu.memory_space<vmem_shared>>
    tpu.wait_indirect_dma semaphore(%arg36 : memref<!tpu.dma_semaphore, #tpu.memory_space<semaphore_mem>>) src(%arg15 : memref<125x64xf32, #tpu.memory_space<vmem>>) dst(%dma_wait3A_399 : memref<10000x64xf32, #tpu.memory_space<vmem_shared>>)
    %dma_wait3A_400 = arith.constant 39 : i32
    %dma_wait3A_401 = arith.constant 0 : i32
    %dma_wait3A_402 = tpu.memref_slice %arg6[%dma_wait3A_400, %dma_wait3A_401] : memref<40x125xi32, #tpu.memory_space<vmem>> -> memref<1x125xi32, #tpu.memory_space<vmem>>
    %dma_wait3A_403 = tpu.memref_squeeze %dma_wait3A_402 : memref<1x125xi32, #tpu.memory_space<vmem>> -> memref<125xi32, #tpu.memory_space<vmem>>
    %dma_wait3A_404 = arith.constant 0 : i32
    %dma_wait3A_405 = arith.constant 0 : i32
    %dma_wait3A_406 = tpu.memref_slice %arg17[%dma_wait3A_404, %dma_wait3A_405] : memref<10000x64xf32, #tpu.memory_space<vmem_shared>> -> memref<10000x64xf32, #tpu.memory_space<vmem_shared>>
    tpu.wait_indirect_dma semaphore(%arg37 : memref<!tpu.dma_semaphore, #tpu.memory_space<semaphore_mem>>) src(%arg16 : memref<125x64xf32, #tpu.memory_space<vmem>>) dst(%dma_wait3A_406 : memref<10000x64xf32, #tpu.memory_space<vmem_shared>>)
    %barrier3A_407 = arith.constant 0 : index
    tpu.barrier barrier_id(%barrier3A_407)
    %mul3A_408 = arith.constant 625 : i32
    %mul3A_409 = arith.muli %arg1, %mul3A_408 : i32
    "tpu.region"() ({
      %run_scoped3A = tpu.sem_alloc : memref<!tpu.dma_semaphore, #tpu.memory_space<semaphore_mem>>
      %dma_start3A_410 = arith.constant 0 : i32
      %dma_start3A_411 = arith.constant 0 : i32
      %dma_start3A_412 = tpu.memref_slice %arg4[%arg0, %arg1, %dma_start3A_410, %dma_start3A_411] : memref<2x16x625x64xf32, #tpu.memory_space<hbm>> -> memref<1x1x625x64xf32, #tpu.memory_space<hbm>>
      %dma_start3A_413 = tpu.memref_squeeze %dma_start3A_412 : memref<1x1x625x64xf32, #tpu.memory_space<hbm>> -> memref<625x64xf32, #tpu.memory_space<hbm>>
      %dma_start3A_414 = arith.constant 0 : i32
      %dma_start3A_415 = tpu.memref_slice %arg17[%mul3A_409, %dma_start3A_414] : memref<10000x64xf32, #tpu.memory_space<vmem_shared>> -> memref<625x64xf32, #tpu.memory_space<vmem_shared>>
      tpu.enqueue_dma source(%dma_start3A_415 : memref<625x64xf32, #tpu.memory_space<vmem_shared>>) target(%dma_start3A_413 : memref<625x64xf32, #tpu.memory_space<hbm>>) target_semaphore(%run_scoped3A : memref<!tpu.dma_semaphore, #tpu.memory_space<semaphore_mem>>)
      %dma_wait3A_416 = arith.constant 0 : i32
      %dma_wait3A_417 = arith.constant 0 : i32
      %dma_wait3A_418 = tpu.memref_slice %arg4[%arg0, %arg1, %dma_wait3A_416, %dma_wait3A_417] : memref<2x16x625x64xf32, #tpu.memory_space<hbm>> -> memref<1x1x625x64xf32, #tpu.memory_space<hbm>>
      %dma_wait3A_419 = tpu.memref_squeeze %dma_wait3A_418 : memref<1x1x625x64xf32, #tpu.memory_space<hbm>> -> memref<625x64xf32, #tpu.memory_space<hbm>>
      %dma_wait3A_420 = arith.constant 0 : i32
      %dma_wait3A_421 = tpu.memref_slice %arg17[%mul3A_409, %dma_wait3A_420] : memref<10000x64xf32, #tpu.memory_space<vmem_shared>> -> memref<625x64xf32, #tpu.memory_space<vmem_shared>>
      tpu.wait_dma2 semaphore(%run_scoped3A : memref<!tpu.dma_semaphore, #tpu.memory_space<semaphore_mem>>) src(%dma_wait3A_421 : memref<625x64xf32, #tpu.memory_space<vmem_shared>>) dst(%dma_wait3A_419 : memref<625x64xf32, #tpu.memory_space<hbm>>)
      tpu.yield
    }) : () -> ()
    return
  }
}

#map = affine_map<(d0, d1) -> (0, 0)>
#map1 = affine_map<(d0, d1) -> (0, 0, 0, 0)>
module attributes {stable_mosaic.version = 14 : i64} {
  func.func @_agg_kernel(%arg0: i32, %arg1: i32, %arg2: memref<10000x64xf32, #tpu.memory_space<hbm>>, %arg3: memref<2x32x40x125xi32, #tpu.memory_space<hbm>>, %arg4: memref<2x16x625x64xf32, #tpu.memory_space<hbm>>, %arg5: memref<40x125xi32, #tpu.memory_space<vmem>>, %arg6: memref<40x125xi32, #tpu.memory_space<vmem>>, %arg7: memref<125x64xf32, #tpu.memory_space<vmem>>, %arg8: memref<125x64xf32, #tpu.memory_space<vmem>>, %arg9: memref<125x64xf32, #tpu.memory_space<vmem>>, %arg10: memref<125x64xf32, #tpu.memory_space<vmem>>, %arg11: memref<125x64xf32, #tpu.memory_space<vmem>>, %arg12: memref<125x64xf32, #tpu.memory_space<vmem>>, %arg13: memref<125x64xf32, #tpu.memory_space<vmem>>, %arg14: memref<125x64xf32, #tpu.memory_space<vmem>>, %arg15: memref<125x64xf32, #tpu.memory_space<vmem>>, %arg16: memref<125x64xf32, #tpu.memory_space<vmem>>, %arg17: memref<10000x64xf32, #tpu.memory_space<vmem_shared>>, %arg18: memref<!tpu.dma_semaphore, #tpu.memory_space<semaphore_mem>>, %arg19: memref<!tpu.dma_semaphore, #tpu.memory_space<semaphore_mem>>, %arg20: memref<!tpu.dma_semaphore, #tpu.memory_space<semaphore_mem>>, %arg21: memref<!tpu.dma_semaphore, #tpu.memory_space<semaphore_mem>>, %arg22: memref<!tpu.dma_semaphore, #tpu.memory_space<semaphore_mem>>, %arg23: memref<!tpu.dma_semaphore, #tpu.memory_space<semaphore_mem>>, %arg24: memref<!tpu.dma_semaphore, #tpu.memory_space<semaphore_mem>>, %arg25: memref<!tpu.dma_semaphore, #tpu.memory_space<semaphore_mem>>, %arg26: memref<!tpu.dma_semaphore, #tpu.memory_space<semaphore_mem>>, %arg27: memref<!tpu.dma_semaphore, #tpu.memory_space<semaphore_mem>>, %arg28: memref<!tpu.dma_semaphore, #tpu.memory_space<semaphore_mem>>, %arg29: memref<!tpu.dma_semaphore, #tpu.memory_space<semaphore_mem>>, %arg30: memref<!tpu.dma_semaphore, #tpu.memory_space<semaphore_mem>>, %arg31: memref<!tpu.dma_semaphore, #tpu.memory_space<semaphore_mem>>, %arg32: memref<!tpu.dma_semaphore, #tpu.memory_space<semaphore_mem>>, %arg33: memref<!tpu.dma_semaphore, #tpu.memory_space<semaphore_mem>>, %arg34: memref<!tpu.dma_semaphore, #tpu.memory_space<semaphore_mem>>, %arg35: memref<!tpu.dma_semaphore, #tpu.memory_space<semaphore_mem>>, %arg36: memref<!tpu.dma_semaphore, #tpu.memory_space<semaphore_mem>>, %arg37: memref<!tpu.dma_semaphore, #tpu.memory_space<semaphore_mem>>) attributes {dimension_semantics = [#tpu.dimension_semantics<core_parallel>, #tpu.dimension_semantics<subcore_parallel>], iteration_bounds = array<i64: 2, 16>, scalar_prefetch = 0 : i64, scratch_operands = 33 : i64, tpu.core_type = #tpu.core_type<sc_vector_subcore>, window_params = [{transform_indices = #map}, {transform_indices = #map1}, {transform_indices = #map1}]} {
    %mul3A = arith.constant 16 : i32
    %mul3A_0 = arith.muli %arg0, %mul3A : i32
    %add3A = arith.addi %mul3A_0, %arg1 : i32
    %dma_start3A = arith.constant 0 : i32
    %dma_start3A_1 = arith.constant 0 : i32
    %dma_start3A_2 = arith.constant 0 : i32
    %dma_start3A_3 = tpu.memref_slice %arg3[%dma_start3A, %add3A, %dma_start3A_1, %dma_start3A_2] : memref<2x32x40x125xi32, #tpu.memory_space<hbm>> -> memref<1x1x40x125xi32, #tpu.memory_space<hbm>>
    %dma_start3A_4 = tpu.memref_squeeze %dma_start3A_3 : memref<1x1x40x125xi32, #tpu.memory_space<hbm>> -> memref<40x125xi32, #tpu.memory_space<hbm>>
    %dma_start3A_5 = arith.constant 0 : i32
    %dma_start3A_6 = arith.constant 0 : i32
    %dma_start3A_7 = tpu.memref_slice %arg3[%dma_start3A, %add3A, %dma_start3A_5, %dma_start3A_6] : memref<2x32x40x125xi32, #tpu.memory_space<hbm>> -> memref<1x1x40x125xi32, #tpu.memory_space<hbm>>
    %dma_start3A_8 = tpu.memref_squeeze %dma_start3A_7 : memref<1x1x40x125xi32, #tpu.memory_space<hbm>> -> memref<40x125xi32, #tpu.memory_space<hbm>>
    tpu.enqueue_dma source(%dma_start3A_8 : memref<40x125xi32, #tpu.memory_space<hbm>>) target(%arg5 : memref<40x125xi32, #tpu.memory_space<vmem>>) target_semaphore(%arg18 : memref<!tpu.dma_semaphore, #tpu.memory_space<semaphore_mem>>)
    %dma_start3A_9 = arith.constant 1 : i32
    %dma_start3A_10 = arith.constant 0 : i32
    %dma_start3A_11 = arith.constant 0 : i32
    %dma_start3A_12 = tpu.memref_slice %arg3[%dma_start3A_9, %add3A, %dma_start3A_10, %dma_start3A_11] : memref<2x32x40x125xi32, #tpu.memory_space<hbm>> -> memref<1x1x40x125xi32, #tpu.memory_space<hbm>>
    %dma_start3A_13 = tpu.memref_squeeze %dma_start3A_12 : memref<1x1x40x125xi32, #tpu.memory_space<hbm>> -> memref<40x125xi32, #tpu.memory_space<hbm>>
    %dma_start3A_14 = arith.constant 0 : i32
    %dma_start3A_15 = arith.constant 0 : i32
    %dma_start3A_16 = tpu.memref_slice %arg3[%dma_start3A_9, %add3A, %dma_start3A_14, %dma_start3A_15] : memref<2x32x40x125xi32, #tpu.memory_space<hbm>> -> memref<1x1x40x125xi32, #tpu.memory_space<hbm>>
    %dma_start3A_17 = tpu.memref_squeeze %dma_start3A_16 : memref<1x1x40x125xi32, #tpu.memory_space<hbm>> -> memref<40x125xi32, #tpu.memory_space<hbm>>
    tpu.enqueue_dma source(%dma_start3A_17 : memref<40x125xi32, #tpu.memory_space<hbm>>) target(%arg6 : memref<40x125xi32, #tpu.memory_space<vmem>>) target_semaphore(%arg19 : memref<!tpu.dma_semaphore, #tpu.memory_space<semaphore_mem>>)
    %broadcast_in_dim3A = arith.constant 0.000000e+00 : f32
    %broadcast_in_dim3A_18 = vector.broadcast %broadcast_in_dim3A : f32 to vector<16xf32>
    %scan3A = arith.constant 0 : i32
    %scan3A_19 = arith.constant 0 : i32
    %scan3A_20 = arith.constant 500 : i32
    %scan3A_21 = arith.addi %scan3A_19, %scan3A_20 : i32
    %scan3A_22 = arith.constant 1 : i32
    scf.for %scan3A_410 = %scan3A_19 to %scan3A_21 step %scan3A_22  : i32 {
      %jit3A = arith.constant 4 : i32
      %div3A = arith.divsi %scan3A_410, %jit3A : i32
      %sign3A = arith.constant 0 : i32
      %sign3A_411 = arith.cmpi sgt, %scan3A_410, %sign3A : i32
      %sign3A_412 = arith.extui %sign3A_411 : i1 to i32
      %sign3A_413 = arith.constant 0 : i32
      %sign3A_414 = arith.cmpi slt, %scan3A_410, %sign3A_413 : i32
      %sign3A_415 = arith.extui %sign3A_414 : i1 to i32
      %sign3A_416 = arith.subi %sign3A_412, %sign3A_415 : i32
      %sign3A_417 = arith.constant 0 : i32
      %sign3A_418 = arith.cmpi sgt, %jit3A, %sign3A_417 : i32
      %sign3A_419 = arith.extui %sign3A_418 : i1 to i32
      %sign3A_420 = arith.constant 0 : i32
      %sign3A_421 = arith.cmpi slt, %jit3A, %sign3A_420 : i32
      %sign3A_422 = arith.extui %sign3A_421 : i1 to i32
      %sign3A_423 = arith.subi %sign3A_419, %sign3A_422 : i32
      %ne3A = arith.cmpi ne, %sign3A_416, %sign3A_423 : i32
      %rem3A = arith.remsi %scan3A_410, %jit3A : i32
      %ne3A_424 = arith.constant 0 : i32
      %ne3A_425 = arith.cmpi ne, %rem3A, %ne3A_424 : i32
      %and3A = arith.andi %ne3A, %ne3A_425 : i1
      %sub3A = arith.constant 1 : i32
      %sub3A_426 = arith.subi %div3A, %sub3A : i32
      %select_n3A = arith.select %and3A, %sub3A_426, %div3A : i32
      %jit3A_427 = arith.constant 4 : i32
      %eq3A = arith.constant 0 : i32
      %eq3A_428 = arith.cmpi eq, %jit3A_427, %eq3A : i32
      %jit3A_429 = arith.constant 1 : i32
      %select_n3A_430 = arith.select %eq3A_428, %jit3A_429, %jit3A_427 : i32
      %rem3A_431 = arith.remsi %scan3A_410, %select_n3A_430 : i32
      %ne3A_432 = arith.constant 0 : i32
      %ne3A_433 = arith.cmpi ne, %rem3A_431, %ne3A_432 : i32
      %lt3A = arith.constant 0 : i32
      %lt3A_434 = arith.cmpi slt, %rem3A_431, %lt3A : i32
      %lt3A_435 = arith.constant 0 : i32
      %lt3A_436 = arith.cmpi slt, %select_n3A_430, %lt3A_435 : i32
      %ne3A_437 = arith.xori %lt3A_434, %lt3A_436 : i1
      %and3A_438 = arith.andi %ne3A_437, %ne3A_433 : i1
      %add3A_439 = arith.addi %rem3A_431, %select_n3A_430 : i32
      %select_n3A_440 = arith.select %and3A_438, %add3A_439, %rem3A_431 : i32
      %mul3A_441 = arith.constant 16 : i32
      %mul3A_442 = arith.muli %select_n3A_440, %mul3A_441 : i32
      %swap3A = arith.index_cast %select_n3A : i32 to index
      %swap3A_443 = arith.index_cast %mul3A_442 : i32 to index
      %swap3A_444 = tpu.vector_load %arg7[%swap3A, %swap3A_443] {strides = array<i32>} : memref<125x64xf32, #tpu.memory_space<vmem>>, vector<16xf32>,
      tpu.vector_store %arg7[%swap3A, %swap3A_443], %broadcast_in_dim3A_18 {strides = array<i32>} : memref<125x64xf32, #tpu.memory_space<vmem>>, vector<16xf32>,
    }
    %scan3A_23 = arith.constant 500 : i32
    %mul3A_24 = arith.constant 625 : i32
    %mul3A_25 = arith.muli %arg1, %mul3A_24 : i32
    %add3A_26 = arith.constant 0 : i32
    %add3A_27 = arith.addi %mul3A_25, %add3A_26 : i32
    %dma_start3A_28 = arith.constant 0 : i32
    %dma_start3A_29 = tpu.memref_slice %arg17[%add3A_27, %dma_start3A_28] : memref<10000x64xf32, #tpu.memory_space<vmem_shared>> -> memref<125x64xf32, #tpu.memory_space<vmem_shared>>
    %dma_start3A_30 = arith.constant 0 : i32
    %dma_start3A_31 = tpu.memref_slice %arg17[%add3A_27, %dma_start3A_30] : memref<10000x64xf32, #tpu.memory_space<vmem_shared>> -> memref<125x64xf32, #tpu.memory_space<vmem_shared>>
    tpu.enqueue_dma source(%arg7 : memref<125x64xf32, #tpu.memory_space<vmem>>) target(%dma_start3A_31 : memref<125x64xf32, #tpu.memory_space<vmem_shared>>) target_semaphore(%arg28 : memref<!tpu.dma_semaphore, #tpu.memory_space<semaphore_mem>>)
    %mul3A_32 = arith.constant 625 : i32
    %mul3A_33 = arith.muli %arg1, %mul3A_32 : i32
    %add3A_34 = arith.constant 125 : i32
    %add3A_35 = arith.addi %mul3A_33, %add3A_34 : i32
    %dma_start3A_36 = arith.constant 0 : i32
    %dma_start3A_37 = tpu.memref_slice %arg17[%add3A_35, %dma_start3A_36] : memref<10000x64xf32, #tpu.memory_space<vmem_shared>> -> memref<125x64xf32, #tpu.memory_space<vmem_shared>>
    %dma_start3A_38 = arith.constant 0 : i32
    %dma_start3A_39 = tpu.memref_slice %arg17[%add3A_35, %dma_start3A_38] : memref<10000x64xf32, #tpu.memory_space<vmem_shared>> -> memref<125x64xf32, #tpu.memory_space<vmem_shared>>
    tpu.enqueue_dma source(%arg7 : memref<125x64xf32, #tpu.memory_space<vmem>>) target(%dma_start3A_39 : memref<125x64xf32, #tpu.memory_space<vmem_shared>>) target_semaphore(%arg29 : memref<!tpu.dma_semaphore, #tpu.memory_space<semaphore_mem>>)
    %mul3A_40 = arith.constant 625 : i32
    %mul3A_41 = arith.muli %arg1, %mul3A_40 : i32
    %add3A_42 = arith.constant 250 : i32
    %add3A_43 = arith.addi %mul3A_41, %add3A_42 : i32
    %dma_start3A_44 = arith.constant 0 : i32
    %dma_start3A_45 = tpu.memref_slice %arg17[%add3A_43, %dma_start3A_44] : memref<10000x64xf32, #tpu.memory_space<vmem_shared>> -> memref<125x64xf32, #tpu.memory_space<vmem_shared>>
    %dma_start3A_46 = arith.constant 0 : i32
    %dma_start3A_47 = tpu.memref_slice %arg17[%add3A_43, %dma_start3A_46] : memref<10000x64xf32, #tpu.memory_space<vmem_shared>> -> memref<125x64xf32, #tpu.memory_space<vmem_shared>>
    tpu.enqueue_dma source(%arg7 : memref<125x64xf32, #tpu.memory_space<vmem>>) target(%dma_start3A_47 : memref<125x64xf32, #tpu.memory_space<vmem_shared>>) target_semaphore(%arg30 : memref<!tpu.dma_semaphore, #tpu.memory_space<semaphore_mem>>)
    %mul3A_48 = arith.constant 625 : i32
    %mul3A_49 = arith.muli %arg1, %mul3A_48 : i32
    %add3A_50 = arith.constant 375 : i32
    %add3A_51 = arith.addi %mul3A_49, %add3A_50 : i32
    %dma_start3A_52 = arith.constant 0 : i32
    %dma_start3A_53 = tpu.memref_slice %arg17[%add3A_51, %dma_start3A_52] : memref<10000x64xf32, #tpu.memory_space<vmem_shared>> -> memref<125x64xf32, #tpu.memory_space<vmem_shared>>
    %dma_start3A_54 = arith.constant 0 : i32
    %dma_start3A_55 = tpu.memref_slice %arg17[%add3A_51, %dma_start3A_54] : memref<10000x64xf32, #tpu.memory_space<vmem_shared>> -> memref<125x64xf32, #tpu.memory_space<vmem_shared>>
    tpu.enqueue_dma source(%arg7 : memref<125x64xf32, #tpu.memory_space<vmem>>) target(%dma_start3A_55 : memref<125x64xf32, #tpu.memory_space<vmem_shared>>) target_semaphore(%arg31 : memref<!tpu.dma_semaphore, #tpu.memory_space<semaphore_mem>>)
    %mul3A_56 = arith.constant 625 : i32
    %mul3A_57 = arith.muli %arg1, %mul3A_56 : i32
    %add3A_58 = arith.constant 500 : i32
    %add3A_59 = arith.addi %mul3A_57, %add3A_58 : i32
    %dma_start3A_60 = arith.constant 0 : i32
    %dma_start3A_61 = tpu.memref_slice %arg17[%add3A_59, %dma_start3A_60] : memref<10000x64xf32, #tpu.memory_space<vmem_shared>> -> memref<125x64xf32, #tpu.memory_space<vmem_shared>>
    %dma_start3A_62 = arith.constant 0 : i32
    %dma_start3A_63 = tpu.memref_slice %arg17[%add3A_59, %dma_start3A_62] : memref<10000x64xf32, #tpu.memory_space<vmem_shared>> -> memref<125x64xf32, #tpu.memory_space<vmem_shared>>
    tpu.enqueue_dma source(%arg7 : memref<125x64xf32, #tpu.memory_space<vmem>>) target(%dma_start3A_63 : memref<125x64xf32, #tpu.memory_space<vmem_shared>>) target_semaphore(%arg32 : memref<!tpu.dma_semaphore, #tpu.memory_space<semaphore_mem>>)
    %mul3A_64 = arith.constant 625 : i32
    %mul3A_65 = arith.muli %arg1, %mul3A_64 : i32
    %add3A_66 = arith.constant 0 : i32
    %add3A_67 = arith.addi %mul3A_65, %add3A_66 : i32
    %dma_wait3A = arith.constant 0 : i32
    %dma_wait3A_68 = tpu.memref_slice %arg17[%add3A_67, %dma_wait3A] : memref<10000x64xf32, #tpu.memory_space<vmem_shared>> -> memref<125x64xf32, #tpu.memory_space<vmem_shared>>
    %dma_wait3A_69 = arith.constant 0 : i32
    %dma_wait3A_70 = tpu.memref_slice %arg17[%add3A_67, %dma_wait3A_69] : memref<10000x64xf32, #tpu.memory_space<vmem_shared>> -> memref<125x64xf32, #tpu.memory_space<vmem_shared>>
    tpu.wait_dma2 semaphore(%arg28 : memref<!tpu.dma_semaphore, #tpu.memory_space<semaphore_mem>>) src(%arg7 : memref<125x64xf32, #tpu.memory_space<vmem>>) dst(%dma_wait3A_70 : memref<125x64xf32, #tpu.memory_space<vmem_shared>>)
    %mul3A_71 = arith.constant 625 : i32
    %mul3A_72 = arith.muli %arg1, %mul3A_71 : i32
    %add3A_73 = arith.constant 125 : i32
    %add3A_74 = arith.addi %mul3A_72, %add3A_73 : i32
    %dma_wait3A_75 = arith.constant 0 : i32
    %dma_wait3A_76 = tpu.memref_slice %arg17[%add3A_74, %dma_wait3A_75] : memref<10000x64xf32, #tpu.memory_space<vmem_shared>> -> memref<125x64xf32, #tpu.memory_space<vmem_shared>>
    %dma_wait3A_77 = arith.constant 0 : i32
    %dma_wait3A_78 = tpu.memref_slice %arg17[%add3A_74, %dma_wait3A_77] : memref<10000x64xf32, #tpu.memory_space<vmem_shared>> -> memref<125x64xf32, #tpu.memory_space<vmem_shared>>
    tpu.wait_dma2 semaphore(%arg29 : memref<!tpu.dma_semaphore, #tpu.memory_space<semaphore_mem>>) src(%arg7 : memref<125x64xf32, #tpu.memory_space<vmem>>) dst(%dma_wait3A_78 : memref<125x64xf32, #tpu.memory_space<vmem_shared>>)
    %mul3A_79 = arith.constant 625 : i32
    %mul3A_80 = arith.muli %arg1, %mul3A_79 : i32
    %add3A_81 = arith.constant 250 : i32
    %add3A_82 = arith.addi %mul3A_80, %add3A_81 : i32
    %dma_wait3A_83 = arith.constant 0 : i32
    %dma_wait3A_84 = tpu.memref_slice %arg17[%add3A_82, %dma_wait3A_83] : memref<10000x64xf32, #tpu.memory_space<vmem_shared>> -> memref<125x64xf32, #tpu.memory_space<vmem_shared>>
    %dma_wait3A_85 = arith.constant 0 : i32
    %dma_wait3A_86 = tpu.memref_slice %arg17[%add3A_82, %dma_wait3A_85] : memref<10000x64xf32, #tpu.memory_space<vmem_shared>> -> memref<125x64xf32, #tpu.memory_space<vmem_shared>>
    tpu.wait_dma2 semaphore(%arg30 : memref<!tpu.dma_semaphore, #tpu.memory_space<semaphore_mem>>) src(%arg7 : memref<125x64xf32, #tpu.memory_space<vmem>>) dst(%dma_wait3A_86 : memref<125x64xf32, #tpu.memory_space<vmem_shared>>)
    %mul3A_87 = arith.constant 625 : i32
    %mul3A_88 = arith.muli %arg1, %mul3A_87 : i32
    %add3A_89 = arith.constant 375 : i32
    %add3A_90 = arith.addi %mul3A_88, %add3A_89 : i32
    %dma_wait3A_91 = arith.constant 0 : i32
    %dma_wait3A_92 = tpu.memref_slice %arg17[%add3A_90, %dma_wait3A_91] : memref<10000x64xf32, #tpu.memory_space<vmem_shared>> -> memref<125x64xf32, #tpu.memory_space<vmem_shared>>
    %dma_wait3A_93 = arith.constant 0 : i32
    %dma_wait3A_94 = tpu.memref_slice %arg17[%add3A_90, %dma_wait3A_93] : memref<10000x64xf32, #tpu.memory_space<vmem_shared>> -> memref<125x64xf32, #tpu.memory_space<vmem_shared>>
    tpu.wait_dma2 semaphore(%arg31 : memref<!tpu.dma_semaphore, #tpu.memory_space<semaphore_mem>>) src(%arg7 : memref<125x64xf32, #tpu.memory_space<vmem>>) dst(%dma_wait3A_94 : memref<125x64xf32, #tpu.memory_space<vmem_shared>>)
    %mul3A_95 = arith.constant 625 : i32
    %mul3A_96 = arith.muli %arg1, %mul3A_95 : i32
    %add3A_97 = arith.constant 500 : i32
    %add3A_98 = arith.addi %mul3A_96, %add3A_97 : i32
    %dma_wait3A_99 = arith.constant 0 : i32
    %dma_wait3A_100 = tpu.memref_slice %arg17[%add3A_98, %dma_wait3A_99] : memref<10000x64xf32, #tpu.memory_space<vmem_shared>> -> memref<125x64xf32, #tpu.memory_space<vmem_shared>>
    %dma_wait3A_101 = arith.constant 0 : i32
    %dma_wait3A_102 = tpu.memref_slice %arg17[%add3A_98, %dma_wait3A_101] : memref<10000x64xf32, #tpu.memory_space<vmem_shared>> -> memref<125x64xf32, #tpu.memory_space<vmem_shared>>
    tpu.wait_dma2 semaphore(%arg32 : memref<!tpu.dma_semaphore, #tpu.memory_space<semaphore_mem>>) src(%arg7 : memref<125x64xf32, #tpu.memory_space<vmem>>) dst(%dma_wait3A_102 : memref<125x64xf32, #tpu.memory_space<vmem_shared>>)
    %dma_wait3A_103 = arith.constant 0 : i32
    %dma_wait3A_104 = arith.constant 0 : i32
    %dma_wait3A_105 = arith.constant 0 : i32
    %dma_wait3A_106 = tpu.memref_slice %arg3[%dma_wait3A_103, %add3A, %dma_wait3A_104, %dma_wait3A_105] : memref<2x32x40x125xi32, #tpu.memory_space<hbm>> -> memref<1x1x40x125xi32, #tpu.memory_space<hbm>>
    %dma_wait3A_107 = tpu.memref_squeeze %dma_wait3A_106 : memref<1x1x40x125xi32, #tpu.memory_space<hbm>> -> memref<40x125xi32, #tpu.memory_space<hbm>>
    %dma_wait3A_108 = arith.constant 0 : i32
    %dma_wait3A_109 = arith.constant 0 : i32
    %dma_wait3A_110 = tpu.memref_slice %arg3[%dma_wait3A_103, %add3A, %dma_wait3A_108, %dma_wait3A_109] : memref<2x32x40x125xi32, #tpu.memory_space<hbm>> -> memref<1x1x40x125xi32, #tpu.memory_space<hbm>>
    %dma_wait3A_111 = tpu.memref_squeeze %dma_wait3A_110 : memref<1x1x40x125xi32, #tpu.memory_space<hbm>> -> memref<40x125xi32, #tpu.memory_space<hbm>>
    tpu.wait_dma2 semaphore(%arg18 : memref<!tpu.dma_semaphore, #tpu.memory_space<semaphore_mem>>) src(%dma_wait3A_111 : memref<40x125xi32, #tpu.memory_space<hbm>>) dst(%arg5 : memref<40x125xi32, #tpu.memory_space<vmem>>)
    %dma_wait3A_112 = arith.constant 1 : i32
    %dma_wait3A_113 = arith.constant 0 : i32
    %dma_wait3A_114 = arith.constant 0 : i32
    %dma_wait3A_115 = tpu.memref_slice %arg3[%dma_wait3A_112, %add3A, %dma_wait3A_113, %dma_wait3A_114] : memref<2x32x40x125xi32, #tpu.memory_space<hbm>> -> memref<1x1x40x125xi32, #tpu.memory_space<hbm>>
    %dma_wait3A_116 = tpu.memref_squeeze %dma_wait3A_115 : memref<1x1x40x125xi32, #tpu.memory_space<hbm>> -> memref<40x125xi32, #tpu.memory_space<hbm>>
    %dma_wait3A_117 = arith.constant 0 : i32
    %dma_wait3A_118 = arith.constant 0 : i32
    %dma_wait3A_119 = tpu.memref_slice %arg3[%dma_wait3A_112, %add3A, %dma_wait3A_117, %dma_wait3A_118] : memref<2x32x40x125xi32, #tpu.memory_space<hbm>> -> memref<1x1x40x125xi32, #tpu.memory_space<hbm>>
    %dma_wait3A_120 = tpu.memref_squeeze %dma_wait3A_119 : memref<1x1x40x125xi32, #tpu.memory_space<hbm>> -> memref<40x125xi32, #tpu.memory_space<hbm>>
    tpu.wait_dma2 semaphore(%arg19 : memref<!tpu.dma_semaphore, #tpu.memory_space<semaphore_mem>>) src(%dma_wait3A_120 : memref<40x125xi32, #tpu.memory_space<hbm>>) dst(%arg6 : memref<40x125xi32, #tpu.memory_space<vmem>>)
    %barrier3A = arith.constant 0 : index
    tpu.barrier barrier_id(%barrier3A)
    %dma_start3A_121 = arith.constant 0 : i32
    %dma_start3A_122 = arith.constant 0 : i32
    %dma_start3A_123 = tpu.memref_slice %arg5[%dma_start3A_121, %dma_start3A_122] : memref<40x125xi32, #tpu.memory_space<vmem>> -> memref<1x125xi32, #tpu.memory_space<vmem>>
    %dma_start3A_124 = tpu.memref_squeeze %dma_start3A_123 : memref<1x125xi32, #tpu.memory_space<vmem>> -> memref<125xi32, #tpu.memory_space<vmem>>
    %dma_start3A_125 = arith.constant 0 : i32
    %dma_start3A_126 = arith.constant 0 : i32
    %dma_start3A_127 = tpu.memref_slice %arg2[%dma_start3A_125, %dma_start3A_126] : memref<10000x64xf32, #tpu.memory_space<hbm>> -> memref<10000x64xf32, #tpu.memory_space<hbm>>
    tpu.enqueue_indirect_dma source(%dma_start3A_127 : memref<10000x64xf32, #tpu.memory_space<hbm>>) target(%arg7 : memref<125x64xf32, #tpu.memory_space<vmem>>) offsets(%dma_start3A_124 : memref<125xi32, #tpu.memory_space<vmem>>) semaphore(%arg18 : memref<!tpu.dma_semaphore, #tpu.memory_space<semaphore_mem>>)
    %dma_start3A_128 = arith.constant 1 : i32
    %dma_start3A_129 = arith.constant 0 : i32
    %dma_start3A_130 = tpu.memref_slice %arg5[%dma_start3A_128, %dma_start3A_129] : memref<40x125xi32, #tpu.memory_space<vmem>> -> memref<1x125xi32, #tpu.memory_space<vmem>>
    %dma_start3A_131 = tpu.memref_squeeze %dma_start3A_130 : memref<1x125xi32, #tpu.memory_space<vmem>> -> memref<125xi32, #tpu.memory_space<vmem>>
    %dma_start3A_132 = arith.constant 0 : i32
    %dma_start3A_133 = arith.constant 0 : i32
    %dma_start3A_134 = tpu.memref_slice %arg2[%dma_start3A_132, %dma_start3A_133] : memref<10000x64xf32, #tpu.memory_space<hbm>> -> memref<10000x64xf32, #tpu.memory_space<hbm>>
    tpu.enqueue_indirect_dma source(%dma_start3A_134 : memref<10000x64xf32, #tpu.memory_space<hbm>>) target(%arg8 : memref<125x64xf32, #tpu.memory_space<vmem>>) offsets(%dma_start3A_131 : memref<125xi32, #tpu.memory_space<vmem>>) semaphore(%arg19 : memref<!tpu.dma_semaphore, #tpu.memory_space<semaphore_mem>>)
    %dma_start3A_135 = arith.constant 2 : i32
    %dma_start3A_136 = arith.constant 0 : i32
    %dma_start3A_137 = tpu.memref_slice %arg5[%dma_start3A_135, %dma_start3A_136] : memref<40x125xi32, #tpu.memory_space<vmem>> -> memref<1x125xi32, #tpu.memory_space<vmem>>
    %dma_start3A_138 = tpu.memref_squeeze %dma_start3A_137 : memref<1x125xi32, #tpu.memory_space<vmem>> -> memref<125xi32, #tpu.memory_space<vmem>>
    %dma_start3A_139 = arith.constant 0 : i32
    %dma_start3A_140 = arith.constant 0 : i32
    %dma_start3A_141 = tpu.memref_slice %arg2[%dma_start3A_139, %dma_start3A_140] : memref<10000x64xf32, #tpu.memory_space<hbm>> -> memref<10000x64xf32, #tpu.memory_space<hbm>>
    tpu.enqueue_indirect_dma source(%dma_start3A_141 : memref<10000x64xf32, #tpu.memory_space<hbm>>) target(%arg9 : memref<125x64xf32, #tpu.memory_space<vmem>>) offsets(%dma_start3A_138 : memref<125xi32, #tpu.memory_space<vmem>>) semaphore(%arg20 : memref<!tpu.dma_semaphore, #tpu.memory_space<semaphore_mem>>)
    %dma_start3A_142 = arith.constant 3 : i32
    %dma_start3A_143 = arith.constant 0 : i32
    %dma_start3A_144 = tpu.memref_slice %arg5[%dma_start3A_142, %dma_start3A_143] : memref<40x125xi32, #tpu.memory_space<vmem>> -> memref<1x125xi32, #tpu.memory_space<vmem>>
    %dma_start3A_145 = tpu.memref_squeeze %dma_start3A_144 : memref<1x125xi32, #tpu.memory_space<vmem>> -> memref<125xi32, #tpu.memory_space<vmem>>
    %dma_start3A_146 = arith.constant 0 : i32
    %dma_start3A_147 = arith.constant 0 : i32
    %dma_start3A_148 = tpu.memref_slice %arg2[%dma_start3A_146, %dma_start3A_147] : memref<10000x64xf32, #tpu.memory_space<hbm>> -> memref<10000x64xf32, #tpu.memory_space<hbm>>
    tpu.enqueue_indirect_dma source(%dma_start3A_148 : memref<10000x64xf32, #tpu.memory_space<hbm>>) target(%arg10 : memref<125x64xf32, #tpu.memory_space<vmem>>) offsets(%dma_start3A_145 : memref<125xi32, #tpu.memory_space<vmem>>) semaphore(%arg21 : memref<!tpu.dma_semaphore, #tpu.memory_space<semaphore_mem>>)
    %dma_start3A_149 = arith.constant 4 : i32
    %dma_start3A_150 = arith.constant 0 : i32
    %dma_start3A_151 = tpu.memref_slice %arg5[%dma_start3A_149, %dma_start3A_150] : memref<40x125xi32, #tpu.memory_space<vmem>> -> memref<1x125xi32, #tpu.memory_space<vmem>>
    %dma_start3A_152 = tpu.memref_squeeze %dma_start3A_151 : memref<1x125xi32, #tpu.memory_space<vmem>> -> memref<125xi32, #tpu.memory_space<vmem>>
    %dma_start3A_153 = arith.constant 0 : i32
    %dma_start3A_154 = arith.constant 0 : i32
    %dma_start3A_155 = tpu.memref_slice %arg2[%dma_start3A_153, %dma_start3A_154] : memref<10000x64xf32, #tpu.memory_space<hbm>> -> memref<10000x64xf32, #tpu.memory_space<hbm>>
    tpu.enqueue_indirect_dma source(%dma_start3A_155 : memref<10000x64xf32, #tpu.memory_space<hbm>>) target(%arg11 : memref<125x64xf32, #tpu.memory_space<vmem>>) offsets(%dma_start3A_152 : memref<125xi32, #tpu.memory_space<vmem>>) semaphore(%arg22 : memref<!tpu.dma_semaphore, #tpu.memory_space<semaphore_mem>>)
    %dma_start3A_156 = arith.constant 5 : i32
    %dma_start3A_157 = arith.constant 0 : i32
    %dma_start3A_158 = tpu.memref_slice %arg5[%dma_start3A_156, %dma_start3A_157] : memref<40x125xi32, #tpu.memory_space<vmem>> -> memref<1x125xi32, #tpu.memory_space<vmem>>
    %dma_start3A_159 = tpu.memref_squeeze %dma_start3A_158 : memref<1x125xi32, #tpu.memory_space<vmem>> -> memref<125xi32, #tpu.memory_space<vmem>>
    %dma_start3A_160 = arith.constant 0 : i32
    %dma_start3A_161 = arith.constant 0 : i32
    %dma_start3A_162 = tpu.memref_slice %arg2[%dma_start3A_160, %dma_start3A_161] : memref<10000x64xf32, #tpu.memory_space<hbm>> -> memref<10000x64xf32, #tpu.memory_space<hbm>>
    tpu.enqueue_indirect_dma source(%dma_start3A_162 : memref<10000x64xf32, #tpu.memory_space<hbm>>) target(%arg12 : memref<125x64xf32, #tpu.memory_space<vmem>>) offsets(%dma_start3A_159 : memref<125xi32, #tpu.memory_space<vmem>>) semaphore(%arg23 : memref<!tpu.dma_semaphore, #tpu.memory_space<semaphore_mem>>)
    %dma_start3A_163 = arith.constant 6 : i32
    %dma_start3A_164 = arith.constant 0 : i32
    %dma_start3A_165 = tpu.memref_slice %arg5[%dma_start3A_163, %dma_start3A_164] : memref<40x125xi32, #tpu.memory_space<vmem>> -> memref<1x125xi32, #tpu.memory_space<vmem>>
    %dma_start3A_166 = tpu.memref_squeeze %dma_start3A_165 : memref<1x125xi32, #tpu.memory_space<vmem>> -> memref<125xi32, #tpu.memory_space<vmem>>
    %dma_start3A_167 = arith.constant 0 : i32
    %dma_start3A_168 = arith.constant 0 : i32
    %dma_start3A_169 = tpu.memref_slice %arg2[%dma_start3A_167, %dma_start3A_168] : memref<10000x64xf32, #tpu.memory_space<hbm>> -> memref<10000x64xf32, #tpu.memory_space<hbm>>
    tpu.enqueue_indirect_dma source(%dma_start3A_169 : memref<10000x64xf32, #tpu.memory_space<hbm>>) target(%arg13 : memref<125x64xf32, #tpu.memory_space<vmem>>) offsets(%dma_start3A_166 : memref<125xi32, #tpu.memory_space<vmem>>) semaphore(%arg24 : memref<!tpu.dma_semaphore, #tpu.memory_space<semaphore_mem>>)
    %dma_start3A_170 = arith.constant 7 : i32
    %dma_start3A_171 = arith.constant 0 : i32
    %dma_start3A_172 = tpu.memref_slice %arg5[%dma_start3A_170, %dma_start3A_171] : memref<40x125xi32, #tpu.memory_space<vmem>> -> memref<1x125xi32, #tpu.memory_space<vmem>>
    %dma_start3A_173 = tpu.memref_squeeze %dma_start3A_172 : memref<1x125xi32, #tpu.memory_space<vmem>> -> memref<125xi32, #tpu.memory_space<vmem>>
    %dma_start3A_174 = arith.constant 0 : i32
    %dma_start3A_175 = arith.constant 0 : i32
    %dma_start3A_176 = tpu.memref_slice %arg2[%dma_start3A_174, %dma_start3A_175] : memref<10000x64xf32, #tpu.memory_space<hbm>> -> memref<10000x64xf32, #tpu.memory_space<hbm>>
    tpu.enqueue_indirect_dma source(%dma_start3A_176 : memref<10000x64xf32, #tpu.memory_space<hbm>>) target(%arg14 : memref<125x64xf32, #tpu.memory_space<vmem>>) offsets(%dma_start3A_173 : memref<125xi32, #tpu.memory_space<vmem>>) semaphore(%arg25 : memref<!tpu.dma_semaphore, #tpu.memory_space<semaphore_mem>>)
    %dma_start3A_177 = arith.constant 8 : i32
    %dma_start3A_178 = arith.constant 0 : i32
    %dma_start3A_179 = tpu.memref_slice %arg5[%dma_start3A_177, %dma_start3A_178] : memref<40x125xi32, #tpu.memory_space<vmem>> -> memref<1x125xi32, #tpu.memory_space<vmem>>
    %dma_start3A_180 = tpu.memref_squeeze %dma_start3A_179 : memref<1x125xi32, #tpu.memory_space<vmem>> -> memref<125xi32, #tpu.memory_space<vmem>>
    %dma_start3A_181 = arith.constant 0 : i32
    %dma_start3A_182 = arith.constant 0 : i32
    %dma_start3A_183 = tpu.memref_slice %arg2[%dma_start3A_181, %dma_start3A_182] : memref<10000x64xf32, #tpu.memory_space<hbm>> -> memref<10000x64xf32, #tpu.memory_space<hbm>>
    tpu.enqueue_indirect_dma source(%dma_start3A_183 : memref<10000x64xf32, #tpu.memory_space<hbm>>) target(%arg15 : memref<125x64xf32, #tpu.memory_space<vmem>>) offsets(%dma_start3A_180 : memref<125xi32, #tpu.memory_space<vmem>>) semaphore(%arg26 : memref<!tpu.dma_semaphore, #tpu.memory_space<semaphore_mem>>)
    %dma_start3A_184 = arith.constant 9 : i32
    %dma_start3A_185 = arith.constant 0 : i32
    %dma_start3A_186 = tpu.memref_slice %arg5[%dma_start3A_184, %dma_start3A_185] : memref<40x125xi32, #tpu.memory_space<vmem>> -> memref<1x125xi32, #tpu.memory_space<vmem>>
    %dma_start3A_187 = tpu.memref_squeeze %dma_start3A_186 : memref<1x125xi32, #tpu.memory_space<vmem>> -> memref<125xi32, #tpu.memory_space<vmem>>
    %dma_start3A_188 = arith.constant 0 : i32
    %dma_start3A_189 = arith.constant 0 : i32
    %dma_start3A_190 = tpu.memref_slice %arg2[%dma_start3A_188, %dma_start3A_189] : memref<10000x64xf32, #tpu.memory_space<hbm>> -> memref<10000x64xf32, #tpu.memory_space<hbm>>
    tpu.enqueue_indirect_dma source(%dma_start3A_190 : memref<10000x64xf32, #tpu.memory_space<hbm>>) target(%arg16 : memref<125x64xf32, #tpu.memory_space<vmem>>) offsets(%dma_start3A_187 : memref<125xi32, #tpu.memory_space<vmem>>) semaphore(%arg27 : memref<!tpu.dma_semaphore, #tpu.memory_space<semaphore_mem>>)
    %scan3A_191 = arith.constant 0 : i32
    %scan3A_192 = arith.constant 0 : i32
    %scan3A_193 = arith.constant 3 : i32
    %scan3A_194 = arith.addi %scan3A_192, %scan3A_193 : i32
    %scan3A_195 = arith.constant 1 : i32
    scf.for %scan3A_410 = %scan3A_192 to %scan3A_194 step %scan3A_195  : i32 {
      %mul3A_411 = arith.constant 10 : i32
      %mul3A_412 = arith.muli %mul3A_411, %scan3A_410 : i32
      %add3A_413 = arith.constant 0 : i32
      %add3A_414 = arith.addi %mul3A_412, %add3A_413 : i32
      %dma_wait3A_415 = arith.constant 0 : i32
      %dma_wait3A_416 = tpu.memref_slice %arg5[%add3A_414, %dma_wait3A_415] : memref<40x125xi32, #tpu.memory_space<vmem>> -> memref<1x125xi32, #tpu.memory_space<vmem>>
      %dma_wait3A_417 = tpu.memref_squeeze %dma_wait3A_416 : memref<1x125xi32, #tpu.memory_space<vmem>> -> memref<125xi32, #tpu.memory_space<vmem>>
      %dma_wait3A_418 = arith.constant 0 : i32
      %dma_wait3A_419 = arith.constant 0 : i32
      %dma_wait3A_420 = tpu.memref_slice %arg2[%dma_wait3A_418, %dma_wait3A_419] : memref<10000x64xf32, #tpu.memory_space<hbm>> -> memref<10000x64xf32, #tpu.memory_space<hbm>>
      tpu.wait_indirect_dma semaphore(%arg18 : memref<!tpu.dma_semaphore, #tpu.memory_space<semaphore_mem>>) src(%dma_wait3A_420 : memref<10000x64xf32, #tpu.memory_space<hbm>>) dst(%arg7 : memref<125x64xf32, #tpu.memory_space<vmem>>)
      %add3A_421 = arith.constant 0 : i32
      %add3A_422 = arith.addi %mul3A_412, %add3A_421 : i32
      %dma_start3A_423 = arith.constant 0 : i32
      %dma_start3A_424 = tpu.memref_slice %arg6[%add3A_422, %dma_start3A_423] : memref<40x125xi32, #tpu.memory_space<vmem>> -> memref<1x125xi32, #tpu.memory_space<vmem>>
      %dma_start3A_425 = tpu.memref_squeeze %dma_start3A_424 : memref<1x125xi32, #tpu.memory_space<vmem>> -> memref<125xi32, #tpu.memory_space<vmem>>
      %dma_start3A_426 = arith.constant 0 : i32
      %dma_start3A_427 = arith.constant 0 : i32
      %dma_start3A_428 = tpu.memref_slice %arg17[%dma_start3A_426, %dma_start3A_427] : memref<10000x64xf32, #tpu.memory_space<vmem_shared>> -> memref<10000x64xf32, #tpu.memory_space<vmem_shared>>
      tpu.enqueue_indirect_dma source(%arg7 : memref<125x64xf32, #tpu.memory_space<vmem>>) target(%dma_start3A_428 : memref<10000x64xf32, #tpu.memory_space<vmem_shared>>) offsets(%dma_start3A_425 : memref<125xi32, #tpu.memory_space<vmem>>) semaphore(%arg28 : memref<!tpu.dma_semaphore, #tpu.memory_space<semaphore_mem>>) {add = true}
      %add3A_429 = arith.constant 1 : i32
      %add3A_430 = arith.addi %mul3A_412, %add3A_429 : i32
      %dma_wait3A_431 = arith.constant 0 : i32
      %dma_wait3A_432 = tpu.memref_slice %arg5[%add3A_430, %dma_wait3A_431] : memref<40x125xi32, #tpu.memory_space<vmem>> -> memref<1x125xi32, #tpu.memory_space<vmem>>
      %dma_wait3A_433 = tpu.memref_squeeze %dma_wait3A_432 : memref<1x125xi32, #tpu.memory_space<vmem>> -> memref<125xi32, #tpu.memory_space<vmem>>
      %dma_wait3A_434 = arith.constant 0 : i32
      %dma_wait3A_435 = arith.constant 0 : i32
      %dma_wait3A_436 = tpu.memref_slice %arg2[%dma_wait3A_434, %dma_wait3A_435] : memref<10000x64xf32, #tpu.memory_space<hbm>> -> memref<10000x64xf32, #tpu.memory_space<hbm>>
      tpu.wait_indirect_dma semaphore(%arg19 : memref<!tpu.dma_semaphore, #tpu.memory_space<semaphore_mem>>) src(%dma_wait3A_436 : memref<10000x64xf32, #tpu.memory_space<hbm>>) dst(%arg8 : memref<125x64xf32, #tpu.memory_space<vmem>>)
      %add3A_437 = arith.constant 1 : i32
      %add3A_438 = arith.addi %mul3A_412, %add3A_437 : i32
      %dma_start3A_439 = arith.constant 0 : i32
      %dma_start3A_440 = tpu.memref_slice %arg6[%add3A_438, %dma_start3A_439] : memref<40x125xi32, #tpu.memory_space<vmem>> -> memref<1x125xi32, #tpu.memory_space<vmem>>
      %dma_start3A_441 = tpu.memref_squeeze %dma_start3A_440 : memref<1x125xi32, #tpu.memory_space<vmem>> -> memref<125xi32, #tpu.memory_space<vmem>>
      %dma_start3A_442 = arith.constant 0 : i32
      %dma_start3A_443 = arith.constant 0 : i32
      %dma_start3A_444 = tpu.memref_slice %arg17[%dma_start3A_442, %dma_start3A_443] : memref<10000x64xf32, #tpu.memory_space<vmem_shared>> -> memref<10000x64xf32, #tpu.memory_space<vmem_shared>>
      tpu.enqueue_indirect_dma source(%arg8 : memref<125x64xf32, #tpu.memory_space<vmem>>) target(%dma_start3A_444 : memref<10000x64xf32, #tpu.memory_space<vmem_shared>>) offsets(%dma_start3A_441 : memref<125xi32, #tpu.memory_space<vmem>>) semaphore(%arg29 : memref<!tpu.dma_semaphore, #tpu.memory_space<semaphore_mem>>) {add = true}
      %add3A_445 = arith.constant 2 : i32
      %add3A_446 = arith.addi %mul3A_412, %add3A_445 : i32
      %dma_wait3A_447 = arith.constant 0 : i32
      %dma_wait3A_448 = tpu.memref_slice %arg5[%add3A_446, %dma_wait3A_447] : memref<40x125xi32, #tpu.memory_space<vmem>> -> memref<1x125xi32, #tpu.memory_space<vmem>>
      %dma_wait3A_449 = tpu.memref_squeeze %dma_wait3A_448 : memref<1x125xi32, #tpu.memory_space<vmem>> -> memref<125xi32, #tpu.memory_space<vmem>>
      %dma_wait3A_450 = arith.constant 0 : i32
      %dma_wait3A_451 = arith.constant 0 : i32
      %dma_wait3A_452 = tpu.memref_slice %arg2[%dma_wait3A_450, %dma_wait3A_451] : memref<10000x64xf32, #tpu.memory_space<hbm>> -> memref<10000x64xf32, #tpu.memory_space<hbm>>
      tpu.wait_indirect_dma semaphore(%arg20 : memref<!tpu.dma_semaphore, #tpu.memory_space<semaphore_mem>>) src(%dma_wait3A_452 : memref<10000x64xf32, #tpu.memory_space<hbm>>) dst(%arg9 : memref<125x64xf32, #tpu.memory_space<vmem>>)
      %add3A_453 = arith.constant 2 : i32
      %add3A_454 = arith.addi %mul3A_412, %add3A_453 : i32
      %dma_start3A_455 = arith.constant 0 : i32
      %dma_start3A_456 = tpu.memref_slice %arg6[%add3A_454, %dma_start3A_455] : memref<40x125xi32, #tpu.memory_space<vmem>> -> memref<1x125xi32, #tpu.memory_space<vmem>>
      %dma_start3A_457 = tpu.memref_squeeze %dma_start3A_456 : memref<1x125xi32, #tpu.memory_space<vmem>> -> memref<125xi32, #tpu.memory_space<vmem>>
      %dma_start3A_458 = arith.constant 0 : i32
      %dma_start3A_459 = arith.constant 0 : i32
      %dma_start3A_460 = tpu.memref_slice %arg17[%dma_start3A_458, %dma_start3A_459] : memref<10000x64xf32, #tpu.memory_space<vmem_shared>> -> memref<10000x64xf32, #tpu.memory_space<vmem_shared>>
      tpu.enqueue_indirect_dma source(%arg9 : memref<125x64xf32, #tpu.memory_space<vmem>>) target(%dma_start3A_460 : memref<10000x64xf32, #tpu.memory_space<vmem_shared>>) offsets(%dma_start3A_457 : memref<125xi32, #tpu.memory_space<vmem>>) semaphore(%arg30 : memref<!tpu.dma_semaphore, #tpu.memory_space<semaphore_mem>>) {add = true}
      %add3A_461 = arith.constant 3 : i32
      %add3A_462 = arith.addi %mul3A_412, %add3A_461 : i32
      %dma_wait3A_463 = arith.constant 0 : i32
      %dma_wait3A_464 = tpu.memref_slice %arg5[%add3A_462, %dma_wait3A_463] : memref<40x125xi32, #tpu.memory_space<vmem>> -> memref<1x125xi32, #tpu.memory_space<vmem>>
      %dma_wait3A_465 = tpu.memref_squeeze %dma_wait3A_464 : memref<1x125xi32, #tpu.memory_space<vmem>> -> memref<125xi32, #tpu.memory_space<vmem>>
      %dma_wait3A_466 = arith.constant 0 : i32
      %dma_wait3A_467 = arith.constant 0 : i32
      %dma_wait3A_468 = tpu.memref_slice %arg2[%dma_wait3A_466, %dma_wait3A_467] : memref<10000x64xf32, #tpu.memory_space<hbm>> -> memref<10000x64xf32, #tpu.memory_space<hbm>>
      tpu.wait_indirect_dma semaphore(%arg21 : memref<!tpu.dma_semaphore, #tpu.memory_space<semaphore_mem>>) src(%dma_wait3A_468 : memref<10000x64xf32, #tpu.memory_space<hbm>>) dst(%arg10 : memref<125x64xf32, #tpu.memory_space<vmem>>)
      %add3A_469 = arith.constant 3 : i32
      %add3A_470 = arith.addi %mul3A_412, %add3A_469 : i32
      %dma_start3A_471 = arith.constant 0 : i32
      %dma_start3A_472 = tpu.memref_slice %arg6[%add3A_470, %dma_start3A_471] : memref<40x125xi32, #tpu.memory_space<vmem>> -> memref<1x125xi32, #tpu.memory_space<vmem>>
      %dma_start3A_473 = tpu.memref_squeeze %dma_start3A_472 : memref<1x125xi32, #tpu.memory_space<vmem>> -> memref<125xi32, #tpu.memory_space<vmem>>
      %dma_start3A_474 = arith.constant 0 : i32
      %dma_start3A_475 = arith.constant 0 : i32
      %dma_start3A_476 = tpu.memref_slice %arg17[%dma_start3A_474, %dma_start3A_475] : memref<10000x64xf32, #tpu.memory_space<vmem_shared>> -> memref<10000x64xf32, #tpu.memory_space<vmem_shared>>
      tpu.enqueue_indirect_dma source(%arg10 : memref<125x64xf32, #tpu.memory_space<vmem>>) target(%dma_start3A_476 : memref<10000x64xf32, #tpu.memory_space<vmem_shared>>) offsets(%dma_start3A_473 : memref<125xi32, #tpu.memory_space<vmem>>) semaphore(%arg31 : memref<!tpu.dma_semaphore, #tpu.memory_space<semaphore_mem>>) {add = true}
      %add3A_477 = arith.constant 4 : i32
      %add3A_478 = arith.addi %mul3A_412, %add3A_477 : i32
      %dma_wait3A_479 = arith.constant 0 : i32
      %dma_wait3A_480 = tpu.memref_slice %arg5[%add3A_478, %dma_wait3A_479] : memref<40x125xi32, #tpu.memory_space<vmem>> -> memref<1x125xi32, #tpu.memory_space<vmem>>
      %dma_wait3A_481 = tpu.memref_squeeze %dma_wait3A_480 : memref<1x125xi32, #tpu.memory_space<vmem>> -> memref<125xi32, #tpu.memory_space<vmem>>
      %dma_wait3A_482 = arith.constant 0 : i32
      %dma_wait3A_483 = arith.constant 0 : i32
      %dma_wait3A_484 = tpu.memref_slice %arg2[%dma_wait3A_482, %dma_wait3A_483] : memref<10000x64xf32, #tpu.memory_space<hbm>> -> memref<10000x64xf32, #tpu.memory_space<hbm>>
      tpu.wait_indirect_dma semaphore(%arg22 : memref<!tpu.dma_semaphore, #tpu.memory_space<semaphore_mem>>) src(%dma_wait3A_484 : memref<10000x64xf32, #tpu.memory_space<hbm>>) dst(%arg11 : memref<125x64xf32, #tpu.memory_space<vmem>>)
      %add3A_485 = arith.constant 4 : i32
      %add3A_486 = arith.addi %mul3A_412, %add3A_485 : i32
      %dma_start3A_487 = arith.constant 0 : i32
      %dma_start3A_488 = tpu.memref_slice %arg6[%add3A_486, %dma_start3A_487] : memref<40x125xi32, #tpu.memory_space<vmem>> -> memref<1x125xi32, #tpu.memory_space<vmem>>
      %dma_start3A_489 = tpu.memref_squeeze %dma_start3A_488 : memref<1x125xi32, #tpu.memory_space<vmem>> -> memref<125xi32, #tpu.memory_space<vmem>>
      %dma_start3A_490 = arith.constant 0 : i32
      %dma_start3A_491 = arith.constant 0 : i32
      %dma_start3A_492 = tpu.memref_slice %arg17[%dma_start3A_490, %dma_start3A_491] : memref<10000x64xf32, #tpu.memory_space<vmem_shared>> -> memref<10000x64xf32, #tpu.memory_space<vmem_shared>>
      tpu.enqueue_indirect_dma source(%arg11 : memref<125x64xf32, #tpu.memory_space<vmem>>) target(%dma_start3A_492 : memref<10000x64xf32, #tpu.memory_space<vmem_shared>>) offsets(%dma_start3A_489 : memref<125xi32, #tpu.memory_space<vmem>>) semaphore(%arg32 : memref<!tpu.dma_semaphore, #tpu.memory_space<semaphore_mem>>) {add = true}
      %add3A_493 = arith.constant 5 : i32
      %add3A_494 = arith.addi %mul3A_412, %add3A_493 : i32
      %dma_wait3A_495 = arith.constant 0 : i32
      %dma_wait3A_496 = tpu.memref_slice %arg5[%add3A_494, %dma_wait3A_495] : memref<40x125xi32, #tpu.memory_space<vmem>> -> memref<1x125xi32, #tpu.memory_space<vmem>>
      %dma_wait3A_497 = tpu.memref_squeeze %dma_wait3A_496 : memref<1x125xi32, #tpu.memory_space<vmem>> -> memref<125xi32, #tpu.memory_space<vmem>>
      %dma_wait3A_498 = arith.constant 0 : i32
      %dma_wait3A_499 = arith.constant 0 : i32
      %dma_wait3A_500 = tpu.memref_slice %arg2[%dma_wait3A_498, %dma_wait3A_499] : memref<10000x64xf32, #tpu.memory_space<hbm>> -> memref<10000x64xf32, #tpu.memory_space<hbm>>
      tpu.wait_indirect_dma semaphore(%arg23 : memref<!tpu.dma_semaphore, #tpu.memory_space<semaphore_mem>>) src(%dma_wait3A_500 : memref<10000x64xf32, #tpu.memory_space<hbm>>) dst(%arg12 : memref<125x64xf32, #tpu.memory_space<vmem>>)
      %add3A_501 = arith.constant 5 : i32
      %add3A_502 = arith.addi %mul3A_412, %add3A_501 : i32
      %dma_start3A_503 = arith.constant 0 : i32
      %dma_start3A_504 = tpu.memref_slice %arg6[%add3A_502, %dma_start3A_503] : memref<40x125xi32, #tpu.memory_space<vmem>> -> memref<1x125xi32, #tpu.memory_space<vmem>>
      %dma_start3A_505 = tpu.memref_squeeze %dma_start3A_504 : memref<1x125xi32, #tpu.memory_space<vmem>> -> memref<125xi32, #tpu.memory_space<vmem>>
      %dma_start3A_506 = arith.constant 0 : i32
      %dma_start3A_507 = arith.constant 0 : i32
      %dma_start3A_508 = tpu.memref_slice %arg17[%dma_start3A_506, %dma_start3A_507] : memref<10000x64xf32, #tpu.memory_space<vmem_shared>> -> memref<10000x64xf32, #tpu.memory_space<vmem_shared>>
      tpu.enqueue_indirect_dma source(%arg12 : memref<125x64xf32, #tpu.memory_space<vmem>>) target(%dma_start3A_508 : memref<10000x64xf32, #tpu.memory_space<vmem_shared>>) offsets(%dma_start3A_505 : memref<125xi32, #tpu.memory_space<vmem>>) semaphore(%arg33 : memref<!tpu.dma_semaphore, #tpu.memory_space<semaphore_mem>>) {add = true}
      %add3A_509 = arith.constant 6 : i32
      %add3A_510 = arith.addi %mul3A_412, %add3A_509 : i32
      %dma_wait3A_511 = arith.constant 0 : i32
      %dma_wait3A_512 = tpu.memref_slice %arg5[%add3A_510, %dma_wait3A_511] : memref<40x125xi32, #tpu.memory_space<vmem>> -> memref<1x125xi32, #tpu.memory_space<vmem>>
      %dma_wait3A_513 = tpu.memref_squeeze %dma_wait3A_512 : memref<1x125xi32, #tpu.memory_space<vmem>> -> memref<125xi32, #tpu.memory_space<vmem>>
      %dma_wait3A_514 = arith.constant 0 : i32
      %dma_wait3A_515 = arith.constant 0 : i32
      %dma_wait3A_516 = tpu.memref_slice %arg2[%dma_wait3A_514, %dma_wait3A_515] : memref<10000x64xf32, #tpu.memory_space<hbm>> -> memref<10000x64xf32, #tpu.memory_space<hbm>>
      tpu.wait_indirect_dma semaphore(%arg24 : memref<!tpu.dma_semaphore, #tpu.memory_space<semaphore_mem>>) src(%dma_wait3A_516 : memref<10000x64xf32, #tpu.memory_space<hbm>>) dst(%arg13 : memref<125x64xf32, #tpu.memory_space<vmem>>)
      %add3A_517 = arith.constant 6 : i32
      %add3A_518 = arith.addi %mul3A_412, %add3A_517 : i32
      %dma_start3A_519 = arith.constant 0 : i32
      %dma_start3A_520 = tpu.memref_slice %arg6[%add3A_518, %dma_start3A_519] : memref<40x125xi32, #tpu.memory_space<vmem>> -> memref<1x125xi32, #tpu.memory_space<vmem>>
      %dma_start3A_521 = tpu.memref_squeeze %dma_start3A_520 : memref<1x125xi32, #tpu.memory_space<vmem>> -> memref<125xi32, #tpu.memory_space<vmem>>
      %dma_start3A_522 = arith.constant 0 : i32
      %dma_start3A_523 = arith.constant 0 : i32
      %dma_start3A_524 = tpu.memref_slice %arg17[%dma_start3A_522, %dma_start3A_523] : memref<10000x64xf32, #tpu.memory_space<vmem_shared>> -> memref<10000x64xf32, #tpu.memory_space<vmem_shared>>
      tpu.enqueue_indirect_dma source(%arg13 : memref<125x64xf32, #tpu.memory_space<vmem>>) target(%dma_start3A_524 : memref<10000x64xf32, #tpu.memory_space<vmem_shared>>) offsets(%dma_start3A_521 : memref<125xi32, #tpu.memory_space<vmem>>) semaphore(%arg34 : memref<!tpu.dma_semaphore, #tpu.memory_space<semaphore_mem>>) {add = true}
      %add3A_525 = arith.constant 7 : i32
      %add3A_526 = arith.addi %mul3A_412, %add3A_525 : i32
      %dma_wait3A_527 = arith.constant 0 : i32
      %dma_wait3A_528 = tpu.memref_slice %arg5[%add3A_526, %dma_wait3A_527] : memref<40x125xi32, #tpu.memory_space<vmem>> -> memref<1x125xi32, #tpu.memory_space<vmem>>
      %dma_wait3A_529 = tpu.memref_squeeze %dma_wait3A_528 : memref<1x125xi32, #tpu.memory_space<vmem>> -> memref<125xi32, #tpu.memory_space<vmem>>
      %dma_wait3A_530 = arith.constant 0 : i32
      %dma_wait3A_531 = arith.constant 0 : i32
      %dma_wait3A_532 = tpu.memref_slice %arg2[%dma_wait3A_530, %dma_wait3A_531] : memref<10000x64xf32, #tpu.memory_space<hbm>> -> memref<10000x64xf32, #tpu.memory_space<hbm>>
      tpu.wait_indirect_dma semaphore(%arg25 : memref<!tpu.dma_semaphore, #tpu.memory_space<semaphore_mem>>) src(%dma_wait3A_532 : memref<10000x64xf32, #tpu.memory_space<hbm>>) dst(%arg14 : memref<125x64xf32, #tpu.memory_space<vmem>>)
      %add3A_533 = arith.constant 7 : i32
      %add3A_534 = arith.addi %mul3A_412, %add3A_533 : i32
      %dma_start3A_535 = arith.constant 0 : i32
      %dma_start3A_536 = tpu.memref_slice %arg6[%add3A_534, %dma_start3A_535] : memref<40x125xi32, #tpu.memory_space<vmem>> -> memref<1x125xi32, #tpu.memory_space<vmem>>
      %dma_start3A_537 = tpu.memref_squeeze %dma_start3A_536 : memref<1x125xi32, #tpu.memory_space<vmem>> -> memref<125xi32, #tpu.memory_space<vmem>>
      %dma_start3A_538 = arith.constant 0 : i32
      %dma_start3A_539 = arith.constant 0 : i32
      %dma_start3A_540 = tpu.memref_slice %arg17[%dma_start3A_538, %dma_start3A_539] : memref<10000x64xf32, #tpu.memory_space<vmem_shared>> -> memref<10000x64xf32, #tpu.memory_space<vmem_shared>>
      tpu.enqueue_indirect_dma source(%arg14 : memref<125x64xf32, #tpu.memory_space<vmem>>) target(%dma_start3A_540 : memref<10000x64xf32, #tpu.memory_space<vmem_shared>>) offsets(%dma_start3A_537 : memref<125xi32, #tpu.memory_space<vmem>>) semaphore(%arg35 : memref<!tpu.dma_semaphore, #tpu.memory_space<semaphore_mem>>) {add = true}
      %add3A_541 = arith.constant 8 : i32
      %add3A_542 = arith.addi %mul3A_412, %add3A_541 : i32
      %dma_wait3A_543 = arith.constant 0 : i32
      %dma_wait3A_544 = tpu.memref_slice %arg5[%add3A_542, %dma_wait3A_543] : memref<40x125xi32, #tpu.memory_space<vmem>> -> memref<1x125xi32, #tpu.memory_space<vmem>>
      %dma_wait3A_545 = tpu.memref_squeeze %dma_wait3A_544 : memref<1x125xi32, #tpu.memory_space<vmem>> -> memref<125xi32, #tpu.memory_space<vmem>>
      %dma_wait3A_546 = arith.constant 0 : i32
      %dma_wait3A_547 = arith.constant 0 : i32
      %dma_wait3A_548 = tpu.memref_slice %arg2[%dma_wait3A_546, %dma_wait3A_547] : memref<10000x64xf32, #tpu.memory_space<hbm>> -> memref<10000x64xf32, #tpu.memory_space<hbm>>
      tpu.wait_indirect_dma semaphore(%arg26 : memref<!tpu.dma_semaphore, #tpu.memory_space<semaphore_mem>>) src(%dma_wait3A_548 : memref<10000x64xf32, #tpu.memory_space<hbm>>) dst(%arg15 : memref<125x64xf32, #tpu.memory_space<vmem>>)
      %add3A_549 = arith.constant 8 : i32
      %add3A_550 = arith.addi %mul3A_412, %add3A_549 : i32
      %dma_start3A_551 = arith.constant 0 : i32
      %dma_start3A_552 = tpu.memref_slice %arg6[%add3A_550, %dma_start3A_551] : memref<40x125xi32, #tpu.memory_space<vmem>> -> memref<1x125xi32, #tpu.memory_space<vmem>>
      %dma_start3A_553 = tpu.memref_squeeze %dma_start3A_552 : memref<1x125xi32, #tpu.memory_space<vmem>> -> memref<125xi32, #tpu.memory_space<vmem>>
      %dma_start3A_554 = arith.constant 0 : i32
      %dma_start3A_555 = arith.constant 0 : i32
      %dma_start3A_556 = tpu.memref_slice %arg17[%dma_start3A_554, %dma_start3A_555] : memref<10000x64xf32, #tpu.memory_space<vmem_shared>> -> memref<10000x64xf32, #tpu.memory_space<vmem_shared>>
      tpu.enqueue_indirect_dma source(%arg15 : memref<125x64xf32, #tpu.memory_space<vmem>>) target(%dma_start3A_556 : memref<10000x64xf32, #tpu.memory_space<vmem_shared>>) offsets(%dma_start3A_553 : memref<125xi32, #tpu.memory_space<vmem>>) semaphore(%arg36 : memref<!tpu.dma_semaphore, #tpu.memory_space<semaphore_mem>>) {add = true}
      %add3A_557 = arith.constant 9 : i32
      %add3A_558 = arith.addi %mul3A_412, %add3A_557 : i32
      %dma_wait3A_559 = arith.constant 0 : i32
      %dma_wait3A_560 = tpu.memref_slice %arg5[%add3A_558, %dma_wait3A_559] : memref<40x125xi32, #tpu.memory_space<vmem>> -> memref<1x125xi32, #tpu.memory_space<vmem>>
      %dma_wait3A_561 = tpu.memref_squeeze %dma_wait3A_560 : memref<1x125xi32, #tpu.memory_space<vmem>> -> memref<125xi32, #tpu.memory_space<vmem>>
      %dma_wait3A_562 = arith.constant 0 : i32
      %dma_wait3A_563 = arith.constant 0 : i32
      %dma_wait3A_564 = tpu.memref_slice %arg2[%dma_wait3A_562, %dma_wait3A_563] : memref<10000x64xf32, #tpu.memory_space<hbm>> -> memref<10000x64xf32, #tpu.memory_space<hbm>>
      tpu.wait_indirect_dma semaphore(%arg27 : memref<!tpu.dma_semaphore, #tpu.memory_space<semaphore_mem>>) src(%dma_wait3A_564 : memref<10000x64xf32, #tpu.memory_space<hbm>>) dst(%arg16 : memref<125x64xf32, #tpu.memory_space<vmem>>)
      %add3A_565 = arith.constant 9 : i32
      %add3A_566 = arith.addi %mul3A_412, %add3A_565 : i32
      %dma_start3A_567 = arith.constant 0 : i32
      %dma_start3A_568 = tpu.memref_slice %arg6[%add3A_566, %dma_start3A_567] : memref<40x125xi32, #tpu.memory_space<vmem>> -> memref<1x125xi32, #tpu.memory_space<vmem>>
      %dma_start3A_569 = tpu.memref_squeeze %dma_start3A_568 : memref<1x125xi32, #tpu.memory_space<vmem>> -> memref<125xi32, #tpu.memory_space<vmem>>
      %dma_start3A_570 = arith.constant 0 : i32
      %dma_start3A_571 = arith.constant 0 : i32
      %dma_start3A_572 = tpu.memref_slice %arg17[%dma_start3A_570, %dma_start3A_571] : memref<10000x64xf32, #tpu.memory_space<vmem_shared>> -> memref<10000x64xf32, #tpu.memory_space<vmem_shared>>
      tpu.enqueue_indirect_dma source(%arg16 : memref<125x64xf32, #tpu.memory_space<vmem>>) target(%dma_start3A_572 : memref<10000x64xf32, #tpu.memory_space<vmem_shared>>) offsets(%dma_start3A_569 : memref<125xi32, #tpu.memory_space<vmem>>) semaphore(%arg37 : memref<!tpu.dma_semaphore, #tpu.memory_space<semaphore_mem>>) {add = true}
      %add3A_573 = arith.constant 0 : i32
      %add3A_574 = arith.addi %mul3A_412, %add3A_573 : i32
      %dma_wait3A_575 = arith.constant 0 : i32
      %dma_wait3A_576 = tpu.memref_slice %arg6[%add3A_574, %dma_wait3A_575] : memref<40x125xi32, #tpu.memory_space<vmem>> -> memref<1x125xi32, #tpu.memory_space<vmem>>
      %dma_wait3A_577 = tpu.memref_squeeze %dma_wait3A_576 : memref<1x125xi32, #tpu.memory_space<vmem>> -> memref<125xi32, #tpu.memory_space<vmem>>
      %dma_wait3A_578 = arith.constant 0 : i32
      %dma_wait3A_579 = arith.constant 0 : i32
      %dma_wait3A_580 = tpu.memref_slice %arg17[%dma_wait3A_578, %dma_wait3A_579] : memref<10000x64xf32, #tpu.memory_space<vmem_shared>> -> memref<10000x64xf32, #tpu.memory_space<vmem_shared>>
      tpu.wait_indirect_dma semaphore(%arg28 : memref<!tpu.dma_semaphore, #tpu.memory_space<semaphore_mem>>) src(%arg7 : memref<125x64xf32, #tpu.memory_space<vmem>>) dst(%dma_wait3A_580 : memref<10000x64xf32, #tpu.memory_space<vmem_shared>>)
      %add3A_581 = arith.constant 10 : i32
      %add3A_582 = arith.addi %mul3A_412, %add3A_581 : i32
      %add3A_583 = arith.constant 0 : i32
      %add3A_584 = arith.addi %add3A_582, %add3A_583 : i32
      %dma_start3A_585 = arith.constant 0 : i32
      %dma_start3A_586 = tpu.memref_slice %arg5[%add3A_584, %dma_start3A_585] : memref<40x125xi32, #tpu.memory_space<vmem>> -> memref<1x125xi32, #tpu.memory_space<vmem>>
      %dma_start3A_587 = tpu.memref_squeeze %dma_start3A_586 : memref<1x125xi32, #tpu.memory_space<vmem>> -> memref<125xi32, #tpu.memory_space<vmem>>
      %dma_start3A_588 = arith.constant 0 : i32
      %dma_start3A_589 = arith.constant 0 : i32
      %dma_start3A_590 = tpu.memref_slice %arg2[%dma_start3A_588, %dma_start3A_589] : memref<10000x64xf32, #tpu.memory_space<hbm>> -> memref<10000x64xf32, #tpu.memory_space<hbm>>
      tpu.enqueue_indirect_dma source(%dma_start3A_590 : memref<10000x64xf32, #tpu.memory_space<hbm>>) target(%arg7 : memref<125x64xf32, #tpu.memory_space<vmem>>) offsets(%dma_start3A_587 : memref<125xi32, #tpu.memory_space<vmem>>) semaphore(%arg18 : memref<!tpu.dma_semaphore, #tpu.memory_space<semaphore_mem>>)
      %add3A_591 = arith.constant 1 : i32
      %add3A_592 = arith.addi %mul3A_412, %add3A_591 : i32
      %dma_wait3A_593 = arith.constant 0 : i32
      %dma_wait3A_594 = tpu.memref_slice %arg6[%add3A_592, %dma_wait3A_593] : memref<40x125xi32, #tpu.memory_space<vmem>> -> memref<1x125xi32, #tpu.memory_space<vmem>>
      %dma_wait3A_595 = tpu.memref_squeeze %dma_wait3A_594 : memref<1x125xi32, #tpu.memory_space<vmem>> -> memref<125xi32, #tpu.memory_space<vmem>>
      %dma_wait3A_596 = arith.constant 0 : i32
      %dma_wait3A_597 = arith.constant 0 : i32
      %dma_wait3A_598 = tpu.memref_slice %arg17[%dma_wait3A_596, %dma_wait3A_597] : memref<10000x64xf32, #tpu.memory_space<vmem_shared>> -> memref<10000x64xf32, #tpu.memory_space<vmem_shared>>
      tpu.wait_indirect_dma semaphore(%arg29 : memref<!tpu.dma_semaphore, #tpu.memory_space<semaphore_mem>>) src(%arg8 : memref<125x64xf32, #tpu.memory_space<vmem>>) dst(%dma_wait3A_598 : memref<10000x64xf32, #tpu.memory_space<vmem_shared>>)
      %add3A_599 = arith.constant 10 : i32
      %add3A_600 = arith.addi %mul3A_412, %add3A_599 : i32
      %add3A_601 = arith.constant 1 : i32
      %add3A_602 = arith.addi %add3A_600, %add3A_601 : i32
      %dma_start3A_603 = arith.constant 0 : i32
      %dma_start3A_604 = tpu.memref_slice %arg5[%add3A_602, %dma_start3A_603] : memref<40x125xi32, #tpu.memory_space<vmem>> -> memref<1x125xi32, #tpu.memory_space<vmem>>
      %dma_start3A_605 = tpu.memref_squeeze %dma_start3A_604 : memref<1x125xi32, #tpu.memory_space<vmem>> -> memref<125xi32, #tpu.memory_space<vmem>>
      %dma_start3A_606 = arith.constant 0 : i32
      %dma_start3A_607 = arith.constant 0 : i32
      %dma_start3A_608 = tpu.memref_slice %arg2[%dma_start3A_606, %dma_start3A_607] : memref<10000x64xf32, #tpu.memory_space<hbm>> -> memref<10000x64xf32, #tpu.memory_space<hbm>>
      tpu.enqueue_indirect_dma source(%dma_start3A_608 : memref<10000x64xf32, #tpu.memory_space<hbm>>) target(%arg8 : memref<125x64xf32, #tpu.memory_space<vmem>>) offsets(%dma_start3A_605 : memref<125xi32, #tpu.memory_space<vmem>>) semaphore(%arg19 : memref<!tpu.dma_semaphore, #tpu.memory_space<semaphore_mem>>)
      %add3A_609 = arith.constant 2 : i32
      %add3A_610 = arith.addi %mul3A_412, %add3A_609 : i32
      %dma_wait3A_611 = arith.constant 0 : i32
      %dma_wait3A_612 = tpu.memref_slice %arg6[%add3A_610, %dma_wait3A_611] : memref<40x125xi32, #tpu.memory_space<vmem>> -> memref<1x125xi32, #tpu.memory_space<vmem>>
      %dma_wait3A_613 = tpu.memref_squeeze %dma_wait3A_612 : memref<1x125xi32, #tpu.memory_space<vmem>> -> memref<125xi32, #tpu.memory_space<vmem>>
      %dma_wait3A_614 = arith.constant 0 : i32
      %dma_wait3A_615 = arith.constant 0 : i32
      %dma_wait3A_616 = tpu.memref_slice %arg17[%dma_wait3A_614, %dma_wait3A_615] : memref<10000x64xf32, #tpu.memory_space<vmem_shared>> -> memref<10000x64xf32, #tpu.memory_space<vmem_shared>>
      tpu.wait_indirect_dma semaphore(%arg30 : memref<!tpu.dma_semaphore, #tpu.memory_space<semaphore_mem>>) src(%arg9 : memref<125x64xf32, #tpu.memory_space<vmem>>) dst(%dma_wait3A_616 : memref<10000x64xf32, #tpu.memory_space<vmem_shared>>)
      %add3A_617 = arith.constant 10 : i32
      %add3A_618 = arith.addi %mul3A_412, %add3A_617 : i32
      %add3A_619 = arith.constant 2 : i32
      %add3A_620 = arith.addi %add3A_618, %add3A_619 : i32
      %dma_start3A_621 = arith.constant 0 : i32
      %dma_start3A_622 = tpu.memref_slice %arg5[%add3A_620, %dma_start3A_621] : memref<40x125xi32, #tpu.memory_space<vmem>> -> memref<1x125xi32, #tpu.memory_space<vmem>>
      %dma_start3A_623 = tpu.memref_squeeze %dma_start3A_622 : memref<1x125xi32, #tpu.memory_space<vmem>> -> memref<125xi32, #tpu.memory_space<vmem>>
      %dma_start3A_624 = arith.constant 0 : i32
      %dma_start3A_625 = arith.constant 0 : i32
      %dma_start3A_626 = tpu.memref_slice %arg2[%dma_start3A_624, %dma_start3A_625] : memref<10000x64xf32, #tpu.memory_space<hbm>> -> memref<10000x64xf32, #tpu.memory_space<hbm>>
      tpu.enqueue_indirect_dma source(%dma_start3A_626 : memref<10000x64xf32, #tpu.memory_space<hbm>>) target(%arg9 : memref<125x64xf32, #tpu.memory_space<vmem>>) offsets(%dma_start3A_623 : memref<125xi32, #tpu.memory_space<vmem>>) semaphore(%arg20 : memref<!tpu.dma_semaphore, #tpu.memory_space<semaphore_mem>>)
      %add3A_627 = arith.constant 3 : i32
      %add3A_628 = arith.addi %mul3A_412, %add3A_627 : i32
      %dma_wait3A_629 = arith.constant 0 : i32
      %dma_wait3A_630 = tpu.memref_slice %arg6[%add3A_628, %dma_wait3A_629] : memref<40x125xi32, #tpu.memory_space<vmem>> -> memref<1x125xi32, #tpu.memory_space<vmem>>
      %dma_wait3A_631 = tpu.memref_squeeze %dma_wait3A_630 : memref<1x125xi32, #tpu.memory_space<vmem>> -> memref<125xi32, #tpu.memory_space<vmem>>
      %dma_wait3A_632 = arith.constant 0 : i32
      %dma_wait3A_633 = arith.constant 0 : i32
      %dma_wait3A_634 = tpu.memref_slice %arg17[%dma_wait3A_632, %dma_wait3A_633] : memref<10000x64xf32, #tpu.memory_space<vmem_shared>> -> memref<10000x64xf32, #tpu.memory_space<vmem_shared>>
      tpu.wait_indirect_dma semaphore(%arg31 : memref<!tpu.dma_semaphore, #tpu.memory_space<semaphore_mem>>) src(%arg10 : memref<125x64xf32, #tpu.memory_space<vmem>>) dst(%dma_wait3A_634 : memref<10000x64xf32, #tpu.memory_space<vmem_shared>>)
      %add3A_635 = arith.constant 10 : i32
      %add3A_636 = arith.addi %mul3A_412, %add3A_635 : i32
      %add3A_637 = arith.constant 3 : i32
      %add3A_638 = arith.addi %add3A_636, %add3A_637 : i32
      %dma_start3A_639 = arith.constant 0 : i32
      %dma_start3A_640 = tpu.memref_slice %arg5[%add3A_638, %dma_start3A_639] : memref<40x125xi32, #tpu.memory_space<vmem>> -> memref<1x125xi32, #tpu.memory_space<vmem>>
      %dma_start3A_641 = tpu.memref_squeeze %dma_start3A_640 : memref<1x125xi32, #tpu.memory_space<vmem>> -> memref<125xi32, #tpu.memory_space<vmem>>
      %dma_start3A_642 = arith.constant 0 : i32
      %dma_start3A_643 = arith.constant 0 : i32
      %dma_start3A_644 = tpu.memref_slice %arg2[%dma_start3A_642, %dma_start3A_643] : memref<10000x64xf32, #tpu.memory_space<hbm>> -> memref<10000x64xf32, #tpu.memory_space<hbm>>
      tpu.enqueue_indirect_dma source(%dma_start3A_644 : memref<10000x64xf32, #tpu.memory_space<hbm>>) target(%arg10 : memref<125x64xf32, #tpu.memory_space<vmem>>) offsets(%dma_start3A_641 : memref<125xi32, #tpu.memory_space<vmem>>) semaphore(%arg21 : memref<!tpu.dma_semaphore, #tpu.memory_space<semaphore_mem>>)
      %add3A_645 = arith.constant 4 : i32
      %add3A_646 = arith.addi %mul3A_412, %add3A_645 : i32
      %dma_wait3A_647 = arith.constant 0 : i32
      %dma_wait3A_648 = tpu.memref_slice %arg6[%add3A_646, %dma_wait3A_647] : memref<40x125xi32, #tpu.memory_space<vmem>> -> memref<1x125xi32, #tpu.memory_space<vmem>>
      %dma_wait3A_649 = tpu.memref_squeeze %dma_wait3A_648 : memref<1x125xi32, #tpu.memory_space<vmem>> -> memref<125xi32, #tpu.memory_space<vmem>>
      %dma_wait3A_650 = arith.constant 0 : i32
      %dma_wait3A_651 = arith.constant 0 : i32
      %dma_wait3A_652 = tpu.memref_slice %arg17[%dma_wait3A_650, %dma_wait3A_651] : memref<10000x64xf32, #tpu.memory_space<vmem_shared>> -> memref<10000x64xf32, #tpu.memory_space<vmem_shared>>
      tpu.wait_indirect_dma semaphore(%arg32 : memref<!tpu.dma_semaphore, #tpu.memory_space<semaphore_mem>>) src(%arg11 : memref<125x64xf32, #tpu.memory_space<vmem>>) dst(%dma_wait3A_652 : memref<10000x64xf32, #tpu.memory_space<vmem_shared>>)
      %add3A_653 = arith.constant 10 : i32
      %add3A_654 = arith.addi %mul3A_412, %add3A_653 : i32
      %add3A_655 = arith.constant 4 : i32
      %add3A_656 = arith.addi %add3A_654, %add3A_655 : i32
      %dma_start3A_657 = arith.constant 0 : i32
      %dma_start3A_658 = tpu.memref_slice %arg5[%add3A_656, %dma_start3A_657] : memref<40x125xi32, #tpu.memory_space<vmem>> -> memref<1x125xi32, #tpu.memory_space<vmem>>
      %dma_start3A_659 = tpu.memref_squeeze %dma_start3A_658 : memref<1x125xi32, #tpu.memory_space<vmem>> -> memref<125xi32, #tpu.memory_space<vmem>>
      %dma_start3A_660 = arith.constant 0 : i32
      %dma_start3A_661 = arith.constant 0 : i32
      %dma_start3A_662 = tpu.memref_slice %arg2[%dma_start3A_660, %dma_start3A_661] : memref<10000x64xf32, #tpu.memory_space<hbm>> -> memref<10000x64xf32, #tpu.memory_space<hbm>>
      tpu.enqueue_indirect_dma source(%dma_start3A_662 : memref<10000x64xf32, #tpu.memory_space<hbm>>) target(%arg11 : memref<125x64xf32, #tpu.memory_space<vmem>>) offsets(%dma_start3A_659 : memref<125xi32, #tpu.memory_space<vmem>>) semaphore(%arg22 : memref<!tpu.dma_semaphore, #tpu.memory_space<semaphore_mem>>)
      %add3A_663 = arith.constant 5 : i32
      %add3A_664 = arith.addi %mul3A_412, %add3A_663 : i32
      %dma_wait3A_665 = arith.constant 0 : i32
      %dma_wait3A_666 = tpu.memref_slice %arg6[%add3A_664, %dma_wait3A_665] : memref<40x125xi32, #tpu.memory_space<vmem>> -> memref<1x125xi32, #tpu.memory_space<vmem>>
      %dma_wait3A_667 = tpu.memref_squeeze %dma_wait3A_666 : memref<1x125xi32, #tpu.memory_space<vmem>> -> memref<125xi32, #tpu.memory_space<vmem>>
      %dma_wait3A_668 = arith.constant 0 : i32
      %dma_wait3A_669 = arith.constant 0 : i32
      %dma_wait3A_670 = tpu.memref_slice %arg17[%dma_wait3A_668, %dma_wait3A_669] : memref<10000x64xf32, #tpu.memory_space<vmem_shared>> -> memref<10000x64xf32, #tpu.memory_space<vmem_shared>>
      tpu.wait_indirect_dma semaphore(%arg33 : memref<!tpu.dma_semaphore, #tpu.memory_space<semaphore_mem>>) src(%arg12 : memref<125x64xf32, #tpu.memory_space<vmem>>) dst(%dma_wait3A_670 : memref<10000x64xf32, #tpu.memory_space<vmem_shared>>)
      %add3A_671 = arith.constant 10 : i32
      %add3A_672 = arith.addi %mul3A_412, %add3A_671 : i32
      %add3A_673 = arith.constant 5 : i32
      %add3A_674 = arith.addi %add3A_672, %add3A_673 : i32
      %dma_start3A_675 = arith.constant 0 : i32
      %dma_start3A_676 = tpu.memref_slice %arg5[%add3A_674, %dma_start3A_675] : memref<40x125xi32, #tpu.memory_space<vmem>> -> memref<1x125xi32, #tpu.memory_space<vmem>>
      %dma_start3A_677 = tpu.memref_squeeze %dma_start3A_676 : memref<1x125xi32, #tpu.memory_space<vmem>> -> memref<125xi32, #tpu.memory_space<vmem>>
      %dma_start3A_678 = arith.constant 0 : i32
      %dma_start3A_679 = arith.constant 0 : i32
      %dma_start3A_680 = tpu.memref_slice %arg2[%dma_start3A_678, %dma_start3A_679] : memref<10000x64xf32, #tpu.memory_space<hbm>> -> memref<10000x64xf32, #tpu.memory_space<hbm>>
      tpu.enqueue_indirect_dma source(%dma_start3A_680 : memref<10000x64xf32, #tpu.memory_space<hbm>>) target(%arg12 : memref<125x64xf32, #tpu.memory_space<vmem>>) offsets(%dma_start3A_677 : memref<125xi32, #tpu.memory_space<vmem>>) semaphore(%arg23 : memref<!tpu.dma_semaphore, #tpu.memory_space<semaphore_mem>>)
      %add3A_681 = arith.constant 6 : i32
      %add3A_682 = arith.addi %mul3A_412, %add3A_681 : i32
      %dma_wait3A_683 = arith.constant 0 : i32
      %dma_wait3A_684 = tpu.memref_slice %arg6[%add3A_682, %dma_wait3A_683] : memref<40x125xi32, #tpu.memory_space<vmem>> -> memref<1x125xi32, #tpu.memory_space<vmem>>
      %dma_wait3A_685 = tpu.memref_squeeze %dma_wait3A_684 : memref<1x125xi32, #tpu.memory_space<vmem>> -> memref<125xi32, #tpu.memory_space<vmem>>
      %dma_wait3A_686 = arith.constant 0 : i32
      %dma_wait3A_687 = arith.constant 0 : i32
      %dma_wait3A_688 = tpu.memref_slice %arg17[%dma_wait3A_686, %dma_wait3A_687] : memref<10000x64xf32, #tpu.memory_space<vmem_shared>> -> memref<10000x64xf32, #tpu.memory_space<vmem_shared>>
      tpu.wait_indirect_dma semaphore(%arg34 : memref<!tpu.dma_semaphore, #tpu.memory_space<semaphore_mem>>) src(%arg13 : memref<125x64xf32, #tpu.memory_space<vmem>>) dst(%dma_wait3A_688 : memref<10000x64xf32, #tpu.memory_space<vmem_shared>>)
      %add3A_689 = arith.constant 10 : i32
      %add3A_690 = arith.addi %mul3A_412, %add3A_689 : i32
      %add3A_691 = arith.constant 6 : i32
      %add3A_692 = arith.addi %add3A_690, %add3A_691 : i32
      %dma_start3A_693 = arith.constant 0 : i32
      %dma_start3A_694 = tpu.memref_slice %arg5[%add3A_692, %dma_start3A_693] : memref<40x125xi32, #tpu.memory_space<vmem>> -> memref<1x125xi32, #tpu.memory_space<vmem>>
      %dma_start3A_695 = tpu.memref_squeeze %dma_start3A_694 : memref<1x125xi32, #tpu.memory_space<vmem>> -> memref<125xi32, #tpu.memory_space<vmem>>
      %dma_start3A_696 = arith.constant 0 : i32
      %dma_start3A_697 = arith.constant 0 : i32
      %dma_start3A_698 = tpu.memref_slice %arg2[%dma_start3A_696, %dma_start3A_697] : memref<10000x64xf32, #tpu.memory_space<hbm>> -> memref<10000x64xf32, #tpu.memory_space<hbm>>
      tpu.enqueue_indirect_dma source(%dma_start3A_698 : memref<10000x64xf32, #tpu.memory_space<hbm>>) target(%arg13 : memref<125x64xf32, #tpu.memory_space<vmem>>) offsets(%dma_start3A_695 : memref<125xi32, #tpu.memory_space<vmem>>) semaphore(%arg24 : memref<!tpu.dma_semaphore, #tpu.memory_space<semaphore_mem>>)
      %add3A_699 = arith.constant 7 : i32
      %add3A_700 = arith.addi %mul3A_412, %add3A_699 : i32
      %dma_wait3A_701 = arith.constant 0 : i32
      %dma_wait3A_702 = tpu.memref_slice %arg6[%add3A_700, %dma_wait3A_701] : memref<40x125xi32, #tpu.memory_space<vmem>> -> memref<1x125xi32, #tpu.memory_space<vmem>>
      %dma_wait3A_703 = tpu.memref_squeeze %dma_wait3A_702 : memref<1x125xi32, #tpu.memory_space<vmem>> -> memref<125xi32, #tpu.memory_space<vmem>>
      %dma_wait3A_704 = arith.constant 0 : i32
      %dma_wait3A_705 = arith.constant 0 : i32
      %dma_wait3A_706 = tpu.memref_slice %arg17[%dma_wait3A_704, %dma_wait3A_705] : memref<10000x64xf32, #tpu.memory_space<vmem_shared>> -> memref<10000x64xf32, #tpu.memory_space<vmem_shared>>
      tpu.wait_indirect_dma semaphore(%arg35 : memref<!tpu.dma_semaphore, #tpu.memory_space<semaphore_mem>>) src(%arg14 : memref<125x64xf32, #tpu.memory_space<vmem>>) dst(%dma_wait3A_706 : memref<10000x64xf32, #tpu.memory_space<vmem_shared>>)
      %add3A_707 = arith.constant 10 : i32
      %add3A_708 = arith.addi %mul3A_412, %add3A_707 : i32
      %add3A_709 = arith.constant 7 : i32
      %add3A_710 = arith.addi %add3A_708, %add3A_709 : i32
      %dma_start3A_711 = arith.constant 0 : i32
      %dma_start3A_712 = tpu.memref_slice %arg5[%add3A_710, %dma_start3A_711] : memref<40x125xi32, #tpu.memory_space<vmem>> -> memref<1x125xi32, #tpu.memory_space<vmem>>
      %dma_start3A_713 = tpu.memref_squeeze %dma_start3A_712 : memref<1x125xi32, #tpu.memory_space<vmem>> -> memref<125xi32, #tpu.memory_space<vmem>>
      %dma_start3A_714 = arith.constant 0 : i32
      %dma_start3A_715 = arith.constant 0 : i32
      %dma_start3A_716 = tpu.memref_slice %arg2[%dma_start3A_714, %dma_start3A_715] : memref<10000x64xf32, #tpu.memory_space<hbm>> -> memref<10000x64xf32, #tpu.memory_space<hbm>>
      tpu.enqueue_indirect_dma source(%dma_start3A_716 : memref<10000x64xf32, #tpu.memory_space<hbm>>) target(%arg14 : memref<125x64xf32, #tpu.memory_space<vmem>>) offsets(%dma_start3A_713 : memref<125xi32, #tpu.memory_space<vmem>>) semaphore(%arg25 : memref<!tpu.dma_semaphore, #tpu.memory_space<semaphore_mem>>)
      %add3A_717 = arith.constant 8 : i32
      %add3A_718 = arith.addi %mul3A_412, %add3A_717 : i32
      %dma_wait3A_719 = arith.constant 0 : i32
      %dma_wait3A_720 = tpu.memref_slice %arg6[%add3A_718, %dma_wait3A_719] : memref<40x125xi32, #tpu.memory_space<vmem>> -> memref<1x125xi32, #tpu.memory_space<vmem>>
      %dma_wait3A_721 = tpu.memref_squeeze %dma_wait3A_720 : memref<1x125xi32, #tpu.memory_space<vmem>> -> memref<125xi32, #tpu.memory_space<vmem>>
      %dma_wait3A_722 = arith.constant 0 : i32
      %dma_wait3A_723 = arith.constant 0 : i32
      %dma_wait3A_724 = tpu.memref_slice %arg17[%dma_wait3A_722, %dma_wait3A_723] : memref<10000x64xf32, #tpu.memory_space<vmem_shared>> -> memref<10000x64xf32, #tpu.memory_space<vmem_shared>>
      tpu.wait_indirect_dma semaphore(%arg36 : memref<!tpu.dma_semaphore, #tpu.memory_space<semaphore_mem>>) src(%arg15 : memref<125x64xf32, #tpu.memory_space<vmem>>) dst(%dma_wait3A_724 : memref<10000x64xf32, #tpu.memory_space<vmem_shared>>)
      %add3A_725 = arith.constant 10 : i32
      %add3A_726 = arith.addi %mul3A_412, %add3A_725 : i32
      %add3A_727 = arith.constant 8 : i32
      %add3A_728 = arith.addi %add3A_726, %add3A_727 : i32
      %dma_start3A_729 = arith.constant 0 : i32
      %dma_start3A_730 = tpu.memref_slice %arg5[%add3A_728, %dma_start3A_729] : memref<40x125xi32, #tpu.memory_space<vmem>> -> memref<1x125xi32, #tpu.memory_space<vmem>>
      %dma_start3A_731 = tpu.memref_squeeze %dma_start3A_730 : memref<1x125xi32, #tpu.memory_space<vmem>> -> memref<125xi32, #tpu.memory_space<vmem>>
      %dma_start3A_732 = arith.constant 0 : i32
      %dma_start3A_733 = arith.constant 0 : i32
      %dma_start3A_734 = tpu.memref_slice %arg2[%dma_start3A_732, %dma_start3A_733] : memref<10000x64xf32, #tpu.memory_space<hbm>> -> memref<10000x64xf32, #tpu.memory_space<hbm>>
      tpu.enqueue_indirect_dma source(%dma_start3A_734 : memref<10000x64xf32, #tpu.memory_space<hbm>>) target(%arg15 : memref<125x64xf32, #tpu.memory_space<vmem>>) offsets(%dma_start3A_731 : memref<125xi32, #tpu.memory_space<vmem>>) semaphore(%arg26 : memref<!tpu.dma_semaphore, #tpu.memory_space<semaphore_mem>>)
      %add3A_735 = arith.constant 9 : i32
      %add3A_736 = arith.addi %mul3A_412, %add3A_735 : i32
      %dma_wait3A_737 = arith.constant 0 : i32
      %dma_wait3A_738 = tpu.memref_slice %arg6[%add3A_736, %dma_wait3A_737] : memref<40x125xi32, #tpu.memory_space<vmem>> -> memref<1x125xi32, #tpu.memory_space<vmem>>
      %dma_wait3A_739 = tpu.memref_squeeze %dma_wait3A_738 : memref<1x125xi32, #tpu.memory_space<vmem>> -> memref<125xi32, #tpu.memory_space<vmem>>
      %dma_wait3A_740 = arith.constant 0 : i32
      %dma_wait3A_741 = arith.constant 0 : i32
      %dma_wait3A_742 = tpu.memref_slice %arg17[%dma_wait3A_740, %dma_wait3A_741] : memref<10000x64xf32, #tpu.memory_space<vmem_shared>> -> memref<10000x64xf32, #tpu.memory_space<vmem_shared>>
      tpu.wait_indirect_dma semaphore(%arg37 : memref<!tpu.dma_semaphore, #tpu.memory_space<semaphore_mem>>) src(%arg16 : memref<125x64xf32, #tpu.memory_space<vmem>>) dst(%dma_wait3A_742 : memref<10000x64xf32, #tpu.memory_space<vmem_shared>>)
      %add3A_743 = arith.constant 10 : i32
      %add3A_744 = arith.addi %mul3A_412, %add3A_743 : i32
      %add3A_745 = arith.constant 9 : i32
      %add3A_746 = arith.addi %add3A_744, %add3A_745 : i32
      %dma_start3A_747 = arith.constant 0 : i32
      %dma_start3A_748 = tpu.memref_slice %arg5[%add3A_746, %dma_start3A_747] : memref<40x125xi32, #tpu.memory_space<vmem>> -> memref<1x125xi32, #tpu.memory_space<vmem>>
      %dma_start3A_749 = tpu.memref_squeeze %dma_start3A_748 : memref<1x125xi32, #tpu.memory_space<vmem>> -> memref<125xi32, #tpu.memory_space<vmem>>
      %dma_start3A_750 = arith.constant 0 : i32
      %dma_start3A_751 = arith.constant 0 : i32
      %dma_start3A_752 = tpu.memref_slice %arg2[%dma_start3A_750, %dma_start3A_751] : memref<10000x64xf32, #tpu.memory_space<hbm>> -> memref<10000x64xf32, #tpu.memory_space<hbm>>
      tpu.enqueue_indirect_dma source(%dma_start3A_752 : memref<10000x64xf32, #tpu.memory_space<hbm>>) target(%arg16 : memref<125x64xf32, #tpu.memory_space<vmem>>) offsets(%dma_start3A_749 : memref<125xi32, #tpu.memory_space<vmem>>) semaphore(%arg27 : memref<!tpu.dma_semaphore, #tpu.memory_space<semaphore_mem>>)
    }
    %scan3A_196 = arith.constant 3 : i32
    %dma_wait3A_197 = arith.constant 30 : i32
    %dma_wait3A_198 = arith.constant 0 : i32
    %dma_wait3A_199 = tpu.memref_slice %arg5[%dma_wait3A_197, %dma_wait3A_198] : memref<40x125xi32, #tpu.memory_space<vmem>> -> memref<1x125xi32, #tpu.memory_space<vmem>>
    %dma_wait3A_200 = tpu.memref_squeeze %dma_wait3A_199 : memref<1x125xi32, #tpu.memory_space<vmem>> -> memref<125xi32, #tpu.memory_space<vmem>>
    %dma_wait3A_201 = arith.constant 0 : i32
    %dma_wait3A_202 = arith.constant 0 : i32
    %dma_wait3A_203 = tpu.memref_slice %arg2[%dma_wait3A_201, %dma_wait3A_202] : memref<10000x64xf32, #tpu.memory_space<hbm>> -> memref<10000x64xf32, #tpu.memory_space<hbm>>
    tpu.wait_indirect_dma semaphore(%arg18 : memref<!tpu.dma_semaphore, #tpu.memory_space<semaphore_mem>>) src(%dma_wait3A_203 : memref<10000x64xf32, #tpu.memory_space<hbm>>) dst(%arg7 : memref<125x64xf32, #tpu.memory_space<vmem>>)
    %dma_start3A_204 = arith.constant 30 : i32
    %dma_start3A_205 = arith.constant 0 : i32
    %dma_start3A_206 = tpu.memref_slice %arg6[%dma_start3A_204, %dma_start3A_205] : memref<40x125xi32, #tpu.memory_space<vmem>> -> memref<1x125xi32, #tpu.memory_space<vmem>>
    %dma_start3A_207 = tpu.memref_squeeze %dma_start3A_206 : memref<1x125xi32, #tpu.memory_space<vmem>> -> memref<125xi32, #tpu.memory_space<vmem>>
    %dma_start3A_208 = arith.constant 0 : i32
    %dma_start3A_209 = arith.constant 0 : i32
    %dma_start3A_210 = tpu.memref_slice %arg17[%dma_start3A_208, %dma_start3A_209] : memref<10000x64xf32, #tpu.memory_space<vmem_shared>> -> memref<10000x64xf32, #tpu.memory_space<vmem_shared>>
    tpu.enqueue_indirect_dma source(%arg7 : memref<125x64xf32, #tpu.memory_space<vmem>>) target(%dma_start3A_210 : memref<10000x64xf32, #tpu.memory_space<vmem_shared>>) offsets(%dma_start3A_207 : memref<125xi32, #tpu.memory_space<vmem>>) semaphore(%arg28 : memref<!tpu.dma_semaphore, #tpu.memory_space<semaphore_mem>>) {add = true}
    %dma_wait3A_211 = arith.constant 31 : i32
    %dma_wait3A_212 = arith.constant 0 : i32
    %dma_wait3A_213 = tpu.memref_slice %arg5[%dma_wait3A_211, %dma_wait3A_212] : memref<40x125xi32, #tpu.memory_space<vmem>> -> memref<1x125xi32, #tpu.memory_space<vmem>>
    %dma_wait3A_214 = tpu.memref_squeeze %dma_wait3A_213 : memref<1x125xi32, #tpu.memory_space<vmem>> -> memref<125xi32, #tpu.memory_space<vmem>>
    %dma_wait3A_215 = arith.constant 0 : i32
    %dma_wait3A_216 = arith.constant 0 : i32
    %dma_wait3A_217 = tpu.memref_slice %arg2[%dma_wait3A_215, %dma_wait3A_216] : memref<10000x64xf32, #tpu.memory_space<hbm>> -> memref<10000x64xf32, #tpu.memory_space<hbm>>
    tpu.wait_indirect_dma semaphore(%arg19 : memref<!tpu.dma_semaphore, #tpu.memory_space<semaphore_mem>>) src(%dma_wait3A_217 : memref<10000x64xf32, #tpu.memory_space<hbm>>) dst(%arg8 : memref<125x64xf32, #tpu.memory_space<vmem>>)
    %dma_start3A_218 = arith.constant 31 : i32
    %dma_start3A_219 = arith.constant 0 : i32
    %dma_start3A_220 = tpu.memref_slice %arg6[%dma_start3A_218, %dma_start3A_219] : memref<40x125xi32, #tpu.memory_space<vmem>> -> memref<1x125xi32, #tpu.memory_space<vmem>>
    %dma_start3A_221 = tpu.memref_squeeze %dma_start3A_220 : memref<1x125xi32, #tpu.memory_space<vmem>> -> memref<125xi32, #tpu.memory_space<vmem>>
    %dma_start3A_222 = arith.constant 0 : i32
    %dma_start3A_223 = arith.constant 0 : i32
    %dma_start3A_224 = tpu.memref_slice %arg17[%dma_start3A_222, %dma_start3A_223] : memref<10000x64xf32, #tpu.memory_space<vmem_shared>> -> memref<10000x64xf32, #tpu.memory_space<vmem_shared>>
    tpu.enqueue_indirect_dma source(%arg8 : memref<125x64xf32, #tpu.memory_space<vmem>>) target(%dma_start3A_224 : memref<10000x64xf32, #tpu.memory_space<vmem_shared>>) offsets(%dma_start3A_221 : memref<125xi32, #tpu.memory_space<vmem>>) semaphore(%arg29 : memref<!tpu.dma_semaphore, #tpu.memory_space<semaphore_mem>>) {add = true}
    %dma_wait3A_225 = arith.constant 32 : i32
    %dma_wait3A_226 = arith.constant 0 : i32
    %dma_wait3A_227 = tpu.memref_slice %arg5[%dma_wait3A_225, %dma_wait3A_226] : memref<40x125xi32, #tpu.memory_space<vmem>> -> memref<1x125xi32, #tpu.memory_space<vmem>>
    %dma_wait3A_228 = tpu.memref_squeeze %dma_wait3A_227 : memref<1x125xi32, #tpu.memory_space<vmem>> -> memref<125xi32, #tpu.memory_space<vmem>>
    %dma_wait3A_229 = arith.constant 0 : i32
    %dma_wait3A_230 = arith.constant 0 : i32
    %dma_wait3A_231 = tpu.memref_slice %arg2[%dma_wait3A_229, %dma_wait3A_230] : memref<10000x64xf32, #tpu.memory_space<hbm>> -> memref<10000x64xf32, #tpu.memory_space<hbm>>
    tpu.wait_indirect_dma semaphore(%arg20 : memref<!tpu.dma_semaphore, #tpu.memory_space<semaphore_mem>>) src(%dma_wait3A_231 : memref<10000x64xf32, #tpu.memory_space<hbm>>) dst(%arg9 : memref<125x64xf32, #tpu.memory_space<vmem>>)
    %dma_start3A_232 = arith.constant 32 : i32
    %dma_start3A_233 = arith.constant 0 : i32
    %dma_start3A_234 = tpu.memref_slice %arg6[%dma_start3A_232, %dma_start3A_233] : memref<40x125xi32, #tpu.memory_space<vmem>> -> memref<1x125xi32, #tpu.memory_space<vmem>>
    %dma_start3A_235 = tpu.memref_squeeze %dma_start3A_234 : memref<1x125xi32, #tpu.memory_space<vmem>> -> memref<125xi32, #tpu.memory_space<vmem>>
    %dma_start3A_236 = arith.constant 0 : i32
    %dma_start3A_237 = arith.constant 0 : i32
    %dma_start3A_238 = tpu.memref_slice %arg17[%dma_start3A_236, %dma_start3A_237] : memref<10000x64xf32, #tpu.memory_space<vmem_shared>> -> memref<10000x64xf32, #tpu.memory_space<vmem_shared>>
    tpu.enqueue_indirect_dma source(%arg9 : memref<125x64xf32, #tpu.memory_space<vmem>>) target(%dma_start3A_238 : memref<10000x64xf32, #tpu.memory_space<vmem_shared>>) offsets(%dma_start3A_235 : memref<125xi32, #tpu.memory_space<vmem>>) semaphore(%arg30 : memref<!tpu.dma_semaphore, #tpu.memory_space<semaphore_mem>>) {add = true}
    %dma_wait3A_239 = arith.constant 33 : i32
    %dma_wait3A_240 = arith.constant 0 : i32
    %dma_wait3A_241 = tpu.memref_slice %arg5[%dma_wait3A_239, %dma_wait3A_240] : memref<40x125xi32, #tpu.memory_space<vmem>> -> memref<1x125xi32, #tpu.memory_space<vmem>>
    %dma_wait3A_242 = tpu.memref_squeeze %dma_wait3A_241 : memref<1x125xi32, #tpu.memory_space<vmem>> -> memref<125xi32, #tpu.memory_space<vmem>>
    %dma_wait3A_243 = arith.constant 0 : i32
    %dma_wait3A_244 = arith.constant 0 : i32
    %dma_wait3A_245 = tpu.memref_slice %arg2[%dma_wait3A_243, %dma_wait3A_244] : memref<10000x64xf32, #tpu.memory_space<hbm>> -> memref<10000x64xf32, #tpu.memory_space<hbm>>
    tpu.wait_indirect_dma semaphore(%arg21 : memref<!tpu.dma_semaphore, #tpu.memory_space<semaphore_mem>>) src(%dma_wait3A_245 : memref<10000x64xf32, #tpu.memory_space<hbm>>) dst(%arg10 : memref<125x64xf32, #tpu.memory_space<vmem>>)
    %dma_start3A_246 = arith.constant 33 : i32
    %dma_start3A_247 = arith.constant 0 : i32
    %dma_start3A_248 = tpu.memref_slice %arg6[%dma_start3A_246, %dma_start3A_247] : memref<40x125xi32, #tpu.memory_space<vmem>> -> memref<1x125xi32, #tpu.memory_space<vmem>>
    %dma_start3A_249 = tpu.memref_squeeze %dma_start3A_248 : memref<1x125xi32, #tpu.memory_space<vmem>> -> memref<125xi32, #tpu.memory_space<vmem>>
    %dma_start3A_250 = arith.constant 0 : i32
    %dma_start3A_251 = arith.constant 0 : i32
    %dma_start3A_252 = tpu.memref_slice %arg17[%dma_start3A_250, %dma_start3A_251] : memref<10000x64xf32, #tpu.memory_space<vmem_shared>> -> memref<10000x64xf32, #tpu.memory_space<vmem_shared>>
    tpu.enqueue_indirect_dma source(%arg10 : memref<125x64xf32, #tpu.memory_space<vmem>>) target(%dma_start3A_252 : memref<10000x64xf32, #tpu.memory_space<vmem_shared>>) offsets(%dma_start3A_249 : memref<125xi32, #tpu.memory_space<vmem>>) semaphore(%arg31 : memref<!tpu.dma_semaphore, #tpu.memory_space<semaphore_mem>>) {add = true}
    %dma_wait3A_253 = arith.constant 34 : i32
    %dma_wait3A_254 = arith.constant 0 : i32
    %dma_wait3A_255 = tpu.memref_slice %arg5[%dma_wait3A_253, %dma_wait3A_254] : memref<40x125xi32, #tpu.memory_space<vmem>> -> memref<1x125xi32, #tpu.memory_space<vmem>>
    %dma_wait3A_256 = tpu.memref_squeeze %dma_wait3A_255 : memref<1x125xi32, #tpu.memory_space<vmem>> -> memref<125xi32, #tpu.memory_space<vmem>>
    %dma_wait3A_257 = arith.constant 0 : i32
    %dma_wait3A_258 = arith.constant 0 : i32
    %dma_wait3A_259 = tpu.memref_slice %arg2[%dma_wait3A_257, %dma_wait3A_258] : memref<10000x64xf32, #tpu.memory_space<hbm>> -> memref<10000x64xf32, #tpu.memory_space<hbm>>
    tpu.wait_indirect_dma semaphore(%arg22 : memref<!tpu.dma_semaphore, #tpu.memory_space<semaphore_mem>>) src(%dma_wait3A_259 : memref<10000x64xf32, #tpu.memory_space<hbm>>) dst(%arg11 : memref<125x64xf32, #tpu.memory_space<vmem>>)
    %dma_start3A_260 = arith.constant 34 : i32
    %dma_start3A_261 = arith.constant 0 : i32
    %dma_start3A_262 = tpu.memref_slice %arg6[%dma_start3A_260, %dma_start3A_261] : memref<40x125xi32, #tpu.memory_space<vmem>> -> memref<1x125xi32, #tpu.memory_space<vmem>>
    %dma_start3A_263 = tpu.memref_squeeze %dma_start3A_262 : memref<1x125xi32, #tpu.memory_space<vmem>> -> memref<125xi32, #tpu.memory_space<vmem>>
    %dma_start3A_264 = arith.constant 0 : i32
    %dma_start3A_265 = arith.constant 0 : i32
    %dma_start3A_266 = tpu.memref_slice %arg17[%dma_start3A_264, %dma_start3A_265] : memref<10000x64xf32, #tpu.memory_space<vmem_shared>> -> memref<10000x64xf32, #tpu.memory_space<vmem_shared>>
    tpu.enqueue_indirect_dma source(%arg11 : memref<125x64xf32, #tpu.memory_space<vmem>>) target(%dma_start3A_266 : memref<10000x64xf32, #tpu.memory_space<vmem_shared>>) offsets(%dma_start3A_263 : memref<125xi32, #tpu.memory_space<vmem>>) semaphore(%arg32 : memref<!tpu.dma_semaphore, #tpu.memory_space<semaphore_mem>>) {add = true}
    %dma_wait3A_267 = arith.constant 35 : i32
    %dma_wait3A_268 = arith.constant 0 : i32
    %dma_wait3A_269 = tpu.memref_slice %arg5[%dma_wait3A_267, %dma_wait3A_268] : memref<40x125xi32, #tpu.memory_space<vmem>> -> memref<1x125xi32, #tpu.memory_space<vmem>>
    %dma_wait3A_270 = tpu.memref_squeeze %dma_wait3A_269 : memref<1x125xi32, #tpu.memory_space<vmem>> -> memref<125xi32, #tpu.memory_space<vmem>>
    %dma_wait3A_271 = arith.constant 0 : i32
    %dma_wait3A_272 = arith.constant 0 : i32
    %dma_wait3A_273 = tpu.memref_slice %arg2[%dma_wait3A_271, %dma_wait3A_272] : memref<10000x64xf32, #tpu.memory_space<hbm>> -> memref<10000x64xf32, #tpu.memory_space<hbm>>
    tpu.wait_indirect_dma semaphore(%arg23 : memref<!tpu.dma_semaphore, #tpu.memory_space<semaphore_mem>>) src(%dma_wait3A_273 : memref<10000x64xf32, #tpu.memory_space<hbm>>) dst(%arg12 : memref<125x64xf32, #tpu.memory_space<vmem>>)
    %dma_start3A_274 = arith.constant 35 : i32
    %dma_start3A_275 = arith.constant 0 : i32
    %dma_start3A_276 = tpu.memref_slice %arg6[%dma_start3A_274, %dma_start3A_275] : memref<40x125xi32, #tpu.memory_space<vmem>> -> memref<1x125xi32, #tpu.memory_space<vmem>>
    %dma_start3A_277 = tpu.memref_squeeze %dma_start3A_276 : memref<1x125xi32, #tpu.memory_space<vmem>> -> memref<125xi32, #tpu.memory_space<vmem>>
    %dma_start3A_278 = arith.constant 0 : i32
    %dma_start3A_279 = arith.constant 0 : i32
    %dma_start3A_280 = tpu.memref_slice %arg17[%dma_start3A_278, %dma_start3A_279] : memref<10000x64xf32, #tpu.memory_space<vmem_shared>> -> memref<10000x64xf32, #tpu.memory_space<vmem_shared>>
    tpu.enqueue_indirect_dma source(%arg12 : memref<125x64xf32, #tpu.memory_space<vmem>>) target(%dma_start3A_280 : memref<10000x64xf32, #tpu.memory_space<vmem_shared>>) offsets(%dma_start3A_277 : memref<125xi32, #tpu.memory_space<vmem>>) semaphore(%arg33 : memref<!tpu.dma_semaphore, #tpu.memory_space<semaphore_mem>>) {add = true}
    %dma_wait3A_281 = arith.constant 36 : i32
    %dma_wait3A_282 = arith.constant 0 : i32
    %dma_wait3A_283 = tpu.memref_slice %arg5[%dma_wait3A_281, %dma_wait3A_282] : memref<40x125xi32, #tpu.memory_space<vmem>> -> memref<1x125xi32, #tpu.memory_space<vmem>>
    %dma_wait3A_284 = tpu.memref_squeeze %dma_wait3A_283 : memref<1x125xi32, #tpu.memory_space<vmem>> -> memref<125xi32, #tpu.memory_space<vmem>>
    %dma_wait3A_285 = arith.constant 0 : i32
    %dma_wait3A_286 = arith.constant 0 : i32
    %dma_wait3A_287 = tpu.memref_slice %arg2[%dma_wait3A_285, %dma_wait3A_286] : memref<10000x64xf32, #tpu.memory_space<hbm>> -> memref<10000x64xf32, #tpu.memory_space<hbm>>
    tpu.wait_indirect_dma semaphore(%arg24 : memref<!tpu.dma_semaphore, #tpu.memory_space<semaphore_mem>>) src(%dma_wait3A_287 : memref<10000x64xf32, #tpu.memory_space<hbm>>) dst(%arg13 : memref<125x64xf32, #tpu.memory_space<vmem>>)
    %dma_start3A_288 = arith.constant 36 : i32
    %dma_start3A_289 = arith.constant 0 : i32
    %dma_start3A_290 = tpu.memref_slice %arg6[%dma_start3A_288, %dma_start3A_289] : memref<40x125xi32, #tpu.memory_space<vmem>> -> memref<1x125xi32, #tpu.memory_space<vmem>>
    %dma_start3A_291 = tpu.memref_squeeze %dma_start3A_290 : memref<1x125xi32, #tpu.memory_space<vmem>> -> memref<125xi32, #tpu.memory_space<vmem>>
    %dma_start3A_292 = arith.constant 0 : i32
    %dma_start3A_293 = arith.constant 0 : i32
    %dma_start3A_294 = tpu.memref_slice %arg17[%dma_start3A_292, %dma_start3A_293] : memref<10000x64xf32, #tpu.memory_space<vmem_shared>> -> memref<10000x64xf32, #tpu.memory_space<vmem_shared>>
    tpu.enqueue_indirect_dma source(%arg13 : memref<125x64xf32, #tpu.memory_space<vmem>>) target(%dma_start3A_294 : memref<10000x64xf32, #tpu.memory_space<vmem_shared>>) offsets(%dma_start3A_291 : memref<125xi32, #tpu.memory_space<vmem>>) semaphore(%arg34 : memref<!tpu.dma_semaphore, #tpu.memory_space<semaphore_mem>>) {add = true}
    %dma_wait3A_295 = arith.constant 37 : i32
    %dma_wait3A_296 = arith.constant 0 : i32
    %dma_wait3A_297 = tpu.memref_slice %arg5[%dma_wait3A_295, %dma_wait3A_296] : memref<40x125xi32, #tpu.memory_space<vmem>> -> memref<1x125xi32, #tpu.memory_space<vmem>>
    %dma_wait3A_298 = tpu.memref_squeeze %dma_wait3A_297 : memref<1x125xi32, #tpu.memory_space<vmem>> -> memref<125xi32, #tpu.memory_space<vmem>>
    %dma_wait3A_299 = arith.constant 0 : i32
    %dma_wait3A_300 = arith.constant 0 : i32
    %dma_wait3A_301 = tpu.memref_slice %arg2[%dma_wait3A_299, %dma_wait3A_300] : memref<10000x64xf32, #tpu.memory_space<hbm>> -> memref<10000x64xf32, #tpu.memory_space<hbm>>
    tpu.wait_indirect_dma semaphore(%arg25 : memref<!tpu.dma_semaphore, #tpu.memory_space<semaphore_mem>>) src(%dma_wait3A_301 : memref<10000x64xf32, #tpu.memory_space<hbm>>) dst(%arg14 : memref<125x64xf32, #tpu.memory_space<vmem>>)
    %dma_start3A_302 = arith.constant 37 : i32
    %dma_start3A_303 = arith.constant 0 : i32
    %dma_start3A_304 = tpu.memref_slice %arg6[%dma_start3A_302, %dma_start3A_303] : memref<40x125xi32, #tpu.memory_space<vmem>> -> memref<1x125xi32, #tpu.memory_space<vmem>>
    %dma_start3A_305 = tpu.memref_squeeze %dma_start3A_304 : memref<1x125xi32, #tpu.memory_space<vmem>> -> memref<125xi32, #tpu.memory_space<vmem>>
    %dma_start3A_306 = arith.constant 0 : i32
    %dma_start3A_307 = arith.constant 0 : i32
    %dma_start3A_308 = tpu.memref_slice %arg17[%dma_start3A_306, %dma_start3A_307] : memref<10000x64xf32, #tpu.memory_space<vmem_shared>> -> memref<10000x64xf32, #tpu.memory_space<vmem_shared>>
    tpu.enqueue_indirect_dma source(%arg14 : memref<125x64xf32, #tpu.memory_space<vmem>>) target(%dma_start3A_308 : memref<10000x64xf32, #tpu.memory_space<vmem_shared>>) offsets(%dma_start3A_305 : memref<125xi32, #tpu.memory_space<vmem>>) semaphore(%arg35 : memref<!tpu.dma_semaphore, #tpu.memory_space<semaphore_mem>>) {add = true}
    %dma_wait3A_309 = arith.constant 38 : i32
    %dma_wait3A_310 = arith.constant 0 : i32
    %dma_wait3A_311 = tpu.memref_slice %arg5[%dma_wait3A_309, %dma_wait3A_310] : memref<40x125xi32, #tpu.memory_space<vmem>> -> memref<1x125xi32, #tpu.memory_space<vmem>>
    %dma_wait3A_312 = tpu.memref_squeeze %dma_wait3A_311 : memref<1x125xi32, #tpu.memory_space<vmem>> -> memref<125xi32, #tpu.memory_space<vmem>>
    %dma_wait3A_313 = arith.constant 0 : i32
    %dma_wait3A_314 = arith.constant 0 : i32
    %dma_wait3A_315 = tpu.memref_slice %arg2[%dma_wait3A_313, %dma_wait3A_314] : memref<10000x64xf32, #tpu.memory_space<hbm>> -> memref<10000x64xf32, #tpu.memory_space<hbm>>
    tpu.wait_indirect_dma semaphore(%arg26 : memref<!tpu.dma_semaphore, #tpu.memory_space<semaphore_mem>>) src(%dma_wait3A_315 : memref<10000x64xf32, #tpu.memory_space<hbm>>) dst(%arg15 : memref<125x64xf32, #tpu.memory_space<vmem>>)
    %dma_start3A_316 = arith.constant 38 : i32
    %dma_start3A_317 = arith.constant 0 : i32
    %dma_start3A_318 = tpu.memref_slice %arg6[%dma_start3A_316, %dma_start3A_317] : memref<40x125xi32, #tpu.memory_space<vmem>> -> memref<1x125xi32, #tpu.memory_space<vmem>>
    %dma_start3A_319 = tpu.memref_squeeze %dma_start3A_318 : memref<1x125xi32, #tpu.memory_space<vmem>> -> memref<125xi32, #tpu.memory_space<vmem>>
    %dma_start3A_320 = arith.constant 0 : i32
    %dma_start3A_321 = arith.constant 0 : i32
    %dma_start3A_322 = tpu.memref_slice %arg17[%dma_start3A_320, %dma_start3A_321] : memref<10000x64xf32, #tpu.memory_space<vmem_shared>> -> memref<10000x64xf32, #tpu.memory_space<vmem_shared>>
    tpu.enqueue_indirect_dma source(%arg15 : memref<125x64xf32, #tpu.memory_space<vmem>>) target(%dma_start3A_322 : memref<10000x64xf32, #tpu.memory_space<vmem_shared>>) offsets(%dma_start3A_319 : memref<125xi32, #tpu.memory_space<vmem>>) semaphore(%arg36 : memref<!tpu.dma_semaphore, #tpu.memory_space<semaphore_mem>>) {add = true}
    %dma_wait3A_323 = arith.constant 39 : i32
    %dma_wait3A_324 = arith.constant 0 : i32
    %dma_wait3A_325 = tpu.memref_slice %arg5[%dma_wait3A_323, %dma_wait3A_324] : memref<40x125xi32, #tpu.memory_space<vmem>> -> memref<1x125xi32, #tpu.memory_space<vmem>>
    %dma_wait3A_326 = tpu.memref_squeeze %dma_wait3A_325 : memref<1x125xi32, #tpu.memory_space<vmem>> -> memref<125xi32, #tpu.memory_space<vmem>>
    %dma_wait3A_327 = arith.constant 0 : i32
    %dma_wait3A_328 = arith.constant 0 : i32
    %dma_wait3A_329 = tpu.memref_slice %arg2[%dma_wait3A_327, %dma_wait3A_328] : memref<10000x64xf32, #tpu.memory_space<hbm>> -> memref<10000x64xf32, #tpu.memory_space<hbm>>
    tpu.wait_indirect_dma semaphore(%arg27 : memref<!tpu.dma_semaphore, #tpu.memory_space<semaphore_mem>>) src(%dma_wait3A_329 : memref<10000x64xf32, #tpu.memory_space<hbm>>) dst(%arg16 : memref<125x64xf32, #tpu.memory_space<vmem>>)
    %dma_start3A_330 = arith.constant 39 : i32
    %dma_start3A_331 = arith.constant 0 : i32
    %dma_start3A_332 = tpu.memref_slice %arg6[%dma_start3A_330, %dma_start3A_331] : memref<40x125xi32, #tpu.memory_space<vmem>> -> memref<1x125xi32, #tpu.memory_space<vmem>>
    %dma_start3A_333 = tpu.memref_squeeze %dma_start3A_332 : memref<1x125xi32, #tpu.memory_space<vmem>> -> memref<125xi32, #tpu.memory_space<vmem>>
    %dma_start3A_334 = arith.constant 0 : i32
    %dma_start3A_335 = arith.constant 0 : i32
    %dma_start3A_336 = tpu.memref_slice %arg17[%dma_start3A_334, %dma_start3A_335] : memref<10000x64xf32, #tpu.memory_space<vmem_shared>> -> memref<10000x64xf32, #tpu.memory_space<vmem_shared>>
    tpu.enqueue_indirect_dma source(%arg16 : memref<125x64xf32, #tpu.memory_space<vmem>>) target(%dma_start3A_336 : memref<10000x64xf32, #tpu.memory_space<vmem_shared>>) offsets(%dma_start3A_333 : memref<125xi32, #tpu.memory_space<vmem>>) semaphore(%arg37 : memref<!tpu.dma_semaphore, #tpu.memory_space<semaphore_mem>>) {add = true}
    %dma_wait3A_337 = arith.constant 30 : i32
    %dma_wait3A_338 = arith.constant 0 : i32
    %dma_wait3A_339 = tpu.memref_slice %arg6[%dma_wait3A_337, %dma_wait3A_338] : memref<40x125xi32, #tpu.memory_space<vmem>> -> memref<1x125xi32, #tpu.memory_space<vmem>>
    %dma_wait3A_340 = tpu.memref_squeeze %dma_wait3A_339 : memref<1x125xi32, #tpu.memory_space<vmem>> -> memref<125xi32, #tpu.memory_space<vmem>>
    %dma_wait3A_341 = arith.constant 0 : i32
    %dma_wait3A_342 = arith.constant 0 : i32
    %dma_wait3A_343 = tpu.memref_slice %arg17[%dma_wait3A_341, %dma_wait3A_342] : memref<10000x64xf32, #tpu.memory_space<vmem_shared>> -> memref<10000x64xf32, #tpu.memory_space<vmem_shared>>
    tpu.wait_indirect_dma semaphore(%arg28 : memref<!tpu.dma_semaphore, #tpu.memory_space<semaphore_mem>>) src(%arg7 : memref<125x64xf32, #tpu.memory_space<vmem>>) dst(%dma_wait3A_343 : memref<10000x64xf32, #tpu.memory_space<vmem_shared>>)
    %dma_wait3A_344 = arith.constant 31 : i32
    %dma_wait3A_345 = arith.constant 0 : i32
    %dma_wait3A_346 = tpu.memref_slice %arg6[%dma_wait3A_344, %dma_wait3A_345] : memref<40x125xi32, #tpu.memory_space<vmem>> -> memref<1x125xi32, #tpu.memory_space<vmem>>
    %dma_wait3A_347 = tpu.memref_squeeze %dma_wait3A_346 : memref<1x125xi32, #tpu.memory_space<vmem>> -> memref<125xi32, #tpu.memory_space<vmem>>
    %dma_wait3A_348 = arith.constant 0 : i32
    %dma_wait3A_349 = arith.constant 0 : i32
    %dma_wait3A_350 = tpu.memref_slice %arg17[%dma_wait3A_348, %dma_wait3A_349] : memref<10000x64xf32, #tpu.memory_space<vmem_shared>> -> memref<10000x64xf32, #tpu.memory_space<vmem_shared>>
    tpu.wait_indirect_dma semaphore(%arg29 : memref<!tpu.dma_semaphore, #tpu.memory_space<semaphore_mem>>) src(%arg8 : memref<125x64xf32, #tpu.memory_space<vmem>>) dst(%dma_wait3A_350 : memref<10000x64xf32, #tpu.memory_space<vmem_shared>>)
    %dma_wait3A_351 = arith.constant 32 : i32
    %dma_wait3A_352 = arith.constant 0 : i32
    %dma_wait3A_353 = tpu.memref_slice %arg6[%dma_wait3A_351, %dma_wait3A_352] : memref<40x125xi32, #tpu.memory_space<vmem>> -> memref<1x125xi32, #tpu.memory_space<vmem>>
    %dma_wait3A_354 = tpu.memref_squeeze %dma_wait3A_353 : memref<1x125xi32, #tpu.memory_space<vmem>> -> memref<125xi32, #tpu.memory_space<vmem>>
    %dma_wait3A_355 = arith.constant 0 : i32
    %dma_wait3A_356 = arith.constant 0 : i32
    %dma_wait3A_357 = tpu.memref_slice %arg17[%dma_wait3A_355, %dma_wait3A_356] : memref<10000x64xf32, #tpu.memory_space<vmem_shared>> -> memref<10000x64xf32, #tpu.memory_space<vmem_shared>>
    tpu.wait_indirect_dma semaphore(%arg30 : memref<!tpu.dma_semaphore, #tpu.memory_space<semaphore_mem>>) src(%arg9 : memref<125x64xf32, #tpu.memory_space<vmem>>) dst(%dma_wait3A_357 : memref<10000x64xf32, #tpu.memory_space<vmem_shared>>)
    %dma_wait3A_358 = arith.constant 33 : i32
    %dma_wait3A_359 = arith.constant 0 : i32
    %dma_wait3A_360 = tpu.memref_slice %arg6[%dma_wait3A_358, %dma_wait3A_359] : memref<40x125xi32, #tpu.memory_space<vmem>> -> memref<1x125xi32, #tpu.memory_space<vmem>>
    %dma_wait3A_361 = tpu.memref_squeeze %dma_wait3A_360 : memref<1x125xi32, #tpu.memory_space<vmem>> -> memref<125xi32, #tpu.memory_space<vmem>>
    %dma_wait3A_362 = arith.constant 0 : i32
    %dma_wait3A_363 = arith.constant 0 : i32
    %dma_wait3A_364 = tpu.memref_slice %arg17[%dma_wait3A_362, %dma_wait3A_363] : memref<10000x64xf32, #tpu.memory_space<vmem_shared>> -> memref<10000x64xf32, #tpu.memory_space<vmem_shared>>
    tpu.wait_indirect_dma semaphore(%arg31 : memref<!tpu.dma_semaphore, #tpu.memory_space<semaphore_mem>>) src(%arg10 : memref<125x64xf32, #tpu.memory_space<vmem>>) dst(%dma_wait3A_364 : memref<10000x64xf32, #tpu.memory_space<vmem_shared>>)
    %dma_wait3A_365 = arith.constant 34 : i32
    %dma_wait3A_366 = arith.constant 0 : i32
    %dma_wait3A_367 = tpu.memref_slice %arg6[%dma_wait3A_365, %dma_wait3A_366] : memref<40x125xi32, #tpu.memory_space<vmem>> -> memref<1x125xi32, #tpu.memory_space<vmem>>
    %dma_wait3A_368 = tpu.memref_squeeze %dma_wait3A_367 : memref<1x125xi32, #tpu.memory_space<vmem>> -> memref<125xi32, #tpu.memory_space<vmem>>
    %dma_wait3A_369 = arith.constant 0 : i32
    %dma_wait3A_370 = arith.constant 0 : i32
    %dma_wait3A_371 = tpu.memref_slice %arg17[%dma_wait3A_369, %dma_wait3A_370] : memref<10000x64xf32, #tpu.memory_space<vmem_shared>> -> memref<10000x64xf32, #tpu.memory_space<vmem_shared>>
    tpu.wait_indirect_dma semaphore(%arg32 : memref<!tpu.dma_semaphore, #tpu.memory_space<semaphore_mem>>) src(%arg11 : memref<125x64xf32, #tpu.memory_space<vmem>>) dst(%dma_wait3A_371 : memref<10000x64xf32, #tpu.memory_space<vmem_shared>>)
    %dma_wait3A_372 = arith.constant 35 : i32
    %dma_wait3A_373 = arith.constant 0 : i32
    %dma_wait3A_374 = tpu.memref_slice %arg6[%dma_wait3A_372, %dma_wait3A_373] : memref<40x125xi32, #tpu.memory_space<vmem>> -> memref<1x125xi32, #tpu.memory_space<vmem>>
    %dma_wait3A_375 = tpu.memref_squeeze %dma_wait3A_374 : memref<1x125xi32, #tpu.memory_space<vmem>> -> memref<125xi32, #tpu.memory_space<vmem>>
    %dma_wait3A_376 = arith.constant 0 : i32
    %dma_wait3A_377 = arith.constant 0 : i32
    %dma_wait3A_378 = tpu.memref_slice %arg17[%dma_wait3A_376, %dma_wait3A_377] : memref<10000x64xf32, #tpu.memory_space<vmem_shared>> -> memref<10000x64xf32, #tpu.memory_space<vmem_shared>>
    tpu.wait_indirect_dma semaphore(%arg33 : memref<!tpu.dma_semaphore, #tpu.memory_space<semaphore_mem>>) src(%arg12 : memref<125x64xf32, #tpu.memory_space<vmem>>) dst(%dma_wait3A_378 : memref<10000x64xf32, #tpu.memory_space<vmem_shared>>)
    %dma_wait3A_379 = arith.constant 36 : i32
    %dma_wait3A_380 = arith.constant 0 : i32
    %dma_wait3A_381 = tpu.memref_slice %arg6[%dma_wait3A_379, %dma_wait3A_380] : memref<40x125xi32, #tpu.memory_space<vmem>> -> memref<1x125xi32, #tpu.memory_space<vmem>>
    %dma_wait3A_382 = tpu.memref_squeeze %dma_wait3A_381 : memref<1x125xi32, #tpu.memory_space<vmem>> -> memref<125xi32, #tpu.memory_space<vmem>>
    %dma_wait3A_383 = arith.constant 0 : i32
    %dma_wait3A_384 = arith.constant 0 : i32
    %dma_wait3A_385 = tpu.memref_slice %arg17[%dma_wait3A_383, %dma_wait3A_384] : memref<10000x64xf32, #tpu.memory_space<vmem_shared>> -> memref<10000x64xf32, #tpu.memory_space<vmem_shared>>
    tpu.wait_indirect_dma semaphore(%arg34 : memref<!tpu.dma_semaphore, #tpu.memory_space<semaphore_mem>>) src(%arg13 : memref<125x64xf32, #tpu.memory_space<vmem>>) dst(%dma_wait3A_385 : memref<10000x64xf32, #tpu.memory_space<vmem_shared>>)
    %dma_wait3A_386 = arith.constant 37 : i32
    %dma_wait3A_387 = arith.constant 0 : i32
    %dma_wait3A_388 = tpu.memref_slice %arg6[%dma_wait3A_386, %dma_wait3A_387] : memref<40x125xi32, #tpu.memory_space<vmem>> -> memref<1x125xi32, #tpu.memory_space<vmem>>
    %dma_wait3A_389 = tpu.memref_squeeze %dma_wait3A_388 : memref<1x125xi32, #tpu.memory_space<vmem>> -> memref<125xi32, #tpu.memory_space<vmem>>
    %dma_wait3A_390 = arith.constant 0 : i32
    %dma_wait3A_391 = arith.constant 0 : i32
    %dma_wait3A_392 = tpu.memref_slice %arg17[%dma_wait3A_390, %dma_wait3A_391] : memref<10000x64xf32, #tpu.memory_space<vmem_shared>> -> memref<10000x64xf32, #tpu.memory_space<vmem_shared>>
    tpu.wait_indirect_dma semaphore(%arg35 : memref<!tpu.dma_semaphore, #tpu.memory_space<semaphore_mem>>) src(%arg14 : memref<125x64xf32, #tpu.memory_space<vmem>>) dst(%dma_wait3A_392 : memref<10000x64xf32, #tpu.memory_space<vmem_shared>>)
    %dma_wait3A_393 = arith.constant 38 : i32
    %dma_wait3A_394 = arith.constant 0 : i32
    %dma_wait3A_395 = tpu.memref_slice %arg6[%dma_wait3A_393, %dma_wait3A_394] : memref<40x125xi32, #tpu.memory_space<vmem>> -> memref<1x125xi32, #tpu.memory_space<vmem>>
    %dma_wait3A_396 = tpu.memref_squeeze %dma_wait3A_395 : memref<1x125xi32, #tpu.memory_space<vmem>> -> memref<125xi32, #tpu.memory_space<vmem>>
    %dma_wait3A_397 = arith.constant 0 : i32
    %dma_wait3A_398 = arith.constant 0 : i32
    %dma_wait3A_399 = tpu.memref_slice %arg17[%dma_wait3A_397, %dma_wait3A_398] : memref<10000x64xf32, #tpu.memory_space<vmem_shared>> -> memref<10000x64xf32, #tpu.memory_space<vmem_shared>>
    tpu.wait_indirect_dma semaphore(%arg36 : memref<!tpu.dma_semaphore, #tpu.memory_space<semaphore_mem>>) src(%arg15 : memref<125x64xf32, #tpu.memory_space<vmem>>) dst(%dma_wait3A_399 : memref<10000x64xf32, #tpu.memory_space<vmem_shared>>)
    %dma_wait3A_400 = arith.constant 39 : i32
    %dma_wait3A_401 = arith.constant 0 : i32
    %dma_wait3A_402 = tpu.memref_slice %arg6[%dma_wait3A_400, %dma_wait3A_401] : memref<40x125xi32, #tpu.memory_space<vmem>> -> memref<1x125xi32, #tpu.memory_space<vmem>>
    %dma_wait3A_403 = tpu.memref_squeeze %dma_wait3A_402 : memref<1x125xi32, #tpu.memory_space<vmem>> -> memref<125xi32, #tpu.memory_space<vmem>>
    %dma_wait3A_404 = arith.constant 0 : i32
    %dma_wait3A_405 = arith.constant 0 : i32
    %dma_wait3A_406 = tpu.memref_slice %arg17[%dma_wait3A_404, %dma_wait3A_405] : memref<10000x64xf32, #tpu.memory_space<vmem_shared>> -> memref<10000x64xf32, #tpu.memory_space<vmem_shared>>
    tpu.wait_indirect_dma semaphore(%arg37 : memref<!tpu.dma_semaphore, #tpu.memory_space<semaphore_mem>>) src(%arg16 : memref<125x64xf32, #tpu.memory_space<vmem>>) dst(%dma_wait3A_406 : memref<10000x64xf32, #tpu.memory_space<vmem_shared>>)
    %barrier3A_407 = arith.constant 0 : index
    tpu.barrier barrier_id(%barrier3A_407)
    %mul3A_408 = arith.constant 625 : i32
    %mul3A_409 = arith.muli %arg1, %mul3A_408 : i32
    "tpu.region"() ({
      %run_scoped3A = tpu.sem_alloc : memref<!tpu.dma_semaphore, #tpu.memory_space<semaphore_mem>>
      %dma_start3A_410 = arith.constant 0 : i32
      %dma_start3A_411 = arith.constant 0 : i32
      %dma_start3A_412 = tpu.memref_slice %arg4[%arg0, %arg1, %dma_start3A_410, %dma_start3A_411] : memref<2x16x625x64xf32, #tpu.memory_space<hbm>> -> memref<1x1x625x64xf32, #tpu.memory_space<hbm>>
      %dma_start3A_413 = tpu.memref_squeeze %dma_start3A_412 : memref<1x1x625x64xf32, #tpu.memory_space<hbm>> -> memref<625x64xf32, #tpu.memory_space<hbm>>
      %dma_start3A_414 = arith.constant 0 : i32
      %dma_start3A_415 = tpu.memref_slice %arg17[%mul3A_409, %dma_start3A_414] : memref<10000x64xf32, #tpu.memory_space<vmem_shared>> -> memref<625x64xf32, #tpu.memory_space<vmem_shared>>
      tpu.enqueue_dma source(%dma_start3A_415 : memref<625x64xf32, #tpu.memory_space<vmem_shared>>) target(%dma_start3A_413 : memref<625x64xf32, #tpu.memory_space<hbm>>) target_semaphore(%run_scoped3A : memref<!tpu.dma_semaphore, #tpu.memory_space<semaphore_mem>>)
      %dma_wait3A_416 = arith.constant 0 : i32
      %dma_wait3A_417 = arith.constant 0 : i32
      %dma_wait3A_418 = tpu.memref_slice %arg4[%arg0, %arg1, %dma_wait3A_416, %dma_wait3A_417] : memref<2x16x625x64xf32, #tpu.memory_space<hbm>> -> memref<1x1x625x64xf32, #tpu.memory_space<hbm>>
      %dma_wait3A_419 = tpu.memref_squeeze %dma_wait3A_418 : memref<1x1x625x64xf32, #tpu.memory_space<hbm>> -> memref<625x64xf32, #tpu.memory_space<hbm>>
      %dma_wait3A_420 = arith.constant 0 : i32
      %dma_wait3A_421 = tpu.memref_slice %arg17[%mul3A_409, %dma_wait3A_420] : memref<10000x64xf32, #tpu.memory_space<vmem_shared>> -> memref<625x64xf32, #tpu.memory_space<vmem_shared>>
      tpu.wait_dma2 semaphore(%run_scoped3A : memref<!tpu.dma_semaphore, #tpu.memory_space<semaphore_mem>>) src(%dma_wait3A_421 : memref<625x64xf32, #tpu.memory_space<vmem_shared>>) dst(%dma_wait3A_419 : memref<625x64xf32, #tpu.memory_space<hbm>>)
      tpu.yield
    }) : () -> ()
    return
  }
}

module attributes {stable_mosaic.version = 14 : i64} {
  func.func @_k1_body(%arg0: i32, %arg1: memref<2000x256xf32, #tpu.memory_space<vmem>>, %arg2: memref<256x64xf32, #tpu.memory_space<vmem>>, %arg3: memref<1x32x2000xf32, #tpu.memory_space<vmem>>, %arg4: memref<2000x64xf32, #tpu.memory_space<vmem>>, %arg5: memref<1x1x2000xf32, #tpu.memory_space<vmem>>) attributes {dimension_semantics = [#tpu.dimension_semantics<arbitrary>], iteration_bounds = array<i64: 5>, scalar_prefetch = 0 : i64, scratch_operands = 0 : i64, tpu.core_type = #tpu.core_type<tc>, window_params = [{transform_indices = @transform_0, window_bounds = array<i64: 2000, 256>}, {pipeline_mode = #tpu.pipeline_mode<synchronous>, transform_indices = @transform_1, window_bounds = array<i64: 256, 64>}, {transform_indices = @transform_2, window_bounds = array<i64: 1, 32, 2000>}, {transform_indices = @transform_3, window_bounds = array<i64: 2000, 64>}, {transform_indices = @transform_4, window_bounds = array<i64: 1, 1, 2000>}]} {
    %get3A = arith.constant 0 : index
    %get3A_0 = arith.constant 0 : index
    %get3A_1 = arith.constant 0 : index
    %get3A_2 = vector.load %arg3[%get3A, %get3A_0, %get3A_1] : memref<1x32x2000xf32, #tpu.memory_space<vmem>>, vector<1x32x2000xf32>
    %get3A_3 = vector.shape_cast %get3A_2 : vector<1x32x2000xf32> to vector<32x2000xf32>
    %reduce_sum3A = arith.constant dense<0.000000e+00> : vector<2000xf32>
    %reduce_sum3A_4 = vector.multi_reduction <add>, %get3A_3, %reduce_sum3A [0] : vector<32x2000xf32> to vector<2000xf32>
    %add3A = arith.constant 1.000000e+00 : f32
    %add3A_5 = vector.broadcast %add3A : f32 to vector<2000xf32>
    %add3A_6 = arith.addf %reduce_sum3A_4, %add3A_5 : vector<2000xf32>
    %rsqrt3A = math.rsqrt %add3A_6 : vector<2000xf32>
    %get3A_7 = arith.constant 0 : index
    %get3A_8 = arith.constant 0 : index
    %get3A_9 = vector.load %arg1[%get3A_7, %get3A_8] : memref<2000x256xf32, #tpu.memory_space<vmem>>, vector<2000x256xf32>
    %get3A_10 = arith.constant 0 : index
    %get3A_11 = arith.constant 0 : index
    %get3A_12 = vector.load %arg2[%get3A_10, %get3A_11] : memref<256x64xf32, #tpu.memory_space<vmem>>, vector<256x64xf32>
    %dot_general3A = arith.constant dense<0.000000e+00> : vector<2000x64xf32>
    %dot_general3A_13 = tpu.matmul %get3A_9, %get3A_12, %dot_general3A {dimension_numbers = #tpu.dot_dimension_numbers<[1], [0], [0], [1], [0, 0, 1, 1], [], []>, transpose_lhs_hint = false} : vector<2000x256xf32>, vector<256x64xf32>, vector<2000x64xf32> -> vector<2000x64xf32>
    %broadcast_in_dim3A = vector.shape_cast %rsqrt3A : vector<2000xf32> to vector<2000x1xf32>
    %mul3A = vector.broadcast %broadcast_in_dim3A : vector<2000x1xf32> to vector<2000x64xf32>
    %mul3A_14 = arith.mulf %dot_general3A_13, %mul3A : vector<2000x64xf32>
    %swap3A = arith.constant 0 : index
    %swap3A_15 = arith.constant 0 : index
    %swap3A_16 = vector.load %arg4[%swap3A, %swap3A_15] : memref<2000x64xf32, #tpu.memory_space<vmem>>, vector<2000x64xf32>
    tpu.vector_store %arg4[%swap3A, %swap3A_15], %mul3A_14 {strides = array<i32>} : memref<2000x64xf32, #tpu.memory_space<vmem>>, vector<2000x64xf32>,
    %swap3A_17 = arith.constant 0 : index
    %swap3A_18 = arith.constant 0 : index
    %swap3A_19 = arith.constant 0 : index
    %swap3A_20 = vector.load %arg5[%swap3A_17, %swap3A_18, %swap3A_19] : memref<1x1x2000xf32, #tpu.memory_space<vmem>>, vector<1x1x2000xf32>
    %swap3A_21 = vector.shape_cast %swap3A_20 : vector<1x1x2000xf32> to vector<2000xf32>
    %swap3A_22 = vector.shape_cast %rsqrt3A : vector<2000xf32> to vector<1x1x2000xf32>
    tpu.vector_store %arg5[%swap3A_17, %swap3A_18, %swap3A_19], %swap3A_22 {strides = array<i32>} : memref<1x1x2000xf32, #tpu.memory_space<vmem>>, vector<1x1x2000xf32>,
    return
  }
  func.func @transform_0(%arg0: i32) -> (i32, i32) {
    %c0_i32 = arith.constant 0 : i32
    %c0_i32_0 = arith.constant 0 : i32
    return %arg0, %c0_i32 : i32, i32
  }
  func.func @transform_1(%arg0: i32) -> (i32, i32) {
    %c0_i32 = arith.constant 0 : i32
    %c0_i32_0 = arith.constant 0 : i32
    %c0_i32_1 = arith.constant 0 : i32
    return %c0_i32, %c0_i32_0 : i32, i32
  }
  func.func @transform_2(%arg0: i32) -> (i32, i32, i32) {
    %c0_i32 = arith.constant 0 : i32
    %c0_i32_0 = arith.constant 0 : i32
    %c0_i32_1 = arith.constant 0 : i32
    return %arg0, %c0_i32, %c0_i32_0 : i32, i32, i32
  }
  func.func @transform_3(%arg0: i32) -> (i32, i32) {
    %c0_i32 = arith.constant 0 : i32
    %c0_i32_0 = arith.constant 0 : i32
    return %arg0, %c0_i32 : i32, i32
  }
  func.func @transform_4(%arg0: i32) -> (i32, i32, i32) {
    %c0_i32 = arith.constant 0 : i32
    %c0_i32_0 = arith.constant 0 : i32
    %c0_i32_1 = arith.constant 0 : i32
    return %arg0, %c0_i32, %c0_i32_0 : i32, i32, i32
  }
}

module attributes {stable_mosaic.version = 14 : i64} {
  func.func @_k3_body(%arg0: i32, %arg1: memref<2x2000x64xf32, #tpu.memory_space<vmem>>, %arg2: memref<2000x64xf32, #tpu.memory_space<vmem>>, %arg3: memref<1x1x2000xf32, #tpu.memory_space<vmem>>, %arg4: memref<64x64xf32, #tpu.memory_space<vmem>>, %arg5: memref<1x64xf32, #tpu.memory_space<vmem>>, %arg6: memref<2000x64xf32, #tpu.memory_space<vmem>>) attributes {dimension_semantics = [#tpu.dimension_semantics<arbitrary>], iteration_bounds = array<i64: 5>, scalar_prefetch = 0 : i64, scratch_operands = 0 : i64, tpu.core_type = #tpu.core_type<tc>, window_params = [{transform_indices = @transform_0, window_bounds = array<i64: 2, 2000, 64>}, {transform_indices = @transform_1, window_bounds = array<i64: 2000, 64>}, {transform_indices = @transform_2, window_bounds = array<i64: 1, 1, 2000>}, {pipeline_mode = #tpu.pipeline_mode<synchronous>, transform_indices = @transform_3, window_bounds = array<i64: 64, 64>}, {pipeline_mode = #tpu.pipeline_mode<synchronous>, transform_indices = @transform_4, window_bounds = array<i64: 1, 64>}, {transform_indices = @transform_5, window_bounds = array<i64: 2000, 64>}]} {
    %get3A = arith.constant 0 : index
    %get3A_0 = arith.constant 0 : index
    %get3A_1 = arith.constant 0 : index
    %get3A_2 = vector.load %arg3[%get3A, %get3A_0, %get3A_1] : memref<1x1x2000xf32, #tpu.memory_space<vmem>>, vector<1x1x2000xf32>
    %get3A_3 = vector.shape_cast %get3A_2 : vector<1x1x2000xf32> to vector<2000xf32>
    %get3A_4 = arith.constant 0 : index
    %get3A_5 = arith.constant 0 : index
    %get3A_6 = arith.constant 0 : index
    %get3A_7 = vector.load %arg1[%get3A_4, %get3A_5, %get3A_6] : memref<2x2000x64xf32, #tpu.memory_space<vmem>>, vector<1x2000x64xf32>
    %get3A_8 = vector.shape_cast %get3A_7 : vector<1x2000x64xf32> to vector<2000x64xf32>
    %get3A_9 = arith.constant 1 : index
    %get3A_10 = arith.constant 0 : index
    %get3A_11 = arith.constant 0 : index
    %get3A_12 = vector.load %arg1[%get3A_9, %get3A_10, %get3A_11] : memref<2x2000x64xf32, #tpu.memory_space<vmem>>, vector<1x2000x64xf32>
    %get3A_13 = vector.shape_cast %get3A_12 : vector<1x2000x64xf32> to vector<2000x64xf32>
    %add3A = arith.addf %get3A_8, %get3A_13 : vector<2000x64xf32>
    %get3A_14 = arith.constant 0 : index
    %get3A_15 = arith.constant 0 : index
    %get3A_16 = vector.load %arg2[%get3A_14, %get3A_15] : memref<2000x64xf32, #tpu.memory_space<vmem>>, vector<2000x64xf32>
    %add3A_17 = arith.addf %add3A, %get3A_16 : vector<2000x64xf32>
    %broadcast_in_dim3A = vector.shape_cast %get3A_3 : vector<2000xf32> to vector<2000x1xf32>
    %mul3A = vector.broadcast %broadcast_in_dim3A : vector<2000x1xf32> to vector<2000x64xf32>
    %mul3A_18 = arith.mulf %add3A_17, %mul3A : vector<2000x64xf32>
    %get3A_19 = arith.constant 0 : index
    %get3A_20 = arith.constant 0 : index
    %get3A_21 = vector.load %arg5[%get3A_19, %get3A_20] : memref<1x64xf32, #tpu.memory_space<vmem>>, vector<1x64xf32>
    %add3A_22 = vector.broadcast %get3A_21 : vector<1x64xf32> to vector<2000x64xf32>
    %add3A_23 = arith.addf %mul3A_18, %add3A_22 : vector<2000x64xf32>
    %max3A = arith.constant 0.000000e+00 : f32
    %max3A_24 = vector.broadcast %max3A : f32 to vector<2000x64xf32>
    %max3A_25 = arith.maximumf %add3A_23, %max3A_24 : vector<2000x64xf32>
    %get3A_26 = arith.constant 0 : index
    %get3A_27 = arith.constant 0 : index
    %get3A_28 = vector.load %arg4[%get3A_26, %get3A_27] : memref<64x64xf32, #tpu.memory_space<vmem>>, vector<64x64xf32>
    %dot_general3A = arith.constant dense<0.000000e+00> : vector<2000x64xf32>
    %dot_general3A_29 = tpu.matmul %max3A_25, %get3A_28, %dot_general3A {dimension_numbers = #tpu.dot_dimension_numbers<[1], [0], [0], [1], [0, 0, 1, 1], [], []>, transpose_lhs_hint = false} : vector<2000x64xf32>, vector<64x64xf32>, vector<2000x64xf32> -> vector<2000x64xf32>
    %broadcast_in_dim3A_30 = vector.shape_cast %get3A_3 : vector<2000xf32> to vector<2000x1xf32>
    %mul3A_31 = vector.broadcast %broadcast_in_dim3A_30 : vector<2000x1xf32> to vector<2000x64xf32>
    %mul3A_32 = arith.mulf %dot_general3A_29, %mul3A_31 : vector<2000x64xf32>
    %swap3A = arith.constant 0 : index
    %swap3A_33 = arith.constant 0 : index
    %swap3A_34 = vector.load %arg6[%swap3A, %swap3A_33] : memref<2000x64xf32, #tpu.memory_space<vmem>>, vector<2000x64xf32>
    tpu.vector_store %arg6[%swap3A, %swap3A_33], %mul3A_32 {strides = array<i32>} : memref<2000x64xf32, #tpu.memory_space<vmem>>, vector<2000x64xf32>,
    return
  }
  func.func @transform_0(%arg0: i32) -> (i32, i32, i32) {
    %c0_i32 = arith.constant 0 : i32
    %c0_i32_0 = arith.constant 0 : i32
    %c0_i32_1 = arith.constant 0 : i32
    return %c0_i32, %arg0, %c0_i32_0 : i32, i32, i32
  }
  func.func @transform_1(%arg0: i32) -> (i32, i32) {
    %c0_i32 = arith.constant 0 : i32
    %c0_i32_0 = arith.constant 0 : i32
    return %arg0, %c0_i32 : i32, i32
  }
  func.func @transform_2(%arg0: i32) -> (i32, i32, i32) {
    %c0_i32 = arith.constant 0 : i32
    %c0_i32_0 = arith.constant 0 : i32
    %c0_i32_1 = arith.constant 0 : i32
    return %arg0, %c0_i32, %c0_i32_0 : i32, i32, i32
  }
  func.func @transform_3(%arg0: i32) -> (i32, i32) {
    %c0_i32 = arith.constant 0 : i32
    %c0_i32_0 = arith.constant 0 : i32
    %c0_i32_1 = arith.constant 0 : i32
    return %c0_i32, %c0_i32_0 : i32, i32
  }
  func.func @transform_4(%arg0: i32) -> (i32, i32) {
    %c0_i32 = arith.constant 0 : i32
    %c0_i32_0 = arith.constant 0 : i32
    %c0_i32_1 = arith.constant 0 : i32
    return %c0_i32, %c0_i32_0 : i32, i32
  }
  func.func @transform_5(%arg0: i32) -> (i32, i32) {
    %c0_i32 = arith.constant 0 : i32
    %c0_i32_0 = arith.constant 0 : i32
    return %arg0, %c0_i32 : i32, i32
  }
}

module attributes {stable_mosaic.version = 14 : i64} {
  func.func @_k5_body(%arg0: i32, %arg1: memref<2x2000x64xf32, #tpu.memory_space<vmem>>, %arg2: memref<2000x64xf32, #tpu.memory_space<vmem>>, %arg3: memref<1x1x2000xf32, #tpu.memory_space<vmem>>, %arg4: memref<1x64xf32, #tpu.memory_space<vmem>>, %arg5: memref<1x64xf32, #tpu.memory_space<vmem>>) attributes {dimension_semantics = [#tpu.dimension_semantics<arbitrary>], iteration_bounds = array<i64: 5>, scalar_prefetch = 0 : i64, scratch_operands = 0 : i64, tpu.core_type = #tpu.core_type<tc>, window_params = [{transform_indices = @transform_0, window_bounds = array<i64: 2, 2000, 64>}, {transform_indices = @transform_1, window_bounds = array<i64: 2000, 64>}, {transform_indices = @transform_2, window_bounds = array<i64: 1, 1, 2000>}, {pipeline_mode = #tpu.pipeline_mode<synchronous>, transform_indices = @transform_3, window_bounds = array<i64: 1, 64>}, {pipeline_mode = #tpu.pipeline_mode<synchronous>, transform_indices = @transform_4, window_bounds = array<i64: 1, 64>}]} {
    %get3A = arith.constant 0 : index
    %get3A_0 = arith.constant 0 : index
    %get3A_1 = arith.constant 0 : index
    %get3A_2 = vector.load %arg3[%get3A, %get3A_0, %get3A_1] : memref<1x1x2000xf32, #tpu.memory_space<vmem>>, vector<1x1x2000xf32>
    %get3A_3 = vector.shape_cast %get3A_2 : vector<1x1x2000xf32> to vector<2000xf32>
    %get3A_4 = arith.constant 0 : index
    %get3A_5 = arith.constant 0 : index
    %get3A_6 = arith.constant 0 : index
    %get3A_7 = vector.load %arg1[%get3A_4, %get3A_5, %get3A_6] : memref<2x2000x64xf32, #tpu.memory_space<vmem>>, vector<1x2000x64xf32>
    %get3A_8 = vector.shape_cast %get3A_7 : vector<1x2000x64xf32> to vector<2000x64xf32>
    %get3A_9 = arith.constant 1 : index
    %get3A_10 = arith.constant 0 : index
    %get3A_11 = arith.constant 0 : index
    %get3A_12 = vector.load %arg1[%get3A_9, %get3A_10, %get3A_11] : memref<2x2000x64xf32, #tpu.memory_space<vmem>>, vector<1x2000x64xf32>
    %get3A_13 = vector.shape_cast %get3A_12 : vector<1x2000x64xf32> to vector<2000x64xf32>
    %add3A = arith.addf %get3A_8, %get3A_13 : vector<2000x64xf32>
    %get3A_14 = arith.constant 0 : index
    %get3A_15 = arith.constant 0 : index
    %get3A_16 = vector.load %arg2[%get3A_14, %get3A_15] : memref<2000x64xf32, #tpu.memory_space<vmem>>, vector<2000x64xf32>
    %add3A_17 = arith.addf %add3A, %get3A_16 : vector<2000x64xf32>
    %broadcast_in_dim3A = vector.shape_cast %get3A_3 : vector<2000xf32> to vector<2000x1xf32>
    %mul3A = vector.broadcast %broadcast_in_dim3A : vector<2000x1xf32> to vector<2000x64xf32>
    %mul3A_18 = arith.mulf %add3A_17, %mul3A : vector<2000x64xf32>
    %get3A_19 = arith.constant 0 : index
    %get3A_20 = arith.constant 0 : index
    %get3A_21 = vector.load %arg4[%get3A_19, %get3A_20] : memref<1x64xf32, #tpu.memory_space<vmem>>, vector<1x64xf32>
    %add3A_22 = vector.broadcast %get3A_21 : vector<1x64xf32> to vector<2000x64xf32>
    %add3A_23 = arith.addf %mul3A_18, %add3A_22 : vector<2000x64xf32>
    %max3A = arith.constant 0.000000e+00 : f32
    %max3A_24 = vector.broadcast %max3A : f32 to vector<2000x64xf32>
    %max3A_25 = arith.maximumf %add3A_23, %max3A_24 : vector<2000x64xf32>
    %reduce_sum3A = arith.constant dense<0.000000e+00> : vector<64xf32>
    %reduce_sum3A_26 = vector.multi_reduction <add>, %max3A_25, %reduce_sum3A [0] : vector<2000x64xf32> to vector<64xf32>
    %broadcast_in_dim3A_27 = vector.shape_cast %reduce_sum3A_26 : vector<64xf32> to vector<1x64xf32>
    %eq3A = arith.constant 0 : i32
    %eq3A_28 = arith.cmpi eq, %arg0, %eq3A : i32
    %broadcast_in_dim3A_29 = arith.constant 0.000000e+00 : f32
    %broadcast_in_dim3A_30 = vector.broadcast %broadcast_in_dim3A_29 : f32 to vector<1x64xf32>
    %get3A_31 = arith.constant 0 : index
    %get3A_32 = arith.constant 0 : index
    %get3A_33 = vector.load %arg5[%get3A_31, %get3A_32] : memref<1x64xf32, #tpu.memory_space<vmem>>, vector<1x64xf32>
    %select_n3A = arith.select %eq3A_28, %broadcast_in_dim3A_30, %get3A_33 : vector<1x64xf32>
    %add3A_34 = arith.addf %select_n3A, %broadcast_in_dim3A_27 : vector<1x64xf32>
    %eq3A_35 = arith.constant 4 : i32
    %eq3A_36 = arith.cmpi eq, %arg0, %eq3A_35 : i32
    %mul3A_37 = arith.constant 9.99999974E-5 : f32
    %mul3A_38 = vector.broadcast %mul3A_37 : f32 to vector<1x64xf32>
    %mul3A_39 = arith.mulf %add3A_34, %mul3A_38 : vector<1x64xf32>
    %select_n3A_40 = arith.select %eq3A_36, %mul3A_39, %add3A_34 : vector<1x64xf32>
    %swap3A = arith.constant 0 : index
    %swap3A_41 = arith.constant 0 : index
    %swap3A_42 = vector.load %arg5[%swap3A, %swap3A_41] : memref<1x64xf32, #tpu.memory_space<vmem>>, vector<1x64xf32>
    tpu.vector_store %arg5[%swap3A, %swap3A_41], %select_n3A_40 {strides = array<i32>} : memref<1x64xf32, #tpu.memory_space<vmem>>, vector<1x64xf32>,
    return
  }
  func.func @transform_0(%arg0: i32) -> (i32, i32, i32) {
    %c0_i32 = arith.constant 0 : i32
    %c0_i32_0 = arith.constant 0 : i32
    %c0_i32_1 = arith.constant 0 : i32
    return %c0_i32, %arg0, %c0_i32_0 : i32, i32, i32
  }
  func.func @transform_1(%arg0: i32) -> (i32, i32) {
    %c0_i32 = arith.constant 0 : i32
    %c0_i32_0 = arith.constant 0 : i32
    return %arg0, %c0_i32 : i32, i32
  }
  func.func @transform_2(%arg0: i32) -> (i32, i32, i32) {
    %c0_i32 = arith.constant 0 : i32
    %c0_i32_0 = arith.constant 0 : i32
    %c0_i32_1 = arith.constant 0 : i32
    return %arg0, %c0_i32, %c0_i32_0 : i32, i32, i32
  }
  func.func @transform_3(%arg0: i32) -> (i32, i32) {
    %c0_i32 = arith.constant 0 : i32
    %c0_i32_0 = arith.constant 0 : i32
    %c0_i32_1 = arith.constant 0 : i32
    return %c0_i32, %c0_i32_0 : i32, i32
  }
  func.func @transform_4(%arg0: i32) -> (i32, i32) {
    %c0_i32 = arith.constant 0 : i32
    %c0_i32_0 = arith.constant 0 : i32
    %c0_i32_1 = arith.constant 0 : i32
    return %c0_i32, %c0_i32_0 : i32, i32
  }
}

</mosaic_0001>

<sc_bundles>
// kernel: kernel.11.cloned.1.call-start
scs
__scs_entry_jumppad:
0x0: {  	(pc) =	sbr.rel $0x88, $3  }
0x1: {  	(tag) =	ssettag $0x0;
	lr =	simm.s32 $0x1  }
0x2: {  	[smem:$0x3F9B] =	sst lr;
	_ =	strace $0xD0000000  }
0x3: {  	_ = 	snop  }
0x4: {  	_ = 	snop  }
0x5: {  	_ = 	snop  }
0x6: {  	_ = 	snop  }
0x7: {  	_ = 	snop  }
__scs_overlays_trampoline_lowered:
0x8: {  	[smem:$0x3FAA] =	sst s0  }
0x9: {  	[smem:$0x3FAB] =	sst s1  }
0xa: {  	[smem:$0x3FAC] =	sst s2  }
0xb: {  	[smem:$0x3FAD] =	sst s3  }
0xc: {  	[smem:$0x3FAE] =	sst s4  }
0xd: {  	[smem:$0x3FAF] =	sst s5  }
0xe: {  	[smem:$0x3FB0] =	sst s6  }
0xf: {  	[smem:$0x3FB1] =	sst s7  }
0x10: {  	[smem:$0x3FB2] =	sst s8  }
0x11: {  	[smem:$0x3FB3] =	sst s9;
	s0 =	simm.s32 @!p0 $0x0  }
0x12: {  	s1 =	sld [smem:$0x3F99];
	s0 =	simm.s32 @p0 $0x1  }
0x13: {  	[smem:$0x3FB4] =	sst s0;
	s0 =	simm.s32 @!p1 $0x0  }
0x14: {  	s2 =	sld [smem:$0x3F98];
	s0 =	simm.s32 @p1 $0x1  }
0x15: {  	[smem:$0x3FB5] =	sst s0;
	s0 =	simm.s32 @!p2 $0x0  }
0x16: {  	s3 =	sld [smem:$0x3FDB];
	s0 =	simm.s32 @p2 $0x1  }
0x17: {  	s4 =	simm.s32 $0x1BF5;
	[smem:$0x3FB7] =	sst s0  }
0x18: {  	s0 =	sld [smem:$0x3F9A];
	_ =	swait.ge [sflag:s4], $0x0  }
0x19: {  	s7 =	sld [smem:$0x3F9B]  }
0x1a: {  	s8 =	sadd.s32 $0xFFFFE003, lr  }
0x1b: {  	s9 =	sadd.s32 $0xFFFFFEF7, lr;
	s5 =	simm.s32 $0xFFFFFFFF;
	p2 =	slt.u32 s8, $0xFFFFF086  }
0x1c: {  	p1 =	slt.u32 s9, $0xF7A;
	s5 =	simm.s32 @!p2 $0x0  }
0x1d: {  	s5 =	simm.s32 @p1 $0x1;
	p0 =	seq.s32 s7, s2  }
0x1e: {  	s7 =	smul.u32 @!p0 $0xF7A, s2;
	p2 =	seq.s32 @!p0 s5, $0x0  }
0x1f: {  	s9 =	smul.u32 $0xF7A, s1;
	s8 =	simm.s32 @!p0 $0x1BF5;
	p2 =	por !p2, p0  }
0x20: {  	[sflag:s8] =	ssyncset.s32 @!p0 $0xFFFFF086;
	s6 =	sadd.s32 @!p0 s3, s7;
	s7 =	simm.s32 @!p0 $0x108  }
0x21: {  	s3 =	sadd.s32 s3, s9;
	s6 =	sadd.s32 @!p0 $0x88, s6;
	s7 =	simm.s32 @p2 $0x1082  }
0x22: {  	[simem:s7], [sflag:s8] =	dma.local @!p0 [hbm:s6], $0xF7A  }
0x23: {  	s9 =	sor.u32 $0xD0000000, s2;
	s6 =	simm.s32 $0x108;
	_ =	swait.ge @!p0 [sflag:s8], $0x0  }
0x24: {  	s3 =	sadd.s32 $0x88, s3;
	s6 =	simm.s32 @!p1 $0x1082;
	[sflag:s4] =	ssyncset.s32 $0xFFFFF086  }
0x25: {  	[simem:s6], [sflag:s4] =	dma.local [hbm:s3], $0xF7A  }
0x26: {  	[smem:$0x3F9B] =	sst s1;
	(tag) =	ssettag s2;
	_ =	strace s9  }
0x27: {  	s1 =	sld [smem:$0x3FAB]  }
0x28: {  	s2 =	sld [smem:$0x3FAC]  }
0x29: {  	s4 =	sld [smem:$0x3FAE]  }
0x2a: {  	p0 =	seq.s32 s5, $0x0;
	s5 =	sld [smem:$0x3FAF]  }
0x2b: {  	s6 =	sld [smem:$0x3FB0]  }
0x2c: {  	s7 =	sld [smem:$0x3FB1]  }
0x2d: {  	s3 =	simm.s32 $0x108;
	s8 =	sld [smem:$0x3FB2]  }
0x2e: {  	s3 =	simm.s32 @!p0 $0x1082;
	s9 =	sld [smem:$0x3FB3]  }
0x2f: {  	lr =	sadd.s32 s0, s3;
	s0 =	sld [smem:$0x3FAA]  }
0x30: {  	s3 =	sld [smem:$0x3FAD]  }
0x31: {  	[smem:$0x3FB6] =	sst s10  }
0x32: {  	s10 =	sld [smem:$0x3FB4];
	_ =	sdelay $0x3  }
0x33: {  	p0 =	seq.s32 s10, $0x1;
	s10 =	sld [smem:$0x3FB6];
	_ =	sdelay $0x3  }
0x34: {  	[smem:$0x3FB6] =	sst s10  }
0x35: {  	s10 =	sld [smem:$0x3FB5];
	_ =	sdelay $0x3  }
0x36: {  	p1 =	seq.s32 s10, $0x1;
	s10 =	sld [smem:$0x3FB6];
	_ =	sdelay $0x3  }
0x37: {  	[smem:$0x3FB6] =	sst s10  }
0x38: {  	s10 =	sld [smem:$0x3FB7]  }
0x39: {  	_ = 	snop;
	(pc) =	sbr.ind lr, $3  }
0x3a: {  	_ = 	snop  }
0x3b: {  	_ = 	snop  }
0x3c: {  	p2 =	seq.s32 s10, $0x1;
	s10 =	sld [smem:$0x3FB6]  }
0x3d: {  	_ =	shalt  }
0x3e: {  	_ =	shalt  }
0x3f: {  	_ =	shalt  }
0x40: {  	_ =	shalt  }
0x41: {  	_ =	shalt  }
0x42: {  	_ =	shalt  }
0x43: {  	_ =	shalt  }
0x44: {  	_ =	shalt  }
0x45: {  	_ =	shalt  }
0x46: {  	_ =	shalt  }
0x47: {  	_ =	shalt  }
0x48: {  	_ =	shalt  }
0x49: {  	_ =	shalt  }
0x4a: {  	_ =	shalt  }
0x4b: {  	_ =	shalt  }
0x4c: {  	_ =	shalt  }
0x4d: {  	_ =	shalt  }
0x4e: {  	_ =	shalt  }
0x4f: {  	_ =	shalt  }
0x50: {  	_ =	shalt  }
0x51: {  	_ =	shalt  }
0x52: {  	_ =	shalt  }
0x53: {  	_ =	shalt  }
0x54: {  	_ =	shalt  }
0x55: {  	_ =	shalt  }
0x56: {  	_ =	shalt  }
0x57: {  	_ =	shalt  }
0x58: {  	_ =	shalt  }
0x59: {  	_ =	shalt  }
0x5a: {  	_ =	shalt  }
0x5b: {  	_ =	shalt  }
0x5c: {  	_ =	shalt  }
0x5d: {  	_ =	shalt  }
0x5e: {  	_ =	shalt  }
0x5f: {  	_ =	shalt  }
0x60: {  	_ =	shalt  }
0x61: {  	_ =	shalt  }
0x62: {  	_ =	shalt  }
0x63: {  	_ =	shalt  }
0x64: {  	_ =	shalt  }
0x65: {  	_ =	shalt  }
0x66: {  	_ =	shalt  }
0x67: {  	_ =	shalt  }
0x68: {  	_ =	shalt  }
0x69: {  	_ =	shalt  }
0x6a: {  	_ =	shalt  }
0x6b: {  	_ =	shalt  }
0x6c: {  	_ =	shalt  }
0x6d: {  	_ =	shalt  }
0x6e: {  	_ =	shalt  }
0x6f: {  	_ =	shalt  }
0x70: {  	_ =	shalt  }
0x71: {  	_ =	shalt  }
0x72: {  	_ =	shalt  }
0x73: {  	_ =	shalt  }
0x74: {  	_ =	shalt  }
0x75: {  	_ =	shalt  }
0x76: {  	_ =	shalt  }
0x77: {  	_ =	shalt  }
0x78: {  	_ =	shalt  }
0x79: {  	_ =	shalt  }
0x7a: {  	_ =	shalt  }
0x7b: {  	_ =	shalt  }
0x7c: {  	_ =	shalt  }
0x7d: {  	_ =	shalt  }
0x7e: {  	_ =	shalt  }
0x7f: {  	_ =	shalt  }
0x80: {  	_ =	shalt  }
0x81: {  	_ =	shalt  }
0x82: {  	_ =	shalt  }
0x83: {  	_ =	shalt  }
0x84: {  	_ =	shalt  }
0x85: {  	_ =	shalt  }
0x86: {  	_ =	shalt  }
0x87: {  	_ =	shalt  }
.Lfunc_end0:
.L_simem_size_0:
called_computation.1_lowered:
.L_overlay_start_0:
0x88: {  	s2 =	sld [smem:$0x3FD9]  }
0x89: {  	s3 =	sld [smem:$0x3FFE];
	_ =	sdelay $0x1  }
0x8a: {  	s1 =	srdreg.scid  }
0x8b: {  	s0 =	sand.u32 $0x1, s1  }
0x8c: {  	s16 =	sshll.u32 s0, $0xA;
	s2 =	sadd.s32 s3, s2  }
0x8d: {  	s2 =	sadd.s32 s2, s16  }
0x8e: {  	[smem:$0x3FC2] =	sst s2  }
0x8f: {  	_ = 	snop  }
0x90: {  	(tm) =	ssettm $0x1  }
0x91: {  	s17 =	sld [smem:$0x3FFB];
	_ =	sdelay $0x3  }
0x92: {  	_ =	strace s17  }
0x93: {  	s2 =	sld [smem:$0x3FFC];
	_ =	sdelay $0x3  }
0x94: {  	_ =	strace s2  }
0x95: {  	s2 =	sld [smem:$0x3FFD];
	_ =	sdelay $0x3  }
0x96: {  	_ =	strace s2  }
0x97: {  	_ =	strace $0x8FFFFFFF  }
0x98: {  	s18 =	sld [smem:$0x3FDB];
	_ =	sdelay $0x1  }
0x99: {  	s19 =	simm.s32 $_scs_section_size  }
0x9a: {  	s4 =	simm.s32 $_size__tile_overlayer_lowered;
	s5 =	simm.s32 $_tile_overlayer_lowered  }
0x9b: {  	s22 =	simm.s32 $0x1BFF;
	s21 =	sshll.u32 s5, $0x1;
	s2 =	sadd.s32 s19, s18  }
0x9c: {  	s6 =	simm.s32 $0x0;
	s20 =	sshll.u32 s4, $0x1;
	s4 =	sadd.s32 s21, s2  }
0x9d: {  	[timem:s6], [sflag:s22] =	dma.local [hbm:s4], s20  }
0x9e: {  	_ =	swait.ge [sflag:s22], s20  }
0x9f: {  	s3 =	ssub.s32 $0x0, s20;
	[sflag:s22] =	ssyncset.done $0x0  }
0xa0: {  	[sflag:s22] =	ssyncadd.s32 s3;
	_ =	sdelay $0x1  }
0xa1: {  	s23 =	simm.s32 $0x1B8B  }
0xa2: {  	_ =	swait.ge [sflag:s23], $0x1  }
0xa3: {  	[sflag:s23] =	ssyncset.done $0x0  }
0xa4: {  	s25 =	simm.s32 $0x1B8E;
	s24 =	sld [smem:$0x3FFE];
	[sflag:s23] =	ssyncadd.s32 $0xFFFFFFFF  }
0xa5: {  	s26 =	simm.s32 $execute0_lowered;
	[smem:$0x3FD2] =	sst s25  }
0xa6: {  	s4 =	sshll.u32 s26, $0x1;
	_ =	strace $0x80000049;
	[dreg:$0x1] =	wrdreg $0xFFFFFFFF  }
0xa7: {  	s28 =	simm.s32 $_size_execute0_lowered;
	s2 =	sadd.s32 s2, s4;
	[dreg:$0x0] =	wrdreg $0x0  }
0xa8: {  	s4 =	sshll.u32 s28, $0x1;
	[dreg:$0x2] =	wrdreg s2  }
0xa9: {  	[dreg:$0x3] =	wrdreg s4  }
0xaa: {  	[dreg:$0x4] =	wrdreg $0xC0  }
0xab: {  	_ =	task [dreg:s6], $0x5FFFF  }
0xac: {  	[dreg:$0x1] =	wrdreg $0xFFFFFFFF  }
0xad: {  	[dreg:$0x0] =	wrdreg $0x60  }
0xae: {  	[dreg:$0x2] =	wrdreg s24  }
0xaf: {  	[dreg:$0x3] =	wrdreg $0x160800  }
0xb0: {  	[dreg:$0x4] =	wrdreg $0x9  }
0xb1: {  	_ =	task.clear_ibuf [dreg:s6], $0x5FFFF;
	_ =	strace $0x90000049  }
0xb2: {  	s29 =	simm.s32 $0x9;
	_ =	strace $0x8000004B  }
0xb3: {  	_ =	swait.ge [sflag:s29], $0x1  }
0xb4: {  	[sflag:s29] =	ssyncadd.s32 $0xFFFFFFFF  }
0xb5: {  	_ =	strace $0x9000004B  }
0xb6: {  	_ =	sfence  }
0xb7: {  	s30 =	sld [smem:$0x0];
	_ =	sdelay $0x2  }
0xb8: {  	s31 =	sshll.u32 s1, $0xD;
	s1 =	sshrl.u32 s1, $0x2  }
0xb9: {  	s3 =	sand.u32 $0x4000, s31;
	s1 =	sadd.s32 s1, s30  }
0xba: {  	s0 =	sor.u32 s3, s0;
	s1 =	sshll.u32 s1, $0x11  }
0xbb: {  	s0 =	sor.u32 s1, s0  }
0xbc: {  	s0 =	sadd.s32 $0x8F2B, s0  }
0xbd: {  	[sflag:s0] =	ssyncadd.remote.s32 $0x1  }
0xbe: {  	_ =	sfence.sel $0xFFFF  }
0xbf: {  	[dreg:$0x0] =	wrdreg $0xFFFFFFFF;
	(pc) =	sbr.abs _section_cstart, $3  }
0xc0: {  	[dreg:$0x1] =	wrdreg $0xFFFFFFFF  }
0xc1: {  	_ =	task.clear_ibuf [dreg:s6], $0x2FFFF;
	_ =	strace $0x9FFFFFFF  }
0xc2: {  	(tm) =	ssettm $0x7FFFFFFF  }
0xc3: {  	_ =	shalt  }
tec
execute0_lowered:
.L_overlay_start_1:
0x0: {  	(tag) =	ssettag $0x1  }
0x1: {  	s0 =	srdreg.scid  }
0x2: {  	s7 =	stileid.u32;
	s3 =	rddreg [dreg:$0x0]  }
0x3: {  	s2 =	rddreg [dreg:$0x1];
	s4 =	simm.s32 $0x0;
	s16 =	simm.s32 $0xB  }
0x4: {  	s17 =	simm.s32 $0xC;
	s18 =	simm.s32 $0xD;
	s19 =	simm.s32 $0xE  }
0x5: {  	s20 =	simm.s32 $0xF;
	s9 =	simm.s32 $0x7;
	s10 =	simm.s32 $0x8  }
0x6: {  	s11 =	simm.s32 $0x9;
	s12 =	simm.s32 $0xA;
	s13 =	simm.s32 $0x12  }
0x7: {  	s15 =	simm.s32 $0x13;
	s0 =	sand.u32 $0x1, s0;
	s6 =	smul.u32 $0x9C40, s7  }
0x8: {  	[smem:$0x7FF] =	sst s4;
	s4 =	sadd.s32 $0x2400, s3;
	s22 =	smul.u32 $0x27100, s7  }
0x9: {  	s1 =	sshll.u32 s0, $0x4;
	s5 =	smul.u32 $0x9C400, s0;
	s0 =	ssub.s32 $0x2, s0  }
0xa: {  	_ =	strace $0x8000004A;
	s1 =	sor.u32 s7, s1;
	s23 =	sshrl.u32 s0, $0x1  }
0xb: {  	s1 =	smul.u32 $0x1400, s1;
	s5 =	sadd.s32 s6, s5;
	s6 =	sshrl.u32 s22, $0x2  }
0xc: {  	s0 =	ssub.s32 s0, s23;
	s22 =	simm.s32 $0x2;
	s25 =	sadd.s32 s6, s2  }
0xd: {  	s23 =	simm.s32 $0x7D;
	s0 =	smax.u32 s0, $0x1;
	[dreg:$0x4] =	wrdreg s25  }
0xe: {  	s5 =	sshrl.u32 s5, $0x3;
	s26 =	sadd.s32 $0x1F40, s25;
	[dreg:$0xb] =	wrdreg s0  }
0xf: {  	s6 =	simm.s32 $0x11;
	s28 =	sadd.s32 $0x3E80, s25;
	[dreg:$0x6] =	wrdreg s26  }
0x10: {  	s1 =	sshrl.u32 s1, $0x3;
	s29 =	sadd.s32 $0x5DC0, s25;
	[dreg:$0x7] =	wrdreg s28  }
0x11: {  	s30 =	sadd.s32 $0x7D00, s25;
	s1 =	sadd.s32 s1, s3;
	[dreg:$0x8] =	wrdreg s29  }
0x12: {  	s0 =	simm.s32 $0x6;
	[dreg:$0x9] =	wrdreg s30;
	s24 =	sadd.s32 $0x16000, s1  }
0x13: {  	s3 =	sadd.s32 s5, s3;
	s1 =	sadd.s32 $0x1B000, s1;
	[dreg:$0x3] =	wrdreg s24  }
0x14: {  	s5 =	simm.s32 $0x14;
	s31 =	sadd.s32 $0x20000, s3;
	[dreg:$0x5] =	wrdreg s1  }
0x15: {  	v0 =	vimm.f32 $0.0e+00;
	s3 =	simm.s32 $0x10;
	[dreg:$0xa] =	wrdreg s31;
	s24 =	simm.s32 $0x0  }
.LBB2_1:
0x16: {  	[dreg:$0xc] =	wrdreg s24  }
0x17: {  	s26 =	simm.s32 $0x0;
	s1 =	rddreg [dreg:$0x3]  }
0x18: {  	[tilespmem:s26], [sflag:$0x1] =	stream.linear.gather [hbm4b:s1+s26], $0x1400, $0x38;
	[tilespmem:$0x1FCC0] =	vst v63  }
0x19: {  	s29 =	rddreg [dreg:$0x5];
	s31 =	sand.u32 $0x7F00, s26  }
0x1a: {  	s28 =	simm.s32 $0x1400;
	s30 =	sand.u32 $0x30, s26;
	s1 =	sshrl.u32 s31, $0x2  }
0x1b: {  	[tilespmem:s28], [sflag:$0x2] =	stream.linear.gather [hbm4b:s29+s26], $0x1400, $0x38;
	[tilespmem:$0x1FCC0] =	vst v63  }
0x1c: {  	s28 =	simm.s32 $0x40;
	s1 =	sor.u32 s30, s1;
	s30 =	simm.s32 $0x0  }
.LBB2_2:
0x1d: {  	p0 =	sne.s32 s28, $0x7CC0  }
0x1e: {  	[tilespmem:s1+$0x2800] =	vst v0;
	s30 =	sadd.s32 $0x10, s30;
	s1 =	smov.u32 s28;
	s28 =	sadd.s32 $0x40, s28  }
.Ltmp0:
0x1f: {  	(pc) =	sbr.rel @p0 .LBB2_2-.Ltmp0, $4  }
0x20: {  	_ = 	snop  }
0x21: {  	s1 =	sand.u32 $0x7F00, s1  }
0x22: {  	s24 =	sand.u32 $0x30, s30;
	s1 =	sshrl.u32 s1, $0x2  }
0x23: {  	s1 =	sor.u32 s24, s1  }
0x24: {  	[tilespmem:s1+$0x2800] =	vst v0;
	s25 =	rddreg [dreg:$0x4];
	s28 =	simm.s32 $0x2800  }
0x25: {  	[spmem:s25] =	stream.linear.scatter [tilespmem:s28], [sflag:$0xB], $0x1F40, $0x38;
	[tilespmem:$0x1FCC0] =	vst v63  }
0x26: {  	s26 =	rddreg [dreg:$0x6]  }
0x27: {  	[spmem:s26] =	stream.linear.scatter [tilespmem:s28], [sflag:$0xC], $0x1F40, $0x38;
	[tilespmem:$0x1FCC0] =	vst v63  }
0x28: {  	s29 =	rddreg [dreg:$0x7]  }
0x29: {  	[spmem:s29] =	stream.linear.scatter [tilespmem:s28], [sflag:$0xD], $0x1F40, $0x38;
	[tilespmem:$0x1FCC0] =	vst v63  }
0x2a: {  	s31 =	rddreg [dreg:$0x8]  }
0x2b: {  	[spmem:s31] =	stream.linear.scatter [tilespmem:s28], [sflag:$0xE], $0x1F40, $0x38;
	[tilespmem:$0x1FCC0] =	vst v63  }
0x2c: {  	s7 =	rddreg [dreg:$0x9]  }
0x2d: {  	[spmem:s7] =	stream.linear.scatter [tilespmem:s28], [sflag:$0xF], $0x1F40, $0x38;
	[tilespmem:$0x1FCC0] =	vst v63  }
0x2e: {  	_ =	swait.ge [sflag:s16], $0x1F40  }
0x2f: {  	[sflag:s16] =	ssyncset.done $0x0  }
0x30: {  	[sflag:s16] =	ssyncadd.s32 $0xFFFFE0C0  }
0x31: {  	_ =	swait.ge [sflag:s17], $0x1F40  }
0x32: {  	[sflag:s17] =	ssyncset.done $0x0  }
0x33: {  	[sflag:s17] =	ssyncadd.s32 $0xFFFFE0C0  }
0x34: {  	_ =	swait.ge [sflag:s18], $0x1F40  }
0x35: {  	[sflag:s18] =	ssyncset.done $0x0  }
0x36: {  	[sflag:s18] =	ssyncadd.s32 $0xFFFFE0C0  }
0x37: {  	_ =	swait.ge [sflag:s19], $0x1F40  }
0x38: {  	[sflag:s19] =	ssyncset.done $0x0  }
0x39: {  	[sflag:s19] =	ssyncadd.s32 $0xFFFFE0C0  }
0x3a: {  	_ =	swait.ge [sflag:s20], $0x1F40  }
0x3b: {  	[sflag:s20] =	ssyncset.done $0x0  }
0x3c: {  	s30 =	simm.s32 $0x1;
	[sflag:s20] =	ssyncadd.s32 $0xFFFFE0C0  }
0x3d: {  	_ =	swait.ge [sflag:s30], $0x1400  }
0x3e: {  	[sflag:s30] =	ssyncset.done $0x0  }
0x3f: {  	[sflag:s30] =	ssyncadd.s32 $0xFFFFEC00  }
0x40: {  	_ =	swait.ge [sflag:s22], $0x1400  }
0x41: {  	[sflag:s22] =	ssyncset.done $0x0  }
0x42: {  	[sflag:s22] =	ssyncadd.s32 $0xFFFFEC00  }
0x43: {  	s8 =	simm.s32 $0x0;
	[bflag:$0x0] =	sbarrier.arrive $0xFFFF  }
0x44: {  	[tilespmem:s28], [sflag:$0x1] =	stream.indirect.gather [hbm4b:s4+s23], $0x40, s8, s23, $0xb8;
	[tilespmem:$0x1FCC0] =	vst v63  }
0x45: {  	s14 =	simm.s32 $0x80;
	s8 =	simm.s32 $0x4740  }
0x46: {  	[tilespmem:s8], [sflag:$0x2] =	stream.indirect.gather [hbm4b:s4+s23], $0x40, s14, s23, $0xb8;
	[tilespmem:$0x1FCC0] =	vst v63  }
0x47: {  	s21 =	simm.s32 $0x100;
	s7 =	simm.s32 $0x6680  }
0x48: {  	[tilespmem:s7], [sflag:$0x3] =	stream.indirect.gather [hbm4b:s4+s23], $0x40, s21, s23, $0xb8;
	[tilespmem:$0x1FCC0] =	vst v63  }
0x49: {  	s24 =	simm.s32 $0x180;
	s25 =	simm.s32 $0x85C0  }
0x4a: {  	[tilespmem:s25], [sflag:$0x4] =	stream.indirect.gather [hbm4b:s4+s23], $0x40, s24, s23, $0xb8;
	[tilespmem:$0x1FCC0] =	vst v63  }
0x4b: {  	s26 =	simm.s32 $0x200;
	s29 =	simm.s32 $0xA500  }
0x4c: {  	[tilespmem:s29], [sflag:$0x5] =	stream.indirect.gather [hbm4b:s4+s23], $0x40, s26, s23, $0xb8;
	[tilespmem:$0x1FCC0] =	vst v63  }
0x4d: {  	s31 =	simm.s32 $0x280;
	s14 =	simm.s32 $0xC440  }
0x4e: {  	[tilespmem:s14], [sflag:$0x6] =	stream.indirect.gather [hbm4b:s4+s23], $0x40, s31, s23, $0xb8;
	[tilespmem:$0x1FCC0] =	vst v63  }
0x4f: {  	s21 =	simm.s32 $0x300;
	s31 =	simm.s32 $0xE380  }
0x50: {  	[tilespmem:s31], [sflag:$0x7] =	stream.indirect.gather [hbm4b:s4+s23], $0x40, s21, s23, $0xb8;
	[tilespmem:$0x1FCC0] =	vst v63  }
0x51: {  	s24 =	simm.s32 $0x380;
	s26 =	simm.s32 $0x102C0  }
0x52: {  	[tilespmem:s26], [sflag:$0x8] =	stream.indirect.gather [hbm4b:s4+s23], $0x40, s24, s23, $0xb8;
	[tilespmem:$0x1FCC0] =	vst v63  }
0x53: {  	s21 =	simm.s32 $0x400;
	s24 =	simm.s32 $0x12200  }
0x54: {  	[tilespmem:s24], [sflag:$0x9] =	stream.indirect.gather [hbm4b:s4+s23], $0x40, s21, s23, $0xb8;
	[tilespmem:$0x1FCC0] =	vst v63  }
0x55: {  	s1 =	simm.s32 $0x480;
	s21 =	simm.s32 $0x14140  }
0x56: {  	[tilespmem:s21], [sflag:$0xA] =	stream.indirect.gather [hbm4b:s4+s23], $0x40, s1, s23, $0xb8;
	[tilespmem:$0x1FCC0] =	vst v63  }
0x57: {  	_ =	swait.ge [sflag:s30], $0x1F40  }
0x58: {  	[sflag:s30] =	ssyncset.done $0x0  }
0x59: {  	s1 =	simm.s32 $0x1400;
	[sflag:s30] =	ssyncadd.s32 $0xFFFFE0C0  }
0x5a: {  	[spmem:s2] =	stream.indirect.scatter.add.f32 [tilespmem:s28], [sflag:$0xB], $0x40, s1, s23, $0xb8;
	[tilespmem:$0x1FCC0] =	vst v63  }
0x5b: {  	_ =	swait.ge [sflag:s22], $0x1F40  }
0x5c: {  	[sflag:s22] =	ssyncset.done $0x0  }
0x5d: {  	s1 =	simm.s32 $0x1480;
	[sflag:s22] =	ssyncadd.s32 $0xFFFFE0C0  }
0x5e: {  	[spmem:s2] =	stream.indirect.scatter.add.f32 [tilespmem:s8], [sflag:$0xC], $0x40, s1, s23, $0xb8;
	[tilespmem:$0x1FCC0] =	vst v63  }
0x5f: {  	s1 =	simm.s32 $0x3  }
0x60: {  	_ =	swait.ge [sflag:s1], $0x1F40  }
0x61: {  	[sflag:s1] =	ssyncset.done $0x0  }
0x62: {  	[sflag:s1] =	ssyncadd.s32 $0xFFFFE0C0;
	s1 =	simm.s32 $0x1500  }
0x63: {  	[spmem:s2] =	stream.indirect.scatter.add.f32 [tilespmem:s7], [sflag:$0xD], $0x40, s1, s23, $0xb8;
	[tilespmem:$0x1FCC0] =	vst v63  }
0x64: {  	s1 =	simm.s32 $0x4  }
0x65: {  	_ =	swait.ge [sflag:s1], $0x1F40  }
0x66: {  	[sflag:s1] =	ssyncset.done $0x0  }
0x67: {  	[sflag:s1] =	ssyncadd.s32 $0xFFFFE0C0;
	s1 =	simm.s32 $0x1580  }
0x68: {  	[spmem:s2] =	stream.indirect.scatter.add.f32 [tilespmem:s25], [sflag:$0xE], $0x40, s1, s23, $0xb8;
	[tilespmem:$0x1FCC0] =	vst v63  }
0x69: {  	s1 =	simm.s32 $0x5  }
0x6a: {  	_ =	swait.ge [sflag:s1], $0x1F40  }
0x6b: {  	[sflag:s1] =	ssyncset.done $0x0  }
0x6c: {  	[sflag:s1] =	ssyncadd.s32 $0xFFFFE0C0;
	s1 =	simm.s32 $0x1600  }
0x6d: {  	[spmem:s2] =	stream.indirect.scatter.add.f32 [tilespmem:s29], [sflag:$0xF], $0x40, s1, s23, $0xb8;
	[tilespmem:$0x1FCC0] =	vst v63  }
0x6e: {  	_ =	swait.ge [sflag:s0], $0x1F40  }
0x6f: {  	[sflag:s0] =	ssyncset.done $0x0  }
0x70: {  	[sflag:s0] =	ssyncadd.s32 $0xFFFFE0C0;
	s0 =	simm.s32 $0x1680  }
0x71: {  	[spmem:s2] =	stream.indirect.scatter.add.f32 [tilespmem:s14], [sflag:$0x10], $0x40, s0, s23, $0xb8;
	[tilespmem:$0x1FCC0] =	vst v63  }
0x72: {  	_ =	swait.ge [sflag:s9], $0x1F40  }
0x73: {  	[sflag:s9] =	ssyncset.done $0x0  }
0x74: {  	[sflag:s9] =	ssyncadd.s32 $0xFFFFE0C0;
	s9 =	simm.s32 $0x1700  }
0x75: {  	[spmem:s2] =	stream.indirect.scatter.add.f32 [tilespmem:s31], [sflag:$0x11], $0x40, s9, s23, $0xb8;
	[tilespmem:$0x1FCC0] =	vst v63  }
0x76: {  	_ =	swait.ge [sflag:s10], $0x1F40  }
0x77: {  	[sflag:s10] =	ssyncset.done $0x0  }
0x78: {  	[sflag:s10] =	ssyncadd.s32 $0xFFFFE0C0;
	s10 =	simm.s32 $0x1780  }
0x79: {  	[spmem:s2] =	stream.indirect.scatter.add.f32 [tilespmem:s26], [sflag:$0x12], $0x40, s10, s23, $0xb8;
	[tilespmem:$0x1FCC0] =	vst v63  }
0x7a: {  	_ =	swait.ge [sflag:s11], $0x1F40  }
0x7b: {  	[sflag:s11] =	ssyncset.done $0x0  }
0x7c: {  	[sflag:s11] =	ssyncadd.s32 $0xFFFFE0C0;
	s11 =	simm.s32 $0x1800  }
0x7d: {  	[spmem:s2] =	stream.indirect.scatter.add.f32 [tilespmem:s24], [sflag:$0x13], $0x40, s11, s23, $0xb8;
	[tilespmem:$0x1FCC0] =	vst v63  }
0x7e: {  	_ =	swait.ge [sflag:s12], $0x1F40  }
0x7f: {  	[sflag:s12] =	ssyncset.done $0x0  }
0x80: {  	[sflag:s12] =	ssyncadd.s32 $0xFFFFE0C0;
	s12 =	simm.s32 $0x1880  }
0x81: {  	[spmem:s2] =	stream.indirect.scatter.add.f32 [tilespmem:s21], [sflag:$0x14], $0x40, s12, s23, $0xb8;
	[tilespmem:$0x1FCC0] =	vst v63  }
0x82: {  	_ =	swait.ge [sflag:s16], $0x1F40  }
0x83: {  	[sflag:s16] =	ssyncset.done $0x0  }
0x84: {  	[sflag:s16] =	ssyncadd.s32 $0xFFFFE0C0;
	s16 =	simm.s32 $0x500  }
0x85: {  	[tilespmem:s28], [sflag:$0x1] =	stream.indirect.gather [hbm4b:s4+s23], $0x40, s16, s23, $0xb8;
	[tilespmem:$0x1FCC0] =	vst v63  }
0x86: {  	_ =	swait.ge [sflag:s17], $0x1F40  }
0x87: {  	[sflag:s17] =	ssyncset.done $0x0  }
0x88: {  	[sflag:s17] =	ssyncadd.s32 $0xFFFFE0C0;
	s17 =	simm.s32 $0x580  }
0x89: {  	[tilespmem:s8], [sflag:$0x2] =	stream.indirect.gather [hbm4b:s4+s23], $0x40, s17, s23, $0xb8;
	[tilespmem:$0x1FCC0] =	vst v63  }
0x8a: {  	_ =	swait.ge [sflag:s18], $0x1F40  }
0x8b: {  	[sflag:s18] =	ssyncset.done $0x0  }
0x8c: {  	[sflag:s18] =	ssyncadd.s32 $0xFFFFE0C0;
	s18 =	simm.s32 $0x600  }
0x8d: {  	[tilespmem:s7], [sflag:$0x3] =	stream.indirect.gather [hbm4b:s4+s23], $0x40, s18, s23, $0xb8;
	[tilespmem:$0x1FCC0] =	vst v63  }
0x8e: {  	_ =	swait.ge [sflag:s19], $0x1F40  }
0x8f: {  	[sflag:s19] =	ssyncset.done $0x0  }
0x90: {  	[sflag:s19] =	ssyncadd.s32 $0xFFFFE0C0;
	s19 =	simm.s32 $0x680  }
0x91: {  	[tilespmem:s25], [sflag:$0x4] =	stream.indirect.gather [hbm4b:s4+s23], $0x40, s19, s23, $0xb8;
	[tilespmem:$0x1FCC0] =	vst v63  }
0x92: {  	_ =	swait.ge [sflag:s20], $0x1F40  }
0x93: {  	[sflag:s20] =	ssyncset.done $0x0  }
0x94: {  	[sflag:s20] =	ssyncadd.s32 $0xFFFFE0C0;
	s20 =	simm.s32 $0x700  }
0x95: {  	[tilespmem:s29], [sflag:$0x5] =	stream.indirect.gather [hbm4b:s4+s23], $0x40, s20, s23, $0xb8;
	[tilespmem:$0x1FCC0] =	vst v63  }
0x96: {  	_ =	swait.ge [sflag:s3], $0x1F40  }
0x97: {  	[sflag:s3] =	ssyncset.done $0x0  }
0x98: {  	s21 =	simm.s32 $0x780;
	[sflag:s3] =	ssyncadd.s32 $0xFFFFE0C0  }
0x99: {  	[tilespmem:s14], [sflag:$0x6] =	stream.indirect.gather [hbm4b:s4+s23], $0x40, s21, s23, $0xb8;
	[tilespmem:$0x1FCC0] =	vst v63  }
0x9a: {  	_ =	swait.ge [sflag:s6], $0x1F40  }
0x9b: {  	[sflag:s6] =	ssyncset.done $0x0  }
0x9c: {  	s25 =	simm.s32 $0x800;
	[sflag:s6] =	ssyncadd.s32 $0xFFFFE0C0  }
0x9d: {  	[tilespmem:s31], [sflag:$0x7] =	stream.indirect.gather [hbm4b:s4+s23], $0x40, s25, s23, $0xb8;
	[tilespmem:$0x1FCC0] =	vst v63  }
0x9e: {  	s1 =	simm.s32 $0x980;
	s9 =	simm.s32 $0x6;
	_ =	swait.ge [sflag:s13], $0x1F40  }
0x9f: {  	s10 =	simm.s32 $0x7;
	s11 =	simm.s32 $0x8;
	[sflag:s13] =	ssyncset.done $0x0  }
0xa0: {  	s12 =	simm.s32 $0x9;
	s29 =	simm.s32 $0x880;
	[sflag:s13] =	ssyncadd.s32 $0xFFFFE0C0  }
0xa1: {  	[tilespmem:s26], [sflag:$0x8] =	stream.indirect.gather [hbm4b:s4+s23], $0x40, s29, s23, $0xb8;
	[tilespmem:$0x1FCC0] =	vst v63  }
0xa2: {  	s28 =	simm.s32 $0x1400;
	s18 =	simm.s32 $0xC;
	_ =	swait.ge [sflag:s15], $0x1F40  }
0xa3: {  	s19 =	simm.s32 $0xD;
	s20 =	simm.s32 $0xE;
	[sflag:s15] =	ssyncset.done $0x0  }
0xa4: {  	s3 =	simm.s32 $0x10;
	s31 =	simm.s32 $0x900;
	[sflag:s15] =	ssyncadd.s32 $0xFFFFE0C0  }
0xa5: {  	[tilespmem:s24], [sflag:$0x9] =	stream.indirect.gather [hbm4b:s4+s23], $0x40, s31, s23, $0xb8;
	[tilespmem:$0x1FCC0] =	vst v63  }
0xa6: {  	s21 =	simm.s32 $0xF;
	s6 =	simm.s32 $0x11;
	_ =	swait.ge [sflag:s5], $0x1F40  }
0xa7: {  	s25 =	simm.s32 $0x13;
	s13 =	simm.s32 $0xA;
	[sflag:s5] =	ssyncset.done $0x0  }
0xa8: {  	s15 =	simm.s32 $0x12;
	s24 =	simm.s32 $0xB;
	[sflag:s5] =	ssyncadd.s32 $0xFFFFE0C0  }
.LBB2_4:
0xa9: {  	s17 =	simm.s32 $0x14140  }
0xaa: {  	[tilespmem:s17], [sflag:$0xA] =	stream.indirect.gather [hbm4b:s4+s23], $0x40, s1, s23, $0xb8;
	[tilespmem:$0x1FCC0] =	vst v63  }
0xab: {  	s1 =	smov.u32 s28  }
0xac: {  	p0 =	sne.s32 s28, $0x2800;
	s28 =	sadd.s32 $0x1400, s28;
	_ =	swait.ge [sflag:s30], $0x1F40  }
0xad: {  	s16 =	simm.s32 $0x1;
	[sflag:s30] =	ssyncset.done $0x0;
	s30 =	sshra.s32 s1, $0x2  }
0xae: {  	[sflag:s16] =	ssyncadd.s32 $0xFFFFE0C0;
	s1 =	sadd.s32 $0x1400, s30;
	s16 =	simm.s32 $0x2800  }
0xaf: {  	[spmem:s2] =	stream.indirect.scatter.add.f32 [tilespmem:s16], [sflag:$0xB], $0x40, s1, s23, $0xb8;
	[tilespmem:$0x1FCC0] =	vst v63  }
0xb0: {  	_ =	swait.ge [sflag:s22], $0x1F40  }
0xb1: {  	s8 =	simm.s32 $0x4740;
	[sflag:s22] =	ssyncset.done $0x0  }
0xb2: {  	s0 =	simm.s32 $0x3;
	s1 =	sadd.s32 $0x1480, s30;
	[sflag:s22] =	ssyncadd.s32 $0xFFFFE0C0  }
0xb3: {  	[spmem:s2] =	stream.indirect.scatter.add.f32 [tilespmem:s8], [sflag:$0xC], $0x40, s1, s23, $0xb8;
	[tilespmem:$0x1FCC0] =	vst v63  }
0xb4: {  	_ =	swait.ge [sflag:s0], $0x1F40  }
0xb5: {  	s7 =	simm.s32 $0x6680;
	[sflag:s0] =	ssyncset.done $0x0  }
0xb6: {  	s1 =	sadd.s32 $0x1500, s30;
	[sflag:s0] =	ssyncadd.s32 $0xFFFFE0C0;
	s0 =	simm.s32 $0x4  }
0xb7: {  	[spmem:s2] =	stream.indirect.scatter.add.f32 [tilespmem:s7], [sflag:$0xD], $0x40, s1, s23, $0xb8;
	[tilespmem:$0x1FCC0] =	vst v63  }
0xb8: {  	_ =	swait.ge [sflag:s0], $0x1F40  }
0xb9: {  	[sflag:s0] =	ssyncset.done $0x0  }
0xba: {  	s1 =	sadd.s32 $0x1580, s30;
	[sflag:s0] =	ssyncadd.s32 $0xFFFFE0C0;
	s0 =	simm.s32 $0x85C0  }
0xbb: {  	[spmem:s2] =	stream.indirect.scatter.add.f32 [tilespmem:s0], [sflag:$0xE], $0x40, s1, s23, $0xb8;
	[tilespmem:$0x1FCC0] =	vst v63  }
0xbc: {  	s1 =	simm.s32 $0x5  }
0xbd: {  	_ =	swait.ge [sflag:s1], $0x1F40  }
0xbe: {  	[sflag:s1] =	ssyncset.done $0x0  }
0xbf: {  	s29 =	simm.s32 $0xA500;
	[sflag:s1] =	ssyncadd.s32 $0xFFFFE0C0;
	s1 =	sadd.s32 $0x1600, s30  }
0xc0: {  	[spmem:s2] =	stream.indirect.scatter.add.f32 [tilespmem:s29], [sflag:$0xF], $0x40, s1, s23, $0xb8;
	[tilespmem:$0x1FCC0] =	vst v63  }
0xc1: {  	_ =	swait.ge [sflag:s9], $0x1F40  }
0xc2: {  	[sflag:s9] =	ssyncset.done $0x0  }
0xc3: {  	s14 =	simm.s32 $0xC440;
	s1 =	sadd.s32 $0x1680, s30;
	[sflag:s9] =	ssyncadd.s32 $0xFFFFE0C0  }
0xc4: {  	[spmem:s2] =	stream.indirect.scatter.add.f32 [tilespmem:s14], [sflag:$0x10], $0x40, s1, s23, $0xb8;
	[tilespmem:$0x1FCC0] =	vst v63  }
0xc5: {  	_ =	swait.ge [sflag:s10], $0x1F40  }
0xc6: {  	[sflag:s10] =	ssyncset.done $0x0  }
0xc7: {  	s31 =	simm.s32 $0xE380;
	s1 =	sadd.s32 $0x1700, s30;
	[sflag:s10] =	ssyncadd.s32 $0xFFFFE0C0  }
0xc8: {  	[spmem:s2] =	stream.indirect.scatter.add.f32 [tilespmem:s31], [sflag:$0x11], $0x40, s1, s23, $0xb8;
	[tilespmem:$0x1FCC0] =	vst v63  }
0xc9: {  	_ =	swait.ge [sflag:s11], $0x1F40  }
0xca: {  	[sflag:s11] =	ssyncset.done $0x0  }
0xcb: {  	s22 =	simm.s32 $0x102C0;
	s1 =	sadd.s32 $0x1780, s30;
	[sflag:s11] =	ssyncadd.s32 $0xFFFFE0C0  }
0xcc: {  	[spmem:s2] =	stream.indirect.scatter.add.f32 [tilespmem:s22], [sflag:$0x12], $0x40, s1, s23, $0xb8;
	[tilespmem:$0x1FCC0] =	vst v63  }
0xcd: {  	_ =	swait.ge [sflag:s12], $0x1F40  }
0xce: {  	[sflag:s12] =	ssyncset.done $0x0  }
0xcf: {  	s26 =	simm.s32 $0x12200;
	s1 =	sadd.s32 $0x1800, s30;
	[sflag:s12] =	ssyncadd.s32 $0xFFFFE0C0  }
0xd0: {  	[spmem:s2] =	stream.indirect.scatter.add.f32 [tilespmem:s26], [sflag:$0x13], $0x40, s1, s23, $0xb8;
	[tilespmem:$0x1FCC0] =	vst v63  }
0xd1: {  	_ =	swait.ge [sflag:s13], $0x1F40  }
0xd2: {  	[sflag:s13] =	ssyncset.done $0x0  }
0xd3: {  	s1 =	sadd.s32 $0x1880, s30;
	[sflag:s13] =	ssyncadd.s32 $0xFFFFE0C0  }
0xd4: {  	[spmem:s2] =	stream.indirect.scatter.add.f32 [tilespmem:s17], [sflag:$0x14], $0x40, s1, s23, $0xb8;
	[tilespmem:$0x1FCC0] =	vst v63  }
0xd5: {  	_ =	swait.ge [sflag:s24], $0x1F40  }
0xd6: {  	[sflag:s24] =	ssyncset.done $0x0  }
0xd7: {  	s1 =	sadd.s32 $0x500, s30;
	s17 =	simm.s32 $0x2800;
	[sflag:s24] =	ssyncadd.s32 $0xFFFFE0C0  }
0xd8: {  	[tilespmem:s16], [sflag:$0x1] =	stream.indirect.gather [hbm4b:s4+s23], $0x40, s1, s23, $0xb8;
	[tilespmem:$0x1FCC0] =	vst v63  }
0xd9: {  	_ =	swait.ge [sflag:s18], $0x1F40  }
0xda: {  	[sflag:s18] =	ssyncset.done $0x0  }
0xdb: {  	s5 =	simm.s32 $0x4740;
	s1 =	sadd.s32 $0x580, s30;
	[sflag:s18] =	ssyncadd.s32 $0xFFFFE0C0  }
0xdc: {  	[tilespmem:s8], [sflag:$0x2] =	stream.indirect.gather [hbm4b:s4+s23], $0x40, s1, s23, $0xb8;
	[tilespmem:$0x1FCC0] =	vst v63  }
0xdd: {  	_ =	swait.ge [sflag:s19], $0x1F40  }
0xde: {  	[sflag:s19] =	ssyncset.done $0x0  }
0xdf: {  	s1 =	sadd.s32 $0x600, s30;
	s8 =	simm.s32 $0x6680;
	[sflag:s19] =	ssyncadd.s32 $0xFFFFE0C0  }
0xe0: {  	[tilespmem:s7], [sflag:$0x3] =	stream.indirect.gather [hbm4b:s4+s23], $0x40, s1, s23, $0xb8;
	[tilespmem:$0x1FCC0] =	vst v63  }
0xe1: {  	_ =	swait.ge [sflag:s20], $0x1F40  }
0xe2: {  	[sflag:s20] =	ssyncset.done $0x0  }
0xe3: {  	s1 =	sadd.s32 $0x680, s30;
	s7 =	simm.s32 $0x85C0;
	[sflag:s20] =	ssyncadd.s32 $0xFFFFE0C0  }
0xe4: {  	[tilespmem:s0], [sflag:$0x4] =	stream.indirect.gather [hbm4b:s4+s23], $0x40, s1, s23, $0xb8;
	[tilespmem:$0x1FCC0] =	vst v63  }
0xe5: {  	_ =	swait.ge [sflag:s21], $0x1F40  }
0xe6: {  	[sflag:s21] =	ssyncset.done $0x0  }
0xe7: {  	s1 =	sadd.s32 $0x700, s30;
	s0 =	simm.s32 $0xA500;
	[sflag:s21] =	ssyncadd.s32 $0xFFFFE0C0  }
0xe8: {  	[tilespmem:s29], [sflag:$0x5] =	stream.indirect.gather [hbm4b:s4+s23], $0x40, s1, s23, $0xb8;
	[tilespmem:$0x1FCC0] =	vst v63  }
0xe9: {  	_ =	swait.ge [sflag:s3], $0x1F40  }
0xea: {  	[sflag:s3] =	ssyncset.done $0x0  }
0xeb: {  	s1 =	sadd.s32 $0x780, s30;
	s29 =	simm.s32 $0xC440;
	[sflag:s3] =	ssyncadd.s32 $0xFFFFE0C0  }
0xec: {  	[tilespmem:s14], [sflag:$0x6] =	stream.indirect.gather [hbm4b:s4+s23], $0x40, s1, s23, $0xb8;
	[tilespmem:$0x1FCC0] =	vst v63  }
0xed: {  	_ =	swait.ge [sflag:s6], $0x1F40  }
0xee: {  	[sflag:s6] =	ssyncset.done $0x0  }
0xef: {  	s1 =	sadd.s32 $0x800, s30;
	s14 =	simm.s32 $0xE380;
	[sflag:s6] =	ssyncadd.s32 $0xFFFFE0C0  }
0xf0: {  	[tilespmem:s31], [sflag:$0x7] =	stream.indirect.gather [hbm4b:s4+s23], $0x40, s1, s23, $0xb8;
	[tilespmem:$0x1FCC0] =	vst v63  }
0xf1: {  	_ =	swait.ge [sflag:s15], $0x1F40  }
0xf2: {  	[sflag:s15] =	ssyncset.done $0x0  }
0xf3: {  	s1 =	sadd.s32 $0x880, s30;
	[sflag:s15] =	ssyncadd.s32 $0xFFFFE0C0  }
0xf4: {  	[tilespmem:s22], [sflag:$0x8] =	stream.indirect.gather [hbm4b:s4+s23], $0x40, s1, s23, $0xb8;
	[tilespmem:$0x1FCC0] =	vst v63  }
0xf5: {  	s31 =	simm.s32 $0x102C0;
	s22 =	simm.s32 $0x2  }
0xf6: {  	_ =	swait.ge [sflag:s25], $0x1F40  }
0xf7: {  	[sflag:s25] =	ssyncset.done $0x0  }
0xf8: {  	s1 =	sadd.s32 $0x900, s30;
	[sflag:s25] =	ssyncadd.s32 $0xFFFFE0C0  }
0xf9: {  	[tilespmem:s26], [sflag:$0x9] =	stream.indirect.gather [hbm4b:s4+s23], $0x40, s1, s23, $0xb8;
	[tilespmem:$0x1FCC0] =	vst v63  }
.Ltmp1:
0xfa: {  	_ = 	snop;
	(pc) =	sbr.rel @p0 .LBB2_4-.Ltmp1, $4  }
0xfb: {  	s16 =	simm.s32 $0x12200;
	s1 =	simm.s32 $0x14  }
0xfc: {  	_ =	swait.ge [sflag:s1], $0x1F40  }
0xfd: {  	[sflag:s1] =	ssyncset.done $0x0  }
0xfe: {  	[sflag:s1] =	ssyncadd.s32 $0xFFFFE0C0;
	s1 =	sadd.s32 $0x980, s30;
	s30 =	simm.s32 $0x1  }
0xff: {  	s26 =	simm.s32 $0x14140  }
0x100: {  	[tilespmem:s26], [sflag:$0xA] =	stream.indirect.gather [hbm4b:s4+s23], $0x40, s1, s23, $0xb8;
	[tilespmem:$0x1FCC0] =	vst v63  }
0x101: {  	_ =	swait.ge [sflag:s30], $0x1F40  }
0x102: {  	[sflag:s30] =	ssyncset.done $0x0  }
0x103: {  	s28 =	simm.s32 $0x2300;
	[sflag:s30] =	ssyncadd.s32 $0xFFFFE0C0  }
0x104: {  	[spmem:s2] =	stream.indirect.scatter.add.f32 [tilespmem:s17], [sflag:$0xB], $0x40, s28, s23, $0xb8;
	[tilespmem:$0x1FCC0] =	vst v63  }
0x105: {  	_ =	swait.ge [sflag:s22], $0x1F40  }
0x106: {  	[sflag:s22] =	ssyncset.done $0x0  }
0x107: {  	s30 =	simm.s32 $0x2380;
	s17 =	simm.s32 $0x3;
	[sflag:s22] =	ssyncadd.s32 $0xFFFFE0C0  }
0x108: {  	[spmem:s2] =	stream.indirect.scatter.add.f32 [tilespmem:s5], [sflag:$0xC], $0x40, s30, s23, $0xb8;
	[tilespmem:$0x1FCC0] =	vst v63  }
0x109: {  	_ =	swait.ge [sflag:s17], $0x1F40  }
0x10a: {  	[sflag:s17] =	ssyncset.done $0x0  }
0x10b: {  	s28 =	simm.s32 $0x2400;
	s30 =	simm.s32 $0x4;
	[sflag:s17] =	ssyncadd.s32 $0xFFFFE0C0  }
0x10c: {  	[spmem:s2] =	stream.indirect.scatter.add.f32 [tilespmem:s8], [sflag:$0xD], $0x40, s28, s23, $0xb8;
	[tilespmem:$0x1FCC0] =	vst v63  }
0x10d: {  	_ =	swait.ge [sflag:s30], $0x1F40  }
0x10e: {  	[sflag:s30] =	ssyncset.done $0x0  }
0x10f: {  	s5 =	simm.s32 $0x2480;
	[sflag:s30] =	ssyncadd.s32 $0xFFFFE0C0  }
0x110: {  	[spmem:s2] =	stream.indirect.scatter.add.f32 [tilespmem:s7], [sflag:$0xE], $0x40, s5, s23, $0xb8;
	[tilespmem:$0x1FCC0] =	vst v63  }
0x111: {  	s7 =	simm.s32 $0x5  }
0x112: {  	_ =	swait.ge [sflag:s7], $0x1F40  }
0x113: {  	[sflag:s7] =	ssyncset.done $0x0  }
0x114: {  	s8 =	simm.s32 $0x2500;
	[sflag:s7] =	ssyncadd.s32 $0xFFFFE0C0  }
0x115: {  	[spmem:s2] =	stream.indirect.scatter.add.f32 [tilespmem:s0], [sflag:$0xF], $0x40, s8, s23, $0xb8;
	[tilespmem:$0x1FCC0] =	vst v63  }
0x116: {  	_ =	swait.ge [sflag:s9], $0x1F40  }
0x117: {  	[sflag:s9] =	ssyncset.done $0x0  }
0x118: {  	[sflag:s9] =	ssyncadd.s32 $0xFFFFE0C0;
	s9 =	simm.s32 $0x2580  }
0x119: {  	[spmem:s2] =	stream.indirect.scatter.add.f32 [tilespmem:s29], [sflag:$0x10], $0x40, s9, s23, $0xb8;
	[tilespmem:$0x1FCC0] =	vst v63  }
0x11a: {  	_ =	swait.ge [sflag:s10], $0x1F40  }
0x11b: {  	[sflag:s10] =	ssyncset.done $0x0  }
0x11c: {  	[sflag:s10] =	ssyncadd.s32 $0xFFFFE0C0;
	s10 =	simm.s32 $0x2600  }
0x11d: {  	[spmem:s2] =	stream.indirect.scatter.add.f32 [tilespmem:s14], [sflag:$0x11], $0x40, s10, s23, $0xb8;
	[tilespmem:$0x1FCC0] =	vst v63  }
0x11e: {  	_ =	swait.ge [sflag:s11], $0x1F40  }
0x11f: {  	[sflag:s11] =	ssyncset.done $0x0  }
0x120: {  	[sflag:s11] =	ssyncadd.s32 $0xFFFFE0C0;
	s11 =	simm.s32 $0x2680  }
0x121: {  	[spmem:s2] =	stream.indirect.scatter.add.f32 [tilespmem:s31], [sflag:$0x12], $0x40, s11, s23, $0xb8;
	[tilespmem:$0x1FCC0] =	vst v63  }
0x122: {  	_ =	swait.ge [sflag:s12], $0x1F40  }
0x123: {  	[sflag:s12] =	ssyncset.done $0x0  }
0x124: {  	s14 =	simm.s32 $0x2700;
	[sflag:s12] =	ssyncadd.s32 $0xFFFFE0C0  }
0x125: {  	[spmem:s2] =	stream.indirect.scatter.add.f32 [tilespmem:s16], [sflag:$0x13], $0x40, s14, s23, $0xb8;
	[tilespmem:$0x1FCC0] =	vst v63  }
0x126: {  	_ =	swait.ge [sflag:s13], $0x1F40  }
0x127: {  	[sflag:s13] =	ssyncset.done $0x0  }
0x128: {  	s17 =	simm.s32 $0x2780;
	[sflag:s13] =	ssyncadd.s32 $0xFFFFE0C0  }
0x129: {  	[spmem:s2] =	stream.indirect.scatter.add.f32 [tilespmem:s26], [sflag:$0x14], $0x40, s17, s23, $0xb8;
	[tilespmem:$0x1FCC0] =	vst v63  }
0x12a: {  	_ =	swait.ge [sflag:s24], $0x1F40  }
0x12b: {  	[sflag:s24] =	ssyncset.done $0x0  }
0x12c: {  	[sflag:s24] =	ssyncadd.s32 $0xFFFFE0C0  }
0x12d: {  	_ =	swait.ge [sflag:s18], $0x1F40  }
0x12e: {  	[sflag:s18] =	ssyncset.done $0x0  }
0x12f: {  	[sflag:s18] =	ssyncadd.s32 $0xFFFFE0C0  }
0x130: {  	_ =	swait.ge [sflag:s19], $0x1F40  }
0x131: {  	[sflag:s19] =	ssyncset.done $0x0  }
0x132: {  	[sflag:s19] =	ssyncadd.s32 $0xFFFFE0C0  }
0x133: {  	_ =	swait.ge [sflag:s20], $0x1F40  }
0x134: {  	[sflag:s20] =	ssyncset.done $0x0  }
0x135: {  	[sflag:s20] =	ssyncadd.s32 $0xFFFFE0C0  }
0x136: {  	_ =	swait.ge [sflag:s21], $0x1F40  }
0x137: {  	[sflag:s21] =	ssyncset.done $0x0  }
0x138: {  	[sflag:s21] =	ssyncadd.s32 $0xFFFFE0C0  }
0x139: {  	_ =	swait.ge [sflag:s3], $0x1F40  }
0x13a: {  	[sflag:s3] =	ssyncset.done $0x0  }
0x13b: {  	[sflag:s3] =	ssyncadd.s32 $0xFFFFE0C0  }
0x13c: {  	_ =	swait.ge [sflag:s6], $0x1F40  }
0x13d: {  	[sflag:s6] =	ssyncset.done $0x0  }
0x13e: {  	[sflag:s6] =	ssyncadd.s32 $0xFFFFE0C0  }
0x13f: {  	_ =	swait.ge [sflag:s15], $0x1F40  }
0x140: {  	[sflag:s15] =	ssyncset.done $0x0  }
0x141: {  	[sflag:s15] =	ssyncadd.s32 $0xFFFFE0C0  }
0x142: {  	_ =	swait.ge [sflag:s25], $0x1F40  }
0x143: {  	[sflag:s25] =	ssyncset.done $0x0  }
0x144: {  	[sflag:s25] =	ssyncadd.s32 $0xFFFFE0C0;
	s25 =	simm.s32 $0x14  }
0x145: {  	_ =	swait.ge [sflag:s25], $0x1F40  }
0x146: {  	[sflag:s25] =	ssyncset.done $0x0  }
0x147: {  	[sflag:s25] =	ssyncadd.s32 $0xFFFFE0C0  }
0x148: {  	s26 =	stileid.u32;
	[bflag:$0x0] =	sbarrier.arrive $0xFFFF  }
0x149: {  	s29 =	simm.s32 $0x15;
	s1 =	sshll.u32 s26, $0x6;
	s28 =	rddreg [dreg:$0x4]  }
0x14a: {  	s1 =	sor.u32 $0x1C15, s1;
	s24 =	sshrl.u32 s28, $0x3;
	s28 =	rddreg [dreg:$0xa]  }
0x14b: {  	[hbm:s28], [sflag:s1] =	dma.local [spmem:s24], $0x1388  }
0x14c: {  	_ =	swait.ge [sflag:s29], $0x1388  }
0x14d: {  	s30 =	rddreg [dreg:$0xc]  }
0x14e: {  	s5 =	simm.s32 $0x14;
	s31 =	rddreg [dreg:$0xb];
	s24 =	sadd.s32 $0x1, s30  }
0x14f: {  	s0 =	simm.s32 $0x6;
	s9 =	simm.s32 $0x7;
	p0 =	sne.s32 s24, s31  }
.Ltmp2:
0x150: {  	s10 =	simm.s32 $0x8;
	s11 =	simm.s32 $0x9;
	(pc) =	sbr.rel @p0 .LBB2_1-.Ltmp2, $4  }
0x151: {  	s12 =	simm.s32 $0xA;
	s16 =	simm.s32 $0xB;
	s13 =	simm.s32 $0x12  }
0x152: {  	s17 =	simm.s32 $0xC;
	s18 =	simm.s32 $0xD;
	s19 =	simm.s32 $0xE  }
0x153: {  	s20 =	simm.s32 $0xF;
	s3 =	simm.s32 $0x10;
	[sflag:s29] =	ssyncset.done $0x0  }
0x154: {  	s6 =	simm.s32 $0x11;
	s15 =	simm.s32 $0x13;
	[sflag:s29] =	ssyncadd.s32 $0xFFFFEC78  }
0x155: {  	_ =	sfence.sel $0x180000  }
0x156: {  	[bflag:$0x0] =	sbarrier.arrive $0xFFFF  }
0x157: {  	_ =	strace $0x9000004A  }
0x158: {  	s0 =	stileid.u32;
	[bflag:$0x2] =	sbarrier.arrive $0xFFFF  }
0x159: {  	p0 =	sne.s32 s0, $0x0;
	s0 =	rddreg [dreg:$0x2]  }
0x15a: {  	s0 =	sadd.s32 @!p0 $0x100000, s0  }
0x15b: {  	[sflag:s0] =	ssyncadd.tile.s32 @!p0 $0x1;
	_ =	shalt  }
.Lfunc_end2:
_tile_overlayer_lowered:
.L_overlay_start_2:
0x15c: {  	(tag) =	ssettag $0x2  }
0x15d: {  	s0 =	rddreg [dreg:$0x0];
	s2 =	stileid.u32  }
0x15e: {  	s1 =	rddreg [dreg:$0x1];
	p0 =	sne.s32 s2, $0x0  }
0x15f: {  	s3 =	rddreg [dreg:$0x2];
	[bflag:$0x3] =	sbarrier.arrive $0xFFFF;
	s2 =	simm.s32 @!p0 $0x1C15  }
0x160: {  	[timem:s3], [sflag:s2] =	dma.local @!p0 [hbm:s0], s1  }
0x161: {  	s0 =	simm.s32 @!p0 $0x15  }
0x162: {  	_ =	swait.ge @!p0 [sflag:s0], s1  }
0x163: {  	s1 =	ssub.s32 @!p0 $0x0, s1;
	[sflag:s0] =	ssyncset.done @!p0 $0x0  }
0x164: {  	[sflag:s0] =	ssyncadd.s32 @!p0 s1  }
0x165: {  	[bflag:$0x3] =	sbarrier.arrive $0xFFFF  }
0x166: {  	_ =	shalt  }

// kernel: kernel.14.cloned.1.call-start
scs
__scs_entry_jumppad:
0x0: {  	(pc) =	sbr.rel $0x88, $3  }
0x1: {  	(tag) =	ssettag $0x0;
	lr =	simm.s32 $0x1  }
0x2: {  	[smem:$0x3F9B] =	sst lr;
	_ =	strace $0xD0000000  }
0x3: {  	_ = 	snop  }
0x4: {  	_ = 	snop  }
0x5: {  	_ = 	snop  }
0x6: {  	_ = 	snop  }
0x7: {  	_ = 	snop  }
__scs_overlays_trampoline_lowered:
0x8: {  	[smem:$0x3FAA] =	sst s0  }
0x9: {  	[smem:$0x3FAB] =	sst s1  }
0xa: {  	[smem:$0x3FAC] =	sst s2  }
0xb: {  	[smem:$0x3FAD] =	sst s3  }
0xc: {  	[smem:$0x3FAE] =	sst s4  }
0xd: {  	[smem:$0x3FAF] =	sst s5  }
0xe: {  	[smem:$0x3FB0] =	sst s6  }
0xf: {  	[smem:$0x3FB1] =	sst s7  }
0x10: {  	[smem:$0x3FB2] =	sst s8  }
0x11: {  	[smem:$0x3FB3] =	sst s9;
	s0 =	simm.s32 @!p0 $0x0  }
0x12: {  	s1 =	sld [smem:$0x3F99];
	s0 =	simm.s32 @p0 $0x1  }
0x13: {  	[smem:$0x3FB4] =	sst s0;
	s0 =	simm.s32 @!p1 $0x0  }
0x14: {  	s2 =	sld [smem:$0x3F98];
	s0 =	simm.s32 @p1 $0x1  }
0x15: {  	[smem:$0x3FB5] =	sst s0;
	s0 =	simm.s32 @!p2 $0x0  }
0x16: {  	s3 =	sld [smem:$0x3FDB];
	s0 =	simm.s32 @p2 $0x1  }
0x17: {  	s4 =	simm.s32 $0x1BF5;
	[smem:$0x3FB7] =	sst s0  }
0x18: {  	s0 =	sld [smem:$0x3F9A];
	_ =	swait.ge [sflag:s4], $0x0  }
0x19: {  	s7 =	sld [smem:$0x3F9B]  }
0x1a: {  	s8 =	sadd.s32 $0xFFFFE003, lr  }
0x1b: {  	s9 =	sadd.s32 $0xFFFFFEF7, lr;
	s5 =	simm.s32 $0xFFFFFFFF;
	p2 =	slt.u32 s8, $0xFFFFF086  }
0x1c: {  	p1 =	slt.u32 s9, $0xF7A;
	s5 =	simm.s32 @!p2 $0x0  }
0x1d: {  	s5 =	simm.s32 @p1 $0x1;
	p0 =	seq.s32 s7, s2  }
0x1e: {  	s7 =	smul.u32 @!p0 $0xF7A, s2;
	p2 =	seq.s32 @!p0 s5, $0x0  }
0x1f: {  	s9 =	smul.u32 $0xF7A, s1;
	s8 =	simm.s32 @!p0 $0x1BF5;
	p2 =	por !p2, p0  }
0x20: {  	[sflag:s8] =	ssyncset.s32 @!p0 $0xFFFFF086;
	s6 =	sadd.s32 @!p0 s3, s7;
	s7 =	simm.s32 @!p0 $0x108  }
0x21: {  	s3 =	sadd.s32 s3, s9;
	s6 =	sadd.s32 @!p0 $0x88, s6;
	s7 =	simm.s32 @p2 $0x1082  }
0x22: {  	[simem:s7], [sflag:s8] =	dma.local @!p0 [hbm:s6], $0xF7A  }
0x23: {  	s9 =	sor.u32 $0xD0000000, s2;
	s6 =	simm.s32 $0x108;
	_ =	swait.ge @!p0 [sflag:s8], $0x0  }
0x24: {  	s3 =	sadd.s32 $0x88, s3;
	s6 =	simm.s32 @!p1 $0x1082;
	[sflag:s4] =	ssyncset.s32 $0xFFFFF086  }
0x25: {  	[simem:s6], [sflag:s4] =	dma.local [hbm:s3], $0xF7A  }
0x26: {  	[smem:$0x3F9B] =	sst s1;
	(tag) =	ssettag s2;
	_ =	strace s9  }
0x27: {  	s1 =	sld [smem:$0x3FAB]  }
0x28: {  	s2 =	sld [smem:$0x3FAC]  }
0x29: {  	s4 =	sld [smem:$0x3FAE]  }
0x2a: {  	p0 =	seq.s32 s5, $0x0;
	s5 =	sld [smem:$0x3FAF]  }
0x2b: {  	s6 =	sld [smem:$0x3FB0]  }
0x2c: {  	s7 =	sld [smem:$0x3FB1]  }
0x2d: {  	s3 =	simm.s32 $0x108;
	s8 =	sld [smem:$0x3FB2]  }
0x2e: {  	s3 =	simm.s32 @!p0 $0x1082;
	s9 =	sld [smem:$0x3FB3]  }
0x2f: {  	lr =	sadd.s32 s0, s3;
	s0 =	sld [smem:$0x3FAA]  }
0x30: {  	s3 =	sld [smem:$0x3FAD]  }
0x31: {  	[smem:$0x3FB6] =	sst s10  }
0x32: {  	s10 =	sld [smem:$0x3FB4];
	_ =	sdelay $0x3  }
0x33: {  	p0 =	seq.s32 s10, $0x1;
	s10 =	sld [smem:$0x3FB6];
	_ =	sdelay $0x3  }
0x34: {  	[smem:$0x3FB6] =	sst s10  }
0x35: {  	s10 =	sld [smem:$0x3FB5];
	_ =	sdelay $0x3  }
0x36: {  	p1 =	seq.s32 s10, $0x1;
	s10 =	sld [smem:$0x3FB6];
	_ =	sdelay $0x3  }
0x37: {  	[smem:$0x3FB6] =	sst s10  }
0x38: {  	s10 =	sld [smem:$0x3FB7]  }
0x39: {  	_ = 	snop;
	(pc) =	sbr.ind lr, $3  }
0x3a: {  	_ = 	snop  }
0x3b: {  	_ = 	snop  }
0x3c: {  	p2 =	seq.s32 s10, $0x1;
	s10 =	sld [smem:$0x3FB6]  }
0x3d: {  	_ =	shalt  }
0x3e: {  	_ =	shalt  }
0x3f: {  	_ =	shalt  }
0x40: {  	_ =	shalt  }
0x41: {  	_ =	shalt  }
0x42: {  	_ =	shalt  }
0x43: {  	_ =	shalt  }
0x44: {  	_ =	shalt  }
0x45: {  	_ =	shalt  }
0x46: {  	_ =	shalt  }
0x47: {  	_ =	shalt  }
0x48: {  	_ =	shalt  }
0x49: {  	_ =	shalt  }
0x4a: {  	_ =	shalt  }
0x4b: {  	_ =	shalt  }
0x4c: {  	_ =	shalt  }
0x4d: {  	_ =	shalt  }
0x4e: {  	_ =	shalt  }
0x4f: {  	_ =	shalt  }
0x50: {  	_ =	shalt  }
0x51: {  	_ =	shalt  }
0x52: {  	_ =	shalt  }
0x53: {  	_ =	shalt  }
0x54: {  	_ =	shalt  }
0x55: {  	_ =	shalt  }
0x56: {  	_ =	shalt  }
0x57: {  	_ =	shalt  }
0x58: {  	_ =	shalt  }
0x59: {  	_ =	shalt  }
0x5a: {  	_ =	shalt  }
0x5b: {  	_ =	shalt  }
0x5c: {  	_ =	shalt  }
0x5d: {  	_ =	shalt  }
0x5e: {  	_ =	shalt  }
0x5f: {  	_ =	shalt  }
0x60: {  	_ =	shalt  }
0x61: {  	_ =	shalt  }
0x62: {  	_ =	shalt  }
0x63: {  	_ =	shalt  }
0x64: {  	_ =	shalt  }
0x65: {  	_ =	shalt  }
0x66: {  	_ =	shalt  }
0x67: {  	_ =	shalt  }
0x68: {  	_ =	shalt  }
0x69: {  	_ =	shalt  }
0x6a: {  	_ =	shalt  }
0x6b: {  	_ =	shalt  }
0x6c: {  	_ =	shalt  }
0x6d: {  	_ =	shalt  }
0x6e: {  	_ =	shalt  }
0x6f: {  	_ =	shalt  }
0x70: {  	_ =	shalt  }
0x71: {  	_ =	shalt  }
0x72: {  	_ =	shalt  }
0x73: {  	_ =	shalt  }
0x74: {  	_ =	shalt  }
0x75: {  	_ =	shalt  }
0x76: {  	_ =	shalt  }
0x77: {  	_ =	shalt  }
0x78: {  	_ =	shalt  }
0x79: {  	_ =	shalt  }
0x7a: {  	_ =	shalt  }
0x7b: {  	_ =	shalt  }
0x7c: {  	_ =	shalt  }
0x7d: {  	_ =	shalt  }
0x7e: {  	_ =	shalt  }
0x7f: {  	_ =	shalt  }
0x80: {  	_ =	shalt  }
0x81: {  	_ =	shalt  }
0x82: {  	_ =	shalt  }
0x83: {  	_ =	shalt  }
0x84: {  	_ =	shalt  }
0x85: {  	_ =	shalt  }
0x86: {  	_ =	shalt  }
0x87: {  	_ =	shalt  }
.Lfunc_end0:
.L_simem_size_0:
called_computation.2_lowered:
.L_overlay_start_0:
0x88: {  	s2 =	sld [smem:$0x3FD9]  }
0x89: {  	s3 =	sld [smem:$0x3FFE];
	_ =	sdelay $0x1  }
0x8a: {  	s1 =	srdreg.scid  }
0x8b: {  	s0 =	sand.u32 $0x1, s1  }
0x8c: {  	s16 =	sshll.u32 s0, $0xA;
	s2 =	sadd.s32 s3, s2  }
0x8d: {  	s2 =	sadd.s32 s2, s16  }
0x8e: {  	[smem:$0x3FC2] =	sst s2  }
0x8f: {  	_ = 	snop  }
0x90: {  	(tm) =	ssettm $0x1  }
0x91: {  	s17 =	sld [smem:$0x3FFB];
	_ =	sdelay $0x3  }
0x92: {  	_ =	strace s17  }
0x93: {  	s2 =	sld [smem:$0x3FFC];
	_ =	sdelay $0x3  }
0x94: {  	_ =	strace s2  }
0x95: {  	s2 =	sld [smem:$0x3FFD];
	_ =	sdelay $0x3  }
0x96: {  	_ =	strace s2  }
0x97: {  	_ =	strace $0x8FFFFFFF  }
0x98: {  	s18 =	sld [smem:$0x3FDB];
	_ =	sdelay $0x1  }
0x99: {  	s19 =	simm.s32 $_scs_section_size  }
0x9a: {  	s4 =	simm.s32 $_size__tile_overlayer_lowered;
	s5 =	simm.s32 $_tile_overlayer_lowered  }
0x9b: {  	s22 =	simm.s32 $0x1BFF;
	s21 =	sshll.u32 s5, $0x1;
	s2 =	sadd.s32 s19, s18  }
0x9c: {  	s6 =	simm.s32 $0x0;
	s20 =	sshll.u32 s4, $0x1;
	s4 =	sadd.s32 s21, s2  }
0x9d: {  	[timem:s6], [sflag:s22] =	dma.local [hbm:s4], s20  }
0x9e: {  	_ =	swait.ge [sflag:s22], s20  }
0x9f: {  	s3 =	ssub.s32 $0x0, s20;
	[sflag:s22] =	ssyncset.done $0x0  }
0xa0: {  	[sflag:s22] =	ssyncadd.s32 s3;
	_ =	sdelay $0x1  }
0xa1: {  	s23 =	simm.s32 $0x1B8B  }
0xa2: {  	_ =	swait.ge [sflag:s23], $0x1  }
0xa3: {  	[sflag:s23] =	ssyncset.done $0x0  }
0xa4: {  	s25 =	simm.s32 $0x1B8E;
	s24 =	sld [smem:$0x3FFE];
	[sflag:s23] =	ssyncadd.s32 $0xFFFFFFFF  }
0xa5: {  	s26 =	simm.s32 $execute0_lowered;
	[smem:$0x3FD2] =	sst s25  }
0xa6: {  	s4 =	sshll.u32 s26, $0x1;
	_ =	strace $0x8000004C;
	[dreg:$0x1] =	wrdreg $0xFFFFFFFF  }
0xa7: {  	s28 =	simm.s32 $_size_execute0_lowered;
	s2 =	sadd.s32 s2, s4;
	[dreg:$0x0] =	wrdreg $0x0  }
0xa8: {  	s4 =	sshll.u32 s28, $0x1;
	[dreg:$0x2] =	wrdreg s2  }
0xa9: {  	[dreg:$0x3] =	wrdreg s4  }
0xaa: {  	[dreg:$0x4] =	wrdreg $0xC0  }
0xab: {  	_ =	task [dreg:s6], $0x5FFFF  }
0xac: {  	[dreg:$0x1] =	wrdreg $0xFFFFFFFF  }
0xad: {  	[dreg:$0x0] =	wrdreg $0x60  }
0xae: {  	[dreg:$0x2] =	wrdreg s24  }
0xaf: {  	[dreg:$0x3] =	wrdreg $0x160800  }
0xb0: {  	[dreg:$0x4] =	wrdreg $0x9  }
0xb1: {  	_ =	task.clear_ibuf [dreg:s6], $0x5FFFF;
	_ =	strace $0x9000004C  }
0xb2: {  	s29 =	simm.s32 $0x9;
	_ =	strace $0x8000004E  }
0xb3: {  	_ =	swait.ge [sflag:s29], $0x1  }
0xb4: {  	[sflag:s29] =	ssyncadd.s32 $0xFFFFFFFF  }
0xb5: {  	_ =	strace $0x9000004E  }
0xb6: {  	_ =	sfence  }
0xb7: {  	s30 =	sld [smem:$0x0];
	_ =	sdelay $0x2  }
0xb8: {  	s31 =	sshll.u32 s1, $0xD;
	s1 =	sshrl.u32 s1, $0x2  }
0xb9: {  	s3 =	sand.u32 $0x4000, s31;
	s1 =	sadd.s32 s1, s30  }
0xba: {  	s0 =	sor.u32 s3, s0;
	s1 =	sshll.u32 s1, $0x11  }
0xbb: {  	s0 =	sor.u32 s1, s0  }
0xbc: {  	s0 =	sadd.s32 $0x8F2B, s0  }
0xbd: {  	[sflag:s0] =	ssyncadd.remote.s32 $0x1  }
0xbe: {  	_ =	sfence.sel $0xFFFF  }
0xbf: {  	[dreg:$0x0] =	wrdreg $0xFFFFFFFF;
	(pc) =	sbr.abs _section_cstart, $3  }
0xc0: {  	[dreg:$0x1] =	wrdreg $0xFFFFFFFF  }
0xc1: {  	_ =	task.clear_ibuf [dreg:s6], $0x2FFFF;
	_ =	strace $0x9FFFFFFF  }
0xc2: {  	(tm) =	ssettm $0x7FFFFFFF  }
0xc3: {  	_ =	shalt  }
tec
execute0_lowered:
.L_overlay_start_1:
0x0: {  	(tag) =	ssettag $0x1  }
0x1: {  	s0 =	srdreg.scid  }
0x2: {  	s7 =	stileid.u32;
	s3 =	rddreg [dreg:$0x0]  }
0x3: {  	s2 =	rddreg [dreg:$0x1];
	s4 =	simm.s32 $0x0;
	s16 =	simm.s32 $0xB  }
0x4: {  	s17 =	simm.s32 $0xC;
	s18 =	simm.s32 $0xD;
	s19 =	simm.s32 $0xE  }
0x5: {  	s20 =	simm.s32 $0xF;
	s9 =	simm.s32 $0x7;
	s10 =	simm.s32 $0x8  }
0x6: {  	s11 =	simm.s32 $0x9;
	s12 =	simm.s32 $0xA;
	s13 =	simm.s32 $0x12  }
0x7: {  	s15 =	simm.s32 $0x13;
	s0 =	sand.u32 $0x1, s0;
	s6 =	smul.u32 $0x9C40, s7  }
0x8: {  	[smem:$0x7FF] =	sst s4;
	s4 =	sadd.s32 $0x2400, s3;
	s22 =	smul.u32 $0x27100, s7  }
0x9: {  	s1 =	sshll.u32 s0, $0x4;
	s5 =	smul.u32 $0x9C400, s0;
	s0 =	ssub.s32 $0x2, s0  }
0xa: {  	_ =	strace $0x8000004D;
	s1 =	sor.u32 s7, s1;
	s23 =	sshrl.u32 s0, $0x1  }
0xb: {  	s1 =	smul.u32 $0x1400, s1;
	s5 =	sadd.s32 s6, s5;
	s6 =	sshrl.u32 s22, $0x2  }
0xc: {  	s0 =	ssub.s32 s0, s23;
	s22 =	simm.s32 $0x2;
	s25 =	sadd.s32 s6, s2  }
0xd: {  	s23 =	simm.s32 $0x7D;
	s0 =	smax.u32 s0, $0x1;
	[dreg:$0x4] =	wrdreg s25  }
0xe: {  	s5 =	sshrl.u32 s5, $0x3;
	s26 =	sadd.s32 $0x1F40, s25;
	[dreg:$0xb] =	wrdreg s0  }
0xf: {  	s6 =	simm.s32 $0x11;
	s28 =	sadd.s32 $0x3E80, s25;
	[dreg:$0x6] =	wrdreg s26  }
0x10: {  	s1 =	sshrl.u32 s1, $0x3;
	s29 =	sadd.s32 $0x5DC0, s25;
	[dreg:$0x7] =	wrdreg s28  }
0x11: {  	s30 =	sadd.s32 $0x7D00, s25;
	s1 =	sadd.s32 s1, s3;
	[dreg:$0x8] =	wrdreg s29  }
0x12: {  	s0 =	simm.s32 $0x6;
	[dreg:$0x9] =	wrdreg s30;
	s24 =	sadd.s32 $0x16000, s1  }
0x13: {  	s3 =	sadd.s32 s5, s3;
	s1 =	sadd.s32 $0x1B000, s1;
	[dreg:$0x3] =	wrdreg s24  }
0x14: {  	s5 =	simm.s32 $0x14;
	s31 =	sadd.s32 $0x20000, s3;
	[dreg:$0x5] =	wrdreg s1  }
0x15: {  	v0 =	vimm.f32 $0.0e+00;
	s3 =	simm.s32 $0x10;
	[dreg:$0xa] =	wrdreg s31;
	s24 =	simm.s32 $0x0  }
.LBB2_1:
0x16: {  	[dreg:$0xc] =	wrdreg s24  }
0x17: {  	s26 =	simm.s32 $0x0;
	s1 =	rddreg [dreg:$0x3]  }
0x18: {  	[tilespmem:s26], [sflag:$0x1] =	stream.linear.gather [hbm4b:s1+s26], $0x1400, $0x38;
	[tilespmem:$0x1FCC0] =	vst v63  }
0x19: {  	s29 =	rddreg [dreg:$0x5];
	s31 =	sand.u32 $0x7F00, s26  }
0x1a: {  	s28 =	simm.s32 $0x1400;
	s30 =	sand.u32 $0x30, s26;
	s1 =	sshrl.u32 s31, $0x2  }
0x1b: {  	[tilespmem:s28], [sflag:$0x2] =	stream.linear.gather [hbm4b:s29+s26], $0x1400, $0x38;
	[tilespmem:$0x1FCC0] =	vst v63  }
0x1c: {  	s28 =	simm.s32 $0x40;
	s1 =	sor.u32 s30, s1;
	s30 =	simm.s32 $0x0  }
.LBB2_2:
0x1d: {  	p0 =	sne.s32 s28, $0x7CC0  }
0x1e: {  	[tilespmem:s1+$0x2800] =	vst v0;
	s30 =	sadd.s32 $0x10, s30;
	s1 =	smov.u32 s28;
	s28 =	sadd.s32 $0x40, s28  }
.Ltmp0:
0x1f: {  	(pc) =	sbr.rel @p0 .LBB2_2-.Ltmp0, $4  }
0x20: {  	_ = 	snop  }
0x21: {  	s1 =	sand.u32 $0x7F00, s1  }
0x22: {  	s24 =	sand.u32 $0x30, s30;
	s1 =	sshrl.u32 s1, $0x2  }
0x23: {  	s1 =	sor.u32 s24, s1  }
0x24: {  	[tilespmem:s1+$0x2800] =	vst v0;
	s25 =	rddreg [dreg:$0x4];
	s28 =	simm.s32 $0x2800  }
0x25: {  	[spmem:s25] =	stream.linear.scatter [tilespmem:s28], [sflag:$0xB], $0x1F40, $0x38;
	[tilespmem:$0x1FCC0] =	vst v63  }
0x26: {  	s26 =	rddreg [dreg:$0x6]  }
0x27: {  	[spmem:s26] =	stream.linear.scatter [tilespmem:s28], [sflag:$0xC], $0x1F40, $0x38;
	[tilespmem:$0x1FCC0] =	vst v63  }
0x28: {  	s29 =	rddreg [dreg:$0x7]  }
0x29: {  	[spmem:s29] =	stream.linear.scatter [tilespmem:s28], [sflag:$0xD], $0x1F40, $0x38;
	[tilespmem:$0x1FCC0] =	vst v63  }
0x2a: {  	s31 =	rddreg [dreg:$0x8]  }
0x2b: {  	[spmem:s31] =	stream.linear.scatter [tilespmem:s28], [sflag:$0xE], $0x1F40, $0x38;
	[tilespmem:$0x1FCC0] =	vst v63  }
0x2c: {  	s7 =	rddreg [dreg:$0x9]  }
0x2d: {  	[spmem:s7] =	stream.linear.scatter [tilespmem:s28], [sflag:$0xF], $0x1F40, $0x38;
	[tilespmem:$0x1FCC0] =	vst v63  }
0x2e: {  	_ =	swait.ge [sflag:s16], $0x1F40  }
0x2f: {  	[sflag:s16] =	ssyncset.done $0x0  }
0x30: {  	[sflag:s16] =	ssyncadd.s32 $0xFFFFE0C0  }
0x31: {  	_ =	swait.ge [sflag:s17], $0x1F40  }
0x32: {  	[sflag:s17] =	ssyncset.done $0x0  }
0x33: {  	[sflag:s17] =	ssyncadd.s32 $0xFFFFE0C0  }
0x34: {  	_ =	swait.ge [sflag:s18], $0x1F40  }
0x35: {  	[sflag:s18] =	ssyncset.done $0x0  }
0x36: {  	[sflag:s18] =	ssyncadd.s32 $0xFFFFE0C0  }
0x37: {  	_ =	swait.ge [sflag:s19], $0x1F40  }
0x38: {  	[sflag:s19] =	ssyncset.done $0x0  }
0x39: {  	[sflag:s19] =	ssyncadd.s32 $0xFFFFE0C0  }
0x3a: {  	_ =	swait.ge [sflag:s20], $0x1F40  }
0x3b: {  	[sflag:s20] =	ssyncset.done $0x0  }
0x3c: {  	s30 =	simm.s32 $0x1;
	[sflag:s20] =	ssyncadd.s32 $0xFFFFE0C0  }
0x3d: {  	_ =	swait.ge [sflag:s30], $0x1400  }
0x3e: {  	[sflag:s30] =	ssyncset.done $0x0  }
0x3f: {  	[sflag:s30] =	ssyncadd.s32 $0xFFFFEC00  }
0x40: {  	_ =	swait.ge [sflag:s22], $0x1400  }
0x41: {  	[sflag:s22] =	ssyncset.done $0x0  }
0x42: {  	[sflag:s22] =	ssyncadd.s32 $0xFFFFEC00  }
0x43: {  	s8 =	simm.s32 $0x0;
	[bflag:$0x0] =	sbarrier.arrive $0xFFFF  }
0x44: {  	[tilespmem:s28], [sflag:$0x1] =	stream.indirect.gather [hbm4b:s4+s23], $0x40, s8, s23, $0xb8;
	[tilespmem:$0x1FCC0] =	vst v63  }
0x45: {  	s14 =	simm.s32 $0x80;
	s8 =	simm.s32 $0x4740  }
0x46: {  	[tilespmem:s8], [sflag:$0x2] =	stream.indirect.gather [hbm4b:s4+s23], $0x40, s14, s23, $0xb8;
	[tilespmem:$0x1FCC0] =	vst v63  }
0x47: {  	s21 =	simm.s32 $0x100;
	s7 =	simm.s32 $0x6680  }
0x48: {  	[tilespmem:s7], [sflag:$0x3] =	stream.indirect.gather [hbm4b:s4+s23], $0x40, s21, s23, $0xb8;
	[tilespmem:$0x1FCC0] =	vst v63  }
0x49: {  	s24 =	simm.s32 $0x180;
	s25 =	simm.s32 $0x85C0  }
0x4a: {  	[tilespmem:s25], [sflag:$0x4] =	stream.indirect.gather [hbm4b:s4+s23], $0x40, s24, s23, $0xb8;
	[tilespmem:$0x1FCC0] =	vst v63  }
0x4b: {  	s26 =	simm.s32 $0x200;
	s29 =	simm.s32 $0xA500  }
0x4c: {  	[tilespmem:s29], [sflag:$0x5] =	stream.indirect.gather [hbm4b:s4+s23], $0x40, s26, s23, $0xb8;
	[tilespmem:$0x1FCC0] =	vst v63  }
0x4d: {  	s31 =	simm.s32 $0x280;
	s14 =	simm.s32 $0xC440  }
0x4e: {  	[tilespmem:s14], [sflag:$0x6] =	stream.indirect.gather [hbm4b:s4+s23], $0x40, s31, s23, $0xb8;
	[tilespmem:$0x1FCC0] =	vst v63  }
0x4f: {  	s21 =	simm.s32 $0x300;
	s31 =	simm.s32 $0xE380  }
0x50: {  	[tilespmem:s31], [sflag:$0x7] =	stream.indirect.gather [hbm4b:s4+s23], $0x40, s21, s23, $0xb8;
	[tilespmem:$0x1FCC0] =	vst v63  }
0x51: {  	s24 =	simm.s32 $0x380;
	s26 =	simm.s32 $0x102C0  }
0x52: {  	[tilespmem:s26], [sflag:$0x8] =	stream.indirect.gather [hbm4b:s4+s23], $0x40, s24, s23, $0xb8;
	[tilespmem:$0x1FCC0] =	vst v63  }
0x53: {  	s21 =	simm.s32 $0x400;
	s24 =	simm.s32 $0x12200  }
0x54: {  	[tilespmem:s24], [sflag:$0x9] =	stream.indirect.gather [hbm4b:s4+s23], $0x40, s21, s23, $0xb8;
	[tilespmem:$0x1FCC0] =	vst v63  }
0x55: {  	s1 =	simm.s32 $0x480;
	s21 =	simm.s32 $0x14140  }
0x56: {  	[tilespmem:s21], [sflag:$0xA] =	stream.indirect.gather [hbm4b:s4+s23], $0x40, s1, s23, $0xb8;
	[tilespmem:$0x1FCC0] =	vst v63  }
0x57: {  	_ =	swait.ge [sflag:s30], $0x1F40  }
0x58: {  	[sflag:s30] =	ssyncset.done $0x0  }
0x59: {  	s1 =	simm.s32 $0x1400;
	[sflag:s30] =	ssyncadd.s32 $0xFFFFE0C0  }
0x5a: {  	[spmem:s2] =	stream.indirect.scatter.add.f32 [tilespmem:s28], [sflag:$0xB], $0x40, s1, s23, $0xb8;
	[tilespmem:$0x1FCC0] =	vst v63  }
0x5b: {  	_ =	swait.ge [sflag:s22], $0x1F40  }
0x5c: {  	[sflag:s22] =	ssyncset.done $0x0  }
0x5d: {  	s1 =	simm.s32 $0x1480;
	[sflag:s22] =	ssyncadd.s32 $0xFFFFE0C0  }
0x5e: {  	[spmem:s2] =	stream.indirect.scatter.add.f32 [tilespmem:s8], [sflag:$0xC], $0x40, s1, s23, $0xb8;
	[tilespmem:$0x1FCC0] =	vst v63  }
0x5f: {  	s1 =	simm.s32 $0x3  }
0x60: {  	_ =	swait.ge [sflag:s1], $0x1F40  }
0x61: {  	[sflag:s1] =	ssyncset.done $0x0  }
0x62: {  	[sflag:s1] =	ssyncadd.s32 $0xFFFFE0C0;
	s1 =	simm.s32 $0x1500  }
0x63: {  	[spmem:s2] =	stream.indirect.scatter.add.f32 [tilespmem:s7], [sflag:$0xD], $0x40, s1, s23, $0xb8;
	[tilespmem:$0x1FCC0] =	vst v63  }
0x64: {  	s1 =	simm.s32 $0x4  }
0x65: {  	_ =	swait.ge [sflag:s1], $0x1F40  }
0x66: {  	[sflag:s1] =	ssyncset.done $0x0  }
0x67: {  	[sflag:s1] =	ssyncadd.s32 $0xFFFFE0C0;
	s1 =	simm.s32 $0x1580  }
0x68: {  	[spmem:s2] =	stream.indirect.scatter.add.f32 [tilespmem:s25], [sflag:$0xE], $0x40, s1, s23, $0xb8;
	[tilespmem:$0x1FCC0] =	vst v63  }
0x69: {  	s1 =	simm.s32 $0x5  }
0x6a: {  	_ =	swait.ge [sflag:s1], $0x1F40  }
0x6b: {  	[sflag:s1] =	ssyncset.done $0x0  }
0x6c: {  	[sflag:s1] =	ssyncadd.s32 $0xFFFFE0C0;
	s1 =	simm.s32 $0x1600  }
0x6d: {  	[spmem:s2] =	stream.indirect.scatter.add.f32 [tilespmem:s29], [sflag:$0xF], $0x40, s1, s23, $0xb8;
	[tilespmem:$0x1FCC0] =	vst v63  }
0x6e: {  	_ =	swait.ge [sflag:s0], $0x1F40  }
0x6f: {  	[sflag:s0] =	ssyncset.done $0x0  }
0x70: {  	[sflag:s0] =	ssyncadd.s32 $0xFFFFE0C0;
	s0 =	simm.s32 $0x1680  }
0x71: {  	[spmem:s2] =	stream.indirect.scatter.add.f32 [tilespmem:s14], [sflag:$0x10], $0x40, s0, s23, $0xb8;
	[tilespmem:$0x1FCC0] =	vst v63  }
0x72: {  	_ =	swait.ge [sflag:s9], $0x1F40  }
0x73: {  	[sflag:s9] =	ssyncset.done $0x0  }
0x74: {  	[sflag:s9] =	ssyncadd.s32 $0xFFFFE0C0;
	s9 =	simm.s32 $0x1700  }
0x75: {  	[spmem:s2] =	stream.indirect.scatter.add.f32 [tilespmem:s31], [sflag:$0x11], $0x40, s9, s23, $0xb8;
	[tilespmem:$0x1FCC0] =	vst v63  }
0x76: {  	_ =	swait.ge [sflag:s10], $0x1F40  }
0x77: {  	[sflag:s10] =	ssyncset.done $0x0  }
0x78: {  	[sflag:s10] =	ssyncadd.s32 $0xFFFFE0C0;
	s10 =	simm.s32 $0x1780  }
0x79: {  	[spmem:s2] =	stream.indirect.scatter.add.f32 [tilespmem:s26], [sflag:$0x12], $0x40, s10, s23, $0xb8;
	[tilespmem:$0x1FCC0] =	vst v63  }
0x7a: {  	_ =	swait.ge [sflag:s11], $0x1F40  }
0x7b: {  	[sflag:s11] =	ssyncset.done $0x0  }
0x7c: {  	[sflag:s11] =	ssyncadd.s32 $0xFFFFE0C0;
	s11 =	simm.s32 $0x1800  }
0x7d: {  	[spmem:s2] =	stream.indirect.scatter.add.f32 [tilespmem:s24], [sflag:$0x13], $0x40, s11, s23, $0xb8;
	[tilespmem:$0x1FCC0] =	vst v63  }
0x7e: {  	_ =	swait.ge [sflag:s12], $0x1F40  }
0x7f: {  	[sflag:s12] =	ssyncset.done $0x0  }
0x80: {  	[sflag:s12] =	ssyncadd.s32 $0xFFFFE0C0;
	s12 =	simm.s32 $0x1880  }
0x81: {  	[spmem:s2] =	stream.indirect.scatter.add.f32 [tilespmem:s21], [sflag:$0x14], $0x40, s12, s23, $0xb8;
	[tilespmem:$0x1FCC0] =	vst v63  }
0x82: {  	_ =	swait.ge [sflag:s16], $0x1F40  }
0x83: {  	[sflag:s16] =	ssyncset.done $0x0  }
0x84: {  	[sflag:s16] =	ssyncadd.s32 $0xFFFFE0C0;
	s16 =	simm.s32 $0x500  }
0x85: {  	[tilespmem:s28], [sflag:$0x1] =	stream.indirect.gather [hbm4b:s4+s23], $0x40, s16, s23, $0xb8;
	[tilespmem:$0x1FCC0] =	vst v63  }
0x86: {  	_ =	swait.ge [sflag:s17], $0x1F40  }
0x87: {  	[sflag:s17] =	ssyncset.done $0x0  }
0x88: {  	[sflag:s17] =	ssyncadd.s32 $0xFFFFE0C0;
	s17 =	simm.s32 $0x580  }
0x89: {  	[tilespmem:s8], [sflag:$0x2] =	stream.indirect.gather [hbm4b:s4+s23], $0x40, s17, s23, $0xb8;
	[tilespmem:$0x1FCC0] =	vst v63  }
0x8a: {  	_ =	swait.ge [sflag:s18], $0x1F40  }
0x8b: {  	[sflag:s18] =	ssyncset.done $0x0  }
0x8c: {  	[sflag:s18] =	ssyncadd.s32 $0xFFFFE0C0;
	s18 =	simm.s32 $0x600  }
0x8d: {  	[tilespmem:s7], [sflag:$0x3] =	stream.indirect.gather [hbm4b:s4+s23], $0x40, s18, s23, $0xb8;
	[tilespmem:$0x1FCC0] =	vst v63  }
0x8e: {  	_ =	swait.ge [sflag:s19], $0x1F40  }
0x8f: {  	[sflag:s19] =	ssyncset.done $0x0  }
0x90: {  	[sflag:s19] =	ssyncadd.s32 $0xFFFFE0C0;
	s19 =	simm.s32 $0x680  }
0x91: {  	[tilespmem:s25], [sflag:$0x4] =	stream.indirect.gather [hbm4b:s4+s23], $0x40, s19, s23, $0xb8;
	[tilespmem:$0x1FCC0] =	vst v63  }
0x92: {  	_ =	swait.ge [sflag:s20], $0x1F40  }
0x93: {  	[sflag:s20] =	ssyncset.done $0x0  }
0x94: {  	[sflag:s20] =	ssyncadd.s32 $0xFFFFE0C0;
	s20 =	simm.s32 $0x700  }
0x95: {  	[tilespmem:s29], [sflag:$0x5] =	stream.indirect.gather [hbm4b:s4+s23], $0x40, s20, s23, $0xb8;
	[tilespmem:$0x1FCC0] =	vst v63  }
0x96: {  	_ =	swait.ge [sflag:s3], $0x1F40  }
0x97: {  	[sflag:s3] =	ssyncset.done $0x0  }
0x98: {  	s21 =	simm.s32 $0x780;
	[sflag:s3] =	ssyncadd.s32 $0xFFFFE0C0  }
0x99: {  	[tilespmem:s14], [sflag:$0x6] =	stream.indirect.gather [hbm4b:s4+s23], $0x40, s21, s23, $0xb8;
	[tilespmem:$0x1FCC0] =	vst v63  }
0x9a: {  	_ =	swait.ge [sflag:s6], $0x1F40  }
0x9b: {  	[sflag:s6] =	ssyncset.done $0x0  }
0x9c: {  	s25 =	simm.s32 $0x800;
	[sflag:s6] =	ssyncadd.s32 $0xFFFFE0C0  }
0x9d: {  	[tilespmem:s31], [sflag:$0x7] =	stream.indirect.gather [hbm4b:s4+s23], $0x40, s25, s23, $0xb8;
	[tilespmem:$0x1FCC0] =	vst v63  }
0x9e: {  	s1 =	simm.s32 $0x980;
	s9 =	simm.s32 $0x6;
	_ =	swait.ge [sflag:s13], $0x1F40  }
0x9f: {  	s10 =	simm.s32 $0x7;
	s11 =	simm.s32 $0x8;
	[sflag:s13] =	ssyncset.done $0x0  }
0xa0: {  	s12 =	simm.s32 $0x9;
	s29 =	simm.s32 $0x880;
	[sflag:s13] =	ssyncadd.s32 $0xFFFFE0C0  }
0xa1: {  	[tilespmem:s26], [sflag:$0x8] =	stream.indirect.gather [hbm4b:s4+s23], $0x40, s29, s23, $0xb8;
	[tilespmem:$0x1FCC0] =	vst v63  }
0xa2: {  	s28 =	simm.s32 $0x1400;
	s18 =	simm.s32 $0xC;
	_ =	swait.ge [sflag:s15], $0x1F40  }
0xa3: {  	s19 =	simm.s32 $0xD;
	s20 =	simm.s32 $0xE;
	[sflag:s15] =	ssyncset.done $0x0  }
0xa4: {  	s3 =	simm.s32 $0x10;
	s31 =	simm.s32 $0x900;
	[sflag:s15] =	ssyncadd.s32 $0xFFFFE0C0  }
0xa5: {  	[tilespmem:s24], [sflag:$0x9] =	stream.indirect.gather [hbm4b:s4+s23], $0x40, s31, s23, $0xb8;
	[tilespmem:$0x1FCC0] =	vst v63  }
0xa6: {  	s21 =	simm.s32 $0xF;
	s6 =	simm.s32 $0x11;
	_ =	swait.ge [sflag:s5], $0x1F40  }
0xa7: {  	s25 =	simm.s32 $0x13;
	s13 =	simm.s32 $0xA;
	[sflag:s5] =	ssyncset.done $0x0  }
0xa8: {  	s15 =	simm.s32 $0x12;
	s24 =	simm.s32 $0xB;
	[sflag:s5] =	ssyncadd.s32 $0xFFFFE0C0  }
.LBB2_4:
0xa9: {  	s17 =	simm.s32 $0x14140  }
0xaa: {  	[tilespmem:s17], [sflag:$0xA] =	stream.indirect.gather [hbm4b:s4+s23], $0x40, s1, s23, $0xb8;
	[tilespmem:$0x1FCC0] =	vst v63  }
0xab: {  	s1 =	smov.u32 s28  }
0xac: {  	p0 =	sne.s32 s28, $0x2800;
	s28 =	sadd.s32 $0x1400, s28;
	_ =	swait.ge [sflag:s30], $0x1F40  }
0xad: {  	s16 =	simm.s32 $0x1;
	[sflag:s30] =	ssyncset.done $0x0;
	s30 =	sshra.s32 s1, $0x2  }
0xae: {  	[sflag:s16] =	ssyncadd.s32 $0xFFFFE0C0;
	s1 =	sadd.s32 $0x1400, s30;
	s16 =	simm.s32 $0x2800  }
0xaf: {  	[spmem:s2] =	stream.indirect.scatter.add.f32 [tilespmem:s16], [sflag:$0xB], $0x40, s1, s23, $0xb8;
	[tilespmem:$0x1FCC0] =	vst v63  }
0xb0: {  	_ =	swait.ge [sflag:s22], $0x1F40  }
0xb1: {  	s8 =	simm.s32 $0x4740;
	[sflag:s22] =	ssyncset.done $0x0  }
0xb2: {  	s0 =	simm.s32 $0x3;
	s1 =	sadd.s32 $0x1480, s30;
	[sflag:s22] =	ssyncadd.s32 $0xFFFFE0C0  }
0xb3: {  	[spmem:s2] =	stream.indirect.scatter.add.f32 [tilespmem:s8], [sflag:$0xC], $0x40, s1, s23, $0xb8;
	[tilespmem:$0x1FCC0] =	vst v63  }
0xb4: {  	_ =	swait.ge [sflag:s0], $0x1F40  }
0xb5: {  	s7 =	simm.s32 $0x6680;
	[sflag:s0] =	ssyncset.done $0x0  }
0xb6: {  	s1 =	sadd.s32 $0x1500, s30;
	[sflag:s0] =	ssyncadd.s32 $0xFFFFE0C0;
	s0 =	simm.s32 $0x4  }
0xb7: {  	[spmem:s2] =	stream.indirect.scatter.add.f32 [tilespmem:s7], [sflag:$0xD], $0x40, s1, s23, $0xb8;
	[tilespmem:$0x1FCC0] =	vst v63  }
0xb8: {  	_ =	swait.ge [sflag:s0], $0x1F40  }
0xb9: {  	[sflag:s0] =	ssyncset.done $0x0  }
0xba: {  	s1 =	sadd.s32 $0x1580, s30;
	[sflag:s0] =	ssyncadd.s32 $0xFFFFE0C0;
	s0 =	simm.s32 $0x85C0  }
0xbb: {  	[spmem:s2] =	stream.indirect.scatter.add.f32 [tilespmem:s0], [sflag:$0xE], $0x40, s1, s23, $0xb8;
	[tilespmem:$0x1FCC0] =	vst v63  }
0xbc: {  	s1 =	simm.s32 $0x5  }
0xbd: {  	_ =	swait.ge [sflag:s1], $0x1F40  }
0xbe: {  	[sflag:s1] =	ssyncset.done $0x0  }
0xbf: {  	s29 =	simm.s32 $0xA500;
	[sflag:s1] =	ssyncadd.s32 $0xFFFFE0C0;
	s1 =	sadd.s32 $0x1600, s30  }
0xc0: {  	[spmem:s2] =	stream.indirect.scatter.add.f32 [tilespmem:s29], [sflag:$0xF], $0x40, s1, s23, $0xb8;
	[tilespmem:$0x1FCC0] =	vst v63  }
0xc1: {  	_ =	swait.ge [sflag:s9], $0x1F40  }
0xc2: {  	[sflag:s9] =	ssyncset.done $0x0  }
0xc3: {  	s14 =	simm.s32 $0xC440;
	s1 =	sadd.s32 $0x1680, s30;
	[sflag:s9] =	ssyncadd.s32 $0xFFFFE0C0  }
0xc4: {  	[spmem:s2] =	stream.indirect.scatter.add.f32 [tilespmem:s14], [sflag:$0x10], $0x40, s1, s23, $0xb8;
	[tilespmem:$0x1FCC0] =	vst v63  }
0xc5: {  	_ =	swait.ge [sflag:s10], $0x1F40  }
0xc6: {  	[sflag:s10] =	ssyncset.done $0x0  }
0xc7: {  	s31 =	simm.s32 $0xE380;
	s1 =	sadd.s32 $0x1700, s30;
	[sflag:s10] =	ssyncadd.s32 $0xFFFFE0C0  }
0xc8: {  	[spmem:s2] =	stream.indirect.scatter.add.f32 [tilespmem:s31], [sflag:$0x11], $0x40, s1, s23, $0xb8;
	[tilespmem:$0x1FCC0] =	vst v63  }
0xc9: {  	_ =	swait.ge [sflag:s11], $0x1F40  }
0xca: {  	[sflag:s11] =	ssyncset.done $0x0  }
0xcb: {  	s22 =	simm.s32 $0x102C0;
	s1 =	sadd.s32 $0x1780, s30;
	[sflag:s11] =	ssyncadd.s32 $0xFFFFE0C0  }
0xcc: {  	[spmem:s2] =	stream.indirect.scatter.add.f32 [tilespmem:s22], [sflag:$0x12], $0x40, s1, s23, $0xb8;
	[tilespmem:$0x1FCC0] =	vst v63  }
0xcd: {  	_ =	swait.ge [sflag:s12], $0x1F40  }
0xce: {  	[sflag:s12] =	ssyncset.done $0x0  }
0xcf: {  	s26 =	simm.s32 $0x12200;
	s1 =	sadd.s32 $0x1800, s30;
	[sflag:s12] =	ssyncadd.s32 $0xFFFFE0C0  }
0xd0: {  	[spmem:s2] =	stream.indirect.scatter.add.f32 [tilespmem:s26], [sflag:$0x13], $0x40, s1, s23, $0xb8;
	[tilespmem:$0x1FCC0] =	vst v63  }
0xd1: {  	_ =	swait.ge [sflag:s13], $0x1F40  }
0xd2: {  	[sflag:s13] =	ssyncset.done $0x0  }
0xd3: {  	s1 =	sadd.s32 $0x1880, s30;
	[sflag:s13] =	ssyncadd.s32 $0xFFFFE0C0  }
0xd4: {  	[spmem:s2] =	stream.indirect.scatter.add.f32 [tilespmem:s17], [sflag:$0x14], $0x40, s1, s23, $0xb8;
	[tilespmem:$0x1FCC0] =	vst v63  }
0xd5: {  	_ =	swait.ge [sflag:s24], $0x1F40  }
0xd6: {  	[sflag:s24] =	ssyncset.done $0x0  }
0xd7: {  	s1 =	sadd.s32 $0x500, s30;
	s17 =	simm.s32 $0x2800;
	[sflag:s24] =	ssyncadd.s32 $0xFFFFE0C0  }
0xd8: {  	[tilespmem:s16], [sflag:$0x1] =	stream.indirect.gather [hbm4b:s4+s23], $0x40, s1, s23, $0xb8;
	[tilespmem:$0x1FCC0] =	vst v63  }
0xd9: {  	_ =	swait.ge [sflag:s18], $0x1F40  }
0xda: {  	[sflag:s18] =	ssyncset.done $0x0  }
0xdb: {  	s5 =	simm.s32 $0x4740;
	s1 =	sadd.s32 $0x580, s30;
	[sflag:s18] =	ssyncadd.s32 $0xFFFFE0C0  }
0xdc: {  	[tilespmem:s8], [sflag:$0x2] =	stream.indirect.gather [hbm4b:s4+s23], $0x40, s1, s23, $0xb8;
	[tilespmem:$0x1FCC0] =	vst v63  }
0xdd: {  	_ =	swait.ge [sflag:s19], $0x1F40  }
0xde: {  	[sflag:s19] =	ssyncset.done $0x0  }
0xdf: {  	s1 =	sadd.s32 $0x600, s30;
	s8 =	simm.s32 $0x6680;
	[sflag:s19] =	ssyncadd.s32 $0xFFFFE0C0  }
0xe0: {  	[tilespmem:s7], [sflag:$0x3] =	stream.indirect.gather [hbm4b:s4+s23], $0x40, s1, s23, $0xb8;
	[tilespmem:$0x1FCC0] =	vst v63  }
0xe1: {  	_ =	swait.ge [sflag:s20], $0x1F40  }
0xe2: {  	[sflag:s20] =	ssyncset.done $0x0  }
0xe3: {  	s1 =	sadd.s32 $0x680, s30;
	s7 =	simm.s32 $0x85C0;
	[sflag:s20] =	ssyncadd.s32 $0xFFFFE0C0  }
0xe4: {  	[tilespmem:s0], [sflag:$0x4] =	stream.indirect.gather [hbm4b:s4+s23], $0x40, s1, s23, $0xb8;
	[tilespmem:$0x1FCC0] =	vst v63  }
0xe5: {  	_ =	swait.ge [sflag:s21], $0x1F40  }
0xe6: {  	[sflag:s21] =	ssyncset.done $0x0  }
0xe7: {  	s1 =	sadd.s32 $0x700, s30;
	s0 =	simm.s32 $0xA500;
	[sflag:s21] =	ssyncadd.s32 $0xFFFFE0C0  }
0xe8: {  	[tilespmem:s29], [sflag:$0x5] =	stream.indirect.gather [hbm4b:s4+s23], $0x40, s1, s23, $0xb8;
	[tilespmem:$0x1FCC0] =	vst v63  }
0xe9: {  	_ =	swait.ge [sflag:s3], $0x1F40  }
0xea: {  	[sflag:s3] =	ssyncset.done $0x0  }
0xeb: {  	s1 =	sadd.s32 $0x780, s30;
	s29 =	simm.s32 $0xC440;
	[sflag:s3] =	ssyncadd.s32 $0xFFFFE0C0  }
0xec: {  	[tilespmem:s14], [sflag:$0x6] =	stream.indirect.gather [hbm4b:s4+s23], $0x40, s1, s23, $0xb8;
	[tilespmem:$0x1FCC0] =	vst v63  }
0xed: {  	_ =	swait.ge [sflag:s6], $0x1F40  }
0xee: {  	[sflag:s6] =	ssyncset.done $0x0  }
0xef: {  	s1 =	sadd.s32 $0x800, s30;
	s14 =	simm.s32 $0xE380;
	[sflag:s6] =	ssyncadd.s32 $0xFFFFE0C0  }
0xf0: {  	[tilespmem:s31], [sflag:$0x7] =	stream.indirect.gather [hbm4b:s4+s23], $0x40, s1, s23, $0xb8;
	[tilespmem:$0x1FCC0] =	vst v63  }
0xf1: {  	_ =	swait.ge [sflag:s15], $0x1F40  }
0xf2: {  	[sflag:s15] =	ssyncset.done $0x0  }
0xf3: {  	s1 =	sadd.s32 $0x880, s30;
	[sflag:s15] =	ssyncadd.s32 $0xFFFFE0C0  }
0xf4: {  	[tilespmem:s22], [sflag:$0x8] =	stream.indirect.gather [hbm4b:s4+s23], $0x40, s1, s23, $0xb8;
	[tilespmem:$0x1FCC0] =	vst v63  }
0xf5: {  	s31 =	simm.s32 $0x102C0;
	s22 =	simm.s32 $0x2  }
0xf6: {  	_ =	swait.ge [sflag:s25], $0x1F40  }
0xf7: {  	[sflag:s25] =	ssyncset.done $0x0  }
0xf8: {  	s1 =	sadd.s32 $0x900, s30;
	[sflag:s25] =	ssyncadd.s32 $0xFFFFE0C0  }
0xf9: {  	[tilespmem:s26], [sflag:$0x9] =	stream.indirect.gather [hbm4b:s4+s23], $0x40, s1, s23, $0xb8;
	[tilespmem:$0x1FCC0] =	vst v63  }
.Ltmp1:
0xfa: {  	_ = 	snop;
	(pc) =	sbr.rel @p0 .LBB2_4-.Ltmp1, $4  }
0xfb: {  	s16 =	simm.s32 $0x12200;
	s1 =	simm.s32 $0x14  }
0xfc: {  	_ =	swait.ge [sflag:s1], $0x1F40  }
0xfd: {  	[sflag:s1] =	ssyncset.done $0x0  }
0xfe: {  	[sflag:s1] =	ssyncadd.s32 $0xFFFFE0C0;
	s1 =	sadd.s32 $0x980, s30;
	s30 =	simm.s32 $0x1  }
0xff: {  	s26 =	simm.s32 $0x14140  }
0x100: {  	[tilespmem:s26], [sflag:$0xA] =	stream.indirect.gather [hbm4b:s4+s23], $0x40, s1, s23, $0xb8;
	[tilespmem:$0x1FCC0] =	vst v63  }
0x101: {  	_ =	swait.ge [sflag:s30], $0x1F40  }
0x102: {  	[sflag:s30] =	ssyncset.done $0x0  }
0x103: {  	s28 =	simm.s32 $0x2300;
	[sflag:s30] =	ssyncadd.s32 $0xFFFFE0C0  }
0x104: {  	[spmem:s2] =	stream.indirect.scatter.add.f32 [tilespmem:s17], [sflag:$0xB], $0x40, s28, s23, $0xb8;
	[tilespmem:$0x1FCC0] =	vst v63  }
0x105: {  	_ =	swait.ge [sflag:s22], $0x1F40  }
0x106: {  	[sflag:s22] =	ssyncset.done $0x0  }
0x107: {  	s30 =	simm.s32 $0x2380;
	s17 =	simm.s32 $0x3;
	[sflag:s22] =	ssyncadd.s32 $0xFFFFE0C0  }
0x108: {  	[spmem:s2] =	stream.indirect.scatter.add.f32 [tilespmem:s5], [sflag:$0xC], $0x40, s30, s23, $0xb8;
	[tilespmem:$0x1FCC0] =	vst v63  }
0x109: {  	_ =	swait.ge [sflag:s17], $0x1F40  }
0x10a: {  	[sflag:s17] =	ssyncset.done $0x0  }
0x10b: {  	s28 =	simm.s32 $0x2400;
	s30 =	simm.s32 $0x4;
	[sflag:s17] =	ssyncadd.s32 $0xFFFFE0C0  }
0x10c: {  	[spmem:s2] =	stream.indirect.scatter.add.f32 [tilespmem:s8], [sflag:$0xD], $0x40, s28, s23, $0xb8;
	[tilespmem:$0x1FCC0] =	vst v63  }
0x10d: {  	_ =	swait.ge [sflag:s30], $0x1F40  }
0x10e: {  	[sflag:s30] =	ssyncset.done $0x0  }
0x10f: {  	s5 =	simm.s32 $0x2480;
	[sflag:s30] =	ssyncadd.s32 $0xFFFFE0C0  }
0x110: {  	[spmem:s2] =	stream.indirect.scatter.add.f32 [tilespmem:s7], [sflag:$0xE], $0x40, s5, s23, $0xb8;
	[tilespmem:$0x1FCC0] =	vst v63  }
0x111: {  	s7 =	simm.s32 $0x5  }
0x112: {  	_ =	swait.ge [sflag:s7], $0x1F40  }
0x113: {  	[sflag:s7] =	ssyncset.done $0x0  }
0x114: {  	s8 =	simm.s32 $0x2500;
	[sflag:s7] =	ssyncadd.s32 $0xFFFFE0C0  }
0x115: {  	[spmem:s2] =	stream.indirect.scatter.add.f32 [tilespmem:s0], [sflag:$0xF], $0x40, s8, s23, $0xb8;
	[tilespmem:$0x1FCC0] =	vst v63  }
0x116: {  	_ =	swait.ge [sflag:s9], $0x1F40  }
0x117: {  	[sflag:s9] =	ssyncset.done $0x0  }
0x118: {  	[sflag:s9] =	ssyncadd.s32 $0xFFFFE0C0;
	s9 =	simm.s32 $0x2580  }
0x119: {  	[spmem:s2] =	stream.indirect.scatter.add.f32 [tilespmem:s29], [sflag:$0x10], $0x40, s9, s23, $0xb8;
	[tilespmem:$0x1FCC0] =	vst v63  }
0x11a: {  	_ =	swait.ge [sflag:s10], $0x1F40  }
0x11b: {  	[sflag:s10] =	ssyncset.done $0x0  }
0x11c: {  	[sflag:s10] =	ssyncadd.s32 $0xFFFFE0C0;
	s10 =	simm.s32 $0x2600  }
0x11d: {  	[spmem:s2] =	stream.indirect.scatter.add.f32 [tilespmem:s14], [sflag:$0x11], $0x40, s10, s23, $0xb8;
	[tilespmem:$0x1FCC0] =	vst v63  }
0x11e: {  	_ =	swait.ge [sflag:s11], $0x1F40  }
0x11f: {  	[sflag:s11] =	ssyncset.done $0x0  }
0x120: {  	[sflag:s11] =	ssyncadd.s32 $0xFFFFE0C0;
	s11 =	simm.s32 $0x2680  }
0x121: {  	[spmem:s2] =	stream.indirect.scatter.add.f32 [tilespmem:s31], [sflag:$0x12], $0x40, s11, s23, $0xb8;
	[tilespmem:$0x1FCC0] =	vst v63  }
0x122: {  	_ =	swait.ge [sflag:s12], $0x1F40  }
0x123: {  	[sflag:s12] =	ssyncset.done $0x0  }
0x124: {  	s14 =	simm.s32 $0x2700;
	[sflag:s12] =	ssyncadd.s32 $0xFFFFE0C0  }
0x125: {  	[spmem:s2] =	stream.indirect.scatter.add.f32 [tilespmem:s16], [sflag:$0x13], $0x40, s14, s23, $0xb8;
	[tilespmem:$0x1FCC0] =	vst v63  }
0x126: {  	_ =	swait.ge [sflag:s13], $0x1F40  }
0x127: {  	[sflag:s13] =	ssyncset.done $0x0  }
0x128: {  	s17 =	simm.s32 $0x2780;
	[sflag:s13] =	ssyncadd.s32 $0xFFFFE0C0  }
0x129: {  	[spmem:s2] =	stream.indirect.scatter.add.f32 [tilespmem:s26], [sflag:$0x14], $0x40, s17, s23, $0xb8;
	[tilespmem:$0x1FCC0] =	vst v63  }
0x12a: {  	_ =	swait.ge [sflag:s24], $0x1F40  }
0x12b: {  	[sflag:s24] =	ssyncset.done $0x0  }
0x12c: {  	[sflag:s24] =	ssyncadd.s32 $0xFFFFE0C0  }
0x12d: {  	_ =	swait.ge [sflag:s18], $0x1F40  }
0x12e: {  	[sflag:s18] =	ssyncset.done $0x0  }
0x12f: {  	[sflag:s18] =	ssyncadd.s32 $0xFFFFE0C0  }
0x130: {  	_ =	swait.ge [sflag:s19], $0x1F40  }
0x131: {  	[sflag:s19] =	ssyncset.done $0x0  }
0x132: {  	[sflag:s19] =	ssyncadd.s32 $0xFFFFE0C0  }
0x133: {  	_ =	swait.ge [sflag:s20], $0x1F40  }
0x134: {  	[sflag:s20] =	ssyncset.done $0x0  }
0x135: {  	[sflag:s20] =	ssyncadd.s32 $0xFFFFE0C0  }
0x136: {  	_ =	swait.ge [sflag:s21], $0x1F40  }
0x137: {  	[sflag:s21] =	ssyncset.done $0x0  }
0x138: {  	[sflag:s21] =	ssyncadd.s32 $0xFFFFE0C0  }
0x139: {  	_ =	swait.ge [sflag:s3], $0x1F40  }
0x13a: {  	[sflag:s3] =	ssyncset.done $0x0  }
0x13b: {  	[sflag:s3] =	ssyncadd.s32 $0xFFFFE0C0  }
0x13c: {  	_ =	swait.ge [sflag:s6], $0x1F40  }
0x13d: {  	[sflag:s6] =	ssyncset.done $0x0  }
0x13e: {  	[sflag:s6] =	ssyncadd.s32 $0xFFFFE0C0  }
0x13f: {  	_ =	swait.ge [sflag:s15], $0x1F40  }
0x140: {  	[sflag:s15] =	ssyncset.done $0x0  }
0x141: {  	[sflag:s15] =	ssyncadd.s32 $0xFFFFE0C0  }
0x142: {  	_ =	swait.ge [sflag:s25], $0x1F40  }
0x143: {  	[sflag:s25] =	ssyncset.done $0x0  }
0x144: {  	[sflag:s25] =	ssyncadd.s32 $0xFFFFE0C0;
	s25 =	simm.s32 $0x14  }
0x145: {  	_ =	swait.ge [sflag:s25], $0x1F40  }
0x146: {  	[sflag:s25] =	ssyncset.done $0x0  }
0x147: {  	[sflag:s25] =	ssyncadd.s32 $0xFFFFE0C0  }
0x148: {  	s26 =	stileid.u32;
	[bflag:$0x0] =	sbarrier.arrive $0xFFFF  }
0x149: {  	s29 =	simm.s32 $0x15;
	s1 =	sshll.u32 s26, $0x6;
	s28 =	rddreg [dreg:$0x4]  }
0x14a: {  	s1 =	sor.u32 $0x1C15, s1;
	s24 =	sshrl.u32 s28, $0x3;
	s28 =	rddreg [dreg:$0xa]  }
0x14b: {  	[hbm:s28], [sflag:s1] =	dma.local [spmem:s24], $0x1388  }
0x14c: {  	_ =	swait.ge [sflag:s29], $0x1388  }
0x14d: {  	s30 =	rddreg [dreg:$0xc]  }
0x14e: {  	s5 =	simm.s32 $0x14;
	s31 =	rddreg [dreg:$0xb];
	s24 =	sadd.s32 $0x1, s30  }
0x14f: {  	s0 =	simm.s32 $0x6;
	s9 =	simm.s32 $0x7;
	p0 =	sne.s32 s24, s31  }
.Ltmp2:
0x150: {  	s10 =	simm.s32 $0x8;
	s11 =	simm.s32 $0x9;
	(pc) =	sbr.rel @p0 .LBB2_1-.Ltmp2, $4  }
0x151: {  	s12 =	simm.s32 $0xA;
	s16 =	simm.s32 $0xB;
	s13 =	simm.s32 $0x12  }
0x152: {  	s17 =	simm.s32 $0xC;
	s18 =	simm.s32 $0xD;
	s19 =	simm.s32 $0xE  }
0x153: {  	s20 =	simm.s32 $0xF;
	s3 =	simm.s32 $0x10;
	[sflag:s29] =	ssyncset.done $0x0  }
0x154: {  	s6 =	simm.s32 $0x11;
	s15 =	simm.s32 $0x13;
	[sflag:s29] =	ssyncadd.s32 $0xFFFFEC78  }
0x155: {  	_ =	sfence.sel $0x180000  }
0x156: {  	[bflag:$0x0] =	sbarrier.arrive $0xFFFF  }
0x157: {  	_ =	strace $0x9000004D  }
0x158: {  	s0 =	stileid.u32;
	[bflag:$0x2] =	sbarrier.arrive $0xFFFF  }
0x159: {  	p0 =	sne.s32 s0, $0x0;
	s0 =	rddreg [dreg:$0x2]  }
0x15a: {  	s0 =	sadd.s32 @!p0 $0x100000, s0  }
0x15b: {  	[sflag:s0] =	ssyncadd.tile.s32 @!p0 $0x1;
	_ =	shalt  }
.Lfunc_end2:
_tile_overlayer_lowered:
.L_overlay_start_2:
0x15c: {  	(tag) =	ssettag $0x2  }
0x15d: {  	s0 =	rddreg [dreg:$0x0];
	s2 =	stileid.u32  }
0x15e: {  	s1 =	rddreg [dreg:$0x1];
	p0 =	sne.s32 s2, $0x0  }
0x15f: {  	s3 =	rddreg [dreg:$0x2];
	[bflag:$0x3] =	sbarrier.arrive $0xFFFF;
	s2 =	simm.s32 @!p0 $0x1C15  }
0x160: {  	[timem:s3], [sflag:s2] =	dma.local @!p0 [hbm:s0], s1  }
0x161: {  	s0 =	simm.s32 @!p0 $0x15  }
0x162: {  	_ =	swait.ge @!p0 [sflag:s0], s1  }
0x163: {  	s1 =	ssub.s32 @!p0 $0x0, s1;
	[sflag:s0] =	ssyncset.done @!p0 $0x0  }
0x164: {  	[sflag:s0] =	ssyncadd.s32 @!p0 s1  }
0x165: {  	[bflag:$0x3] =	sbarrier.arrive $0xFFFF  }
0x166: {  	_ =	shalt  }

// kernel: kernel.8.cloned.1.call-start
scs
__scs_entry_jumppad:
0x0: {  	(pc) =	sbr.rel $0x88, $3  }
0x1: {  	(tag) =	ssettag $0x0;
	lr =	simm.s32 $0x1  }
0x2: {  	[smem:$0x3F9B] =	sst lr;
	_ =	strace $0xD0000000  }
0x3: {  	_ = 	snop  }
0x4: {  	_ = 	snop  }
0x5: {  	_ = 	snop  }
0x6: {  	_ = 	snop  }
0x7: {  	_ = 	snop  }
__scs_overlays_trampoline_lowered:
0x8: {  	[smem:$0x3FAA] =	sst s0  }
0x9: {  	[smem:$0x3FAB] =	sst s1  }
0xa: {  	[smem:$0x3FAC] =	sst s2  }
0xb: {  	[smem:$0x3FAD] =	sst s3  }
0xc: {  	[smem:$0x3FAE] =	sst s4  }
0xd: {  	[smem:$0x3FAF] =	sst s5  }
0xe: {  	[smem:$0x3FB0] =	sst s6  }
0xf: {  	[smem:$0x3FB1] =	sst s7  }
0x10: {  	[smem:$0x3FB2] =	sst s8  }
0x11: {  	[smem:$0x3FB3] =	sst s9;
	s0 =	simm.s32 @!p0 $0x0  }
0x12: {  	s1 =	sld [smem:$0x3F99];
	s0 =	simm.s32 @p0 $0x1  }
0x13: {  	[smem:$0x3FB4] =	sst s0;
	s0 =	simm.s32 @!p1 $0x0  }
0x14: {  	s2 =	sld [smem:$0x3F98];
	s0 =	simm.s32 @p1 $0x1  }
0x15: {  	[smem:$0x3FB5] =	sst s0;
	s0 =	simm.s32 @!p2 $0x0  }
0x16: {  	s3 =	sld [smem:$0x3FDB];
	s0 =	simm.s32 @p2 $0x1  }
0x17: {  	s4 =	simm.s32 $0x1BF5;
	[smem:$0x3FB7] =	sst s0  }
0x18: {  	s0 =	sld [smem:$0x3F9A];
	_ =	swait.ge [sflag:s4], $0x0  }
0x19: {  	s7 =	sld [smem:$0x3F9B]  }
0x1a: {  	s8 =	sadd.s32 $0xFFFFE003, lr  }
0x1b: {  	s9 =	sadd.s32 $0xFFFFFEF7, lr;
	s5 =	simm.s32 $0xFFFFFFFF;
	p2 =	slt.u32 s8, $0xFFFFF086  }
0x1c: {  	p1 =	slt.u32 s9, $0xF7A;
	s5 =	simm.s32 @!p2 $0x0  }
0x1d: {  	s5 =	simm.s32 @p1 $0x1;
	p0 =	seq.s32 s7, s2  }
0x1e: {  	s7 =	smul.u32 @!p0 $0xF7A, s2;
	p2 =	seq.s32 @!p0 s5, $0x0  }
0x1f: {  	s9 =	smul.u32 $0xF7A, s1;
	s8 =	simm.s32 @!p0 $0x1BF5;
	p2 =	por !p2, p0  }
0x20: {  	[sflag:s8] =	ssyncset.s32 @!p0 $0xFFFFF086;
	s6 =	sadd.s32 @!p0 s3, s7;
	s7 =	simm.s32 @!p0 $0x108  }
0x21: {  	s3 =	sadd.s32 s3, s9;
	s6 =	sadd.s32 @!p0 $0x88, s6;
	s7 =	simm.s32 @p2 $0x1082  }
0x22: {  	[simem:s7], [sflag:s8] =	dma.local @!p0 [hbm:s6], $0xF7A  }
0x23: {  	s9 =	sor.u32 $0xD0000000, s2;
	s6 =	simm.s32 $0x108;
	_ =	swait.ge @!p0 [sflag:s8], $0x0  }
0x24: {  	s3 =	sadd.s32 $0x88, s3;
	s6 =	simm.s32 @!p1 $0x1082;
	[sflag:s4] =	ssyncset.s32 $0xFFFFF086  }
0x25: {  	[simem:s6], [sflag:s4] =	dma.local [hbm:s3], $0xF7A  }
0x26: {  	[smem:$0x3F9B] =	sst s1;
	(tag) =	ssettag s2;
	_ =	strace s9  }
0x27: {  	s1 =	sld [smem:$0x3FAB]  }
0x28: {  	s2 =	sld [smem:$0x3FAC]  }
0x29: {  	s4 =	sld [smem:$0x3FAE]  }
0x2a: {  	p0 =	seq.s32 s5, $0x0;
	s5 =	sld [smem:$0x3FAF]  }
0x2b: {  	s6 =	sld [smem:$0x3FB0]  }
0x2c: {  	s7 =	sld [smem:$0x3FB1]  }
0x2d: {  	s3 =	simm.s32 $0x108;
	s8 =	sld [smem:$0x3FB2]  }
0x2e: {  	s3 =	simm.s32 @!p0 $0x1082;
	s9 =	sld [smem:$0x3FB3]  }
0x2f: {  	lr =	sadd.s32 s0, s3;
	s0 =	sld [smem:$0x3FAA]  }
0x30: {  	s3 =	sld [smem:$0x3FAD]  }
0x31: {  	[smem:$0x3FB6] =	sst s10  }
0x32: {  	s10 =	sld [smem:$0x3FB4];
	_ =	sdelay $0x3  }
0x33: {  	p0 =	seq.s32 s10, $0x1;
	s10 =	sld [smem:$0x3FB6];
	_ =	sdelay $0x3  }
0x34: {  	[smem:$0x3FB6] =	sst s10  }
0x35: {  	s10 =	sld [smem:$0x3FB5];
	_ =	sdelay $0x3  }
0x36: {  	p1 =	seq.s32 s10, $0x1;
	s10 =	sld [smem:$0x3FB6];
	_ =	sdelay $0x3  }
0x37: {  	[smem:$0x3FB6] =	sst s10  }
0x38: {  	s10 =	sld [smem:$0x3FB7]  }
0x39: {  	_ = 	snop;
	(pc) =	sbr.ind lr, $3  }
0x3a: {  	_ = 	snop  }
0x3b: {  	_ = 	snop  }
0x3c: {  	p2 =	seq.s32 s10, $0x1;
	s10 =	sld [smem:$0x3FB6]  }
0x3d: {  	_ =	shalt  }
0x3e: {  	_ =	shalt  }
0x3f: {  	_ =	shalt  }
0x40: {  	_ =	shalt  }
0x41: {  	_ =	shalt  }
0x42: {  	_ =	shalt  }
0x43: {  	_ =	shalt  }
0x44: {  	_ =	shalt  }
0x45: {  	_ =	shalt  }
0x46: {  	_ =	shalt  }
0x47: {  	_ =	shalt  }
0x48: {  	_ =	shalt  }
0x49: {  	_ =	shalt  }
0x4a: {  	_ =	shalt  }
0x4b: {  	_ =	shalt  }
0x4c: {  	_ =	shalt  }
0x4d: {  	_ =	shalt  }
0x4e: {  	_ =	shalt  }
0x4f: {  	_ =	shalt  }
0x50: {  	_ =	shalt  }
0x51: {  	_ =	shalt  }
0x52: {  	_ =	shalt  }
0x53: {  	_ =	shalt  }
0x54: {  	_ =	shalt  }
0x55: {  	_ =	shalt  }
0x56: {  	_ =	shalt  }
0x57: {  	_ =	shalt  }
0x58: {  	_ =	shalt  }
0x59: {  	_ =	shalt  }
0x5a: {  	_ =	shalt  }
0x5b: {  	_ =	shalt  }
0x5c: {  	_ =	shalt  }
0x5d: {  	_ =	shalt  }
0x5e: {  	_ =	shalt  }
0x5f: {  	_ =	shalt  }
0x60: {  	_ =	shalt  }
0x61: {  	_ =	shalt  }
0x62: {  	_ =	shalt  }
0x63: {  	_ =	shalt  }
0x64: {  	_ =	shalt  }
0x65: {  	_ =	shalt  }
0x66: {  	_ =	shalt  }
0x67: {  	_ =	shalt  }
0x68: {  	_ =	shalt  }
0x69: {  	_ =	shalt  }
0x6a: {  	_ =	shalt  }
0x6b: {  	_ =	shalt  }
0x6c: {  	_ =	shalt  }
0x6d: {  	_ =	shalt  }
0x6e: {  	_ =	shalt  }
0x6f: {  	_ =	shalt  }
0x70: {  	_ =	shalt  }
0x71: {  	_ =	shalt  }
0x72: {  	_ =	shalt  }
0x73: {  	_ =	shalt  }
0x74: {  	_ =	shalt  }
0x75: {  	_ =	shalt  }
0x76: {  	_ =	shalt  }
0x77: {  	_ =	shalt  }
0x78: {  	_ =	shalt  }
0x79: {  	_ =	shalt  }
0x7a: {  	_ =	shalt  }
0x7b: {  	_ =	shalt  }
0x7c: {  	_ =	shalt  }
0x7d: {  	_ =	shalt  }
0x7e: {  	_ =	shalt  }
0x7f: {  	_ =	shalt  }
0x80: {  	_ =	shalt  }
0x81: {  	_ =	shalt  }
0x82: {  	_ =	shalt  }
0x83: {  	_ =	shalt  }
0x84: {  	_ =	shalt  }
0x85: {  	_ =	shalt  }
0x86: {  	_ =	shalt  }
0x87: {  	_ =	shalt  }
.Lfunc_end0:
.L_simem_size_0:
called_computation_lowered:
.L_overlay_start_0:
0x88: {  	s2 =	sld [smem:$0x3FD9]  }
0x89: {  	s3 =	sld [smem:$0x3FFE];
	_ =	sdelay $0x1  }
0x8a: {  	s1 =	srdreg.scid  }
0x8b: {  	s0 =	sand.u32 $0x1, s1  }
0x8c: {  	s16 =	sshll.u32 s0, $0xA;
	s2 =	sadd.s32 s3, s2  }
0x8d: {  	s2 =	sadd.s32 s2, s16  }
0x8e: {  	[smem:$0x3FC2] =	sst s2  }
0x8f: {  	_ = 	snop  }
0x90: {  	(tm) =	ssettm $0x1  }
0x91: {  	s17 =	sld [smem:$0x3FFB];
	_ =	sdelay $0x3  }
0x92: {  	_ =	strace s17  }
0x93: {  	s2 =	sld [smem:$0x3FFC];
	_ =	sdelay $0x3  }
0x94: {  	_ =	strace s2  }
0x95: {  	s2 =	sld [smem:$0x3FFD];
	_ =	sdelay $0x3  }
0x96: {  	_ =	strace s2  }
0x97: {  	_ =	strace $0x8FFFFFFF  }
0x98: {  	s18 =	sld [smem:$0x3FDB];
	_ =	sdelay $0x1  }
0x99: {  	s19 =	simm.s32 $_scs_section_size  }
0x9a: {  	s4 =	simm.s32 $_size__tile_overlayer_lowered;
	s5 =	simm.s32 $_tile_overlayer_lowered  }
0x9b: {  	s22 =	simm.s32 $0x1BFF;
	s21 =	sshll.u32 s5, $0x1;
	s2 =	sadd.s32 s19, s18  }
0x9c: {  	s6 =	simm.s32 $0x0;
	s20 =	sshll.u32 s4, $0x1;
	s4 =	sadd.s32 s21, s2  }
0x9d: {  	[timem:s6], [sflag:s22] =	dma.local [hbm:s4], s20  }
0x9e: {  	_ =	swait.ge [sflag:s22], s20  }
0x9f: {  	s3 =	ssub.s32 $0x0, s20;
	[sflag:s22] =	ssyncset.done $0x0  }
0xa0: {  	[sflag:s22] =	ssyncadd.s32 s3;
	_ =	sdelay $0x1  }
0xa1: {  	s23 =	simm.s32 $0x1B8B  }
0xa2: {  	_ =	swait.ge [sflag:s23], $0x1  }
0xa3: {  	[sflag:s23] =	ssyncset.done $0x0  }
0xa4: {  	s25 =	simm.s32 $0x1B8E;
	s24 =	sld [smem:$0x3FFE];
	[sflag:s23] =	ssyncadd.s32 $0xFFFFFFFF  }
0xa5: {  	s26 =	simm.s32 $execute0_lowered;
	[smem:$0x3FD2] =	sst s25  }
0xa6: {  	s4 =	sshll.u32 s26, $0x1;
	_ =	strace $0x80000046;
	[dreg:$0x1] =	wrdreg $0xFFFFFFFF  }
0xa7: {  	s28 =	simm.s32 $_size_execute0_lowered;
	s2 =	sadd.s32 s2, s4;
	[dreg:$0x0] =	wrdreg $0x0  }
0xa8: {  	s4 =	sshll.u32 s28, $0x1;
	[dreg:$0x2] =	wrdreg s2  }
0xa9: {  	[dreg:$0x3] =	wrdreg s4  }
0xaa: {  	[dreg:$0x4] =	wrdreg $0xC0  }
0xab: {  	_ =	task [dreg:s6], $0x5FFFF  }
0xac: {  	[dreg:$0x1] =	wrdreg $0xFFFFFFFF  }
0xad: {  	[dreg:$0x0] =	wrdreg $0x60  }
0xae: {  	[dreg:$0x2] =	wrdreg s24  }
0xaf: {  	[dreg:$0x3] =	wrdreg $0x9  }
0xb0: {  	_ =	task.clear_ibuf [dreg:s6], $0x4FFFF;
	_ =	strace $0x90000046  }
0xb1: {  	s29 =	simm.s32 $0x9;
	_ =	strace $0x80000048  }
0xb2: {  	_ =	swait.ge [sflag:s29], $0x1  }
0xb3: {  	[sflag:s29] =	ssyncadd.s32 $0xFFFFFFFF  }
0xb4: {  	_ =	strace $0x90000048  }
0xb5: {  	_ =	sfence  }
0xb6: {  	s30 =	sld [smem:$0x0];
	_ =	sdelay $0x2  }
0xb7: {  	s31 =	sshll.u32 s1, $0xD;
	s1 =	sshrl.u32 s1, $0x2  }
0xb8: {  	s3 =	sand.u32 $0x4000, s31;
	s1 =	sadd.s32 s1, s30  }
0xb9: {  	s0 =	sor.u32 s3, s0;
	s1 =	sshll.u32 s1, $0x11  }
0xba: {  	s0 =	sor.u32 s1, s0  }
0xbb: {  	s0 =	sadd.s32 $0x8F2B, s0  }
0xbc: {  	[sflag:s0] =	ssyncadd.remote.s32 $0x1  }
0xbd: {  	_ =	sfence.sel $0xFFFF  }
0xbe: {  	[dreg:$0x0] =	wrdreg $0xFFFFFFFF;
	(pc) =	sbr.abs _section_cstart, $3  }
0xbf: {  	[dreg:$0x1] =	wrdreg $0xFFFFFFFF  }
0xc0: {  	_ =	task.clear_ibuf [dreg:s6], $0x2FFFF;
	_ =	strace $0x9FFFFFFF  }
0xc1: {  	(tm) =	ssettm $0x7FFFFFFF  }
tec
execute0_lowered:
.L_overlay_start_1:
0x0: {  	(tag) =	ssettag $0x1  }
0x1: {  	s0 =	srdreg.scid;
	s4 =	rddreg [dreg:$0x0]  }
0x2: {  	s2 =	simm.s32 $0x0;
	s10 =	simm.s32 $0x1;
	s11 =	simm.s32 $0x1398  }
0x3: {  	s12 =	simm.s32 $0x1B68;
	s13 =	simm.s32 $0x2338;
	s14 =	simm.s32 $0x2B08  }
0x4: {  	s15 =	simm.s32 $0x32D8;
	s16 =	simm.s32 $0x2;
	s3 =	sand.u32 $0x1, s0  }
0x5: {  	s17 =	simm.s32 $0x3;
	s0 =	stileid.u32;
	s1 =	sshll.u32 s3, $0x4  }
0x6: {  	s18 =	simm.s32 $0x4;
	s19 =	simm.s32 $0x5;
	s5 =	sor.u32 s0, s1  }
0x7: {  	s20 =	simm.s32 $0x6;
	s21 =	simm.s32 $0x0;
	s6 =	smul.u32 $0x1388, s5  }
0x8: {  	[smem:$0x7FF] =	sst s2;
	s3 =	ssub.s32 $0x2, s3;
	s5 =	smul.u32 $0x7D0, s5  }
0x9: {  	s1 =	rddreg [dreg:$0x1];
	_ =	strace $0x80000047;
	s7 =	sshrl.u32 s3, $0x1  }
0xa: {  	s9 =	ssub.s32 s3, s7;
	s6 =	sshrl.u32 s6, $0x3;
	s5 =	sshrl.u32 s5, $0x3  }
0xb: {  	s9 =	smax.u32 s9, $0x1;
	s6 =	sadd.s32 s4, s6;
	s8 =	sadd.s32 s5, s4  }
0xc: {  	s3 =	sadd.s32 $0x7220, s6;
	s4 =	sadd.s32 $0xC200, s8;
	s5 =	sadd.s32 $0xE140, s8  }
0xd: {  	v0 =	vimm.s32 $0x0;
	v1 =	vimm.f32 $0.0e+00;
	v2 =	vimm.f32 $1.000000000e+00;
	s6 =	sadd.s32 $0x10080, s8;
	s7 =	sadd.s32 $0x11FC0, s8;
	s8 =	sadd.s32 $0x13F00, s8  }
.LBB2_1:
0xe: {  	[tilespmem:$0x1388] =	vst v0;
	s22 =	simm.s32 $0x40;
	s23 =	simm.s32 $0x0  }
0xf: {  	[tilespmem:s2], [sflag:$0x1] =	stream.linear.gather [hbm4b:s3+s2], $0x1388, $0x38;
	[tilespmem:$0x3AA8] =	vst v63  }
.LBB2_2:
0x10: {  	p0 =	sne.s32 s22, $0x9C00;
	[tilespmem:s23+$0x1398] =	vst v1;
	s23 =	smov.u32 s22;
	s22 =	sadd.s32 $0x40, s22  }
.Ltmp0:
0x11: {  	(pc) =	sbr.rel @p0 .LBB2_2-.Ltmp0, $2  }
0x12: {  	_ =	sdelay $0x2  }
0x13: {  	s23 =	sshra.s32 s23, $0x2  }
0x14: {  	[tilespmem:s23+$0x1398] =	vst v1  }
0x15: {  	_ =	swait.ge [sflag:s10], $0x1388  }
0x16: {  	[sflag:s10] =	ssyncset.done $0x0  }
0x17: {  	s23 =	simm.s32 $0x0;
	s22 =	simm.s32 $0x40;
	[sflag:s10] =	ssyncadd.s32 $0xFFFFEC78  }
.LBB2_4:
0x18: {  	p0 =	sne.s32 s22, $0x4DC0;
	v3 =	vld [tilespmem:s23+$0x0];
	_ =	sdelay $0x3  }
.Ltmp1:
0x19: {  	(pc) =	sbr.rel @p0 .LBB2_4-.Ltmp1, $2  }
0x1a: {  	_ =	sdelay $0x2  }
0x1b: {  	s23 =	sshra.s32 s22, $0x2;
	s22 =	sadd.s32 $0x40, s22;
	[tilespmem:v3+s11+$0x0] =	vst.idx.add.f32.msk $0xffff, v2  }
0x1c: {  	v3 =	vld [tilespmem:s23+$0x0];
	_ =	sdelay $0x7  }
0x1d: {  	[tilespmem:v3+s11+$0x0] =	vst.idx.add.f32.msk $0xffff, v2  }
0x1e: {  	v3 =	vld [tilespmem:$0x1380];
	_ =	sdelay $0x7  }
0x1f: {  	[tilespmem:v3+s11+$0x0] =	vst.idx.add.f32.msk $0xff, v2  }
0x20: {  	[hbm4b:s4+s2] =	stream.linear.scatter [tilespmem:s11], [sflag:$0x2], $0x7D0, $0x38;
	[tilespmem:$0x3AA8] =	vst v63  }
0x21: {  	_ = 	snop  }
0x22: {  	[hbm4b:s5+s2] =	stream.linear.scatter [tilespmem:s12], [sflag:$0x3], $0x7D0, $0x38;
	[tilespmem:$0x3AA8] =	vst v63  }
0x23: {  	_ = 	snop  }
0x24: {  	[hbm4b:s6+s2] =	stream.linear.scatter [tilespmem:s13], [sflag:$0x4], $0x7D0, $0x38;
	[tilespmem:$0x3AA8] =	vst v63  }
0x25: {  	_ = 	snop  }
0x26: {  	[hbm4b:s7+s2] =	stream.linear.scatter [tilespmem:s14], [sflag:$0x5], $0x7D0, $0x38;
	[tilespmem:$0x3AA8] =	vst v63  }
0x27: {  	_ = 	snop  }
0x28: {  	[hbm4b:s8+s2] =	stream.linear.scatter [tilespmem:s15], [sflag:$0x6], $0x7D0, $0x38;
	[tilespmem:$0x3AA8] =	vst v63  }
0x29: {  	_ =	swait.ge [sflag:s16], $0x7D0  }
0x2a: {  	[sflag:s16] =	ssyncset.done $0x0  }
0x2b: {  	[sflag:s16] =	ssyncadd.s32 $0xFFFFF830  }
0x2c: {  	_ =	swait.ge [sflag:s17], $0x7D0  }
0x2d: {  	[sflag:s17] =	ssyncset.done $0x0  }
0x2e: {  	[sflag:s17] =	ssyncadd.s32 $0xFFFFF830  }
0x2f: {  	_ =	swait.ge [sflag:s18], $0x7D0  }
0x30: {  	[sflag:s18] =	ssyncset.done $0x0  }
0x31: {  	s21 =	sadd.s32 $0x1, s21;
	[sflag:s18] =	ssyncadd.s32 $0xFFFFF830  }
0x32: {  	p0 =	sne.s32 s21, s9;
	_ =	swait.ge [sflag:s19], $0x7D0  }
.Ltmp2:
0x33: {  	[sflag:s19] =	ssyncset.done $0x0;
	(pc) =	sbr.rel @p0 .LBB2_1-.Ltmp2, $4  }
0x34: {  	[sflag:s19] =	ssyncadd.s32 $0xFFFFF830  }
0x35: {  	_ =	swait.ge [sflag:s20], $0x7D0  }
0x36: {  	[sflag:s20] =	ssyncset.done $0x0  }
0x37: {  	[sflag:s20] =	ssyncadd.s32 $0xFFFFF830  }
0x38: {  	_ =	sfence.sel $0x180000  }
0x39: {  	[bflag:$0x0] =	sbarrier.arrive $0xFFFF  }
0x3a: {  	p0 =	sne.s32 s0, $0x0;
	_ =	strace $0x90000047  }
0x3b: {  	s0 =	sadd.s32 @!p0 $0x100000, s1;
	[bflag:$0x2] =	sbarrier.arrive $0xFFFF  }
0x3c: {  	[sflag:s0] =	ssyncadd.tile.s32 @!p0 $0x1;
	_ =	shalt  }
.Lfunc_end2:
_tile_overlayer_lowered:
.L_overlay_start_2:
0x3d: {  	(tag) =	ssettag $0x2  }
0x3e: {  	s0 =	rddreg [dreg:$0x0];
	s2 =	stileid.u32  }
0x3f: {  	s1 =	rddreg [dreg:$0x1];
	p0 =	sne.s32 s2, $0x0  }
0x40: {  	s3 =	rddreg [dreg:$0x2];
	[bflag:$0x3] =	sbarrier.arrive $0xFFFF;
	s2 =	simm.s32 @!p0 $0x1C07  }
0x41: {  	[timem:s3], [sflag:s2] =	dma.local @!p0 [hbm:s0], s1  }
0x42: {  	s0 =	simm.s32 @!p0 $0x7  }
0x43: {  	_ =	swait.ge @!p0 [sflag:s0], s1  }
0x44: {  	s1 =	ssub.s32 @!p0 $0x0, s1;
	[sflag:s0] =	ssyncset.done @!p0 $0x0  }
0x45: {  	[sflag:s0] =	ssyncadd.s32 @!p0 s1  }
0x46: {  	[bflag:$0x3] =	sbarrier.arrive $0xFFFF  }
0x47: {  	_ =	shalt  }

</sc_bundles>
